<compile_context>
chip_gen: v7x
topology: tpu7x:2x2x1
jax: 0.10.2.dev20260603
libtpu: 0.0.44.dev20260713+nightly
codegen_flags: <defaults>
</compile_context>

<pallas_src>
import functools

import jax
import jax.numpy as jnp
from jax import lax
from jax.experimental import pallas as pl
from jax.experimental.pallas import tpu as pltpu
from jax.experimental.pallas import tpu_sc as plsc

N = 10000
E = 160000
NP = 10240
D_IN = 256
DH = 512
DO = 256
NC = 4
DC = DH // NC
EB = 80
EPT = E // 16
NBLK = EPT // EB
RPT = NP // 16

_f32 = jnp.float32


@functools.cache
def _mesh():
    return plsc.VectorSubcoreMesh(core_axis_name="c", subcore_axis_name="s")


def _deg_body(dst_hbm, zeros16_hbm, out_hbm, idx_v, ones_v, deg_sh):
    cid = lax.axis_index("c")
    tid = lax.axis_index("s")

    @pl.when(cid == 0)
    def _():
        one16 = jnp.ones((16,), _f32)

        def init_ones(i, carry):
            ones_v[i, :] = one16
            return carry

        lax.fori_loop(0, EB, init_ones, 0)
        pltpu.sync_copy(zeros16_hbm.at[pl.ds(tid * RPT, RPT)],
                        deg_sh.at[pl.ds(tid * RPT, RPT)])
        plsc.subcore_barrier()

        def body(j, carry):
            base = tid * EPT + j * EB
            pltpu.sync_copy(dst_hbm.at[pl.ds(base, EB)], idx_v.at[0])
            pltpu.sync_copy(ones_v, deg_sh.at[idx_v.at[0]], add=True)
            return carry

        lax.fori_loop(0, NBLK, body, 0)
        plsc.subcore_barrier()
        pltpu.sync_copy(deg_sh.at[pl.ds(tid * RPT, RPT)],
                        out_hbm.at[pl.ds(tid * RPT, RPT)])


@functools.cache
def _deg_call():
  return pl.kernel(
    _deg_body,
    out_type=jax.ShapeDtypeStruct((NP, 16), _f32),
    mesh=_mesh(),
    scratch_types=[
        pltpu.VMEM((1, EB), jnp.int32),
        pltpu.VMEM((EB, 16), _f32),
        pltpu.VMEM_SHARED((NP, 16), _f32),
    ],
  )


def _spmm_body(h0, h1, h2, h3, ei3_hbm,
               o0, o1, o2, o3, idx_s, idx_d, gb0, agg_sh):
    cid = lax.axis_index("c")
    tid = lax.axis_index("s")
    planes = (h0, h1, h2, h3)
    outs = (o0, o1, o2, o3)

    z16 = jnp.zeros((16,), _f32)

    def zero_gb0():
        def zb(t, carry):
            gb0[t // 8, pl.ds((t % 8) * 16, 16)] = z16
            return carry

        lax.fori_loop(0, EB * 8, zb, 0)

    for sc in range(2):
        @pl.when(cid == sc)
        def _(sc=sc):
            pltpu.sync_copy(ei3_hbm.at[0, tid], idx_s)
            pltpu.sync_copy(ei3_hbm.at[1, tid], idx_d)
            for c in (sc, sc + 2):
                h_p = planes[c]
                o_p = outs[c]
                zero_gb0()
                for r8 in range(8):
                    pltpu.sync_copy(
                        gb0, agg_sh.at[pl.ds(tid * RPT + r8 * EB, EB)])
                plsc.subcore_barrier()

                def body(j, carry):
                    pltpu.sync_copy(h_p.at[idx_s.at[j]], gb0)
                    pltpu.sync_copy(gb0, agg_sh.at[idx_d.at[j]], add=True)
                    return carry

                lax.fori_loop(0, NBLK, body, 0)
                plsc.subcore_barrier()
                pltpu.sync_copy(agg_sh.at[pl.ds(tid * RPT, RPT)],
                                o_p.at[pl.ds(tid * RPT, RPT)])
                plsc.subcore_barrier()


@functools.cache
def _spmm_call():
  return pl.kernel(
    _spmm_body,
    out_type=[jax.ShapeDtypeStruct((NP, DC), _f32) for _ in range(NC)],
    mesh=_mesh(),
    scratch_types=[
        pltpu.VMEM((NBLK, EB), jnp.int32),
        pltpu.VMEM((NBLK, EB), jnp.int32),
        pltpu.VMEM((EB, DC), _f32),
        pltpu.VMEM_SHARED((NP, DC), _f32),
    ],
  )


def _egather_body(a0_hbm, a1_hbm, b0_hbm, b1_hbm, src_hbm, dst_hbm,
                  o_a0, o_a1, o_b0, o_b1, idx_v, rbuf0, rbuf1):
    cid = lax.axis_index("c")
    tid = lax.axis_index("s")
    tabs = ((a0_hbm, a1_hbm), (b0_hbm, b1_hbm))
    idxs = (src_hbm, dst_hbm)
    outs = ((o_a0, o_a1), (o_b0, o_b1))

    for a in range(2):
        @pl.when(cid == a)
        def _(a=a):
            (t0, t1), idxarr, (u0, u1) = tabs[a], idxs[a], outs[a]
            plsc.subcore_barrier()

            def body(j, carry):
                base = tid * EPT + j * EB
                pltpu.sync_copy(idxarr.at[pl.ds(base, EB)], idx_v.at[0])
                pltpu.sync_copy(t0.at[idx_v.at[0]], rbuf0)
                pltpu.sync_copy(t1.at[idx_v.at[0]], rbuf1)
                pltpu.sync_copy(rbuf0, u0.at[pl.ds(base, EB)])
                pltpu.sync_copy(rbuf1, u1.at[pl.ds(base, EB)])
                return carry

            lax.fori_loop(0, NBLK, body, 0)
            plsc.subcore_barrier()


@functools.cache
def _egather_call():
  return pl.kernel(
    _egather_body,
    out_type=[jax.ShapeDtypeStruct((E, DC), _f32) for _ in range(4)],
    mesh=_mesh(),
    scratch_types=[
        pltpu.VMEM((1, EB), jnp.int32),
        pltpu.VMEM((EB, DC), _f32),
        pltpu.VMEM((EB, DC), _f32),
    ],
  )


RB = 320
FB = 640


def _mm1_body(x_ref, w_ref, deg_ref, o0, o1, o2, o3):
    dinv = lax.rsqrt(deg_ref[...] + 1.0)
    h = jnp.dot(x_ref[...], w_ref[...], preferred_element_type=_f32) * dinv
    for j, o in enumerate((o0, o1, o2, o3)):
        o[...] = h[:, j * DC:(j + 1) * DC]


def _mm1(x_p, w1, deg):
    return pl.pallas_call(
        _mm1_body,
        grid=(NP // RB,),
        in_specs=[
            pl.BlockSpec((RB, D_IN), lambda i: (i, 0)),
            pl.BlockSpec((D_IN, DH), lambda i: (0, 0)),
            pl.BlockSpec((RB, 1), lambda i: (i, 0)),
        ],
        out_specs=[pl.BlockSpec((RB, DC), lambda i: (i, 0)) for _ in range(NC)],
        out_shape=[jax.ShapeDtypeStruct((NP, DC), _f32) for _ in range(NC)],
    )(x_p, w1, deg)


def _mm2_body(deg_ref, a0, a1, a2, a3, h0, h1, h2, h3, b_ref, w_ref,
              o0, o1, o2, o3):
    dinv = lax.rsqrt(deg_ref[...] + 1.0)
    agg = jnp.concatenate([a[...] for a in (a0, a1, a2, a3)], axis=1)
    hs = jnp.concatenate([h[...] for h in (h0, h1, h2, h3)], axis=1)
    hmat = jnp.maximum((agg + hs) * dinv + b_ref[...], 0.0)
    out = jnp.dot(hmat, w_ref[...], preferred_element_type=_f32) * dinv
    for j, o in enumerate((o0, o1, o2, o3)):
        o[...] = out[:, j * DC:(j + 1) * DC]


def _mm2(deg, aggs, hss, b1, w2):
    return pl.pallas_call(
        _mm2_body,
        grid=(NP // RB,),
        in_specs=(
            [pl.BlockSpec((RB, 1), lambda i: (i, 0))]
            + [pl.BlockSpec((RB, DC), lambda i: (i, 0)) for _ in range(2 * NC)]
            + [pl.BlockSpec((1, DH), lambda i: (0, 0)),
               pl.BlockSpec((DH, DH), lambda i: (0, 0))]
        ),
        out_specs=[pl.BlockSpec((RB, DC), lambda i: (i, 0)) for _ in range(NC)],
        out_shape=[jax.ShapeDtypeStruct((NP, DC), _f32) for _ in range(NC)],
    )(deg, *aggs, *hss, b1, w2)


def _pack_bf16_pair(even_f32, odd_f32):
    ue = lax.bitcast_convert_type(
        even_f32.astype(jnp.bfloat16).astype(_f32), jnp.uint32)
    uo = lax.bitcast_convert_type(
        odd_f32.astype(jnp.bfloat16).astype(_f32), jnp.uint32)
    w = lax.shift_right_logical(ue, jnp.uint32(16)) | uo
    return lax.bitcast_convert_type(w, jnp.int32)


def _unpack_bf16_pair(w_i32):
    u = lax.bitcast_convert_type(w_i32, jnp.uint32)
    even = lax.bitcast_convert_type(
        lax.shift_left(u, jnp.uint32(16)), _f32)
    odd = lax.bitcast_convert_type(u & jnp.uint32(0xFFFF0000), _f32)
    return even, odd


def _mm3_body(deg_ref, a0, a1, a2, a3, h0, h1, h2, h3, b2_ref, w3ae_ref,
              w3ao_ref, w3be_ref, w3bo_ref, b3e_ref, b3o_ref,
              oa0, oa1, ob0, ob1):
    dinv = lax.rsqrt(deg_ref[...] + 1.0)
    agg = jnp.concatenate([a[...] for a in (a0, a1, a2, a3)], axis=1)
    hs = jnp.concatenate([h[...] for h in (h0, h1, h2, h3)], axis=1)
    h2mat = jnp.maximum((agg + hs) * dinv + b2_ref[...], 0.0)
    ae = jnp.dot(h2mat, w3ae_ref[...], preferred_element_type=_f32)
    ao = jnp.dot(h2mat, w3ao_ref[...], preferred_element_type=_f32)
    be = jnp.dot(h2mat, w3be_ref[...], preferred_element_type=_f32) + b3e_ref[...]
    bo = jnp.dot(h2mat, w3bo_ref[...], preferred_element_type=_f32) + b3o_ref[...]
    wa = _pack_bf16_pair(ae, ao)
    wb = _pack_bf16_pair(be, bo)
    oa0[...] = wa[:, :DC]
    oa1[...] = wa[:, DC:]
    ob0[...] = wb[:, :DC]
    ob1[...] = wb[:, DC:]


def _mm3(deg, aggs, hss, b2, w3ae, w3ao, w3be, w3bo, b3e, b3o):
    return pl.pallas_call(
        _mm3_body,
        grid=(NP // RB,),
        in_specs=(
            [pl.BlockSpec((RB, 1), lambda i: (i, 0))]
            + [pl.BlockSpec((RB, DC), lambda i: (i, 0)) for _ in range(2 * NC)]
            + [pl.BlockSpec((1, DH), lambda i: (0, 0))]
            + [pl.BlockSpec((DH, DH // 2), lambda i: (0, 0)) for _ in range(4)]
            + [pl.BlockSpec((1, DH // 2), lambda i: (0, 0)) for _ in range(2)]
        ),
        out_specs=[pl.BlockSpec((RB, DC), lambda i: (i, 0)) for _ in range(4)],
        out_shape=[jax.ShapeDtypeStruct((NP, DC), jnp.int32) for _ in range(4)],
    )(deg, *aggs, *hss, b2, w3ae, w3ao, w3be, w3bo, b3e, b3o)


def _mm4_body(c1p0, c1p1, c2p0, c2p1, w4e_ref, w4o_ref, b4_ref, o_ref):
    c1 = jnp.concatenate([c1p0[...], c1p1[...]], axis=1)
    c2 = jnp.concatenate([c2p0[...], c2p1[...]], axis=1)
    e1, o1 = _unpack_bf16_pair(c1)
    e2, o2 = _unpack_bf16_pair(c2)
    eh_e = jnp.maximum(e1 + e2, 0.0).astype(jnp.bfloat16)
    eh_o = jnp.maximum(o1 + o2, 0.0).astype(jnp.bfloat16)
    o_ref[...] = (
        jnp.dot(eh_e, w4e_ref[...], preferred_element_type=_f32)
        + jnp.dot(eh_o, w4o_ref[...], preferred_element_type=_f32)
        + b4_ref[...]
    )


def _mm4(c1p0, c1p1, c2p0, c2p1, w4e, w4o, b4):
    return pl.pallas_call(
        _mm4_body,
        grid=(E // FB,),
        in_specs=(
            [pl.BlockSpec((FB, DC), lambda i: (i, 0)) for _ in range(4)]
            + [pl.BlockSpec((DH // 2, DO), lambda i: (0, 0)) for _ in range(2)]
            + [pl.BlockSpec((1, DO), lambda i: (0, 0))]
        ),
        out_specs=pl.BlockSpec((FB, DO), lambda i: (i, 0)),
        out_shape=jax.ShapeDtypeStruct((E, DO), _f32),
    )(c1p0, c1p1, c2p0, c2p1, w4e, w4o, b4)


@jax.jit
def kernel(x, edge_index, W1, b1, W2, b2, W3, b3, W4, b4):
    src = edge_index[0]
    dst = edge_index[1]
    ei3 = edge_index.reshape(2, 16, NBLK, EB)
    x_p = jnp.pad(x, ((0, NP - N), (0, 0)))

    deg = jax.ops.segment_sum(jnp.ones((E,), _f32), dst,
                              num_segments=NP).reshape(NP, 1)

    hs1 = _mm1(x_p, W1, deg)
    agg1 = _spmm_call()(*hs1, ei3)
    hs2 = _mm2(deg, agg1, hs1, b1.reshape(1, DH), W2)
    agg2 = _spmm_call()(*hs2, ei3)
    w3a, w3b = W3[:DH], W3[DH:]
    planes = _mm3(deg, agg2, hs2, b2.reshape(1, DH),
                  w3a[:, 0::2], w3a[:, 1::2], w3b[:, 0::2], w3b[:, 1::2],
                  b3[0::2].reshape(1, DH // 2), b3[1::2].reshape(1, DH // 2))
    c_planes = [planes[0][src], planes[1][src], planes[2][dst], planes[3][dst]]
    return _mm4(*c_planes,
                W4[0::2].astype(jnp.bfloat16), W4[1::2].astype(jnp.bfloat16),
                b4.reshape(1, DO))

# --- scband reference (transcript-rebuilt; emitter-appended) ---
"""Pipeline reference for scband-inter-station-flow-gnn-24532853195355 (READ-ONLY COPY).

The authoritative reference and input builder live on the scoring server;
editing this copy changes nothing except your own understanding.
"""

import jax, jax.numpy as jnp
import numpy as np

N = 10000
E = 160000
D_IN = 256
D_HID = 512
D_OUT = 256


def gcn_conv(x, edge_index, W, b):
    n = x.shape[0]
    loops = jnp.arange(n, dtype=edge_index.dtype)
    src = jnp.concatenate([edge_index[0], loops])
    dst = jnp.concatenate([edge_index[1], loops])
    deg = jax.ops.segment_sum(jnp.ones(src.shape[0], dtype=x.dtype), dst, num_segments=n)
    dinv = jnp.where(deg > 0, deg ** -0.5, 0.0)
    norm = dinv[src] * dinv[dst]
    h = x @ W
    msg = h[src] * norm[:, None]
    out = jax.ops.segment_sum(msg, dst, num_segments=n)
    return out + b


def setup_inputs(seed: int = 0) -> dict:
    key = jax.random.key(seed)
    ks = jax.random.split(key, 10)
    x = jax.random.normal(ks[0], (N, D_IN), dtype=jnp.float32)
    edge_index = jax.random.randint(ks[1], (2, E), 0, N, dtype=jnp.int32)
    W1 = jax.random.normal(ks[2], (D_IN, D_HID), dtype=jnp.float32) * (1.0 / np.sqrt(D_IN))
    b1 = jnp.zeros((D_HID,), dtype=jnp.float32)
    W2 = jax.random.normal(ks[3], (D_HID, D_HID), dtype=jnp.float32) * (1.0 / np.sqrt(D_HID))
    b2 = jnp.zeros((D_HID,), dtype=jnp.float32)
    W3 = jax.random.normal(ks[4], (2 * D_HID, D_HID), dtype=jnp.float32) * (1.0 / np.sqrt(2 * D_HID))
    b3 = jnp.zeros((D_HID,), dtype=jnp.float32)
    W4 = jax.random.normal(ks[5], (D_HID, D_OUT), dtype=jnp.float32) * (1.0 / np.sqrt(D_HID))
    b4 = jnp.zeros((D_OUT,), dtype=jnp.float32)
    return {"x": x, "edge_index": edge_index, "W1": W1, "b1": b1, "W2": W2, "b2": b2, "W3": W3, "b3": b3, "W4": W4, "b4": b4}


def reference(x, edge_index, W1, b1, W2, b2, W3, b3, W4, b4):
    h = jax.nn.relu(gcn_conv(x, edge_index, W1, b1))
    h = jax.nn.relu(gcn_conv(h, edge_index, W2, b2))
    edge_features = jnp.concatenate([h[edge_index[0]], h[edge_index[1]]], axis=1)
    eh = jax.nn.relu(edge_features @ W3 + b3)
    edge_predictions = eh @ W4 + b4
    return edge_predictions

if __name__ == "__main__":
    import jax
    _d = setup_inputs()
    print(jax.jit(kernel)(*tuple(_d.values())))

</pallas_src>

<mosaic_0001>
#map = affine_map<(d0, d1) -> (0, 0)>
#map1 = affine_map<(d0, d1) -> (0, 0, 0, 0)>
module attributes {stable_mosaic.version = 14 : i64} {
  func.func @_spmm_body(%arg0: i32, %arg1: i32, %arg2: memref<10240x128xf32, #tpu.memory_space<hbm>>, %arg3: memref<10240x128xf32, #tpu.memory_space<hbm>>, %arg4: memref<10240x128xf32, #tpu.memory_space<hbm>>, %arg5: memref<10240x128xf32, #tpu.memory_space<hbm>>, %arg6: memref<2x16x125x80xi32, #tpu.memory_space<hbm>>, %arg7: memref<10240x128xf32, #tpu.memory_space<hbm>>, %arg8: memref<10240x128xf32, #tpu.memory_space<hbm>>, %arg9: memref<10240x128xf32, #tpu.memory_space<hbm>>, %arg10: memref<10240x128xf32, #tpu.memory_space<hbm>>, %arg11: memref<125x80xi32, #tpu.memory_space<vmem>>, %arg12: memref<125x80xi32, #tpu.memory_space<vmem>>, %arg13: memref<80x128xf32, #tpu.memory_space<vmem>>, %arg14: memref<10240x128xf32, #tpu.memory_space<vmem_shared>>) attributes {dimension_semantics = [#tpu.dimension_semantics<core_parallel>, #tpu.dimension_semantics<subcore_parallel>], iteration_bounds = array<i64: 2, 16>, scalar_prefetch = 0 : i64, scratch_operands = 4 : i64, tpu.core_type = #tpu.core_type<sc_vector_subcore>, window_params = [{transform_indices = #map}, {transform_indices = #map}, {transform_indices = #map}, {transform_indices = #map}, {transform_indices = #map1}, {transform_indices = #map}, {transform_indices = #map}, {transform_indices = #map}, {transform_indices = #map}]} {
    %broadcast_in_dim3A = arith.constant 0.000000e+00 : f32
    %broadcast_in_dim3A_0 = vector.broadcast %broadcast_in_dim3A : f32 to vector<16xf32>
    %eq3A = arith.constant 0 : i32
    %eq3A_1 = arith.cmpi eq, %arg0, %eq3A : i32
    %convert_element_type3A = arith.extui %eq3A_1 : i1 to i32
    %cond3A = arith.constant 0 : i32
    %cond3A_2 = arith.cmpi ne, %convert_element_type3A, %cond3A : i32
    scf.if %cond3A_2 {
      %run_scoped3A = arith.constant 0 : i32
      "tpu.region"() ({
        %run_scoped3A_107 = tpu.sem_alloc : memref<!tpu.dma_semaphore, #tpu.memory_space<semaphore_mem>>
        %dma_start3A = arith.constant 0 : i32
        %dma_start3A_108 = arith.constant 0 : i32
        %dma_start3A_109 = tpu.memref_slice %arg6[%run_scoped3A, %arg1, %dma_start3A, %dma_start3A_108] : memref<2x16x125x80xi32, #tpu.memory_space<hbm>> -> memref<1x1x125x80xi32, #tpu.memory_space<hbm>>
        %dma_start3A_110 = tpu.memref_squeeze %dma_start3A_109 : memref<1x1x125x80xi32, #tpu.memory_space<hbm>> -> memref<125x80xi32, #tpu.memory_space<hbm>>
        %dma_start3A_111 = arith.constant 0 : i32
        %dma_start3A_112 = arith.constant 0 : i32
        %dma_start3A_113 = tpu.memref_slice %arg6[%run_scoped3A, %arg1, %dma_start3A_111, %dma_start3A_112] : memref<2x16x125x80xi32, #tpu.memory_space<hbm>> -> memref<1x1x125x80xi32, #tpu.memory_space<hbm>>
        %dma_start3A_114 = tpu.memref_squeeze %dma_start3A_113 : memref<1x1x125x80xi32, #tpu.memory_space<hbm>> -> memref<125x80xi32, #tpu.memory_space<hbm>>
        tpu.enqueue_dma source(%dma_start3A_114 : memref<125x80xi32, #tpu.memory_space<hbm>>) target(%arg11 : memref<125x80xi32, #tpu.memory_space<vmem>>) target_semaphore(%run_scoped3A_107 : memref<!tpu.dma_semaphore, #tpu.memory_space<semaphore_mem>>)
        %dma_wait3A = arith.constant 0 : i32
        %dma_wait3A_115 = arith.constant 0 : i32
        %dma_wait3A_116 = tpu.memref_slice %arg6[%run_scoped3A, %arg1, %dma_wait3A, %dma_wait3A_115] : memref<2x16x125x80xi32, #tpu.memory_space<hbm>> -> memref<1x1x125x80xi32, #tpu.memory_space<hbm>>
        %dma_wait3A_117 = tpu.memref_squeeze %dma_wait3A_116 : memref<1x1x125x80xi32, #tpu.memory_space<hbm>> -> memref<125x80xi32, #tpu.memory_space<hbm>>
        %dma_wait3A_118 = arith.constant 0 : i32
        %dma_wait3A_119 = arith.constant 0 : i32
        %dma_wait3A_120 = tpu.memref_slice %arg6[%run_scoped3A, %arg1, %dma_wait3A_118, %dma_wait3A_119] : memref<2x16x125x80xi32, #tpu.memory_space<hbm>> -> memref<1x1x125x80xi32, #tpu.memory_space<hbm>>
        %dma_wait3A_121 = tpu.memref_squeeze %dma_wait3A_120 : memref<1x1x125x80xi32, #tpu.memory_space<hbm>> -> memref<125x80xi32, #tpu.memory_space<hbm>>
        tpu.wait_dma2 semaphore(%run_scoped3A_107 : memref<!tpu.dma_semaphore, #tpu.memory_space<semaphore_mem>>) src(%dma_wait3A_121 : memref<125x80xi32, #tpu.memory_space<hbm>>) dst(%arg11 : memref<125x80xi32, #tpu.memory_space<vmem>>)
        tpu.yield
      }) : () -> ()
      %run_scoped3A_8 = arith.constant 1 : i32
      "tpu.region"() ({
        %run_scoped3A_107 = tpu.sem_alloc : memref<!tpu.dma_semaphore, #tpu.memory_space<semaphore_mem>>
        %dma_start3A = arith.constant 0 : i32
        %dma_start3A_108 = arith.constant 0 : i32
        %dma_start3A_109 = tpu.memref_slice %arg6[%run_scoped3A_8, %arg1, %dma_start3A, %dma_start3A_108] : memref<2x16x125x80xi32, #tpu.memory_space<hbm>> -> memref<1x1x125x80xi32, #tpu.memory_space<hbm>>
        %dma_start3A_110 = tpu.memref_squeeze %dma_start3A_109 : memref<1x1x125x80xi32, #tpu.memory_space<hbm>> -> memref<125x80xi32, #tpu.memory_space<hbm>>
        %dma_start3A_111 = arith.constant 0 : i32
        %dma_start3A_112 = arith.constant 0 : i32
        %dma_start3A_113 = tpu.memref_slice %arg6[%run_scoped3A_8, %arg1, %dma_start3A_111, %dma_start3A_112] : memref<2x16x125x80xi32, #tpu.memory_space<hbm>> -> memref<1x1x125x80xi32, #tpu.memory_space<hbm>>
        %dma_start3A_114 = tpu.memref_squeeze %dma_start3A_113 : memref<1x1x125x80xi32, #tpu.memory_space<hbm>> -> memref<125x80xi32, #tpu.memory_space<hbm>>
        tpu.enqueue_dma source(%dma_start3A_114 : memref<125x80xi32, #tpu.memory_space<hbm>>) target(%arg12 : memref<125x80xi32, #tpu.memory_space<vmem>>) target_semaphore(%run_scoped3A_107 : memref<!tpu.dma_semaphore, #tpu.memory_space<semaphore_mem>>)
        %dma_wait3A = arith.constant 0 : i32
        %dma_wait3A_115 = arith.constant 0 : i32
        %dma_wait3A_116 = tpu.memref_slice %arg6[%run_scoped3A_8, %arg1, %dma_wait3A, %dma_wait3A_115] : memref<2x16x125x80xi32, #tpu.memory_space<hbm>> -> memref<1x1x125x80xi32, #tpu.memory_space<hbm>>
        %dma_wait3A_117 = tpu.memref_squeeze %dma_wait3A_116 : memref<1x1x125x80xi32, #tpu.memory_space<hbm>> -> memref<125x80xi32, #tpu.memory_space<hbm>>
        %dma_wait3A_118 = arith.constant 0 : i32
        %dma_wait3A_119 = arith.constant 0 : i32
        %dma_wait3A_120 = tpu.memref_slice %arg6[%run_scoped3A_8, %arg1, %dma_wait3A_118, %dma_wait3A_119] : memref<2x16x125x80xi32, #tpu.memory_space<hbm>> -> memref<1x1x125x80xi32, #tpu.memory_space<hbm>>
        %dma_wait3A_121 = tpu.memref_squeeze %dma_wait3A_120 : memref<1x1x125x80xi32, #tpu.memory_space<hbm>> -> memref<125x80xi32, #tpu.memory_space<hbm>>
        tpu.wait_dma2 semaphore(%run_scoped3A_107 : memref<!tpu.dma_semaphore, #tpu.memory_space<semaphore_mem>>) src(%dma_wait3A_121 : memref<125x80xi32, #tpu.memory_space<hbm>>) dst(%arg12 : memref<125x80xi32, #tpu.memory_space<vmem>>)
        tpu.yield
      }) : () -> ()
      %scan3A = arith.constant 0 : i32
      %scan3A_9 = arith.constant 0 : i32
      %scan3A_10 = arith.constant 640 : i32
      %scan3A_11 = arith.addi %scan3A_9, %scan3A_10 : i32
      %scan3A_12 = arith.constant 1 : i32
      scf.for %scan3A_107 = %scan3A_9 to %scan3A_11 step %scan3A_12  : i32 {
        %jit3A = arith.constant 8 : i32
        %div3A = arith.divsi %scan3A_107, %jit3A : i32
        %sign3A = arith.constant 0 : i32
        %sign3A_108 = arith.cmpi sgt, %scan3A_107, %sign3A : i32
        %sign3A_109 = arith.extui %sign3A_108 : i1 to i32
        %sign3A_110 = arith.constant 0 : i32
        %sign3A_111 = arith.cmpi slt, %scan3A_107, %sign3A_110 : i32
        %sign3A_112 = arith.extui %sign3A_111 : i1 to i32
        %sign3A_113 = arith.subi %sign3A_109, %sign3A_112 : i32
        %sign3A_114 = arith.constant 0 : i32
        %sign3A_115 = arith.cmpi sgt, %jit3A, %sign3A_114 : i32
        %sign3A_116 = arith.extui %sign3A_115 : i1 to i32
        %sign3A_117 = arith.constant 0 : i32
        %sign3A_118 = arith.cmpi slt, %jit3A, %sign3A_117 : i32
        %sign3A_119 = arith.extui %sign3A_118 : i1 to i32
        %sign3A_120 = arith.subi %sign3A_116, %sign3A_119 : i32
        %ne3A = arith.cmpi ne, %sign3A_113, %sign3A_120 : i32
        %rem3A = arith.remsi %scan3A_107, %jit3A : i32
        %ne3A_121 = arith.constant 0 : i32
        %ne3A_122 = arith.cmpi ne, %rem3A, %ne3A_121 : i32
        %and3A = arith.andi %ne3A, %ne3A_122 : i1
        %sub3A = arith.constant 1 : i32
        %sub3A_123 = arith.subi %div3A, %sub3A : i32
        %select_n3A = arith.select %and3A, %sub3A_123, %div3A : i32
        %jit3A_124 = arith.constant 8 : i32
        %eq3A_125 = arith.constant 0 : i32
        %eq3A_126 = arith.cmpi eq, %jit3A_124, %eq3A_125 : i32
        %jit3A_127 = arith.constant 1 : i32
        %select_n3A_128 = arith.select %eq3A_126, %jit3A_127, %jit3A_124 : i32
        %rem3A_129 = arith.remsi %scan3A_107, %select_n3A_128 : i32
        %ne3A_130 = arith.constant 0 : i32
        %ne3A_131 = arith.cmpi ne, %rem3A_129, %ne3A_130 : i32
        %lt3A = arith.constant 0 : i32
        %lt3A_132 = arith.cmpi slt, %rem3A_129, %lt3A : i32
        %lt3A_133 = arith.constant 0 : i32
        %lt3A_134 = arith.cmpi slt, %select_n3A_128, %lt3A_133 : i32
        %ne3A_135 = arith.xori %lt3A_132, %lt3A_134 : i1
        %and3A_136 = arith.andi %ne3A_135, %ne3A_131 : i1
        %add3A_137 = arith.addi %rem3A_129, %select_n3A_128 : i32
        %select_n3A_138 = arith.select %and3A_136, %add3A_137, %rem3A_129 : i32
        %mul3A_139 = arith.constant 16 : i32
        %mul3A_140 = arith.muli %select_n3A_138, %mul3A_139 : i32
        %swap3A = arith.index_cast %select_n3A : i32 to index
        %swap3A_141 = arith.index_cast %mul3A_140 : i32 to index
        %swap3A_142 = tpu.vector_load %arg13[%swap3A, %swap3A_141] {strides = array<i32>} : memref<80x128xf32, #tpu.memory_space<vmem>>, vector<1x16xf32>,
        %swap3A_143 = vector.shape_cast %swap3A_142 : vector<1x16xf32> to vector<16xf32>
        %swap3A_144 = vector.shape_cast %broadcast_in_dim3A_0 : vector<16xf32> to vector<1x16xf32>
        tpu.vector_store %arg13[%swap3A, %swap3A_141], %swap3A_144 {strides = array<i32>} : memref<80x128xf32, #tpu.memory_space<vmem>>, vector<1x16xf32>,
      }
      %scan3A_13 = arith.constant 640 : i32
      %mul3A = arith.constant 640 : i32
      %mul3A_14 = arith.muli %arg1, %mul3A : i32
      %add3A = arith.constant 0 : i32
      %add3A_15 = arith.addi %mul3A_14, %add3A : i32
      "tpu.region"() ({
        %run_scoped3A_107 = tpu.sem_alloc : memref<!tpu.dma_semaphore, #tpu.memory_space<semaphore_mem>>
        %dma_start3A = arith.constant 0 : i32
        %dma_start3A_108 = tpu.memref_slice %arg14[%add3A_15, %dma_start3A] : memref<10240x128xf32, #tpu.memory_space<vmem_shared>> -> memref<80x128xf32, #tpu.memory_space<vmem_shared>>
        %dma_start3A_109 = arith.constant 0 : i32
        %dma_start3A_110 = tpu.memref_slice %arg14[%add3A_15, %dma_start3A_109] : memref<10240x128xf32, #tpu.memory_space<vmem_shared>> -> memref<80x128xf32, #tpu.memory_space<vmem_shared>>
        tpu.enqueue_dma source(%arg13 : memref<80x128xf32, #tpu.memory_space<vmem>>) target(%dma_start3A_110 : memref<80x128xf32, #tpu.memory_space<vmem_shared>>) target_semaphore(%run_scoped3A_107 : memref<!tpu.dma_semaphore, #tpu.memory_space<semaphore_mem>>)
        %dma_wait3A = arith.constant 0 : i32
        %dma_wait3A_111 = tpu.memref_slice %arg14[%add3A_15, %dma_wait3A] : memref<10240x128xf32, #tpu.memory_space<vmem_shared>> -> memref<80x128xf32, #tpu.memory_space<vmem_shared>>
        %dma_wait3A_112 = arith.constant 0 : i32
        %dma_wait3A_113 = tpu.memref_slice %arg14[%add3A_15, %dma_wait3A_112] : memref<10240x128xf32, #tpu.memory_space<vmem_shared>> -> memref<80x128xf32, #tpu.memory_space<vmem_shared>>
        tpu.wait_dma2 semaphore(%run_scoped3A_107 : memref<!tpu.dma_semaphore, #tpu.memory_space<semaphore_mem>>) src(%arg13 : memref<80x128xf32, #tpu.memory_space<vmem>>) dst(%dma_wait3A_113 : memref<80x128xf32, #tpu.memory_space<vmem_shared>>)
        tpu.yield
      }) : () -> ()
      %mul3A_16 = arith.constant 640 : i32
      %mul3A_17 = arith.muli %arg1, %mul3A_16 : i32
      %add3A_18 = arith.constant 80 : i32
      %add3A_19 = arith.addi %mul3A_17, %add3A_18 : i32
      "tpu.region"() ({
        %run_scoped3A_107 = tpu.sem_alloc : memref<!tpu.dma_semaphore, #tpu.memory_space<semaphore_mem>>
        %dma_start3A = arith.constant 0 : i32
        %dma_start3A_108 = tpu.memref_slice %arg14[%add3A_19, %dma_start3A] : memref<10240x128xf32, #tpu.memory_space<vmem_shared>> -> memref<80x128xf32, #tpu.memory_space<vmem_shared>>
        %dma_start3A_109 = arith.constant 0 : i32
        %dma_start3A_110 = tpu.memref_slice %arg14[%add3A_19, %dma_start3A_109] : memref<10240x128xf32, #tpu.memory_space<vmem_shared>> -> memref<80x128xf32, #tpu.memory_space<vmem_shared>>
        tpu.enqueue_dma source(%arg13 : memref<80x128xf32, #tpu.memory_space<vmem>>) target(%dma_start3A_110 : memref<80x128xf32, #tpu.memory_space<vmem_shared>>) target_semaphore(%run_scoped3A_107 : memref<!tpu.dma_semaphore, #tpu.memory_space<semaphore_mem>>)
        %dma_wait3A = arith.constant 0 : i32
        %dma_wait3A_111 = tpu.memref_slice %arg14[%add3A_19, %dma_wait3A] : memref<10240x128xf32, #tpu.memory_space<vmem_shared>> -> memref<80x128xf32, #tpu.memory_space<vmem_shared>>
        %dma_wait3A_112 = arith.constant 0 : i32
        %dma_wait3A_113 = tpu.memref_slice %arg14[%add3A_19, %dma_wait3A_112] : memref<10240x128xf32, #tpu.memory_space<vmem_shared>> -> memref<80x128xf32, #tpu.memory_space<vmem_shared>>
        tpu.wait_dma2 semaphore(%run_scoped3A_107 : memref<!tpu.dma_semaphore, #tpu.memory_space<semaphore_mem>>) src(%arg13 : memref<80x128xf32, #tpu.memory_space<vmem>>) dst(%dma_wait3A_113 : memref<80x128xf32, #tpu.memory_space<vmem_shared>>)
        tpu.yield
      }) : () -> ()
      %mul3A_20 = arith.constant 640 : i32
      %mul3A_21 = arith.muli %arg1, %mul3A_20 : i32
      %add3A_22 = arith.constant 160 : i32
      %add3A_23 = arith.addi %mul3A_21, %add3A_22 : i32
      "tpu.region"() ({
        %run_scoped3A_107 = tpu.sem_alloc : memref<!tpu.dma_semaphore, #tpu.memory_space<semaphore_mem>>
        %dma_start3A = arith.constant 0 : i32
        %dma_start3A_108 = tpu.memref_slice %arg14[%add3A_23, %dma_start3A] : memref<10240x128xf32, #tpu.memory_space<vmem_shared>> -> memref<80x128xf32, #tpu.memory_space<vmem_shared>>
        %dma_start3A_109 = arith.constant 0 : i32
        %dma_start3A_110 = tpu.memref_slice %arg14[%add3A_23, %dma_start3A_109] : memref<10240x128xf32, #tpu.memory_space<vmem_shared>> -> memref<80x128xf32, #tpu.memory_space<vmem_shared>>
        tpu.enqueue_dma source(%arg13 : memref<80x128xf32, #tpu.memory_space<vmem>>) target(%dma_start3A_110 : memref<80x128xf32, #tpu.memory_space<vmem_shared>>) target_semaphore(%run_scoped3A_107 : memref<!tpu.dma_semaphore, #tpu.memory_space<semaphore_mem>>)
        %dma_wait3A = arith.constant 0 : i32
        %dma_wait3A_111 = tpu.memref_slice %arg14[%add3A_23, %dma_wait3A] : memref<10240x128xf32, #tpu.memory_space<vmem_shared>> -> memref<80x128xf32, #tpu.memory_space<vmem_shared>>
        %dma_wait3A_112 = arith.constant 0 : i32
        %dma_wait3A_113 = tpu.memref_slice %arg14[%add3A_23, %dma_wait3A_112] : memref<10240x128xf32, #tpu.memory_space<vmem_shared>> -> memref<80x128xf32, #tpu.memory_space<vmem_shared>>
        tpu.wait_dma2 semaphore(%run_scoped3A_107 : memref<!tpu.dma_semaphore, #tpu.memory_space<semaphore_mem>>) src(%arg13 : memref<80x128xf32, #tpu.memory_space<vmem>>) dst(%dma_wait3A_113 : memref<80x128xf32, #tpu.memory_space<vmem_shared>>)
        tpu.yield
      }) : () -> ()
      %mul3A_24 = arith.constant 640 : i32
      %mul3A_25 = arith.muli %arg1, %mul3A_24 : i32
      %add3A_26 = arith.constant 240 : i32
      %add3A_27 = arith.addi %mul3A_25, %add3A_26 : i32
      "tpu.region"() ({
        %run_scoped3A_107 = tpu.sem_alloc : memref<!tpu.dma_semaphore, #tpu.memory_space<semaphore_mem>>
        %dma_start3A = arith.constant 0 : i32
        %dma_start3A_108 = tpu.memref_slice %arg14[%add3A_27, %dma_start3A] : memref<10240x128xf32, #tpu.memory_space<vmem_shared>> -> memref<80x128xf32, #tpu.memory_space<vmem_shared>>
        %dma_start3A_109 = arith.constant 0 : i32
        %dma_start3A_110 = tpu.memref_slice %arg14[%add3A_27, %dma_start3A_109] : memref<10240x128xf32, #tpu.memory_space<vmem_shared>> -> memref<80x128xf32, #tpu.memory_space<vmem_shared>>
        tpu.enqueue_dma source(%arg13 : memref<80x128xf32, #tpu.memory_space<vmem>>) target(%dma_start3A_110 : memref<80x128xf32, #tpu.memory_space<vmem_shared>>) target_semaphore(%run_scoped3A_107 : memref<!tpu.dma_semaphore, #tpu.memory_space<semaphore_mem>>)
        %dma_wait3A = arith.constant 0 : i32
        %dma_wait3A_111 = tpu.memref_slice %arg14[%add3A_27, %dma_wait3A] : memref<10240x128xf32, #tpu.memory_space<vmem_shared>> -> memref<80x128xf32, #tpu.memory_space<vmem_shared>>
        %dma_wait3A_112 = arith.constant 0 : i32
        %dma_wait3A_113 = tpu.memref_slice %arg14[%add3A_27, %dma_wait3A_112] : memref<10240x128xf32, #tpu.memory_space<vmem_shared>> -> memref<80x128xf32, #tpu.memory_space<vmem_shared>>
        tpu.wait_dma2 semaphore(%run_scoped3A_107 : memref<!tpu.dma_semaphore, #tpu.memory_space<semaphore_mem>>) src(%arg13 : memref<80x128xf32, #tpu.memory_space<vmem>>) dst(%dma_wait3A_113 : memref<80x128xf32, #tpu.memory_space<vmem_shared>>)
        tpu.yield
      }) : () -> ()
      %mul3A_28 = arith.constant 640 : i32
      %mul3A_29 = arith.muli %arg1, %mul3A_28 : i32
      %add3A_30 = arith.constant 320 : i32
      %add3A_31 = arith.addi %mul3A_29, %add3A_30 : i32
      "tpu.region"() ({
        %run_scoped3A_107 = tpu.sem_alloc : memref<!tpu.dma_semaphore, #tpu.memory_space<semaphore_mem>>
        %dma_start3A = arith.constant 0 : i32
        %dma_start3A_108 = tpu.memref_slice %arg14[%add3A_31, %dma_start3A] : memref<10240x128xf32, #tpu.memory_space<vmem_shared>> -> memref<80x128xf32, #tpu.memory_space<vmem_shared>>
        %dma_start3A_109 = arith.constant 0 : i32
        %dma_start3A_110 = tpu.memref_slice %arg14[%add3A_31, %dma_start3A_109] : memref<10240x128xf32, #tpu.memory_space<vmem_shared>> -> memref<80x128xf32, #tpu.memory_space<vmem_shared>>
        tpu.enqueue_dma source(%arg13 : memref<80x128xf32, #tpu.memory_space<vmem>>) target(%dma_start3A_110 : memref<80x128xf32, #tpu.memory_space<vmem_shared>>) target_semaphore(%run_scoped3A_107 : memref<!tpu.dma_semaphore, #tpu.memory_space<semaphore_mem>>)
        %dma_wait3A = arith.constant 0 : i32
        %dma_wait3A_111 = tpu.memref_slice %arg14[%add3A_31, %dma_wait3A] : memref<10240x128xf32, #tpu.memory_space<vmem_shared>> -> memref<80x128xf32, #tpu.memory_space<vmem_shared>>
        %dma_wait3A_112 = arith.constant 0 : i32
        %dma_wait3A_113 = tpu.memref_slice %arg14[%add3A_31, %dma_wait3A_112] : memref<10240x128xf32, #tpu.memory_space<vmem_shared>> -> memref<80x128xf32, #tpu.memory_space<vmem_shared>>
        tpu.wait_dma2 semaphore(%run_scoped3A_107 : memref<!tpu.dma_semaphore, #tpu.memory_space<semaphore_mem>>) src(%arg13 : memref<80x128xf32, #tpu.memory_space<vmem>>) dst(%dma_wait3A_113 : memref<80x128xf32, #tpu.memory_space<vmem_shared>>)
        tpu.yield
      }) : () -> ()
      %mul3A_32 = arith.constant 640 : i32
      %mul3A_33 = arith.muli %arg1, %mul3A_32 : i32
      %add3A_34 = arith.constant 400 : i32
      %add3A_35 = arith.addi %mul3A_33, %add3A_34 : i32
      "tpu.region"() ({
        %run_scoped3A_107 = tpu.sem_alloc : memref<!tpu.dma_semaphore, #tpu.memory_space<semaphore_mem>>
        %dma_start3A = arith.constant 0 : i32
        %dma_start3A_108 = tpu.memref_slice %arg14[%add3A_35, %dma_start3A] : memref<10240x128xf32, #tpu.memory_space<vmem_shared>> -> memref<80x128xf32, #tpu.memory_space<vmem_shared>>
        %dma_start3A_109 = arith.constant 0 : i32
        %dma_start3A_110 = tpu.memref_slice %arg14[%add3A_35, %dma_start3A_109] : memref<10240x128xf32, #tpu.memory_space<vmem_shared>> -> memref<80x128xf32, #tpu.memory_space<vmem_shared>>
        tpu.enqueue_dma source(%arg13 : memref<80x128xf32, #tpu.memory_space<vmem>>) target(%dma_start3A_110 : memref<80x128xf32, #tpu.memory_space<vmem_shared>>) target_semaphore(%run_scoped3A_107 : memref<!tpu.dma_semaphore, #tpu.memory_space<semaphore_mem>>)
        %dma_wait3A = arith.constant 0 : i32
        %dma_wait3A_111 = tpu.memref_slice %arg14[%add3A_35, %dma_wait3A] : memref<10240x128xf32, #tpu.memory_space<vmem_shared>> -> memref<80x128xf32, #tpu.memory_space<vmem_shared>>
        %dma_wait3A_112 = arith.constant 0 : i32
        %dma_wait3A_113 = tpu.memref_slice %arg14[%add3A_35, %dma_wait3A_112] : memref<10240x128xf32, #tpu.memory_space<vmem_shared>> -> memref<80x128xf32, #tpu.memory_space<vmem_shared>>
        tpu.wait_dma2 semaphore(%run_scoped3A_107 : memref<!tpu.dma_semaphore, #tpu.memory_space<semaphore_mem>>) src(%arg13 : memref<80x128xf32, #tpu.memory_space<vmem>>) dst(%dma_wait3A_113 : memref<80x128xf32, #tpu.memory_space<vmem_shared>>)
        tpu.yield
      }) : () -> ()
      %mul3A_36 = arith.constant 640 : i32
      %mul3A_37 = arith.muli %arg1, %mul3A_36 : i32
      %add3A_38 = arith.constant 480 : i32
      %add3A_39 = arith.addi %mul3A_37, %add3A_38 : i32
      "tpu.region"() ({
        %run_scoped3A_107 = tpu.sem_alloc : memref<!tpu.dma_semaphore, #tpu.memory_space<semaphore_mem>>
        %dma_start3A = arith.constant 0 : i32
        %dma_start3A_108 = tpu.memref_slice %arg14[%add3A_39, %dma_start3A] : memref<10240x128xf32, #tpu.memory_space<vmem_shared>> -> memref<80x128xf32, #tpu.memory_space<vmem_shared>>
        %dma_start3A_109 = arith.constant 0 : i32
        %dma_start3A_110 = tpu.memref_slice %arg14[%add3A_39, %dma_start3A_109] : memref<10240x128xf32, #tpu.memory_space<vmem_shared>> -> memref<80x128xf32, #tpu.memory_space<vmem_shared>>
        tpu.enqueue_dma source(%arg13 : memref<80x128xf32, #tpu.memory_space<vmem>>) target(%dma_start3A_110 : memref<80x128xf32, #tpu.memory_space<vmem_shared>>) target_semaphore(%run_scoped3A_107 : memref<!tpu.dma_semaphore, #tpu.memory_space<semaphore_mem>>)
        %dma_wait3A = arith.constant 0 : i32
        %dma_wait3A_111 = tpu.memref_slice %arg14[%add3A_39, %dma_wait3A] : memref<10240x128xf32, #tpu.memory_space<vmem_shared>> -> memref<80x128xf32, #tpu.memory_space<vmem_shared>>
        %dma_wait3A_112 = arith.constant 0 : i32
        %dma_wait3A_113 = tpu.memref_slice %arg14[%add3A_39, %dma_wait3A_112] : memref<10240x128xf32, #tpu.memory_space<vmem_shared>> -> memref<80x128xf32, #tpu.memory_space<vmem_shared>>
        tpu.wait_dma2 semaphore(%run_scoped3A_107 : memref<!tpu.dma_semaphore, #tpu.memory_space<semaphore_mem>>) src(%arg13 : memref<80x128xf32, #tpu.memory_space<vmem>>) dst(%dma_wait3A_113 : memref<80x128xf32, #tpu.memory_space<vmem_shared>>)
        tpu.yield
      }) : () -> ()
      %mul3A_40 = arith.constant 640 : i32
      %mul3A_41 = arith.muli %arg1, %mul3A_40 : i32
      %add3A_42 = arith.constant 560 : i32
      %add3A_43 = arith.addi %mul3A_41, %add3A_42 : i32
      "tpu.region"() ({
        %run_scoped3A_107 = tpu.sem_alloc : memref<!tpu.dma_semaphore, #tpu.memory_space<semaphore_mem>>
        %dma_start3A = arith.constant 0 : i32
        %dma_start3A_108 = tpu.memref_slice %arg14[%add3A_43, %dma_start3A] : memref<10240x128xf32, #tpu.memory_space<vmem_shared>> -> memref<80x128xf32, #tpu.memory_space<vmem_shared>>
        %dma_start3A_109 = arith.constant 0 : i32
        %dma_start3A_110 = tpu.memref_slice %arg14[%add3A_43, %dma_start3A_109] : memref<10240x128xf32, #tpu.memory_space<vmem_shared>> -> memref<80x128xf32, #tpu.memory_space<vmem_shared>>
        tpu.enqueue_dma source(%arg13 : memref<80x128xf32, #tpu.memory_space<vmem>>) target(%dma_start3A_110 : memref<80x128xf32, #tpu.memory_space<vmem_shared>>) target_semaphore(%run_scoped3A_107 : memref<!tpu.dma_semaphore, #tpu.memory_space<semaphore_mem>>)
        %dma_wait3A = arith.constant 0 : i32
        %dma_wait3A_111 = tpu.memref_slice %arg14[%add3A_43, %dma_wait3A] : memref<10240x128xf32, #tpu.memory_space<vmem_shared>> -> memref<80x128xf32, #tpu.memory_space<vmem_shared>>
        %dma_wait3A_112 = arith.constant 0 : i32
        %dma_wait3A_113 = tpu.memref_slice %arg14[%add3A_43, %dma_wait3A_112] : memref<10240x128xf32, #tpu.memory_space<vmem_shared>> -> memref<80x128xf32, #tpu.memory_space<vmem_shared>>
        tpu.wait_dma2 semaphore(%run_scoped3A_107 : memref<!tpu.dma_semaphore, #tpu.memory_space<semaphore_mem>>) src(%arg13 : memref<80x128xf32, #tpu.memory_space<vmem>>) dst(%dma_wait3A_113 : memref<80x128xf32, #tpu.memory_space<vmem_shared>>)
        tpu.yield
      }) : () -> ()
      %barrier3A = arith.constant 0 : index
      tpu.barrier barrier_id(%barrier3A)
      %scan3A_44 = arith.constant 0 : i32
      %scan3A_45 = arith.constant 0 : i32
      %scan3A_46 = arith.constant 125 : i32
      %scan3A_47 = arith.addi %scan3A_45, %scan3A_46 : i32
      %scan3A_48 = arith.constant 1 : i32
      scf.for %scan3A_107 = %scan3A_45 to %scan3A_47 step %scan3A_48  : i32 {
        "tpu.region"() ({
          %run_scoped3A_108 = tpu.sem_alloc : memref<!tpu.dma_semaphore, #tpu.memory_space<semaphore_mem>>
          %dma_start3A = arith.constant 0 : i32
          %dma_start3A_109 = tpu.memref_slice %arg11[%scan3A_107, %dma_start3A] : memref<125x80xi32, #tpu.memory_space<vmem>> -> memref<1x80xi32, #tpu.memory_space<vmem>>
          %dma_start3A_110 = tpu.memref_squeeze %dma_start3A_109 : memref<1x80xi32, #tpu.memory_space<vmem>> -> memref<80xi32, #tpu.memory_space<vmem>>
          %dma_start3A_111 = arith.constant 0 : i32
          %dma_start3A_112 = arith.constant 0 : i32
          %dma_start3A_113 = tpu.memref_slice %arg2[%dma_start3A_111, %dma_start3A_112] : memref<10240x128xf32, #tpu.memory_space<hbm>> -> memref<10240x128xf32, #tpu.memory_space<hbm>>
          tpu.enqueue_indirect_dma source(%dma_start3A_113 : memref<10240x128xf32, #tpu.memory_space<hbm>>) target(%arg13 : memref<80x128xf32, #tpu.memory_space<vmem>>) offsets(%dma_start3A_110 : memref<80xi32, #tpu.memory_space<vmem>>) semaphore(%run_scoped3A_108 : memref<!tpu.dma_semaphore, #tpu.memory_space<semaphore_mem>>)
          %dma_wait3A = arith.constant 0 : i32
          %dma_wait3A_114 = tpu.memref_slice %arg11[%scan3A_107, %dma_wait3A] : memref<125x80xi32, #tpu.memory_space<vmem>> -> memref<1x80xi32, #tpu.memory_space<vmem>>
          %dma_wait3A_115 = tpu.memref_squeeze %dma_wait3A_114 : memref<1x80xi32, #tpu.memory_space<vmem>> -> memref<80xi32, #tpu.memory_space<vmem>>
          %dma_wait3A_116 = arith.constant 0 : i32
          %dma_wait3A_117 = arith.constant 0 : i32
          %dma_wait3A_118 = tpu.memref_slice %arg2[%dma_wait3A_116, %dma_wait3A_117] : memref<10240x128xf32, #tpu.memory_space<hbm>> -> memref<10240x128xf32, #tpu.memory_space<hbm>>
          tpu.wait_indirect_dma semaphore(%run_scoped3A_108 : memref<!tpu.dma_semaphore, #tpu.memory_space<semaphore_mem>>) src(%dma_wait3A_118 : memref<10240x128xf32, #tpu.memory_space<hbm>>) dst(%arg13 : memref<80x128xf32, #tpu.memory_space<vmem>>)
          tpu.yield
        }) : () -> ()
        "tpu.region"() ({
          %run_scoped3A_108 = tpu.sem_alloc : memref<!tpu.dma_semaphore, #tpu.memory_space<semaphore_mem>>
          %dma_start3A = arith.constant 0 : i32
          %dma_start3A_109 = tpu.memref_slice %arg12[%scan3A_107, %dma_start3A] : memref<125x80xi32, #tpu.memory_space<vmem>> -> memref<1x80xi32, #tpu.memory_space<vmem>>
          %dma_start3A_110 = tpu.memref_squeeze %dma_start3A_109 : memref<1x80xi32, #tpu.memory_space<vmem>> -> memref<80xi32, #tpu.memory_space<vmem>>
          %dma_start3A_111 = arith.constant 0 : i32
          %dma_start3A_112 = arith.constant 0 : i32
          %dma_start3A_113 = tpu.memref_slice %arg14[%dma_start3A_111, %dma_start3A_112] : memref<10240x128xf32, #tpu.memory_space<vmem_shared>> -> memref<10240x128xf32, #tpu.memory_space<vmem_shared>>
          tpu.enqueue_indirect_dma source(%arg13 : memref<80x128xf32, #tpu.memory_space<vmem>>) target(%dma_start3A_113 : memref<10240x128xf32, #tpu.memory_space<vmem_shared>>) offsets(%dma_start3A_110 : memref<80xi32, #tpu.memory_space<vmem>>) semaphore(%run_scoped3A_108 : memref<!tpu.dma_semaphore, #tpu.memory_space<semaphore_mem>>) {add = true}
          %dma_wait3A = arith.constant 0 : i32
          %dma_wait3A_114 = tpu.memref_slice %arg12[%scan3A_107, %dma_wait3A] : memref<125x80xi32, #tpu.memory_space<vmem>> -> memref<1x80xi32, #tpu.memory_space<vmem>>
          %dma_wait3A_115 = tpu.memref_squeeze %dma_wait3A_114 : memref<1x80xi32, #tpu.memory_space<vmem>> -> memref<80xi32, #tpu.memory_space<vmem>>
          %dma_wait3A_116 = arith.constant 0 : i32
          %dma_wait3A_117 = arith.constant 0 : i32
          %dma_wait3A_118 = tpu.memref_slice %arg14[%dma_wait3A_116, %dma_wait3A_117] : memref<10240x128xf32, #tpu.memory_space<vmem_shared>> -> memref<10240x128xf32, #tpu.memory_space<vmem_shared>>
          tpu.wait_indirect_dma semaphore(%run_scoped3A_108 : memref<!tpu.dma_semaphore, #tpu.memory_space<semaphore_mem>>) src(%arg13 : memref<80x128xf32, #tpu.memory_space<vmem>>) dst(%dma_wait3A_118 : memref<10240x128xf32, #tpu.memory_space<vmem_shared>>)
          tpu.yield
        }) : () -> ()
      }
      %scan3A_49 = arith.constant 125 : i32
      %barrier3A_50 = arith.constant 0 : index
      tpu.barrier barrier_id(%barrier3A_50)
      %mul3A_51 = arith.constant 640 : i32
      %mul3A_52 = arith.muli %arg1, %mul3A_51 : i32
      %mul3A_53 = arith.constant 640 : i32
      %mul3A_54 = arith.muli %arg1, %mul3A_53 : i32
      "tpu.region"() ({
        %run_scoped3A_107 = tpu.sem_alloc : memref<!tpu.dma_semaphore, #tpu.memory_space<semaphore_mem>>
        %dma_start3A = arith.constant 0 : i32
        %dma_start3A_108 = tpu.memref_slice %arg7[%mul3A_54, %dma_start3A] : memref<10240x128xf32, #tpu.memory_space<hbm>> -> memref<640x128xf32, #tpu.memory_space<hbm>>
        %dma_start3A_109 = arith.constant 0 : i32
        %dma_start3A_110 = tpu.memref_slice %arg14[%mul3A_52, %dma_start3A_109] : memref<10240x128xf32, #tpu.memory_space<vmem_shared>> -> memref<640x128xf32, #tpu.memory_space<vmem_shared>>
        tpu.enqueue_dma source(%dma_start3A_110 : memref<640x128xf32, #tpu.memory_space<vmem_shared>>) target(%dma_start3A_108 : memref<640x128xf32, #tpu.memory_space<hbm>>) target_semaphore(%run_scoped3A_107 : memref<!tpu.dma_semaphore, #tpu.memory_space<semaphore_mem>>)
        %dma_wait3A = arith.constant 0 : i32
        %dma_wait3A_111 = tpu.memref_slice %arg7[%mul3A_54, %dma_wait3A] : memref<10240x128xf32, #tpu.memory_space<hbm>> -> memref<640x128xf32, #tpu.memory_space<hbm>>
        %dma_wait3A_112 = arith.constant 0 : i32
        %dma_wait3A_113 = tpu.memref_slice %arg14[%mul3A_52, %dma_wait3A_112] : memref<10240x128xf32, #tpu.memory_space<vmem_shared>> -> memref<640x128xf32, #tpu.memory_space<vmem_shared>>
        tpu.wait_dma2 semaphore(%run_scoped3A_107 : memref<!tpu.dma_semaphore, #tpu.memory_space<semaphore_mem>>) src(%dma_wait3A_113 : memref<640x128xf32, #tpu.memory_space<vmem_shared>>) dst(%dma_wait3A_111 : memref<640x128xf32, #tpu.memory_space<hbm>>)
        tpu.yield
      }) : () -> ()
      %barrier3A_55 = arith.constant 0 : index
      tpu.barrier barrier_id(%barrier3A_55)
      %scan3A_56 = arith.constant 0 : i32
      %scan3A_57 = arith.constant 0 : i32
      %scan3A_58 = arith.constant 640 : i32
      %scan3A_59 = arith.addi %scan3A_57, %scan3A_58 : i32
      %scan3A_60 = arith.constant 1 : i32
      scf.for %scan3A_107 = %scan3A_57 to %scan3A_59 step %scan3A_60  : i32 {
        %jit3A = arith.constant 8 : i32
        %div3A = arith.divsi %scan3A_107, %jit3A : i32
        %sign3A = arith.constant 0 : i32
        %sign3A_108 = arith.cmpi sgt, %scan3A_107, %sign3A : i32
        %sign3A_109 = arith.extui %sign3A_108 : i1 to i32
        %sign3A_110 = arith.constant 0 : i32
        %sign3A_111 = arith.cmpi slt, %scan3A_107, %sign3A_110 : i32
        %sign3A_112 = arith.extui %sign3A_111 : i1 to i32
        %sign3A_113 = arith.subi %sign3A_109, %sign3A_112 : i32
        %sign3A_114 = arith.constant 0 : i32
        %sign3A_115 = arith.cmpi sgt, %jit3A, %sign3A_114 : i32
        %sign3A_116 = arith.extui %sign3A_115 : i1 to i32
        %sign3A_117 = arith.constant 0 : i32
        %sign3A_118 = arith.cmpi slt, %jit3A, %sign3A_117 : i32
        %sign3A_119 = arith.extui %sign3A_118 : i1 to i32
        %sign3A_120 = arith.subi %sign3A_116, %sign3A_119 : i32
        %ne3A = arith.cmpi ne, %sign3A_113, %sign3A_120 : i32
        %rem3A = arith.remsi %scan3A_107, %jit3A : i32
        %ne3A_121 = arith.constant 0 : i32
        %ne3A_122 = arith.cmpi ne, %rem3A, %ne3A_121 : i32
        %and3A = arith.andi %ne3A, %ne3A_122 : i1
        %sub3A = arith.constant 1 : i32
        %sub3A_123 = arith.subi %div3A, %sub3A : i32
        %select_n3A = arith.select %and3A, %sub3A_123, %div3A : i32
        %jit3A_124 = arith.constant 8 : i32
        %eq3A_125 = arith.constant 0 : i32
        %eq3A_126 = arith.cmpi eq, %jit3A_124, %eq3A_125 : i32
        %jit3A_127 = arith.constant 1 : i32
        %select_n3A_128 = arith.select %eq3A_126, %jit3A_127, %jit3A_124 : i32
        %rem3A_129 = arith.remsi %scan3A_107, %select_n3A_128 : i32
        %ne3A_130 = arith.constant 0 : i32
        %ne3A_131 = arith.cmpi ne, %rem3A_129, %ne3A_130 : i32
        %lt3A = arith.constant 0 : i32
        %lt3A_132 = arith.cmpi slt, %rem3A_129, %lt3A : i32
        %lt3A_133 = arith.constant 0 : i32
        %lt3A_134 = arith.cmpi slt, %select_n3A_128, %lt3A_133 : i32
        %ne3A_135 = arith.xori %lt3A_132, %lt3A_134 : i1
        %and3A_136 = arith.andi %ne3A_135, %ne3A_131 : i1
        %add3A_137 = arith.addi %rem3A_129, %select_n3A_128 : i32
        %select_n3A_138 = arith.select %and3A_136, %add3A_137, %rem3A_129 : i32
        %mul3A_139 = arith.constant 16 : i32
        %mul3A_140 = arith.muli %select_n3A_138, %mul3A_139 : i32
        %swap3A = arith.index_cast %select_n3A : i32 to index
        %swap3A_141 = arith.index_cast %mul3A_140 : i32 to index
        %swap3A_142 = tpu.vector_load %arg13[%swap3A, %swap3A_141] {strides = array<i32>} : memref<80x128xf32, #tpu.memory_space<vmem>>, vector<1x16xf32>,
        %swap3A_143 = vector.shape_cast %swap3A_142 : vector<1x16xf32> to vector<16xf32>
        %swap3A_144 = vector.shape_cast %broadcast_in_dim3A_0 : vector<16xf32> to vector<1x16xf32>
        tpu.vector_store %arg13[%swap3A, %swap3A_141], %swap3A_144 {strides = array<i32>} : memref<80x128xf32, #tpu.memory_space<vmem>>, vector<1x16xf32>,
      }
      %scan3A_61 = arith.constant 640 : i32
      %mul3A_62 = arith.constant 640 : i32
      %mul3A_63 = arith.muli %arg1, %mul3A_62 : i32
      %add3A_64 = arith.constant 0 : i32
      %add3A_65 = arith.addi %mul3A_63, %add3A_64 : i32
      "tpu.region"() ({
        %run_scoped3A_107 = tpu.sem_alloc : memref<!tpu.dma_semaphore, #tpu.memory_space<semaphore_mem>>
        %dma_start3A = arith.constant 0 : i32
        %dma_start3A_108 = tpu.memref_slice %arg14[%add3A_65, %dma_start3A] : memref<10240x128xf32, #tpu.memory_space<vmem_shared>> -> memref<80x128xf32, #tpu.memory_space<vmem_shared>>
        %dma_start3A_109 = arith.constant 0 : i32
        %dma_start3A_110 = tpu.memref_slice %arg14[%add3A_65, %dma_start3A_109] : memref<10240x128xf32, #tpu.memory_space<vmem_shared>> -> memref<80x128xf32, #tpu.memory_space<vmem_shared>>
        tpu.enqueue_dma source(%arg13 : memref<80x128xf32, #tpu.memory_space<vmem>>) target(%dma_start3A_110 : memref<80x128xf32, #tpu.memory_space<vmem_shared>>) target_semaphore(%run_scoped3A_107 : memref<!tpu.dma_semaphore, #tpu.memory_space<semaphore_mem>>)
        %dma_wait3A = arith.constant 0 : i32
        %dma_wait3A_111 = tpu.memref_slice %arg14[%add3A_65, %dma_wait3A] : memref<10240x128xf32, #tpu.memory_space<vmem_shared>> -> memref<80x128xf32, #tpu.memory_space<vmem_shared>>
        %dma_wait3A_112 = arith.constant 0 : i32
        %dma_wait3A_113 = tpu.memref_slice %arg14[%add3A_65, %dma_wait3A_112] : memref<10240x128xf32, #tpu.memory_space<vmem_shared>> -> memref<80x128xf32, #tpu.memory_space<vmem_shared>>
        tpu.wait_dma2 semaphore(%run_scoped3A_107 : memref<!tpu.dma_semaphore, #tpu.memory_space<semaphore_mem>>) src(%arg13 : memref<80x128xf32, #tpu.memory_space<vmem>>) dst(%dma_wait3A_113 : memref<80x128xf32, #tpu.memory_space<vmem_shared>>)
        tpu.yield
      }) : () -> ()
      %mul3A_66 = arith.constant 640 : i32
      %mul3A_67 = arith.muli %arg1, %mul3A_66 : i32
      %add3A_68 = arith.constant 80 : i32
      %add3A_69 = arith.addi %mul3A_67, %add3A_68 : i32
      "tpu.region"() ({
        %run_scoped3A_107 = tpu.sem_alloc : memref<!tpu.dma_semaphore, #tpu.memory_space<semaphore_mem>>
        %dma_start3A = arith.constant 0 : i32
        %dma_start3A_108 = tpu.memref_slice %arg14[%add3A_69, %dma_start3A] : memref<10240x128xf32, #tpu.memory_space<vmem_shared>> -> memref<80x128xf32, #tpu.memory_space<vmem_shared>>
        %dma_start3A_109 = arith.constant 0 : i32
        %dma_start3A_110 = tpu.memref_slice %arg14[%add3A_69, %dma_start3A_109] : memref<10240x128xf32, #tpu.memory_space<vmem_shared>> -> memref<80x128xf32, #tpu.memory_space<vmem_shared>>
        tpu.enqueue_dma source(%arg13 : memref<80x128xf32, #tpu.memory_space<vmem>>) target(%dma_start3A_110 : memref<80x128xf32, #tpu.memory_space<vmem_shared>>) target_semaphore(%run_scoped3A_107 : memref<!tpu.dma_semaphore, #tpu.memory_space<semaphore_mem>>)
        %dma_wait3A = arith.constant 0 : i32
        %dma_wait3A_111 = tpu.memref_slice %arg14[%add3A_69, %dma_wait3A] : memref<10240x128xf32, #tpu.memory_space<vmem_shared>> -> memref<80x128xf32, #tpu.memory_space<vmem_shared>>
        %dma_wait3A_112 = arith.constant 0 : i32
        %dma_wait3A_113 = tpu.memref_slice %arg14[%add3A_69, %dma_wait3A_112] : memref<10240x128xf32, #tpu.memory_space<vmem_shared>> -> memref<80x128xf32, #tpu.memory_space<vmem_shared>>
        tpu.wait_dma2 semaphore(%run_scoped3A_107 : memref<!tpu.dma_semaphore, #tpu.memory_space<semaphore_mem>>) src(%arg13 : memref<80x128xf32, #tpu.memory_space<vmem>>) dst(%dma_wait3A_113 : memref<80x128xf32, #tpu.memory_space<vmem_shared>>)
        tpu.yield
      }) : () -> ()
      %mul3A_70 = arith.constant 640 : i32
      %mul3A_71 = arith.muli %arg1, %mul3A_70 : i32
      %add3A_72 = arith.constant 160 : i32
      %add3A_73 = arith.addi %mul3A_71, %add3A_72 : i32
      "tpu.region"() ({
        %run_scoped3A_107 = tpu.sem_alloc : memref<!tpu.dma_semaphore, #tpu.memory_space<semaphore_mem>>
        %dma_start3A = arith.constant 0 : i32
        %dma_start3A_108 = tpu.memref_slice %arg14[%add3A_73, %dma_start3A] : memref<10240x128xf32, #tpu.memory_space<vmem_shared>> -> memref<80x128xf32, #tpu.memory_space<vmem_shared>>
        %dma_start3A_109 = arith.constant 0 : i32
        %dma_start3A_110 = tpu.memref_slice %arg14[%add3A_73, %dma_start3A_109] : memref<10240x128xf32, #tpu.memory_space<vmem_shared>> -> memref<80x128xf32, #tpu.memory_space<vmem_shared>>
        tpu.enqueue_dma source(%arg13 : memref<80x128xf32, #tpu.memory_space<vmem>>) target(%dma_start3A_110 : memref<80x128xf32, #tpu.memory_space<vmem_shared>>) target_semaphore(%run_scoped3A_107 : memref<!tpu.dma_semaphore, #tpu.memory_space<semaphore_mem>>)
        %dma_wait3A = arith.constant 0 : i32
        %dma_wait3A_111 = tpu.memref_slice %arg14[%add3A_73, %dma_wait3A] : memref<10240x128xf32, #tpu.memory_space<vmem_shared>> -> memref<80x128xf32, #tpu.memory_space<vmem_shared>>
        %dma_wait3A_112 = arith.constant 0 : i32
        %dma_wait3A_113 = tpu.memref_slice %arg14[%add3A_73, %dma_wait3A_112] : memref<10240x128xf32, #tpu.memory_space<vmem_shared>> -> memref<80x128xf32, #tpu.memory_space<vmem_shared>>
        tpu.wait_dma2 semaphore(%run_scoped3A_107 : memref<!tpu.dma_semaphore, #tpu.memory_space<semaphore_mem>>) src(%arg13 : memref<80x128xf32, #tpu.memory_space<vmem>>) dst(%dma_wait3A_113 : memref<80x128xf32, #tpu.memory_space<vmem_shared>>)
        tpu.yield
      }) : () -> ()
      %mul3A_74 = arith.constant 640 : i32
      %mul3A_75 = arith.muli %arg1, %mul3A_74 : i32
      %add3A_76 = arith.constant 240 : i32
      %add3A_77 = arith.addi %mul3A_75, %add3A_76 : i32
      "tpu.region"() ({
        %run_scoped3A_107 = tpu.sem_alloc : memref<!tpu.dma_semaphore, #tpu.memory_space<semaphore_mem>>
        %dma_start3A = arith.constant 0 : i32
        %dma_start3A_108 = tpu.memref_slice %arg14[%add3A_77, %dma_start3A] : memref<10240x128xf32, #tpu.memory_space<vmem_shared>> -> memref<80x128xf32, #tpu.memory_space<vmem_shared>>
        %dma_start3A_109 = arith.constant 0 : i32
        %dma_start3A_110 = tpu.memref_slice %arg14[%add3A_77, %dma_start3A_109] : memref<10240x128xf32, #tpu.memory_space<vmem_shared>> -> memref<80x128xf32, #tpu.memory_space<vmem_shared>>
        tpu.enqueue_dma source(%arg13 : memref<80x128xf32, #tpu.memory_space<vmem>>) target(%dma_start3A_110 : memref<80x128xf32, #tpu.memory_space<vmem_shared>>) target_semaphore(%run_scoped3A_107 : memref<!tpu.dma_semaphore, #tpu.memory_space<semaphore_mem>>)
        %dma_wait3A = arith.constant 0 : i32
        %dma_wait3A_111 = tpu.memref_slice %arg14[%add3A_77, %dma_wait3A] : memref<10240x128xf32, #tpu.memory_space<vmem_shared>> -> memref<80x128xf32, #tpu.memory_space<vmem_shared>>
        %dma_wait3A_112 = arith.constant 0 : i32
        %dma_wait3A_113 = tpu.memref_slice %arg14[%add3A_77, %dma_wait3A_112] : memref<10240x128xf32, #tpu.memory_space<vmem_shared>> -> memref<80x128xf32, #tpu.memory_space<vmem_shared>>
        tpu.wait_dma2 semaphore(%run_scoped3A_107 : memref<!tpu.dma_semaphore, #tpu.memory_space<semaphore_mem>>) src(%arg13 : memref<80x128xf32, #tpu.memory_space<vmem>>) dst(%dma_wait3A_113 : memref<80x128xf32, #tpu.memory_space<vmem_shared>>)
        tpu.yield
      }) : () -> ()
      %mul3A_78 = arith.constant 640 : i32
      %mul3A_79 = arith.muli %arg1, %mul3A_78 : i32
      %add3A_80 = arith.constant 320 : i32
      %add3A_81 = arith.addi %mul3A_79, %add3A_80 : i32
      "tpu.region"() ({
        %run_scoped3A_107 = tpu.sem_alloc : memref<!tpu.dma_semaphore, #tpu.memory_space<semaphore_mem>>
        %dma_start3A = arith.constant 0 : i32
        %dma_start3A_108 = tpu.memref_slice %arg14[%add3A_81, %dma_start3A] : memref<10240x128xf32, #tpu.memory_space<vmem_shared>> -> memref<80x128xf32, #tpu.memory_space<vmem_shared>>
        %dma_start3A_109 = arith.constant 0 : i32
        %dma_start3A_110 = tpu.memref_slice %arg14[%add3A_81, %dma_start3A_109] : memref<10240x128xf32, #tpu.memory_space<vmem_shared>> -> memref<80x128xf32, #tpu.memory_space<vmem_shared>>
        tpu.enqueue_dma source(%arg13 : memref<80x128xf32, #tpu.memory_space<vmem>>) target(%dma_start3A_110 : memref<80x128xf32, #tpu.memory_space<vmem_shared>>) target_semaphore(%run_scoped3A_107 : memref<!tpu.dma_semaphore, #tpu.memory_space<semaphore_mem>>)
        %dma_wait3A = arith.constant 0 : i32
        %dma_wait3A_111 = tpu.memref_slice %arg14[%add3A_81, %dma_wait3A] : memref<10240x128xf32, #tpu.memory_space<vmem_shared>> -> memref<80x128xf32, #tpu.memory_space<vmem_shared>>
        %dma_wait3A_112 = arith.constant 0 : i32
        %dma_wait3A_113 = tpu.memref_slice %arg14[%add3A_81, %dma_wait3A_112] : memref<10240x128xf32, #tpu.memory_space<vmem_shared>> -> memref<80x128xf32, #tpu.memory_space<vmem_shared>>
        tpu.wait_dma2 semaphore(%run_scoped3A_107 : memref<!tpu.dma_semaphore, #tpu.memory_space<semaphore_mem>>) src(%arg13 : memref<80x128xf32, #tpu.memory_space<vmem>>) dst(%dma_wait3A_113 : memref<80x128xf32, #tpu.memory_space<vmem_shared>>)
        tpu.yield
      }) : () -> ()
      %mul3A_82 = arith.constant 640 : i32
      %mul3A_83 = arith.muli %arg1, %mul3A_82 : i32
      %add3A_84 = arith.constant 400 : i32
      %add3A_85 = arith.addi %mul3A_83, %add3A_84 : i32
      "tpu.region"() ({
        %run_scoped3A_107 = tpu.sem_alloc : memref<!tpu.dma_semaphore, #tpu.memory_space<semaphore_mem>>
        %dma_start3A = arith.constant 0 : i32
        %dma_start3A_108 = tpu.memref_slice %arg14[%add3A_85, %dma_start3A] : memref<10240x128xf32, #tpu.memory_space<vmem_shared>> -> memref<80x128xf32, #tpu.memory_space<vmem_shared>>
        %dma_start3A_109 = arith.constant 0 : i32
        %dma_start3A_110 = tpu.memref_slice %arg14[%add3A_85, %dma_start3A_109] : memref<10240x128xf32, #tpu.memory_space<vmem_shared>> -> memref<80x128xf32, #tpu.memory_space<vmem_shared>>
        tpu.enqueue_dma source(%arg13 : memref<80x128xf32, #tpu.memory_space<vmem>>) target(%dma_start3A_110 : memref<80x128xf32, #tpu.memory_space<vmem_shared>>) target_semaphore(%run_scoped3A_107 : memref<!tpu.dma_semaphore, #tpu.memory_space<semaphore_mem>>)
        %dma_wait3A = arith.constant 0 : i32
        %dma_wait3A_111 = tpu.memref_slice %arg14[%add3A_85, %dma_wait3A] : memref<10240x128xf32, #tpu.memory_space<vmem_shared>> -> memref<80x128xf32, #tpu.memory_space<vmem_shared>>
        %dma_wait3A_112 = arith.constant 0 : i32
        %dma_wait3A_113 = tpu.memref_slice %arg14[%add3A_85, %dma_wait3A_112] : memref<10240x128xf32, #tpu.memory_space<vmem_shared>> -> memref<80x128xf32, #tpu.memory_space<vmem_shared>>
        tpu.wait_dma2 semaphore(%run_scoped3A_107 : memref<!tpu.dma_semaphore, #tpu.memory_space<semaphore_mem>>) src(%arg13 : memref<80x128xf32, #tpu.memory_space<vmem>>) dst(%dma_wait3A_113 : memref<80x128xf32, #tpu.memory_space<vmem_shared>>)
        tpu.yield
      }) : () -> ()
      %mul3A_86 = arith.constant 640 : i32
      %mul3A_87 = arith.muli %arg1, %mul3A_86 : i32
      %add3A_88 = arith.constant 480 : i32
      %add3A_89 = arith.addi %mul3A_87, %add3A_88 : i32
      "tpu.region"() ({
        %run_scoped3A_107 = tpu.sem_alloc : memref<!tpu.dma_semaphore, #tpu.memory_space<semaphore_mem>>
        %dma_start3A = arith.constant 0 : i32
        %dma_start3A_108 = tpu.memref_slice %arg14[%add3A_89, %dma_start3A] : memref<10240x128xf32, #tpu.memory_space<vmem_shared>> -> memref<80x128xf32, #tpu.memory_space<vmem_shared>>
        %dma_start3A_109 = arith.constant 0 : i32
        %dma_start3A_110 = tpu.memref_slice %arg14[%add3A_89, %dma_start3A_109] : memref<10240x128xf32, #tpu.memory_space<vmem_shared>> -> memref<80x128xf32, #tpu.memory_space<vmem_shared>>
        tpu.enqueue_dma source(%arg13 : memref<80x128xf32, #tpu.memory_space<vmem>>) target(%dma_start3A_110 : memref<80x128xf32, #tpu.memory_space<vmem_shared>>) target_semaphore(%run_scoped3A_107 : memref<!tpu.dma_semaphore, #tpu.memory_space<semaphore_mem>>)
        %dma_wait3A = arith.constant 0 : i32
        %dma_wait3A_111 = tpu.memref_slice %arg14[%add3A_89, %dma_wait3A] : memref<10240x128xf32, #tpu.memory_space<vmem_shared>> -> memref<80x128xf32, #tpu.memory_space<vmem_shared>>
        %dma_wait3A_112 = arith.constant 0 : i32
        %dma_wait3A_113 = tpu.memref_slice %arg14[%add3A_89, %dma_wait3A_112] : memref<10240x128xf32, #tpu.memory_space<vmem_shared>> -> memref<80x128xf32, #tpu.memory_space<vmem_shared>>
        tpu.wait_dma2 semaphore(%run_scoped3A_107 : memref<!tpu.dma_semaphore, #tpu.memory_space<semaphore_mem>>) src(%arg13 : memref<80x128xf32, #tpu.memory_space<vmem>>) dst(%dma_wait3A_113 : memref<80x128xf32, #tpu.memory_space<vmem_shared>>)
        tpu.yield
      }) : () -> ()
      %mul3A_90 = arith.constant 640 : i32
      %mul3A_91 = arith.muli %arg1, %mul3A_90 : i32
      %add3A_92 = arith.constant 560 : i32
      %add3A_93 = arith.addi %mul3A_91, %add3A_92 : i32
      "tpu.region"() ({
        %run_scoped3A_107 = tpu.sem_alloc : memref<!tpu.dma_semaphore, #tpu.memory_space<semaphore_mem>>
        %dma_start3A = arith.constant 0 : i32
        %dma_start3A_108 = tpu.memref_slice %arg14[%add3A_93, %dma_start3A] : memref<10240x128xf32, #tpu.memory_space<vmem_shared>> -> memref<80x128xf32, #tpu.memory_space<vmem_shared>>
        %dma_start3A_109 = arith.constant 0 : i32
        %dma_start3A_110 = tpu.memref_slice %arg14[%add3A_93, %dma_start3A_109] : memref<10240x128xf32, #tpu.memory_space<vmem_shared>> -> memref<80x128xf32, #tpu.memory_space<vmem_shared>>
        tpu.enqueue_dma source(%arg13 : memref<80x128xf32, #tpu.memory_space<vmem>>) target(%dma_start3A_110 : memref<80x128xf32, #tpu.memory_space<vmem_shared>>) target_semaphore(%run_scoped3A_107 : memref<!tpu.dma_semaphore, #tpu.memory_space<semaphore_mem>>)
        %dma_wait3A = arith.constant 0 : i32
        %dma_wait3A_111 = tpu.memref_slice %arg14[%add3A_93, %dma_wait3A] : memref<10240x128xf32, #tpu.memory_space<vmem_shared>> -> memref<80x128xf32, #tpu.memory_space<vmem_shared>>
        %dma_wait3A_112 = arith.constant 0 : i32
        %dma_wait3A_113 = tpu.memref_slice %arg14[%add3A_93, %dma_wait3A_112] : memref<10240x128xf32, #tpu.memory_space<vmem_shared>> -> memref<80x128xf32, #tpu.memory_space<vmem_shared>>
        tpu.wait_dma2 semaphore(%run_scoped3A_107 : memref<!tpu.dma_semaphore, #tpu.memory_space<semaphore_mem>>) src(%arg13 : memref<80x128xf32, #tpu.memory_space<vmem>>) dst(%dma_wait3A_113 : memref<80x128xf32, #tpu.memory_space<vmem_shared>>)
        tpu.yield
      }) : () -> ()
      %barrier3A_94 = arith.constant 0 : index
      tpu.barrier barrier_id(%barrier3A_94)
      %scan3A_95 = arith.constant 0 : i32
      %scan3A_96 = arith.constant 0 : i32
      %scan3A_97 = arith.constant 125 : i32
      %scan3A_98 = arith.addi %scan3A_96, %scan3A_97 : i32
      %scan3A_99 = arith.constant 1 : i32
      scf.for %scan3A_107 = %scan3A_96 to %scan3A_98 step %scan3A_99  : i32 {
        "tpu.region"() ({
          %run_scoped3A_108 = tpu.sem_alloc : memref<!tpu.dma_semaphore, #tpu.memory_space<semaphore_mem>>
          %dma_start3A = arith.constant 0 : i32
          %dma_start3A_109 = tpu.memref_slice %arg11[%scan3A_107, %dma_start3A] : memref<125x80xi32, #tpu.memory_space<vmem>> -> memref<1x80xi32, #tpu.memory_space<vmem>>
          %dma_start3A_110 = tpu.memref_squeeze %dma_start3A_109 : memref<1x80xi32, #tpu.memory_space<vmem>> -> memref<80xi32, #tpu.memory_space<vmem>>
          %dma_start3A_111 = arith.constant 0 : i32
          %dma_start3A_112 = arith.constant 0 : i32
          %dma_start3A_113 = tpu.memref_slice %arg4[%dma_start3A_111, %dma_start3A_112] : memref<10240x128xf32, #tpu.memory_space<hbm>> -> memref<10240x128xf32, #tpu.memory_space<hbm>>
          tpu.enqueue_indirect_dma source(%dma_start3A_113 : memref<10240x128xf32, #tpu.memory_space<hbm>>) target(%arg13 : memref<80x128xf32, #tpu.memory_space<vmem>>) offsets(%dma_start3A_110 : memref<80xi32, #tpu.memory_space<vmem>>) semaphore(%run_scoped3A_108 : memref<!tpu.dma_semaphore, #tpu.memory_space<semaphore_mem>>)
          %dma_wait3A = arith.constant 0 : i32
          %dma_wait3A_114 = tpu.memref_slice %arg11[%scan3A_107, %dma_wait3A] : memref<125x80xi32, #tpu.memory_space<vmem>> -> memref<1x80xi32, #tpu.memory_space<vmem>>
          %dma_wait3A_115 = tpu.memref_squeeze %dma_wait3A_114 : memref<1x80xi32, #tpu.memory_space<vmem>> -> memref<80xi32, #tpu.memory_space<vmem>>
          %dma_wait3A_116 = arith.constant 0 : i32
          %dma_wait3A_117 = arith.constant 0 : i32
          %dma_wait3A_118 = tpu.memref_slice %arg4[%dma_wait3A_116, %dma_wait3A_117] : memref<10240x128xf32, #tpu.memory_space<hbm>> -> memref<10240x128xf32, #tpu.memory_space<hbm>>
          tpu.wait_indirect_dma semaphore(%run_scoped3A_108 : memref<!tpu.dma_semaphore, #tpu.memory_space<semaphore_mem>>) src(%dma_wait3A_118 : memref<10240x128xf32, #tpu.memory_space<hbm>>) dst(%arg13 : memref<80x128xf32, #tpu.memory_space<vmem>>)
          tpu.yield
        }) : () -> ()
        "tpu.region"() ({
          %run_scoped3A_108 = tpu.sem_alloc : memref<!tpu.dma_semaphore, #tpu.memory_space<semaphore_mem>>
          %dma_start3A = arith.constant 0 : i32
          %dma_start3A_109 = tpu.memref_slice %arg12[%scan3A_107, %dma_start3A] : memref<125x80xi32, #tpu.memory_space<vmem>> -> memref<1x80xi32, #tpu.memory_space<vmem>>
          %dma_start3A_110 = tpu.memref_squeeze %dma_start3A_109 : memref<1x80xi32, #tpu.memory_space<vmem>> -> memref<80xi32, #tpu.memory_space<vmem>>
          %dma_start3A_111 = arith.constant 0 : i32
          %dma_start3A_112 = arith.constant 0 : i32
          %dma_start3A_113 = tpu.memref_slice %arg14[%dma_start3A_111, %dma_start3A_112] : memref<10240x128xf32, #tpu.memory_space<vmem_shared>> -> memref<10240x128xf32, #tpu.memory_space<vmem_shared>>
          tpu.enqueue_indirect_dma source(%arg13 : memref<80x128xf32, #tpu.memory_space<vmem>>) target(%dma_start3A_113 : memref<10240x128xf32, #tpu.memory_space<vmem_shared>>) offsets(%dma_start3A_110 : memref<80xi32, #tpu.memory_space<vmem>>) semaphore(%run_scoped3A_108 : memref<!tpu.dma_semaphore, #tpu.memory_space<semaphore_mem>>) {add = true}
          %dma_wait3A = arith.constant 0 : i32
          %dma_wait3A_114 = tpu.memref_slice %arg12[%scan3A_107, %dma_wait3A] : memref<125x80xi32, #tpu.memory_space<vmem>> -> memref<1x80xi32, #tpu.memory_space<vmem>>
          %dma_wait3A_115 = tpu.memref_squeeze %dma_wait3A_114 : memref<1x80xi32, #tpu.memory_space<vmem>> -> memref<80xi32, #tpu.memory_space<vmem>>
          %dma_wait3A_116 = arith.constant 0 : i32
          %dma_wait3A_117 = arith.constant 0 : i32
          %dma_wait3A_118 = tpu.memref_slice %arg14[%dma_wait3A_116, %dma_wait3A_117] : memref<10240x128xf32, #tpu.memory_space<vmem_shared>> -> memref<10240x128xf32, #tpu.memory_space<vmem_shared>>
          tpu.wait_indirect_dma semaphore(%run_scoped3A_108 : memref<!tpu.dma_semaphore, #tpu.memory_space<semaphore_mem>>) src(%arg13 : memref<80x128xf32, #tpu.memory_space<vmem>>) dst(%dma_wait3A_118 : memref<10240x128xf32, #tpu.memory_space<vmem_shared>>)
          tpu.yield
        }) : () -> ()
      }
      %scan3A_100 = arith.constant 125 : i32
      %barrier3A_101 = arith.constant 0 : index
      tpu.barrier barrier_id(%barrier3A_101)
      %mul3A_102 = arith.constant 640 : i32
      %mul3A_103 = arith.muli %arg1, %mul3A_102 : i32
      %mul3A_104 = arith.constant 640 : i32
      %mul3A_105 = arith.muli %arg1, %mul3A_104 : i32
      "tpu.region"() ({
        %run_scoped3A_107 = tpu.sem_alloc : memref<!tpu.dma_semaphore, #tpu.memory_space<semaphore_mem>>
        %dma_start3A = arith.constant 0 : i32
        %dma_start3A_108 = tpu.memref_slice %arg9[%mul3A_105, %dma_start3A] : memref<10240x128xf32, #tpu.memory_space<hbm>> -> memref<640x128xf32, #tpu.memory_space<hbm>>
        %dma_start3A_109 = arith.constant 0 : i32
        %dma_start3A_110 = tpu.memref_slice %arg14[%mul3A_103, %dma_start3A_109] : memref<10240x128xf32, #tpu.memory_space<vmem_shared>> -> memref<640x128xf32, #tpu.memory_space<vmem_shared>>
        tpu.enqueue_dma source(%dma_start3A_110 : memref<640x128xf32, #tpu.memory_space<vmem_shared>>) target(%dma_start3A_108 : memref<640x128xf32, #tpu.memory_space<hbm>>) target_semaphore(%run_scoped3A_107 : memref<!tpu.dma_semaphore, #tpu.memory_space<semaphore_mem>>)
        %dma_wait3A = arith.constant 0 : i32
        %dma_wait3A_111 = tpu.memref_slice %arg9[%mul3A_105, %dma_wait3A] : memref<10240x128xf32, #tpu.memory_space<hbm>> -> memref<640x128xf32, #tpu.memory_space<hbm>>
        %dma_wait3A_112 = arith.constant 0 : i32
        %dma_wait3A_113 = tpu.memref_slice %arg14[%mul3A_103, %dma_wait3A_112] : memref<10240x128xf32, #tpu.memory_space<vmem_shared>> -> memref<640x128xf32, #tpu.memory_space<vmem_shared>>
        tpu.wait_dma2 semaphore(%run_scoped3A_107 : memref<!tpu.dma_semaphore, #tpu.memory_space<semaphore_mem>>) src(%dma_wait3A_113 : memref<640x128xf32, #tpu.memory_space<vmem_shared>>) dst(%dma_wait3A_111 : memref<640x128xf32, #tpu.memory_space<hbm>>)
        tpu.yield
      }) : () -> ()
      %barrier3A_106 = arith.constant 0 : index
      tpu.barrier barrier_id(%barrier3A_106)
    } else {
    }
    %eq3A_3 = arith.constant 1 : i32
    %eq3A_4 = arith.cmpi eq, %arg0, %eq3A_3 : i32
    %convert_element_type3A_5 = arith.extui %eq3A_4 : i1 to i32
    %cond3A_6 = arith.constant 0 : i32
    %cond3A_7 = arith.cmpi ne, %convert_element_type3A_5, %cond3A_6 : i32
    scf.if %cond3A_7 {
      %run_scoped3A = arith.constant 0 : i32
      "tpu.region"() ({
        %run_scoped3A_107 = tpu.sem_alloc : memref<!tpu.dma_semaphore, #tpu.memory_space<semaphore_mem>>
        %dma_start3A = arith.constant 0 : i32
        %dma_start3A_108 = arith.constant 0 : i32
        %dma_start3A_109 = tpu.memref_slice %arg6[%run_scoped3A, %arg1, %dma_start3A, %dma_start3A_108] : memref<2x16x125x80xi32, #tpu.memory_space<hbm>> -> memref<1x1x125x80xi32, #tpu.memory_space<hbm>>
        %dma_start3A_110 = tpu.memref_squeeze %dma_start3A_109 : memref<1x1x125x80xi32, #tpu.memory_space<hbm>> -> memref<125x80xi32, #tpu.memory_space<hbm>>
        %dma_start3A_111 = arith.constant 0 : i32
        %dma_start3A_112 = arith.constant 0 : i32
        %dma_start3A_113 = tpu.memref_slice %arg6[%run_scoped3A, %arg1, %dma_start3A_111, %dma_start3A_112] : memref<2x16x125x80xi32, #tpu.memory_space<hbm>> -> memref<1x1x125x80xi32, #tpu.memory_space<hbm>>
        %dma_start3A_114 = tpu.memref_squeeze %dma_start3A_113 : memref<1x1x125x80xi32, #tpu.memory_space<hbm>> -> memref<125x80xi32, #tpu.memory_space<hbm>>
        tpu.enqueue_dma source(%dma_start3A_114 : memref<125x80xi32, #tpu.memory_space<hbm>>) target(%arg11 : memref<125x80xi32, #tpu.memory_space<vmem>>) target_semaphore(%run_scoped3A_107 : memref<!tpu.dma_semaphore, #tpu.memory_space<semaphore_mem>>)
        %dma_wait3A = arith.constant 0 : i32
        %dma_wait3A_115 = arith.constant 0 : i32
        %dma_wait3A_116 = tpu.memref_slice %arg6[%run_scoped3A, %arg1, %dma_wait3A, %dma_wait3A_115] : memref<2x16x125x80xi32, #tpu.memory_space<hbm>> -> memref<1x1x125x80xi32, #tpu.memory_space<hbm>>
        %dma_wait3A_117 = tpu.memref_squeeze %dma_wait3A_116 : memref<1x1x125x80xi32, #tpu.memory_space<hbm>> -> memref<125x80xi32, #tpu.memory_space<hbm>>
        %dma_wait3A_118 = arith.constant 0 : i32
        %dma_wait3A_119 = arith.constant 0 : i32
        %dma_wait3A_120 = tpu.memref_slice %arg6[%run_scoped3A, %arg1, %dma_wait3A_118, %dma_wait3A_119] : memref<2x16x125x80xi32, #tpu.memory_space<hbm>> -> memref<1x1x125x80xi32, #tpu.memory_space<hbm>>
        %dma_wait3A_121 = tpu.memref_squeeze %dma_wait3A_120 : memref<1x1x125x80xi32, #tpu.memory_space<hbm>> -> memref<125x80xi32, #tpu.memory_space<hbm>>
        tpu.wait_dma2 semaphore(%run_scoped3A_107 : memref<!tpu.dma_semaphore, #tpu.memory_space<semaphore_mem>>) src(%dma_wait3A_121 : memref<125x80xi32, #tpu.memory_space<hbm>>) dst(%arg11 : memref<125x80xi32, #tpu.memory_space<vmem>>)
        tpu.yield
      }) : () -> ()
      %run_scoped3A_8 = arith.constant 1 : i32
      "tpu.region"() ({
        %run_scoped3A_107 = tpu.sem_alloc : memref<!tpu.dma_semaphore, #tpu.memory_space<semaphore_mem>>
        %dma_start3A = arith.constant 0 : i32
        %dma_start3A_108 = arith.constant 0 : i32
        %dma_start3A_109 = tpu.memref_slice %arg6[%run_scoped3A_8, %arg1, %dma_start3A, %dma_start3A_108] : memref<2x16x125x80xi32, #tpu.memory_space<hbm>> -> memref<1x1x125x80xi32, #tpu.memory_space<hbm>>
        %dma_start3A_110 = tpu.memref_squeeze %dma_start3A_109 : memref<1x1x125x80xi32, #tpu.memory_space<hbm>> -> memref<125x80xi32, #tpu.memory_space<hbm>>
        %dma_start3A_111 = arith.constant 0 : i32
        %dma_start3A_112 = arith.constant 0 : i32
        %dma_start3A_113 = tpu.memref_slice %arg6[%run_scoped3A_8, %arg1, %dma_start3A_111, %dma_start3A_112] : memref<2x16x125x80xi32, #tpu.memory_space<hbm>> -> memref<1x1x125x80xi32, #tpu.memory_space<hbm>>
        %dma_start3A_114 = tpu.memref_squeeze %dma_start3A_113 : memref<1x1x125x80xi32, #tpu.memory_space<hbm>> -> memref<125x80xi32, #tpu.memory_space<hbm>>
        tpu.enqueue_dma source(%dma_start3A_114 : memref<125x80xi32, #tpu.memory_space<hbm>>) target(%arg12 : memref<125x80xi32, #tpu.memory_space<vmem>>) target_semaphore(%run_scoped3A_107 : memref<!tpu.dma_semaphore, #tpu.memory_space<semaphore_mem>>)
        %dma_wait3A = arith.constant 0 : i32
        %dma_wait3A_115 = arith.constant 0 : i32
        %dma_wait3A_116 = tpu.memref_slice %arg6[%run_scoped3A_8, %arg1, %dma_wait3A, %dma_wait3A_115] : memref<2x16x125x80xi32, #tpu.memory_space<hbm>> -> memref<1x1x125x80xi32, #tpu.memory_space<hbm>>
        %dma_wait3A_117 = tpu.memref_squeeze %dma_wait3A_116 : memref<1x1x125x80xi32, #tpu.memory_space<hbm>> -> memref<125x80xi32, #tpu.memory_space<hbm>>
        %dma_wait3A_118 = arith.constant 0 : i32
        %dma_wait3A_119 = arith.constant 0 : i32
        %dma_wait3A_120 = tpu.memref_slice %arg6[%run_scoped3A_8, %arg1, %dma_wait3A_118, %dma_wait3A_119] : memref<2x16x125x80xi32, #tpu.memory_space<hbm>> -> memref<1x1x125x80xi32, #tpu.memory_space<hbm>>
        %dma_wait3A_121 = tpu.memref_squeeze %dma_wait3A_120 : memref<1x1x125x80xi32, #tpu.memory_space<hbm>> -> memref<125x80xi32, #tpu.memory_space<hbm>>
        tpu.wait_dma2 semaphore(%run_scoped3A_107 : memref<!tpu.dma_semaphore, #tpu.memory_space<semaphore_mem>>) src(%dma_wait3A_121 : memref<125x80xi32, #tpu.memory_space<hbm>>) dst(%arg12 : memref<125x80xi32, #tpu.memory_space<vmem>>)
        tpu.yield
      }) : () -> ()
      %scan3A = arith.constant 0 : i32
      %scan3A_9 = arith.constant 0 : i32
      %scan3A_10 = arith.constant 640 : i32
      %scan3A_11 = arith.addi %scan3A_9, %scan3A_10 : i32
      %scan3A_12 = arith.constant 1 : i32
      scf.for %scan3A_107 = %scan3A_9 to %scan3A_11 step %scan3A_12  : i32 {
        %jit3A = arith.constant 8 : i32
        %div3A = arith.divsi %scan3A_107, %jit3A : i32
        %sign3A = arith.constant 0 : i32
        %sign3A_108 = arith.cmpi sgt, %scan3A_107, %sign3A : i32
        %sign3A_109 = arith.extui %sign3A_108 : i1 to i32
        %sign3A_110 = arith.constant 0 : i32
        %sign3A_111 = arith.cmpi slt, %scan3A_107, %sign3A_110 : i32
        %sign3A_112 = arith.extui %sign3A_111 : i1 to i32
        %sign3A_113 = arith.subi %sign3A_109, %sign3A_112 : i32
        %sign3A_114 = arith.constant 0 : i32
        %sign3A_115 = arith.cmpi sgt, %jit3A, %sign3A_114 : i32
        %sign3A_116 = arith.extui %sign3A_115 : i1 to i32
        %sign3A_117 = arith.constant 0 : i32
        %sign3A_118 = arith.cmpi slt, %jit3A, %sign3A_117 : i32
        %sign3A_119 = arith.extui %sign3A_118 : i1 to i32
        %sign3A_120 = arith.subi %sign3A_116, %sign3A_119 : i32
        %ne3A = arith.cmpi ne, %sign3A_113, %sign3A_120 : i32
        %rem3A = arith.remsi %scan3A_107, %jit3A : i32
        %ne3A_121 = arith.constant 0 : i32
        %ne3A_122 = arith.cmpi ne, %rem3A, %ne3A_121 : i32
        %and3A = arith.andi %ne3A, %ne3A_122 : i1
        %sub3A = arith.constant 1 : i32
        %sub3A_123 = arith.subi %div3A, %sub3A : i32
        %select_n3A = arith.select %and3A, %sub3A_123, %div3A : i32
        %jit3A_124 = arith.constant 8 : i32
        %eq3A_125 = arith.constant 0 : i32
        %eq3A_126 = arith.cmpi eq, %jit3A_124, %eq3A_125 : i32
        %jit3A_127 = arith.constant 1 : i32
        %select_n3A_128 = arith.select %eq3A_126, %jit3A_127, %jit3A_124 : i32
        %rem3A_129 = arith.remsi %scan3A_107, %select_n3A_128 : i32
        %ne3A_130 = arith.constant 0 : i32
        %ne3A_131 = arith.cmpi ne, %rem3A_129, %ne3A_130 : i32
        %lt3A = arith.constant 0 : i32
        %lt3A_132 = arith.cmpi slt, %rem3A_129, %lt3A : i32
        %lt3A_133 = arith.constant 0 : i32
        %lt3A_134 = arith.cmpi slt, %select_n3A_128, %lt3A_133 : i32
        %ne3A_135 = arith.xori %lt3A_132, %lt3A_134 : i1
        %and3A_136 = arith.andi %ne3A_135, %ne3A_131 : i1
        %add3A_137 = arith.addi %rem3A_129, %select_n3A_128 : i32
        %select_n3A_138 = arith.select %and3A_136, %add3A_137, %rem3A_129 : i32
        %mul3A_139 = arith.constant 16 : i32
        %mul3A_140 = arith.muli %select_n3A_138, %mul3A_139 : i32
        %swap3A = arith.index_cast %select_n3A : i32 to index
        %swap3A_141 = arith.index_cast %mul3A_140 : i32 to index
        %swap3A_142 = tpu.vector_load %arg13[%swap3A, %swap3A_141] {strides = array<i32>} : memref<80x128xf32, #tpu.memory_space<vmem>>, vector<1x16xf32>,
        %swap3A_143 = vector.shape_cast %swap3A_142 : vector<1x16xf32> to vector<16xf32>
        %swap3A_144 = vector.shape_cast %broadcast_in_dim3A_0 : vector<16xf32> to vector<1x16xf32>
        tpu.vector_store %arg13[%swap3A, %swap3A_141], %swap3A_144 {strides = array<i32>} : memref<80x128xf32, #tpu.memory_space<vmem>>, vector<1x16xf32>,
      }
      %scan3A_13 = arith.constant 640 : i32
      %mul3A = arith.constant 640 : i32
      %mul3A_14 = arith.muli %arg1, %mul3A : i32
      %add3A = arith.constant 0 : i32
      %add3A_15 = arith.addi %mul3A_14, %add3A : i32
      "tpu.region"() ({
        %run_scoped3A_107 = tpu.sem_alloc : memref<!tpu.dma_semaphore, #tpu.memory_space<semaphore_mem>>
        %dma_start3A = arith.constant 0 : i32
        %dma_start3A_108 = tpu.memref_slice %arg14[%add3A_15, %dma_start3A] : memref<10240x128xf32, #tpu.memory_space<vmem_shared>> -> memref<80x128xf32, #tpu.memory_space<vmem_shared>>
        %dma_start3A_109 = arith.constant 0 : i32
        %dma_start3A_110 = tpu.memref_slice %arg14[%add3A_15, %dma_start3A_109] : memref<10240x128xf32, #tpu.memory_space<vmem_shared>> -> memref<80x128xf32, #tpu.memory_space<vmem_shared>>
        tpu.enqueue_dma source(%arg13 : memref<80x128xf32, #tpu.memory_space<vmem>>) target(%dma_start3A_110 : memref<80x128xf32, #tpu.memory_space<vmem_shared>>) target_semaphore(%run_scoped3A_107 : memref<!tpu.dma_semaphore, #tpu.memory_space<semaphore_mem>>)
        %dma_wait3A = arith.constant 0 : i32
        %dma_wait3A_111 = tpu.memref_slice %arg14[%add3A_15, %dma_wait3A] : memref<10240x128xf32, #tpu.memory_space<vmem_shared>> -> memref<80x128xf32, #tpu.memory_space<vmem_shared>>
        %dma_wait3A_112 = arith.constant 0 : i32
        %dma_wait3A_113 = tpu.memref_slice %arg14[%add3A_15, %dma_wait3A_112] : memref<10240x128xf32, #tpu.memory_space<vmem_shared>> -> memref<80x128xf32, #tpu.memory_space<vmem_shared>>
        tpu.wait_dma2 semaphore(%run_scoped3A_107 : memref<!tpu.dma_semaphore, #tpu.memory_space<semaphore_mem>>) src(%arg13 : memref<80x128xf32, #tpu.memory_space<vmem>>) dst(%dma_wait3A_113 : memref<80x128xf32, #tpu.memory_space<vmem_shared>>)
        tpu.yield
      }) : () -> ()
      %mul3A_16 = arith.constant 640 : i32
      %mul3A_17 = arith.muli %arg1, %mul3A_16 : i32
      %add3A_18 = arith.constant 80 : i32
      %add3A_19 = arith.addi %mul3A_17, %add3A_18 : i32
      "tpu.region"() ({
        %run_scoped3A_107 = tpu.sem_alloc : memref<!tpu.dma_semaphore, #tpu.memory_space<semaphore_mem>>
        %dma_start3A = arith.constant 0 : i32
        %dma_start3A_108 = tpu.memref_slice %arg14[%add3A_19, %dma_start3A] : memref<10240x128xf32, #tpu.memory_space<vmem_shared>> -> memref<80x128xf32, #tpu.memory_space<vmem_shared>>
        %dma_start3A_109 = arith.constant 0 : i32
        %dma_start3A_110 = tpu.memref_slice %arg14[%add3A_19, %dma_start3A_109] : memref<10240x128xf32, #tpu.memory_space<vmem_shared>> -> memref<80x128xf32, #tpu.memory_space<vmem_shared>>
        tpu.enqueue_dma source(%arg13 : memref<80x128xf32, #tpu.memory_space<vmem>>) target(%dma_start3A_110 : memref<80x128xf32, #tpu.memory_space<vmem_shared>>) target_semaphore(%run_scoped3A_107 : memref<!tpu.dma_semaphore, #tpu.memory_space<semaphore_mem>>)
        %dma_wait3A = arith.constant 0 : i32
        %dma_wait3A_111 = tpu.memref_slice %arg14[%add3A_19, %dma_wait3A] : memref<10240x128xf32, #tpu.memory_space<vmem_shared>> -> memref<80x128xf32, #tpu.memory_space<vmem_shared>>
        %dma_wait3A_112 = arith.constant 0 : i32
        %dma_wait3A_113 = tpu.memref_slice %arg14[%add3A_19, %dma_wait3A_112] : memref<10240x128xf32, #tpu.memory_space<vmem_shared>> -> memref<80x128xf32, #tpu.memory_space<vmem_shared>>
        tpu.wait_dma2 semaphore(%run_scoped3A_107 : memref<!tpu.dma_semaphore, #tpu.memory_space<semaphore_mem>>) src(%arg13 : memref<80x128xf32, #tpu.memory_space<vmem>>) dst(%dma_wait3A_113 : memref<80x128xf32, #tpu.memory_space<vmem_shared>>)
        tpu.yield
      }) : () -> ()
      %mul3A_20 = arith.constant 640 : i32
      %mul3A_21 = arith.muli %arg1, %mul3A_20 : i32
      %add3A_22 = arith.constant 160 : i32
      %add3A_23 = arith.addi %mul3A_21, %add3A_22 : i32
      "tpu.region"() ({
        %run_scoped3A_107 = tpu.sem_alloc : memref<!tpu.dma_semaphore, #tpu.memory_space<semaphore_mem>>
        %dma_start3A = arith.constant 0 : i32
        %dma_start3A_108 = tpu.memref_slice %arg14[%add3A_23, %dma_start3A] : memref<10240x128xf32, #tpu.memory_space<vmem_shared>> -> memref<80x128xf32, #tpu.memory_space<vmem_shared>>
        %dma_start3A_109 = arith.constant 0 : i32
        %dma_start3A_110 = tpu.memref_slice %arg14[%add3A_23, %dma_start3A_109] : memref<10240x128xf32, #tpu.memory_space<vmem_shared>> -> memref<80x128xf32, #tpu.memory_space<vmem_shared>>
        tpu.enqueue_dma source(%arg13 : memref<80x128xf32, #tpu.memory_space<vmem>>) target(%dma_start3A_110 : memref<80x128xf32, #tpu.memory_space<vmem_shared>>) target_semaphore(%run_scoped3A_107 : memref<!tpu.dma_semaphore, #tpu.memory_space<semaphore_mem>>)
        %dma_wait3A = arith.constant 0 : i32
        %dma_wait3A_111 = tpu.memref_slice %arg14[%add3A_23, %dma_wait3A] : memref<10240x128xf32, #tpu.memory_space<vmem_shared>> -> memref<80x128xf32, #tpu.memory_space<vmem_shared>>
        %dma_wait3A_112 = arith.constant 0 : i32
        %dma_wait3A_113 = tpu.memref_slice %arg14[%add3A_23, %dma_wait3A_112] : memref<10240x128xf32, #tpu.memory_space<vmem_shared>> -> memref<80x128xf32, #tpu.memory_space<vmem_shared>>
        tpu.wait_dma2 semaphore(%run_scoped3A_107 : memref<!tpu.dma_semaphore, #tpu.memory_space<semaphore_mem>>) src(%arg13 : memref<80x128xf32, #tpu.memory_space<vmem>>) dst(%dma_wait3A_113 : memref<80x128xf32, #tpu.memory_space<vmem_shared>>)
        tpu.yield
      }) : () -> ()
      %mul3A_24 = arith.constant 640 : i32
      %mul3A_25 = arith.muli %arg1, %mul3A_24 : i32
      %add3A_26 = arith.constant 240 : i32
      %add3A_27 = arith.addi %mul3A_25, %add3A_26 : i32
      "tpu.region"() ({
        %run_scoped3A_107 = tpu.sem_alloc : memref<!tpu.dma_semaphore, #tpu.memory_space<semaphore_mem>>
        %dma_start3A = arith.constant 0 : i32
        %dma_start3A_108 = tpu.memref_slice %arg14[%add3A_27, %dma_start3A] : memref<10240x128xf32, #tpu.memory_space<vmem_shared>> -> memref<80x128xf32, #tpu.memory_space<vmem_shared>>
        %dma_start3A_109 = arith.constant 0 : i32
        %dma_start3A_110 = tpu.memref_slice %arg14[%add3A_27, %dma_start3A_109] : memref<10240x128xf32, #tpu.memory_space<vmem_shared>> -> memref<80x128xf32, #tpu.memory_space<vmem_shared>>
        tpu.enqueue_dma source(%arg13 : memref<80x128xf32, #tpu.memory_space<vmem>>) target(%dma_start3A_110 : memref<80x128xf32, #tpu.memory_space<vmem_shared>>) target_semaphore(%run_scoped3A_107 : memref<!tpu.dma_semaphore, #tpu.memory_space<semaphore_mem>>)
        %dma_wait3A = arith.constant 0 : i32
        %dma_wait3A_111 = tpu.memref_slice %arg14[%add3A_27, %dma_wait3A] : memref<10240x128xf32, #tpu.memory_space<vmem_shared>> -> memref<80x128xf32, #tpu.memory_space<vmem_shared>>
        %dma_wait3A_112 = arith.constant 0 : i32
        %dma_wait3A_113 = tpu.memref_slice %arg14[%add3A_27, %dma_wait3A_112] : memref<10240x128xf32, #tpu.memory_space<vmem_shared>> -> memref<80x128xf32, #tpu.memory_space<vmem_shared>>
        tpu.wait_dma2 semaphore(%run_scoped3A_107 : memref<!tpu.dma_semaphore, #tpu.memory_space<semaphore_mem>>) src(%arg13 : memref<80x128xf32, #tpu.memory_space<vmem>>) dst(%dma_wait3A_113 : memref<80x128xf32, #tpu.memory_space<vmem_shared>>)
        tpu.yield
      }) : () -> ()
      %mul3A_28 = arith.constant 640 : i32
      %mul3A_29 = arith.muli %arg1, %mul3A_28 : i32
      %add3A_30 = arith.constant 320 : i32
      %add3A_31 = arith.addi %mul3A_29, %add3A_30 : i32
      "tpu.region"() ({
        %run_scoped3A_107 = tpu.sem_alloc : memref<!tpu.dma_semaphore, #tpu.memory_space<semaphore_mem>>
        %dma_start3A = arith.constant 0 : i32
        %dma_start3A_108 = tpu.memref_slice %arg14[%add3A_31, %dma_start3A] : memref<10240x128xf32, #tpu.memory_space<vmem_shared>> -> memref<80x128xf32, #tpu.memory_space<vmem_shared>>
        %dma_start3A_109 = arith.constant 0 : i32
        %dma_start3A_110 = tpu.memref_slice %arg14[%add3A_31, %dma_start3A_109] : memref<10240x128xf32, #tpu.memory_space<vmem_shared>> -> memref<80x128xf32, #tpu.memory_space<vmem_shared>>
        tpu.enqueue_dma source(%arg13 : memref<80x128xf32, #tpu.memory_space<vmem>>) target(%dma_start3A_110 : memref<80x128xf32, #tpu.memory_space<vmem_shared>>) target_semaphore(%run_scoped3A_107 : memref<!tpu.dma_semaphore, #tpu.memory_space<semaphore_mem>>)
        %dma_wait3A = arith.constant 0 : i32
        %dma_wait3A_111 = tpu.memref_slice %arg14[%add3A_31, %dma_wait3A] : memref<10240x128xf32, #tpu.memory_space<vmem_shared>> -> memref<80x128xf32, #tpu.memory_space<vmem_shared>>
        %dma_wait3A_112 = arith.constant 0 : i32
        %dma_wait3A_113 = tpu.memref_slice %arg14[%add3A_31, %dma_wait3A_112] : memref<10240x128xf32, #tpu.memory_space<vmem_shared>> -> memref<80x128xf32, #tpu.memory_space<vmem_shared>>
        tpu.wait_dma2 semaphore(%run_scoped3A_107 : memref<!tpu.dma_semaphore, #tpu.memory_space<semaphore_mem>>) src(%arg13 : memref<80x128xf32, #tpu.memory_space<vmem>>) dst(%dma_wait3A_113 : memref<80x128xf32, #tpu.memory_space<vmem_shared>>)
        tpu.yield
      }) : () -> ()
      %mul3A_32 = arith.constant 640 : i32
      %mul3A_33 = arith.muli %arg1, %mul3A_32 : i32
      %add3A_34 = arith.constant 400 : i32
      %add3A_35 = arith.addi %mul3A_33, %add3A_34 : i32
      "tpu.region"() ({
        %run_scoped3A_107 = tpu.sem_alloc : memref<!tpu.dma_semaphore, #tpu.memory_space<semaphore_mem>>
        %dma_start3A = arith.constant 0 : i32
        %dma_start3A_108 = tpu.memref_slice %arg14[%add3A_35, %dma_start3A] : memref<10240x128xf32, #tpu.memory_space<vmem_shared>> -> memref<80x128xf32, #tpu.memory_space<vmem_shared>>
        %dma_start3A_109 = arith.constant 0 : i32
        %dma_start3A_110 = tpu.memref_slice %arg14[%add3A_35, %dma_start3A_109] : memref<10240x128xf32, #tpu.memory_space<vmem_shared>> -> memref<80x128xf32, #tpu.memory_space<vmem_shared>>
        tpu.enqueue_dma source(%arg13 : memref<80x128xf32, #tpu.memory_space<vmem>>) target(%dma_start3A_110 : memref<80x128xf32, #tpu.memory_space<vmem_shared>>) target_semaphore(%run_scoped3A_107 : memref<!tpu.dma_semaphore, #tpu.memory_space<semaphore_mem>>)
        %dma_wait3A = arith.constant 0 : i32
        %dma_wait3A_111 = tpu.memref_slice %arg14[%add3A_35, %dma_wait3A] : memref<10240x128xf32, #tpu.memory_space<vmem_shared>> -> memref<80x128xf32, #tpu.memory_space<vmem_shared>>
        %dma_wait3A_112 = arith.constant 0 : i32
        %dma_wait3A_113 = tpu.memref_slice %arg14[%add3A_35, %dma_wait3A_112] : memref<10240x128xf32, #tpu.memory_space<vmem_shared>> -> memref<80x128xf32, #tpu.memory_space<vmem_shared>>
        tpu.wait_dma2 semaphore(%run_scoped3A_107 : memref<!tpu.dma_semaphore, #tpu.memory_space<semaphore_mem>>) src(%arg13 : memref<80x128xf32, #tpu.memory_space<vmem>>) dst(%dma_wait3A_113 : memref<80x128xf32, #tpu.memory_space<vmem_shared>>)
        tpu.yield
      }) : () -> ()
      %mul3A_36 = arith.constant 640 : i32
      %mul3A_37 = arith.muli %arg1, %mul3A_36 : i32
      %add3A_38 = arith.constant 480 : i32
      %add3A_39 = arith.addi %mul3A_37, %add3A_38 : i32
      "tpu.region"() ({
        %run_scoped3A_107 = tpu.sem_alloc : memref<!tpu.dma_semaphore, #tpu.memory_space<semaphore_mem>>
        %dma_start3A = arith.constant 0 : i32
        %dma_start3A_108 = tpu.memref_slice %arg14[%add3A_39, %dma_start3A] : memref<10240x128xf32, #tpu.memory_space<vmem_shared>> -> memref<80x128xf32, #tpu.memory_space<vmem_shared>>
        %dma_start3A_109 = arith.constant 0 : i32
        %dma_start3A_110 = tpu.memref_slice %arg14[%add3A_39, %dma_start3A_109] : memref<10240x128xf32, #tpu.memory_space<vmem_shared>> -> memref<80x128xf32, #tpu.memory_space<vmem_shared>>
        tpu.enqueue_dma source(%arg13 : memref<80x128xf32, #tpu.memory_space<vmem>>) target(%dma_start3A_110 : memref<80x128xf32, #tpu.memory_space<vmem_shared>>) target_semaphore(%run_scoped3A_107 : memref<!tpu.dma_semaphore, #tpu.memory_space<semaphore_mem>>)
        %dma_wait3A = arith.constant 0 : i32
        %dma_wait3A_111 = tpu.memref_slice %arg14[%add3A_39, %dma_wait3A] : memref<10240x128xf32, #tpu.memory_space<vmem_shared>> -> memref<80x128xf32, #tpu.memory_space<vmem_shared>>
        %dma_wait3A_112 = arith.constant 0 : i32
        %dma_wait3A_113 = tpu.memref_slice %arg14[%add3A_39, %dma_wait3A_112] : memref<10240x128xf32, #tpu.memory_space<vmem_shared>> -> memref<80x128xf32, #tpu.memory_space<vmem_shared>>
        tpu.wait_dma2 semaphore(%run_scoped3A_107 : memref<!tpu.dma_semaphore, #tpu.memory_space<semaphore_mem>>) src(%arg13 : memref<80x128xf32, #tpu.memory_space<vmem>>) dst(%dma_wait3A_113 : memref<80x128xf32, #tpu.memory_space<vmem_shared>>)
        tpu.yield
      }) : () -> ()
      %mul3A_40 = arith.constant 640 : i32
      %mul3A_41 = arith.muli %arg1, %mul3A_40 : i32
      %add3A_42 = arith.constant 560 : i32
      %add3A_43 = arith.addi %mul3A_41, %add3A_42 : i32
      "tpu.region"() ({
        %run_scoped3A_107 = tpu.sem_alloc : memref<!tpu.dma_semaphore, #tpu.memory_space<semaphore_mem>>
        %dma_start3A = arith.constant 0 : i32
        %dma_start3A_108 = tpu.memref_slice %arg14[%add3A_43, %dma_start3A] : memref<10240x128xf32, #tpu.memory_space<vmem_shared>> -> memref<80x128xf32, #tpu.memory_space<vmem_shared>>
        %dma_start3A_109 = arith.constant 0 : i32
        %dma_start3A_110 = tpu.memref_slice %arg14[%add3A_43, %dma_start3A_109] : memref<10240x128xf32, #tpu.memory_space<vmem_shared>> -> memref<80x128xf32, #tpu.memory_space<vmem_shared>>
        tpu.enqueue_dma source(%arg13 : memref<80x128xf32, #tpu.memory_space<vmem>>) target(%dma_start3A_110 : memref<80x128xf32, #tpu.memory_space<vmem_shared>>) target_semaphore(%run_scoped3A_107 : memref<!tpu.dma_semaphore, #tpu.memory_space<semaphore_mem>>)
        %dma_wait3A = arith.constant 0 : i32
        %dma_wait3A_111 = tpu.memref_slice %arg14[%add3A_43, %dma_wait3A] : memref<10240x128xf32, #tpu.memory_space<vmem_shared>> -> memref<80x128xf32, #tpu.memory_space<vmem_shared>>
        %dma_wait3A_112 = arith.constant 0 : i32
        %dma_wait3A_113 = tpu.memref_slice %arg14[%add3A_43, %dma_wait3A_112] : memref<10240x128xf32, #tpu.memory_space<vmem_shared>> -> memref<80x128xf32, #tpu.memory_space<vmem_shared>>
        tpu.wait_dma2 semaphore(%run_scoped3A_107 : memref<!tpu.dma_semaphore, #tpu.memory_space<semaphore_mem>>) src(%arg13 : memref<80x128xf32, #tpu.memory_space<vmem>>) dst(%dma_wait3A_113 : memref<80x128xf32, #tpu.memory_space<vmem_shared>>)
        tpu.yield
      }) : () -> ()
      %barrier3A = arith.constant 0 : index
      tpu.barrier barrier_id(%barrier3A)
      %scan3A_44 = arith.constant 0 : i32
      %scan3A_45 = arith.constant 0 : i32
      %scan3A_46 = arith.constant 125 : i32
      %scan3A_47 = arith.addi %scan3A_45, %scan3A_46 : i32
      %scan3A_48 = arith.constant 1 : i32
      scf.for %scan3A_107 = %scan3A_45 to %scan3A_47 step %scan3A_48  : i32 {
        "tpu.region"() ({
          %run_scoped3A_108 = tpu.sem_alloc : memref<!tpu.dma_semaphore, #tpu.memory_space<semaphore_mem>>
          %dma_start3A = arith.constant 0 : i32
          %dma_start3A_109 = tpu.memref_slice %arg11[%scan3A_107, %dma_start3A] : memref<125x80xi32, #tpu.memory_space<vmem>> -> memref<1x80xi32, #tpu.memory_space<vmem>>
          %dma_start3A_110 = tpu.memref_squeeze %dma_start3A_109 : memref<1x80xi32, #tpu.memory_space<vmem>> -> memref<80xi32, #tpu.memory_space<vmem>>
          %dma_start3A_111 = arith.constant 0 : i32
          %dma_start3A_112 = arith.constant 0 : i32
          %dma_start3A_113 = tpu.memref_slice %arg3[%dma_start3A_111, %dma_start3A_112] : memref<10240x128xf32, #tpu.memory_space<hbm>> -> memref<10240x128xf32, #tpu.memory_space<hbm>>
          tpu.enqueue_indirect_dma source(%dma_start3A_113 : memref<10240x128xf32, #tpu.memory_space<hbm>>) target(%arg13 : memref<80x128xf32, #tpu.memory_space<vmem>>) offsets(%dma_start3A_110 : memref<80xi32, #tpu.memory_space<vmem>>) semaphore(%run_scoped3A_108 : memref<!tpu.dma_semaphore, #tpu.memory_space<semaphore_mem>>)
          %dma_wait3A = arith.constant 0 : i32
          %dma_wait3A_114 = tpu.memref_slice %arg11[%scan3A_107, %dma_wait3A] : memref<125x80xi32, #tpu.memory_space<vmem>> -> memref<1x80xi32, #tpu.memory_space<vmem>>
          %dma_wait3A_115 = tpu.memref_squeeze %dma_wait3A_114 : memref<1x80xi32, #tpu.memory_space<vmem>> -> memref<80xi32, #tpu.memory_space<vmem>>
          %dma_wait3A_116 = arith.constant 0 : i32
          %dma_wait3A_117 = arith.constant 0 : i32
          %dma_wait3A_118 = tpu.memref_slice %arg3[%dma_wait3A_116, %dma_wait3A_117] : memref<10240x128xf32, #tpu.memory_space<hbm>> -> memref<10240x128xf32, #tpu.memory_space<hbm>>
          tpu.wait_indirect_dma semaphore(%run_scoped3A_108 : memref<!tpu.dma_semaphore, #tpu.memory_space<semaphore_mem>>) src(%dma_wait3A_118 : memref<10240x128xf32, #tpu.memory_space<hbm>>) dst(%arg13 : memref<80x128xf32, #tpu.memory_space<vmem>>)
          tpu.yield
        }) : () -> ()
        "tpu.region"() ({
          %run_scoped3A_108 = tpu.sem_alloc : memref<!tpu.dma_semaphore, #tpu.memory_space<semaphore_mem>>
          %dma_start3A = arith.constant 0 : i32
          %dma_start3A_109 = tpu.memref_slice %arg12[%scan3A_107, %dma_start3A] : memref<125x80xi32, #tpu.memory_space<vmem>> -> memref<1x80xi32, #tpu.memory_space<vmem>>
          %dma_start3A_110 = tpu.memref_squeeze %dma_start3A_109 : memref<1x80xi32, #tpu.memory_space<vmem>> -> memref<80xi32, #tpu.memory_space<vmem>>
          %dma_start3A_111 = arith.constant 0 : i32
          %dma_start3A_112 = arith.constant 0 : i32
          %dma_start3A_113 = tpu.memref_slice %arg14[%dma_start3A_111, %dma_start3A_112] : memref<10240x128xf32, #tpu.memory_space<vmem_shared>> -> memref<10240x128xf32, #tpu.memory_space<vmem_shared>>
          tpu.enqueue_indirect_dma source(%arg13 : memref<80x128xf32, #tpu.memory_space<vmem>>) target(%dma_start3A_113 : memref<10240x128xf32, #tpu.memory_space<vmem_shared>>) offsets(%dma_start3A_110 : memref<80xi32, #tpu.memory_space<vmem>>) semaphore(%run_scoped3A_108 : memref<!tpu.dma_semaphore, #tpu.memory_space<semaphore_mem>>) {add = true}
          %dma_wait3A = arith.constant 0 : i32
          %dma_wait3A_114 = tpu.memref_slice %arg12[%scan3A_107, %dma_wait3A] : memref<125x80xi32, #tpu.memory_space<vmem>> -> memref<1x80xi32, #tpu.memory_space<vmem>>
          %dma_wait3A_115 = tpu.memref_squeeze %dma_wait3A_114 : memref<1x80xi32, #tpu.memory_space<vmem>> -> memref<80xi32, #tpu.memory_space<vmem>>
          %dma_wait3A_116 = arith.constant 0 : i32
          %dma_wait3A_117 = arith.constant 0 : i32
          %dma_wait3A_118 = tpu.memref_slice %arg14[%dma_wait3A_116, %dma_wait3A_117] : memref<10240x128xf32, #tpu.memory_space<vmem_shared>> -> memref<10240x128xf32, #tpu.memory_space<vmem_shared>>
          tpu.wait_indirect_dma semaphore(%run_scoped3A_108 : memref<!tpu.dma_semaphore, #tpu.memory_space<semaphore_mem>>) src(%arg13 : memref<80x128xf32, #tpu.memory_space<vmem>>) dst(%dma_wait3A_118 : memref<10240x128xf32, #tpu.memory_space<vmem_shared>>)
          tpu.yield
        }) : () -> ()
      }
      %scan3A_49 = arith.constant 125 : i32
      %barrier3A_50 = arith.constant 0 : index
      tpu.barrier barrier_id(%barrier3A_50)
      %mul3A_51 = arith.constant 640 : i32
      %mul3A_52 = arith.muli %arg1, %mul3A_51 : i32
      %mul3A_53 = arith.constant 640 : i32
      %mul3A_54 = arith.muli %arg1, %mul3A_53 : i32
      "tpu.region"() ({
        %run_scoped3A_107 = tpu.sem_alloc : memref<!tpu.dma_semaphore, #tpu.memory_space<semaphore_mem>>
        %dma_start3A = arith.constant 0 : i32
        %dma_start3A_108 = tpu.memref_slice %arg8[%mul3A_54, %dma_start3A] : memref<10240x128xf32, #tpu.memory_space<hbm>> -> memref<640x128xf32, #tpu.memory_space<hbm>>
        %dma_start3A_109 = arith.constant 0 : i32
        %dma_start3A_110 = tpu.memref_slice %arg14[%mul3A_52, %dma_start3A_109] : memref<10240x128xf32, #tpu.memory_space<vmem_shared>> -> memref<640x128xf32, #tpu.memory_space<vmem_shared>>
        tpu.enqueue_dma source(%dma_start3A_110 : memref<640x128xf32, #tpu.memory_space<vmem_shared>>) target(%dma_start3A_108 : memref<640x128xf32, #tpu.memory_space<hbm>>) target_semaphore(%run_scoped3A_107 : memref<!tpu.dma_semaphore, #tpu.memory_space<semaphore_mem>>)
        %dma_wait3A = arith.constant 0 : i32
        %dma_wait3A_111 = tpu.memref_slice %arg8[%mul3A_54, %dma_wait3A] : memref<10240x128xf32, #tpu.memory_space<hbm>> -> memref<640x128xf32, #tpu.memory_space<hbm>>
        %dma_wait3A_112 = arith.constant 0 : i32
        %dma_wait3A_113 = tpu.memref_slice %arg14[%mul3A_52, %dma_wait3A_112] : memref<10240x128xf32, #tpu.memory_space<vmem_shared>> -> memref<640x128xf32, #tpu.memory_space<vmem_shared>>
        tpu.wait_dma2 semaphore(%run_scoped3A_107 : memref<!tpu.dma_semaphore, #tpu.memory_space<semaphore_mem>>) src(%dma_wait3A_113 : memref<640x128xf32, #tpu.memory_space<vmem_shared>>) dst(%dma_wait3A_111 : memref<640x128xf32, #tpu.memory_space<hbm>>)
        tpu.yield
      }) : () -> ()
      %barrier3A_55 = arith.constant 0 : index
      tpu.barrier barrier_id(%barrier3A_55)
      %scan3A_56 = arith.constant 0 : i32
      %scan3A_57 = arith.constant 0 : i32
      %scan3A_58 = arith.constant 640 : i32
      %scan3A_59 = arith.addi %scan3A_57, %scan3A_58 : i32
      %scan3A_60 = arith.constant 1 : i32
      scf.for %scan3A_107 = %scan3A_57 to %scan3A_59 step %scan3A_60  : i32 {
        %jit3A = arith.constant 8 : i32
        %div3A = arith.divsi %scan3A_107, %jit3A : i32
        %sign3A = arith.constant 0 : i32
        %sign3A_108 = arith.cmpi sgt, %scan3A_107, %sign3A : i32
        %sign3A_109 = arith.extui %sign3A_108 : i1 to i32
        %sign3A_110 = arith.constant 0 : i32
        %sign3A_111 = arith.cmpi slt, %scan3A_107, %sign3A_110 : i32
        %sign3A_112 = arith.extui %sign3A_111 : i1 to i32
        %sign3A_113 = arith.subi %sign3A_109, %sign3A_112 : i32
        %sign3A_114 = arith.constant 0 : i32
        %sign3A_115 = arith.cmpi sgt, %jit3A, %sign3A_114 : i32
        %sign3A_116 = arith.extui %sign3A_115 : i1 to i32
        %sign3A_117 = arith.constant 0 : i32
        %sign3A_118 = arith.cmpi slt, %jit3A, %sign3A_117 : i32
        %sign3A_119 = arith.extui %sign3A_118 : i1 to i32
        %sign3A_120 = arith.subi %sign3A_116, %sign3A_119 : i32
        %ne3A = arith.cmpi ne, %sign3A_113, %sign3A_120 : i32
        %rem3A = arith.remsi %scan3A_107, %jit3A : i32
        %ne3A_121 = arith.constant 0 : i32
        %ne3A_122 = arith.cmpi ne, %rem3A, %ne3A_121 : i32
        %and3A = arith.andi %ne3A, %ne3A_122 : i1
        %sub3A = arith.constant 1 : i32
        %sub3A_123 = arith.subi %div3A, %sub3A : i32
        %select_n3A = arith.select %and3A, %sub3A_123, %div3A : i32
        %jit3A_124 = arith.constant 8 : i32
        %eq3A_125 = arith.constant 0 : i32
        %eq3A_126 = arith.cmpi eq, %jit3A_124, %eq3A_125 : i32
        %jit3A_127 = arith.constant 1 : i32
        %select_n3A_128 = arith.select %eq3A_126, %jit3A_127, %jit3A_124 : i32
        %rem3A_129 = arith.remsi %scan3A_107, %select_n3A_128 : i32
        %ne3A_130 = arith.constant 0 : i32
        %ne3A_131 = arith.cmpi ne, %rem3A_129, %ne3A_130 : i32
        %lt3A = arith.constant 0 : i32
        %lt3A_132 = arith.cmpi slt, %rem3A_129, %lt3A : i32
        %lt3A_133 = arith.constant 0 : i32
        %lt3A_134 = arith.cmpi slt, %select_n3A_128, %lt3A_133 : i32
        %ne3A_135 = arith.xori %lt3A_132, %lt3A_134 : i1
        %and3A_136 = arith.andi %ne3A_135, %ne3A_131 : i1
        %add3A_137 = arith.addi %rem3A_129, %select_n3A_128 : i32
        %select_n3A_138 = arith.select %and3A_136, %add3A_137, %rem3A_129 : i32
        %mul3A_139 = arith.constant 16 : i32
        %mul3A_140 = arith.muli %select_n3A_138, %mul3A_139 : i32
        %swap3A = arith.index_cast %select_n3A : i32 to index
        %swap3A_141 = arith.index_cast %mul3A_140 : i32 to index
        %swap3A_142 = tpu.vector_load %arg13[%swap3A, %swap3A_141] {strides = array<i32>} : memref<80x128xf32, #tpu.memory_space<vmem>>, vector<1x16xf32>,
        %swap3A_143 = vector.shape_cast %swap3A_142 : vector<1x16xf32> to vector<16xf32>
        %swap3A_144 = vector.shape_cast %broadcast_in_dim3A_0 : vector<16xf32> to vector<1x16xf32>
        tpu.vector_store %arg13[%swap3A, %swap3A_141], %swap3A_144 {strides = array<i32>} : memref<80x128xf32, #tpu.memory_space<vmem>>, vector<1x16xf32>,
      }
      %scan3A_61 = arith.constant 640 : i32
      %mul3A_62 = arith.constant 640 : i32
      %mul3A_63 = arith.muli %arg1, %mul3A_62 : i32
      %add3A_64 = arith.constant 0 : i32
      %add3A_65 = arith.addi %mul3A_63, %add3A_64 : i32
      "tpu.region"() ({
        %run_scoped3A_107 = tpu.sem_alloc : memref<!tpu.dma_semaphore, #tpu.memory_space<semaphore_mem>>
        %dma_start3A = arith.constant 0 : i32
        %dma_start3A_108 = tpu.memref_slice %arg14[%add3A_65, %dma_start3A] : memref<10240x128xf32, #tpu.memory_space<vmem_shared>> -> memref<80x128xf32, #tpu.memory_space<vmem_shared>>
        %dma_start3A_109 = arith.constant 0 : i32
        %dma_start3A_110 = tpu.memref_slice %arg14[%add3A_65, %dma_start3A_109] : memref<10240x128xf32, #tpu.memory_space<vmem_shared>> -> memref<80x128xf32, #tpu.memory_space<vmem_shared>>
        tpu.enqueue_dma source(%arg13 : memref<80x128xf32, #tpu.memory_space<vmem>>) target(%dma_start3A_110 : memref<80x128xf32, #tpu.memory_space<vmem_shared>>) target_semaphore(%run_scoped3A_107 : memref<!tpu.dma_semaphore, #tpu.memory_space<semaphore_mem>>)
        %dma_wait3A = arith.constant 0 : i32
        %dma_wait3A_111 = tpu.memref_slice %arg14[%add3A_65, %dma_wait3A] : memref<10240x128xf32, #tpu.memory_space<vmem_shared>> -> memref<80x128xf32, #tpu.memory_space<vmem_shared>>
        %dma_wait3A_112 = arith.constant 0 : i32
        %dma_wait3A_113 = tpu.memref_slice %arg14[%add3A_65, %dma_wait3A_112] : memref<10240x128xf32, #tpu.memory_space<vmem_shared>> -> memref<80x128xf32, #tpu.memory_space<vmem_shared>>
        tpu.wait_dma2 semaphore(%run_scoped3A_107 : memref<!tpu.dma_semaphore, #tpu.memory_space<semaphore_mem>>) src(%arg13 : memref<80x128xf32, #tpu.memory_space<vmem>>) dst(%dma_wait3A_113 : memref<80x128xf32, #tpu.memory_space<vmem_shared>>)
        tpu.yield
      }) : () -> ()
      %mul3A_66 = arith.constant 640 : i32
      %mul3A_67 = arith.muli %arg1, %mul3A_66 : i32
      %add3A_68 = arith.constant 80 : i32
      %add3A_69 = arith.addi %mul3A_67, %add3A_68 : i32
      "tpu.region"() ({
        %run_scoped3A_107 = tpu.sem_alloc : memref<!tpu.dma_semaphore, #tpu.memory_space<semaphore_mem>>
        %dma_start3A = arith.constant 0 : i32
        %dma_start3A_108 = tpu.memref_slice %arg14[%add3A_69, %dma_start3A] : memref<10240x128xf32, #tpu.memory_space<vmem_shared>> -> memref<80x128xf32, #tpu.memory_space<vmem_shared>>
        %dma_start3A_109 = arith.constant 0 : i32
        %dma_start3A_110 = tpu.memref_slice %arg14[%add3A_69, %dma_start3A_109] : memref<10240x128xf32, #tpu.memory_space<vmem_shared>> -> memref<80x128xf32, #tpu.memory_space<vmem_shared>>
        tpu.enqueue_dma source(%arg13 : memref<80x128xf32, #tpu.memory_space<vmem>>) target(%dma_start3A_110 : memref<80x128xf32, #tpu.memory_space<vmem_shared>>) target_semaphore(%run_scoped3A_107 : memref<!tpu.dma_semaphore, #tpu.memory_space<semaphore_mem>>)
        %dma_wait3A = arith.constant 0 : i32
        %dma_wait3A_111 = tpu.memref_slice %arg14[%add3A_69, %dma_wait3A] : memref<10240x128xf32, #tpu.memory_space<vmem_shared>> -> memref<80x128xf32, #tpu.memory_space<vmem_shared>>
        %dma_wait3A_112 = arith.constant 0 : i32
        %dma_wait3A_113 = tpu.memref_slice %arg14[%add3A_69, %dma_wait3A_112] : memref<10240x128xf32, #tpu.memory_space<vmem_shared>> -> memref<80x128xf32, #tpu.memory_space<vmem_shared>>
        tpu.wait_dma2 semaphore(%run_scoped3A_107 : memref<!tpu.dma_semaphore, #tpu.memory_space<semaphore_mem>>) src(%arg13 : memref<80x128xf32, #tpu.memory_space<vmem>>) dst(%dma_wait3A_113 : memref<80x128xf32, #tpu.memory_space<vmem_shared>>)
        tpu.yield
      }) : () -> ()
      %mul3A_70 = arith.constant 640 : i32
      %mul3A_71 = arith.muli %arg1, %mul3A_70 : i32
      %add3A_72 = arith.constant 160 : i32
      %add3A_73 = arith.addi %mul3A_71, %add3A_72 : i32
      "tpu.region"() ({
        %run_scoped3A_107 = tpu.sem_alloc : memref<!tpu.dma_semaphore, #tpu.memory_space<semaphore_mem>>
        %dma_start3A = arith.constant 0 : i32
        %dma_start3A_108 = tpu.memref_slice %arg14[%add3A_73, %dma_start3A] : memref<10240x128xf32, #tpu.memory_space<vmem_shared>> -> memref<80x128xf32, #tpu.memory_space<vmem_shared>>
        %dma_start3A_109 = arith.constant 0 : i32
        %dma_start3A_110 = tpu.memref_slice %arg14[%add3A_73, %dma_start3A_109] : memref<10240x128xf32, #tpu.memory_space<vmem_shared>> -> memref<80x128xf32, #tpu.memory_space<vmem_shared>>
        tpu.enqueue_dma source(%arg13 : memref<80x128xf32, #tpu.memory_space<vmem>>) target(%dma_start3A_110 : memref<80x128xf32, #tpu.memory_space<vmem_shared>>) target_semaphore(%run_scoped3A_107 : memref<!tpu.dma_semaphore, #tpu.memory_space<semaphore_mem>>)
        %dma_wait3A = arith.constant 0 : i32
        %dma_wait3A_111 = tpu.memref_slice %arg14[%add3A_73, %dma_wait3A] : memref<10240x128xf32, #tpu.memory_space<vmem_shared>> -> memref<80x128xf32, #tpu.memory_space<vmem_shared>>
        %dma_wait3A_112 = arith.constant 0 : i32
        %dma_wait3A_113 = tpu.memref_slice %arg14[%add3A_73, %dma_wait3A_112] : memref<10240x128xf32, #tpu.memory_space<vmem_shared>> -> memref<80x128xf32, #tpu.memory_space<vmem_shared>>
        tpu.wait_dma2 semaphore(%run_scoped3A_107 : memref<!tpu.dma_semaphore, #tpu.memory_space<semaphore_mem>>) src(%arg13 : memref<80x128xf32, #tpu.memory_space<vmem>>) dst(%dma_wait3A_113 : memref<80x128xf32, #tpu.memory_space<vmem_shared>>)
        tpu.yield
      }) : () -> ()
      %mul3A_74 = arith.constant 640 : i32
      %mul3A_75 = arith.muli %arg1, %mul3A_74 : i32
      %add3A_76 = arith.constant 240 : i32
      %add3A_77 = arith.addi %mul3A_75, %add3A_76 : i32
      "tpu.region"() ({
        %run_scoped3A_107 = tpu.sem_alloc : memref<!tpu.dma_semaphore, #tpu.memory_space<semaphore_mem>>
        %dma_start3A = arith.constant 0 : i32
        %dma_start3A_108 = tpu.memref_slice %arg14[%add3A_77, %dma_start3A] : memref<10240x128xf32, #tpu.memory_space<vmem_shared>> -> memref<80x128xf32, #tpu.memory_space<vmem_shared>>
        %dma_start3A_109 = arith.constant 0 : i32
        %dma_start3A_110 = tpu.memref_slice %arg14[%add3A_77, %dma_start3A_109] : memref<10240x128xf32, #tpu.memory_space<vmem_shared>> -> memref<80x128xf32, #tpu.memory_space<vmem_shared>>
        tpu.enqueue_dma source(%arg13 : memref<80x128xf32, #tpu.memory_space<vmem>>) target(%dma_start3A_110 : memref<80x128xf32, #tpu.memory_space<vmem_shared>>) target_semaphore(%run_scoped3A_107 : memref<!tpu.dma_semaphore, #tpu.memory_space<semaphore_mem>>)
        %dma_wait3A = arith.constant 0 : i32
        %dma_wait3A_111 = tpu.memref_slice %arg14[%add3A_77, %dma_wait3A] : memref<10240x128xf32, #tpu.memory_space<vmem_shared>> -> memref<80x128xf32, #tpu.memory_space<vmem_shared>>
        %dma_wait3A_112 = arith.constant 0 : i32
        %dma_wait3A_113 = tpu.memref_slice %arg14[%add3A_77, %dma_wait3A_112] : memref<10240x128xf32, #tpu.memory_space<vmem_shared>> -> memref<80x128xf32, #tpu.memory_space<vmem_shared>>
        tpu.wait_dma2 semaphore(%run_scoped3A_107 : memref<!tpu.dma_semaphore, #tpu.memory_space<semaphore_mem>>) src(%arg13 : memref<80x128xf32, #tpu.memory_space<vmem>>) dst(%dma_wait3A_113 : memref<80x128xf32, #tpu.memory_space<vmem_shared>>)
        tpu.yield
      }) : () -> ()
      %mul3A_78 = arith.constant 640 : i32
      %mul3A_79 = arith.muli %arg1, %mul3A_78 : i32
      %add3A_80 = arith.constant 320 : i32
      %add3A_81 = arith.addi %mul3A_79, %add3A_80 : i32
      "tpu.region"() ({
        %run_scoped3A_107 = tpu.sem_alloc : memref<!tpu.dma_semaphore, #tpu.memory_space<semaphore_mem>>
        %dma_start3A = arith.constant 0 : i32
        %dma_start3A_108 = tpu.memref_slice %arg14[%add3A_81, %dma_start3A] : memref<10240x128xf32, #tpu.memory_space<vmem_shared>> -> memref<80x128xf32, #tpu.memory_space<vmem_shared>>
        %dma_start3A_109 = arith.constant 0 : i32
        %dma_start3A_110 = tpu.memref_slice %arg14[%add3A_81, %dma_start3A_109] : memref<10240x128xf32, #tpu.memory_space<vmem_shared>> -> memref<80x128xf32, #tpu.memory_space<vmem_shared>>
        tpu.enqueue_dma source(%arg13 : memref<80x128xf32, #tpu.memory_space<vmem>>) target(%dma_start3A_110 : memref<80x128xf32, #tpu.memory_space<vmem_shared>>) target_semaphore(%run_scoped3A_107 : memref<!tpu.dma_semaphore, #tpu.memory_space<semaphore_mem>>)
        %dma_wait3A = arith.constant 0 : i32
        %dma_wait3A_111 = tpu.memref_slice %arg14[%add3A_81, %dma_wait3A] : memref<10240x128xf32, #tpu.memory_space<vmem_shared>> -> memref<80x128xf32, #tpu.memory_space<vmem_shared>>
        %dma_wait3A_112 = arith.constant 0 : i32
        %dma_wait3A_113 = tpu.memref_slice %arg14[%add3A_81, %dma_wait3A_112] : memref<10240x128xf32, #tpu.memory_space<vmem_shared>> -> memref<80x128xf32, #tpu.memory_space<vmem_shared>>
        tpu.wait_dma2 semaphore(%run_scoped3A_107 : memref<!tpu.dma_semaphore, #tpu.memory_space<semaphore_mem>>) src(%arg13 : memref<80x128xf32, #tpu.memory_space<vmem>>) dst(%dma_wait3A_113 : memref<80x128xf32, #tpu.memory_space<vmem_shared>>)
        tpu.yield
      }) : () -> ()
      %mul3A_82 = arith.constant 640 : i32
      %mul3A_83 = arith.muli %arg1, %mul3A_82 : i32
      %add3A_84 = arith.constant 400 : i32
      %add3A_85 = arith.addi %mul3A_83, %add3A_84 : i32
      "tpu.region"() ({
        %run_scoped3A_107 = tpu.sem_alloc : memref<!tpu.dma_semaphore, #tpu.memory_space<semaphore_mem>>
        %dma_start3A = arith.constant 0 : i32
        %dma_start3A_108 = tpu.memref_slice %arg14[%add3A_85, %dma_start3A] : memref<10240x128xf32, #tpu.memory_space<vmem_shared>> -> memref<80x128xf32, #tpu.memory_space<vmem_shared>>
        %dma_start3A_109 = arith.constant 0 : i32
        %dma_start3A_110 = tpu.memref_slice %arg14[%add3A_85, %dma_start3A_109] : memref<10240x128xf32, #tpu.memory_space<vmem_shared>> -> memref<80x128xf32, #tpu.memory_space<vmem_shared>>
        tpu.enqueue_dma source(%arg13 : memref<80x128xf32, #tpu.memory_space<vmem>>) target(%dma_start3A_110 : memref<80x128xf32, #tpu.memory_space<vmem_shared>>) target_semaphore(%run_scoped3A_107 : memref<!tpu.dma_semaphore, #tpu.memory_space<semaphore_mem>>)
        %dma_wait3A = arith.constant 0 : i32
        %dma_wait3A_111 = tpu.memref_slice %arg14[%add3A_85, %dma_wait3A] : memref<10240x128xf32, #tpu.memory_space<vmem_shared>> -> memref<80x128xf32, #tpu.memory_space<vmem_shared>>
        %dma_wait3A_112 = arith.constant 0 : i32
        %dma_wait3A_113 = tpu.memref_slice %arg14[%add3A_85, %dma_wait3A_112] : memref<10240x128xf32, #tpu.memory_space<vmem_shared>> -> memref<80x128xf32, #tpu.memory_space<vmem_shared>>
        tpu.wait_dma2 semaphore(%run_scoped3A_107 : memref<!tpu.dma_semaphore, #tpu.memory_space<semaphore_mem>>) src(%arg13 : memref<80x128xf32, #tpu.memory_space<vmem>>) dst(%dma_wait3A_113 : memref<80x128xf32, #tpu.memory_space<vmem_shared>>)
        tpu.yield
      }) : () -> ()
      %mul3A_86 = arith.constant 640 : i32
      %mul3A_87 = arith.muli %arg1, %mul3A_86 : i32
      %add3A_88 = arith.constant 480 : i32
      %add3A_89 = arith.addi %mul3A_87, %add3A_88 : i32
      "tpu.region"() ({
        %run_scoped3A_107 = tpu.sem_alloc : memref<!tpu.dma_semaphore, #tpu.memory_space<semaphore_mem>>
        %dma_start3A = arith.constant 0 : i32
        %dma_start3A_108 = tpu.memref_slice %arg14[%add3A_89, %dma_start3A] : memref<10240x128xf32, #tpu.memory_space<vmem_shared>> -> memref<80x128xf32, #tpu.memory_space<vmem_shared>>
        %dma_start3A_109 = arith.constant 0 : i32
        %dma_start3A_110 = tpu.memref_slice %arg14[%add3A_89, %dma_start3A_109] : memref<10240x128xf32, #tpu.memory_space<vmem_shared>> -> memref<80x128xf32, #tpu.memory_space<vmem_shared>>
        tpu.enqueue_dma source(%arg13 : memref<80x128xf32, #tpu.memory_space<vmem>>) target(%dma_start3A_110 : memref<80x128xf32, #tpu.memory_space<vmem_shared>>) target_semaphore(%run_scoped3A_107 : memref<!tpu.dma_semaphore, #tpu.memory_space<semaphore_mem>>)
        %dma_wait3A = arith.constant 0 : i32
        %dma_wait3A_111 = tpu.memref_slice %arg14[%add3A_89, %dma_wait3A] : memref<10240x128xf32, #tpu.memory_space<vmem_shared>> -> memref<80x128xf32, #tpu.memory_space<vmem_shared>>
        %dma_wait3A_112 = arith.constant 0 : i32
        %dma_wait3A_113 = tpu.memref_slice %arg14[%add3A_89, %dma_wait3A_112] : memref<10240x128xf32, #tpu.memory_space<vmem_shared>> -> memref<80x128xf32, #tpu.memory_space<vmem_shared>>
        tpu.wait_dma2 semaphore(%run_scoped3A_107 : memref<!tpu.dma_semaphore, #tpu.memory_space<semaphore_mem>>) src(%arg13 : memref<80x128xf32, #tpu.memory_space<vmem>>) dst(%dma_wait3A_113 : memref<80x128xf32, #tpu.memory_space<vmem_shared>>)
        tpu.yield
      }) : () -> ()
      %mul3A_90 = arith.constant 640 : i32
      %mul3A_91 = arith.muli %arg1, %mul3A_90 : i32
      %add3A_92 = arith.constant 560 : i32
      %add3A_93 = arith.addi %mul3A_91, %add3A_92 : i32
      "tpu.region"() ({
        %run_scoped3A_107 = tpu.sem_alloc : memref<!tpu.dma_semaphore, #tpu.memory_space<semaphore_mem>>
        %dma_start3A = arith.constant 0 : i32
        %dma_start3A_108 = tpu.memref_slice %arg14[%add3A_93, %dma_start3A] : memref<10240x128xf32, #tpu.memory_space<vmem_shared>> -> memref<80x128xf32, #tpu.memory_space<vmem_shared>>
        %dma_start3A_109 = arith.constant 0 : i32
        %dma_start3A_110 = tpu.memref_slice %arg14[%add3A_93, %dma_start3A_109] : memref<10240x128xf32, #tpu.memory_space<vmem_shared>> -> memref<80x128xf32, #tpu.memory_space<vmem_shared>>
        tpu.enqueue_dma source(%arg13 : memref<80x128xf32, #tpu.memory_space<vmem>>) target(%dma_start3A_110 : memref<80x128xf32, #tpu.memory_space<vmem_shared>>) target_semaphore(%run_scoped3A_107 : memref<!tpu.dma_semaphore, #tpu.memory_space<semaphore_mem>>)
        %dma_wait3A = arith.constant 0 : i32
        %dma_wait3A_111 = tpu.memref_slice %arg14[%add3A_93, %dma_wait3A] : memref<10240x128xf32, #tpu.memory_space<vmem_shared>> -> memref<80x128xf32, #tpu.memory_space<vmem_shared>>
        %dma_wait3A_112 = arith.constant 0 : i32
        %dma_wait3A_113 = tpu.memref_slice %arg14[%add3A_93, %dma_wait3A_112] : memref<10240x128xf32, #tpu.memory_space<vmem_shared>> -> memref<80x128xf32, #tpu.memory_space<vmem_shared>>
        tpu.wait_dma2 semaphore(%run_scoped3A_107 : memref<!tpu.dma_semaphore, #tpu.memory_space<semaphore_mem>>) src(%arg13 : memref<80x128xf32, #tpu.memory_space<vmem>>) dst(%dma_wait3A_113 : memref<80x128xf32, #tpu.memory_space<vmem_shared>>)
        tpu.yield
      }) : () -> ()
      %barrier3A_94 = arith.constant 0 : index
      tpu.barrier barrier_id(%barrier3A_94)
      %scan3A_95 = arith.constant 0 : i32
      %scan3A_96 = arith.constant 0 : i32
      %scan3A_97 = arith.constant 125 : i32
      %scan3A_98 = arith.addi %scan3A_96, %scan3A_97 : i32
      %scan3A_99 = arith.constant 1 : i32
      scf.for %scan3A_107 = %scan3A_96 to %scan3A_98 step %scan3A_99  : i32 {
        "tpu.region"() ({
          %run_scoped3A_108 = tpu.sem_alloc : memref<!tpu.dma_semaphore, #tpu.memory_space<semaphore_mem>>
          %dma_start3A = arith.constant 0 : i32
          %dma_start3A_109 = tpu.memref_slice %arg11[%scan3A_107, %dma_start3A] : memref<125x80xi32, #tpu.memory_space<vmem>> -> memref<1x80xi32, #tpu.memory_space<vmem>>
          %dma_start3A_110 = tpu.memref_squeeze %dma_start3A_109 : memref<1x80xi32, #tpu.memory_space<vmem>> -> memref<80xi32, #tpu.memory_space<vmem>>
          %dma_start3A_111 = arith.constant 0 : i32
          %dma_start3A_112 = arith.constant 0 : i32
          %dma_start3A_113 = tpu.memref_slice %arg5[%dma_start3A_111, %dma_start3A_112] : memref<10240x128xf32, #tpu.memory_space<hbm>> -> memref<10240x128xf32, #tpu.memory_space<hbm>>
          tpu.enqueue_indirect_dma source(%dma_start3A_113 : memref<10240x128xf32, #tpu.memory_space<hbm>>) target(%arg13 : memref<80x128xf32, #tpu.memory_space<vmem>>) offsets(%dma_start3A_110 : memref<80xi32, #tpu.memory_space<vmem>>) semaphore(%run_scoped3A_108 : memref<!tpu.dma_semaphore, #tpu.memory_space<semaphore_mem>>)
          %dma_wait3A = arith.constant 0 : i32
          %dma_wait3A_114 = tpu.memref_slice %arg11[%scan3A_107, %dma_wait3A] : memref<125x80xi32, #tpu.memory_space<vmem>> -> memref<1x80xi32, #tpu.memory_space<vmem>>
          %dma_wait3A_115 = tpu.memref_squeeze %dma_wait3A_114 : memref<1x80xi32, #tpu.memory_space<vmem>> -> memref<80xi32, #tpu.memory_space<vmem>>
          %dma_wait3A_116 = arith.constant 0 : i32
          %dma_wait3A_117 = arith.constant 0 : i32
          %dma_wait3A_118 = tpu.memref_slice %arg5[%dma_wait3A_116, %dma_wait3A_117] : memref<10240x128xf32, #tpu.memory_space<hbm>> -> memref<10240x128xf32, #tpu.memory_space<hbm>>
          tpu.wait_indirect_dma semaphore(%run_scoped3A_108 : memref<!tpu.dma_semaphore, #tpu.memory_space<semaphore_mem>>) src(%dma_wait3A_118 : memref<10240x128xf32, #tpu.memory_space<hbm>>) dst(%arg13 : memref<80x128xf32, #tpu.memory_space<vmem>>)
          tpu.yield
        }) : () -> ()
        "tpu.region"() ({
          %run_scoped3A_108 = tpu.sem_alloc : memref<!tpu.dma_semaphore, #tpu.memory_space<semaphore_mem>>
          %dma_start3A = arith.constant 0 : i32
          %dma_start3A_109 = tpu.memref_slice %arg12[%scan3A_107, %dma_start3A] : memref<125x80xi32, #tpu.memory_space<vmem>> -> memref<1x80xi32, #tpu.memory_space<vmem>>
          %dma_start3A_110 = tpu.memref_squeeze %dma_start3A_109 : memref<1x80xi32, #tpu.memory_space<vmem>> -> memref<80xi32, #tpu.memory_space<vmem>>
          %dma_start3A_111 = arith.constant 0 : i32
          %dma_start3A_112 = arith.constant 0 : i32
          %dma_start3A_113 = tpu.memref_slice %arg14[%dma_start3A_111, %dma_start3A_112] : memref<10240x128xf32, #tpu.memory_space<vmem_shared>> -> memref<10240x128xf32, #tpu.memory_space<vmem_shared>>
          tpu.enqueue_indirect_dma source(%arg13 : memref<80x128xf32, #tpu.memory_space<vmem>>) target(%dma_start3A_113 : memref<10240x128xf32, #tpu.memory_space<vmem_shared>>) offsets(%dma_start3A_110 : memref<80xi32, #tpu.memory_space<vmem>>) semaphore(%run_scoped3A_108 : memref<!tpu.dma_semaphore, #tpu.memory_space<semaphore_mem>>) {add = true}
          %dma_wait3A = arith.constant 0 : i32
          %dma_wait3A_114 = tpu.memref_slice %arg12[%scan3A_107, %dma_wait3A] : memref<125x80xi32, #tpu.memory_space<vmem>> -> memref<1x80xi32, #tpu.memory_space<vmem>>
          %dma_wait3A_115 = tpu.memref_squeeze %dma_wait3A_114 : memref<1x80xi32, #tpu.memory_space<vmem>> -> memref<80xi32, #tpu.memory_space<vmem>>
          %dma_wait3A_116 = arith.constant 0 : i32
          %dma_wait3A_117 = arith.constant 0 : i32
          %dma_wait3A_118 = tpu.memref_slice %arg14[%dma_wait3A_116, %dma_wait3A_117] : memref<10240x128xf32, #tpu.memory_space<vmem_shared>> -> memref<10240x128xf32, #tpu.memory_space<vmem_shared>>
          tpu.wait_indirect_dma semaphore(%run_scoped3A_108 : memref<!tpu.dma_semaphore, #tpu.memory_space<semaphore_mem>>) src(%arg13 : memref<80x128xf32, #tpu.memory_space<vmem>>) dst(%dma_wait3A_118 : memref<10240x128xf32, #tpu.memory_space<vmem_shared>>)
          tpu.yield
        }) : () -> ()
      }
      %scan3A_100 = arith.constant 125 : i32
      %barrier3A_101 = arith.constant 0 : index
      tpu.barrier barrier_id(%barrier3A_101)
      %mul3A_102 = arith.constant 640 : i32
      %mul3A_103 = arith.muli %arg1, %mul3A_102 : i32
      %mul3A_104 = arith.constant 640 : i32
      %mul3A_105 = arith.muli %arg1, %mul3A_104 : i32
      "tpu.region"() ({
        %run_scoped3A_107 = tpu.sem_alloc : memref<!tpu.dma_semaphore, #tpu.memory_space<semaphore_mem>>
        %dma_start3A = arith.constant 0 : i32
        %dma_start3A_108 = tpu.memref_slice %arg10[%mul3A_105, %dma_start3A] : memref<10240x128xf32, #tpu.memory_space<hbm>> -> memref<640x128xf32, #tpu.memory_space<hbm>>
        %dma_start3A_109 = arith.constant 0 : i32
        %dma_start3A_110 = tpu.memref_slice %arg14[%mul3A_103, %dma_start3A_109] : memref<10240x128xf32, #tpu.memory_space<vmem_shared>> -> memref<640x128xf32, #tpu.memory_space<vmem_shared>>
        tpu.enqueue_dma source(%dma_start3A_110 : memref<640x128xf32, #tpu.memory_space<vmem_shared>>) target(%dma_start3A_108 : memref<640x128xf32, #tpu.memory_space<hbm>>) target_semaphore(%run_scoped3A_107 : memref<!tpu.dma_semaphore, #tpu.memory_space<semaphore_mem>>)
        %dma_wait3A = arith.constant 0 : i32
        %dma_wait3A_111 = tpu.memref_slice %arg10[%mul3A_105, %dma_wait3A] : memref<10240x128xf32, #tpu.memory_space<hbm>> -> memref<640x128xf32, #tpu.memory_space<hbm>>
        %dma_wait3A_112 = arith.constant 0 : i32
        %dma_wait3A_113 = tpu.memref_slice %arg14[%mul3A_103, %dma_wait3A_112] : memref<10240x128xf32, #tpu.memory_space<vmem_shared>> -> memref<640x128xf32, #tpu.memory_space<vmem_shared>>
        tpu.wait_dma2 semaphore(%run_scoped3A_107 : memref<!tpu.dma_semaphore, #tpu.memory_space<semaphore_mem>>) src(%dma_wait3A_113 : memref<640x128xf32, #tpu.memory_space<vmem_shared>>) dst(%dma_wait3A_111 : memref<640x128xf32, #tpu.memory_space<hbm>>)
        tpu.yield
      }) : () -> ()
      %barrier3A_106 = arith.constant 0 : index
      tpu.barrier barrier_id(%barrier3A_106)
    } else {
    }
    return
  }
}

#map = affine_map<(d0, d1) -> (0, 0)>
#map1 = affine_map<(d0, d1) -> (0, 0, 0, 0)>
module attributes {stable_mosaic.version = 14 : i64} {
  func.func @_spmm_body(%arg0: i32, %arg1: i32, %arg2: memref<10240x128xf32, #tpu.memory_space<hbm>>, %arg3: memref<10240x128xf32, #tpu.memory_space<hbm>>, %arg4: memref<10240x128xf32, #tpu.memory_space<hbm>>, %arg5: memref<10240x128xf32, #tpu.memory_space<hbm>>, %arg6: memref<2x16x125x80xi32, #tpu.memory_space<hbm>>, %arg7: memref<10240x128xf32, #tpu.memory_space<hbm>>, %arg8: memref<10240x128xf32, #tpu.memory_space<hbm>>, %arg9: memref<10240x128xf32, #tpu.memory_space<hbm>>, %arg10: memref<10240x128xf32, #tpu.memory_space<hbm>>, %arg11: memref<125x80xi32, #tpu.memory_space<vmem>>, %arg12: memref<125x80xi32, #tpu.memory_space<vmem>>, %arg13: memref<80x128xf32, #tpu.memory_space<vmem>>, %arg14: memref<10240x128xf32, #tpu.memory_space<vmem_shared>>) attributes {dimension_semantics = [#tpu.dimension_semantics<core_parallel>, #tpu.dimension_semantics<subcore_parallel>], iteration_bounds = array<i64: 2, 16>, scalar_prefetch = 0 : i64, scratch_operands = 4 : i64, tpu.core_type = #tpu.core_type<sc_vector_subcore>, window_params = [{transform_indices = #map}, {transform_indices = #map}, {transform_indices = #map}, {transform_indices = #map}, {transform_indices = #map1}, {transform_indices = #map}, {transform_indices = #map}, {transform_indices = #map}, {transform_indices = #map}]} {
    %broadcast_in_dim3A = arith.constant 0.000000e+00 : f32
    %broadcast_in_dim3A_0 = vector.broadcast %broadcast_in_dim3A : f32 to vector<16xf32>
    %eq3A = arith.constant 0 : i32
    %eq3A_1 = arith.cmpi eq, %arg0, %eq3A : i32
    %convert_element_type3A = arith.extui %eq3A_1 : i1 to i32
    %cond3A = arith.constant 0 : i32
    %cond3A_2 = arith.cmpi ne, %convert_element_type3A, %cond3A : i32
    scf.if %cond3A_2 {
      %run_scoped3A = arith.constant 0 : i32
      "tpu.region"() ({
        %run_scoped3A_107 = tpu.sem_alloc : memref<!tpu.dma_semaphore, #tpu.memory_space<semaphore_mem>>
        %dma_start3A = arith.constant 0 : i32
        %dma_start3A_108 = arith.constant 0 : i32
        %dma_start3A_109 = tpu.memref_slice %arg6[%run_scoped3A, %arg1, %dma_start3A, %dma_start3A_108] : memref<2x16x125x80xi32, #tpu.memory_space<hbm>> -> memref<1x1x125x80xi32, #tpu.memory_space<hbm>>
        %dma_start3A_110 = tpu.memref_squeeze %dma_start3A_109 : memref<1x1x125x80xi32, #tpu.memory_space<hbm>> -> memref<125x80xi32, #tpu.memory_space<hbm>>
        %dma_start3A_111 = arith.constant 0 : i32
        %dma_start3A_112 = arith.constant 0 : i32
        %dma_start3A_113 = tpu.memref_slice %arg6[%run_scoped3A, %arg1, %dma_start3A_111, %dma_start3A_112] : memref<2x16x125x80xi32, #tpu.memory_space<hbm>> -> memref<1x1x125x80xi32, #tpu.memory_space<hbm>>
        %dma_start3A_114 = tpu.memref_squeeze %dma_start3A_113 : memref<1x1x125x80xi32, #tpu.memory_space<hbm>> -> memref<125x80xi32, #tpu.memory_space<hbm>>
        tpu.enqueue_dma source(%dma_start3A_114 : memref<125x80xi32, #tpu.memory_space<hbm>>) target(%arg11 : memref<125x80xi32, #tpu.memory_space<vmem>>) target_semaphore(%run_scoped3A_107 : memref<!tpu.dma_semaphore, #tpu.memory_space<semaphore_mem>>)
        %dma_wait3A = arith.constant 0 : i32
        %dma_wait3A_115 = arith.constant 0 : i32
        %dma_wait3A_116 = tpu.memref_slice %arg6[%run_scoped3A, %arg1, %dma_wait3A, %dma_wait3A_115] : memref<2x16x125x80xi32, #tpu.memory_space<hbm>> -> memref<1x1x125x80xi32, #tpu.memory_space<hbm>>
        %dma_wait3A_117 = tpu.memref_squeeze %dma_wait3A_116 : memref<1x1x125x80xi32, #tpu.memory_space<hbm>> -> memref<125x80xi32, #tpu.memory_space<hbm>>
        %dma_wait3A_118 = arith.constant 0 : i32
        %dma_wait3A_119 = arith.constant 0 : i32
        %dma_wait3A_120 = tpu.memref_slice %arg6[%run_scoped3A, %arg1, %dma_wait3A_118, %dma_wait3A_119] : memref<2x16x125x80xi32, #tpu.memory_space<hbm>> -> memref<1x1x125x80xi32, #tpu.memory_space<hbm>>
        %dma_wait3A_121 = tpu.memref_squeeze %dma_wait3A_120 : memref<1x1x125x80xi32, #tpu.memory_space<hbm>> -> memref<125x80xi32, #tpu.memory_space<hbm>>
        tpu.wait_dma2 semaphore(%run_scoped3A_107 : memref<!tpu.dma_semaphore, #tpu.memory_space<semaphore_mem>>) src(%dma_wait3A_121 : memref<125x80xi32, #tpu.memory_space<hbm>>) dst(%arg11 : memref<125x80xi32, #tpu.memory_space<vmem>>)
        tpu.yield
      }) : () -> ()
      %run_scoped3A_8 = arith.constant 1 : i32
      "tpu.region"() ({
        %run_scoped3A_107 = tpu.sem_alloc : memref<!tpu.dma_semaphore, #tpu.memory_space<semaphore_mem>>
        %dma_start3A = arith.constant 0 : i32
        %dma_start3A_108 = arith.constant 0 : i32
        %dma_start3A_109 = tpu.memref_slice %arg6[%run_scoped3A_8, %arg1, %dma_start3A, %dma_start3A_108] : memref<2x16x125x80xi32, #tpu.memory_space<hbm>> -> memref<1x1x125x80xi32, #tpu.memory_space<hbm>>
        %dma_start3A_110 = tpu.memref_squeeze %dma_start3A_109 : memref<1x1x125x80xi32, #tpu.memory_space<hbm>> -> memref<125x80xi32, #tpu.memory_space<hbm>>
        %dma_start3A_111 = arith.constant 0 : i32
        %dma_start3A_112 = arith.constant 0 : i32
        %dma_start3A_113 = tpu.memref_slice %arg6[%run_scoped3A_8, %arg1, %dma_start3A_111, %dma_start3A_112] : memref<2x16x125x80xi32, #tpu.memory_space<hbm>> -> memref<1x1x125x80xi32, #tpu.memory_space<hbm>>
        %dma_start3A_114 = tpu.memref_squeeze %dma_start3A_113 : memref<1x1x125x80xi32, #tpu.memory_space<hbm>> -> memref<125x80xi32, #tpu.memory_space<hbm>>
        tpu.enqueue_dma source(%dma_start3A_114 : memref<125x80xi32, #tpu.memory_space<hbm>>) target(%arg12 : memref<125x80xi32, #tpu.memory_space<vmem>>) target_semaphore(%run_scoped3A_107 : memref<!tpu.dma_semaphore, #tpu.memory_space<semaphore_mem>>)
        %dma_wait3A = arith.constant 0 : i32
        %dma_wait3A_115 = arith.constant 0 : i32
        %dma_wait3A_116 = tpu.memref_slice %arg6[%run_scoped3A_8, %arg1, %dma_wait3A, %dma_wait3A_115] : memref<2x16x125x80xi32, #tpu.memory_space<hbm>> -> memref<1x1x125x80xi32, #tpu.memory_space<hbm>>
        %dma_wait3A_117 = tpu.memref_squeeze %dma_wait3A_116 : memref<1x1x125x80xi32, #tpu.memory_space<hbm>> -> memref<125x80xi32, #tpu.memory_space<hbm>>
        %dma_wait3A_118 = arith.constant 0 : i32
        %dma_wait3A_119 = arith.constant 0 : i32
        %dma_wait3A_120 = tpu.memref_slice %arg6[%run_scoped3A_8, %arg1, %dma_wait3A_118, %dma_wait3A_119] : memref<2x16x125x80xi32, #tpu.memory_space<hbm>> -> memref<1x1x125x80xi32, #tpu.memory_space<hbm>>
        %dma_wait3A_121 = tpu.memref_squeeze %dma_wait3A_120 : memref<1x1x125x80xi32, #tpu.memory_space<hbm>> -> memref<125x80xi32, #tpu.memory_space<hbm>>
        tpu.wait_dma2 semaphore(%run_scoped3A_107 : memref<!tpu.dma_semaphore, #tpu.memory_space<semaphore_mem>>) src(%dma_wait3A_121 : memref<125x80xi32, #tpu.memory_space<hbm>>) dst(%arg12 : memref<125x80xi32, #tpu.memory_space<vmem>>)
        tpu.yield
      }) : () -> ()
      %scan3A = arith.constant 0 : i32
      %scan3A_9 = arith.constant 0 : i32
      %scan3A_10 = arith.constant 640 : i32
      %scan3A_11 = arith.addi %scan3A_9, %scan3A_10 : i32
      %scan3A_12 = arith.constant 1 : i32
      scf.for %scan3A_107 = %scan3A_9 to %scan3A_11 step %scan3A_12  : i32 {
        %jit3A = arith.constant 8 : i32
        %div3A = arith.divsi %scan3A_107, %jit3A : i32
        %sign3A = arith.constant 0 : i32
        %sign3A_108 = arith.cmpi sgt, %scan3A_107, %sign3A : i32
        %sign3A_109 = arith.extui %sign3A_108 : i1 to i32
        %sign3A_110 = arith.constant 0 : i32
        %sign3A_111 = arith.cmpi slt, %scan3A_107, %sign3A_110 : i32
        %sign3A_112 = arith.extui %sign3A_111 : i1 to i32
        %sign3A_113 = arith.subi %sign3A_109, %sign3A_112 : i32
        %sign3A_114 = arith.constant 0 : i32
        %sign3A_115 = arith.cmpi sgt, %jit3A, %sign3A_114 : i32
        %sign3A_116 = arith.extui %sign3A_115 : i1 to i32
        %sign3A_117 = arith.constant 0 : i32
        %sign3A_118 = arith.cmpi slt, %jit3A, %sign3A_117 : i32
        %sign3A_119 = arith.extui %sign3A_118 : i1 to i32
        %sign3A_120 = arith.subi %sign3A_116, %sign3A_119 : i32
        %ne3A = arith.cmpi ne, %sign3A_113, %sign3A_120 : i32
        %rem3A = arith.remsi %scan3A_107, %jit3A : i32
        %ne3A_121 = arith.constant 0 : i32
        %ne3A_122 = arith.cmpi ne, %rem3A, %ne3A_121 : i32
        %and3A = arith.andi %ne3A, %ne3A_122 : i1
        %sub3A = arith.constant 1 : i32
        %sub3A_123 = arith.subi %div3A, %sub3A : i32
        %select_n3A = arith.select %and3A, %sub3A_123, %div3A : i32
        %jit3A_124 = arith.constant 8 : i32
        %eq3A_125 = arith.constant 0 : i32
        %eq3A_126 = arith.cmpi eq, %jit3A_124, %eq3A_125 : i32
        %jit3A_127 = arith.constant 1 : i32
        %select_n3A_128 = arith.select %eq3A_126, %jit3A_127, %jit3A_124 : i32
        %rem3A_129 = arith.remsi %scan3A_107, %select_n3A_128 : i32
        %ne3A_130 = arith.constant 0 : i32
        %ne3A_131 = arith.cmpi ne, %rem3A_129, %ne3A_130 : i32
        %lt3A = arith.constant 0 : i32
        %lt3A_132 = arith.cmpi slt, %rem3A_129, %lt3A : i32
        %lt3A_133 = arith.constant 0 : i32
        %lt3A_134 = arith.cmpi slt, %select_n3A_128, %lt3A_133 : i32
        %ne3A_135 = arith.xori %lt3A_132, %lt3A_134 : i1
        %and3A_136 = arith.andi %ne3A_135, %ne3A_131 : i1
        %add3A_137 = arith.addi %rem3A_129, %select_n3A_128 : i32
        %select_n3A_138 = arith.select %and3A_136, %add3A_137, %rem3A_129 : i32
        %mul3A_139 = arith.constant 16 : i32
        %mul3A_140 = arith.muli %select_n3A_138, %mul3A_139 : i32
        %swap3A = arith.index_cast %select_n3A : i32 to index
        %swap3A_141 = arith.index_cast %mul3A_140 : i32 to index
        %swap3A_142 = tpu.vector_load %arg13[%swap3A, %swap3A_141] {strides = array<i32>} : memref<80x128xf32, #tpu.memory_space<vmem>>, vector<1x16xf32>,
        %swap3A_143 = vector.shape_cast %swap3A_142 : vector<1x16xf32> to vector<16xf32>
        %swap3A_144 = vector.shape_cast %broadcast_in_dim3A_0 : vector<16xf32> to vector<1x16xf32>
        tpu.vector_store %arg13[%swap3A, %swap3A_141], %swap3A_144 {strides = array<i32>} : memref<80x128xf32, #tpu.memory_space<vmem>>, vector<1x16xf32>,
      }
      %scan3A_13 = arith.constant 640 : i32
      %mul3A = arith.constant 640 : i32
      %mul3A_14 = arith.muli %arg1, %mul3A : i32
      %add3A = arith.constant 0 : i32
      %add3A_15 = arith.addi %mul3A_14, %add3A : i32
      "tpu.region"() ({
        %run_scoped3A_107 = tpu.sem_alloc : memref<!tpu.dma_semaphore, #tpu.memory_space<semaphore_mem>>
        %dma_start3A = arith.constant 0 : i32
        %dma_start3A_108 = tpu.memref_slice %arg14[%add3A_15, %dma_start3A] : memref<10240x128xf32, #tpu.memory_space<vmem_shared>> -> memref<80x128xf32, #tpu.memory_space<vmem_shared>>
        %dma_start3A_109 = arith.constant 0 : i32
        %dma_start3A_110 = tpu.memref_slice %arg14[%add3A_15, %dma_start3A_109] : memref<10240x128xf32, #tpu.memory_space<vmem_shared>> -> memref<80x128xf32, #tpu.memory_space<vmem_shared>>
        tpu.enqueue_dma source(%arg13 : memref<80x128xf32, #tpu.memory_space<vmem>>) target(%dma_start3A_110 : memref<80x128xf32, #tpu.memory_space<vmem_shared>>) target_semaphore(%run_scoped3A_107 : memref<!tpu.dma_semaphore, #tpu.memory_space<semaphore_mem>>)
        %dma_wait3A = arith.constant 0 : i32
        %dma_wait3A_111 = tpu.memref_slice %arg14[%add3A_15, %dma_wait3A] : memref<10240x128xf32, #tpu.memory_space<vmem_shared>> -> memref<80x128xf32, #tpu.memory_space<vmem_shared>>
        %dma_wait3A_112 = arith.constant 0 : i32
        %dma_wait3A_113 = tpu.memref_slice %arg14[%add3A_15, %dma_wait3A_112] : memref<10240x128xf32, #tpu.memory_space<vmem_shared>> -> memref<80x128xf32, #tpu.memory_space<vmem_shared>>
        tpu.wait_dma2 semaphore(%run_scoped3A_107 : memref<!tpu.dma_semaphore, #tpu.memory_space<semaphore_mem>>) src(%arg13 : memref<80x128xf32, #tpu.memory_space<vmem>>) dst(%dma_wait3A_113 : memref<80x128xf32, #tpu.memory_space<vmem_shared>>)
        tpu.yield
      }) : () -> ()
      %mul3A_16 = arith.constant 640 : i32
      %mul3A_17 = arith.muli %arg1, %mul3A_16 : i32
      %add3A_18 = arith.constant 80 : i32
      %add3A_19 = arith.addi %mul3A_17, %add3A_18 : i32
      "tpu.region"() ({
        %run_scoped3A_107 = tpu.sem_alloc : memref<!tpu.dma_semaphore, #tpu.memory_space<semaphore_mem>>
        %dma_start3A = arith.constant 0 : i32
        %dma_start3A_108 = tpu.memref_slice %arg14[%add3A_19, %dma_start3A] : memref<10240x128xf32, #tpu.memory_space<vmem_shared>> -> memref<80x128xf32, #tpu.memory_space<vmem_shared>>
        %dma_start3A_109 = arith.constant 0 : i32
        %dma_start3A_110 = tpu.memref_slice %arg14[%add3A_19, %dma_start3A_109] : memref<10240x128xf32, #tpu.memory_space<vmem_shared>> -> memref<80x128xf32, #tpu.memory_space<vmem_shared>>
        tpu.enqueue_dma source(%arg13 : memref<80x128xf32, #tpu.memory_space<vmem>>) target(%dma_start3A_110 : memref<80x128xf32, #tpu.memory_space<vmem_shared>>) target_semaphore(%run_scoped3A_107 : memref<!tpu.dma_semaphore, #tpu.memory_space<semaphore_mem>>)
        %dma_wait3A = arith.constant 0 : i32
        %dma_wait3A_111 = tpu.memref_slice %arg14[%add3A_19, %dma_wait3A] : memref<10240x128xf32, #tpu.memory_space<vmem_shared>> -> memref<80x128xf32, #tpu.memory_space<vmem_shared>>
        %dma_wait3A_112 = arith.constant 0 : i32
        %dma_wait3A_113 = tpu.memref_slice %arg14[%add3A_19, %dma_wait3A_112] : memref<10240x128xf32, #tpu.memory_space<vmem_shared>> -> memref<80x128xf32, #tpu.memory_space<vmem_shared>>
        tpu.wait_dma2 semaphore(%run_scoped3A_107 : memref<!tpu.dma_semaphore, #tpu.memory_space<semaphore_mem>>) src(%arg13 : memref<80x128xf32, #tpu.memory_space<vmem>>) dst(%dma_wait3A_113 : memref<80x128xf32, #tpu.memory_space<vmem_shared>>)
        tpu.yield
      }) : () -> ()
      %mul3A_20 = arith.constant 640 : i32
      %mul3A_21 = arith.muli %arg1, %mul3A_20 : i32
      %add3A_22 = arith.constant 160 : i32
      %add3A_23 = arith.addi %mul3A_21, %add3A_22 : i32
      "tpu.region"() ({
        %run_scoped3A_107 = tpu.sem_alloc : memref<!tpu.dma_semaphore, #tpu.memory_space<semaphore_mem>>
        %dma_start3A = arith.constant 0 : i32
        %dma_start3A_108 = tpu.memref_slice %arg14[%add3A_23, %dma_start3A] : memref<10240x128xf32, #tpu.memory_space<vmem_shared>> -> memref<80x128xf32, #tpu.memory_space<vmem_shared>>
        %dma_start3A_109 = arith.constant 0 : i32
        %dma_start3A_110 = tpu.memref_slice %arg14[%add3A_23, %dma_start3A_109] : memref<10240x128xf32, #tpu.memory_space<vmem_shared>> -> memref<80x128xf32, #tpu.memory_space<vmem_shared>>
        tpu.enqueue_dma source(%arg13 : memref<80x128xf32, #tpu.memory_space<vmem>>) target(%dma_start3A_110 : memref<80x128xf32, #tpu.memory_space<vmem_shared>>) target_semaphore(%run_scoped3A_107 : memref<!tpu.dma_semaphore, #tpu.memory_space<semaphore_mem>>)
        %dma_wait3A = arith.constant 0 : i32
        %dma_wait3A_111 = tpu.memref_slice %arg14[%add3A_23, %dma_wait3A] : memref<10240x128xf32, #tpu.memory_space<vmem_shared>> -> memref<80x128xf32, #tpu.memory_space<vmem_shared>>
        %dma_wait3A_112 = arith.constant 0 : i32
        %dma_wait3A_113 = tpu.memref_slice %arg14[%add3A_23, %dma_wait3A_112] : memref<10240x128xf32, #tpu.memory_space<vmem_shared>> -> memref<80x128xf32, #tpu.memory_space<vmem_shared>>
        tpu.wait_dma2 semaphore(%run_scoped3A_107 : memref<!tpu.dma_semaphore, #tpu.memory_space<semaphore_mem>>) src(%arg13 : memref<80x128xf32, #tpu.memory_space<vmem>>) dst(%dma_wait3A_113 : memref<80x128xf32, #tpu.memory_space<vmem_shared>>)
        tpu.yield
      }) : () -> ()
      %mul3A_24 = arith.constant 640 : i32
      %mul3A_25 = arith.muli %arg1, %mul3A_24 : i32
      %add3A_26 = arith.constant 240 : i32
      %add3A_27 = arith.addi %mul3A_25, %add3A_26 : i32
      "tpu.region"() ({
        %run_scoped3A_107 = tpu.sem_alloc : memref<!tpu.dma_semaphore, #tpu.memory_space<semaphore_mem>>
        %dma_start3A = arith.constant 0 : i32
        %dma_start3A_108 = tpu.memref_slice %arg14[%add3A_27, %dma_start3A] : memref<10240x128xf32, #tpu.memory_space<vmem_shared>> -> memref<80x128xf32, #tpu.memory_space<vmem_shared>>
        %dma_start3A_109 = arith.constant 0 : i32
        %dma_start3A_110 = tpu.memref_slice %arg14[%add3A_27, %dma_start3A_109] : memref<10240x128xf32, #tpu.memory_space<vmem_shared>> -> memref<80x128xf32, #tpu.memory_space<vmem_shared>>
        tpu.enqueue_dma source(%arg13 : memref<80x128xf32, #tpu.memory_space<vmem>>) target(%dma_start3A_110 : memref<80x128xf32, #tpu.memory_space<vmem_shared>>) target_semaphore(%run_scoped3A_107 : memref<!tpu.dma_semaphore, #tpu.memory_space<semaphore_mem>>)
        %dma_wait3A = arith.constant 0 : i32
        %dma_wait3A_111 = tpu.memref_slice %arg14[%add3A_27, %dma_wait3A] : memref<10240x128xf32, #tpu.memory_space<vmem_shared>> -> memref<80x128xf32, #tpu.memory_space<vmem_shared>>
        %dma_wait3A_112 = arith.constant 0 : i32
        %dma_wait3A_113 = tpu.memref_slice %arg14[%add3A_27, %dma_wait3A_112] : memref<10240x128xf32, #tpu.memory_space<vmem_shared>> -> memref<80x128xf32, #tpu.memory_space<vmem_shared>>
        tpu.wait_dma2 semaphore(%run_scoped3A_107 : memref<!tpu.dma_semaphore, #tpu.memory_space<semaphore_mem>>) src(%arg13 : memref<80x128xf32, #tpu.memory_space<vmem>>) dst(%dma_wait3A_113 : memref<80x128xf32, #tpu.memory_space<vmem_shared>>)
        tpu.yield
      }) : () -> ()
      %mul3A_28 = arith.constant 640 : i32
      %mul3A_29 = arith.muli %arg1, %mul3A_28 : i32
      %add3A_30 = arith.constant 320 : i32
      %add3A_31 = arith.addi %mul3A_29, %add3A_30 : i32
      "tpu.region"() ({
        %run_scoped3A_107 = tpu.sem_alloc : memref<!tpu.dma_semaphore, #tpu.memory_space<semaphore_mem>>
        %dma_start3A = arith.constant 0 : i32
        %dma_start3A_108 = tpu.memref_slice %arg14[%add3A_31, %dma_start3A] : memref<10240x128xf32, #tpu.memory_space<vmem_shared>> -> memref<80x128xf32, #tpu.memory_space<vmem_shared>>
        %dma_start3A_109 = arith.constant 0 : i32
        %dma_start3A_110 = tpu.memref_slice %arg14[%add3A_31, %dma_start3A_109] : memref<10240x128xf32, #tpu.memory_space<vmem_shared>> -> memref<80x128xf32, #tpu.memory_space<vmem_shared>>
        tpu.enqueue_dma source(%arg13 : memref<80x128xf32, #tpu.memory_space<vmem>>) target(%dma_start3A_110 : memref<80x128xf32, #tpu.memory_space<vmem_shared>>) target_semaphore(%run_scoped3A_107 : memref<!tpu.dma_semaphore, #tpu.memory_space<semaphore_mem>>)
        %dma_wait3A = arith.constant 0 : i32
        %dma_wait3A_111 = tpu.memref_slice %arg14[%add3A_31, %dma_wait3A] : memref<10240x128xf32, #tpu.memory_space<vmem_shared>> -> memref<80x128xf32, #tpu.memory_space<vmem_shared>>
        %dma_wait3A_112 = arith.constant 0 : i32
        %dma_wait3A_113 = tpu.memref_slice %arg14[%add3A_31, %dma_wait3A_112] : memref<10240x128xf32, #tpu.memory_space<vmem_shared>> -> memref<80x128xf32, #tpu.memory_space<vmem_shared>>
        tpu.wait_dma2 semaphore(%run_scoped3A_107 : memref<!tpu.dma_semaphore, #tpu.memory_space<semaphore_mem>>) src(%arg13 : memref<80x128xf32, #tpu.memory_space<vmem>>) dst(%dma_wait3A_113 : memref<80x128xf32, #tpu.memory_space<vmem_shared>>)
        tpu.yield
      }) : () -> ()
      %mul3A_32 = arith.constant 640 : i32
      %mul3A_33 = arith.muli %arg1, %mul3A_32 : i32
      %add3A_34 = arith.constant 400 : i32
      %add3A_35 = arith.addi %mul3A_33, %add3A_34 : i32
      "tpu.region"() ({
        %run_scoped3A_107 = tpu.sem_alloc : memref<!tpu.dma_semaphore, #tpu.memory_space<semaphore_mem>>
        %dma_start3A = arith.constant 0 : i32
        %dma_start3A_108 = tpu.memref_slice %arg14[%add3A_35, %dma_start3A] : memref<10240x128xf32, #tpu.memory_space<vmem_shared>> -> memref<80x128xf32, #tpu.memory_space<vmem_shared>>
        %dma_start3A_109 = arith.constant 0 : i32
        %dma_start3A_110 = tpu.memref_slice %arg14[%add3A_35, %dma_start3A_109] : memref<10240x128xf32, #tpu.memory_space<vmem_shared>> -> memref<80x128xf32, #tpu.memory_space<vmem_shared>>
        tpu.enqueue_dma source(%arg13 : memref<80x128xf32, #tpu.memory_space<vmem>>) target(%dma_start3A_110 : memref<80x128xf32, #tpu.memory_space<vmem_shared>>) target_semaphore(%run_scoped3A_107 : memref<!tpu.dma_semaphore, #tpu.memory_space<semaphore_mem>>)
        %dma_wait3A = arith.constant 0 : i32
        %dma_wait3A_111 = tpu.memref_slice %arg14[%add3A_35, %dma_wait3A] : memref<10240x128xf32, #tpu.memory_space<vmem_shared>> -> memref<80x128xf32, #tpu.memory_space<vmem_shared>>
        %dma_wait3A_112 = arith.constant 0 : i32
        %dma_wait3A_113 = tpu.memref_slice %arg14[%add3A_35, %dma_wait3A_112] : memref<10240x128xf32, #tpu.memory_space<vmem_shared>> -> memref<80x128xf32, #tpu.memory_space<vmem_shared>>
        tpu.wait_dma2 semaphore(%run_scoped3A_107 : memref<!tpu.dma_semaphore, #tpu.memory_space<semaphore_mem>>) src(%arg13 : memref<80x128xf32, #tpu.memory_space<vmem>>) dst(%dma_wait3A_113 : memref<80x128xf32, #tpu.memory_space<vmem_shared>>)
        tpu.yield
      }) : () -> ()
      %mul3A_36 = arith.constant 640 : i32
      %mul3A_37 = arith.muli %arg1, %mul3A_36 : i32
      %add3A_38 = arith.constant 480 : i32
      %add3A_39 = arith.addi %mul3A_37, %add3A_38 : i32
      "tpu.region"() ({
        %run_scoped3A_107 = tpu.sem_alloc : memref<!tpu.dma_semaphore, #tpu.memory_space<semaphore_mem>>
        %dma_start3A = arith.constant 0 : i32
        %dma_start3A_108 = tpu.memref_slice %arg14[%add3A_39, %dma_start3A] : memref<10240x128xf32, #tpu.memory_space<vmem_shared>> -> memref<80x128xf32, #tpu.memory_space<vmem_shared>>
        %dma_start3A_109 = arith.constant 0 : i32
        %dma_start3A_110 = tpu.memref_slice %arg14[%add3A_39, %dma_start3A_109] : memref<10240x128xf32, #tpu.memory_space<vmem_shared>> -> memref<80x128xf32, #tpu.memory_space<vmem_shared>>
        tpu.enqueue_dma source(%arg13 : memref<80x128xf32, #tpu.memory_space<vmem>>) target(%dma_start3A_110 : memref<80x128xf32, #tpu.memory_space<vmem_shared>>) target_semaphore(%run_scoped3A_107 : memref<!tpu.dma_semaphore, #tpu.memory_space<semaphore_mem>>)
        %dma_wait3A = arith.constant 0 : i32
        %dma_wait3A_111 = tpu.memref_slice %arg14[%add3A_39, %dma_wait3A] : memref<10240x128xf32, #tpu.memory_space<vmem_shared>> -> memref<80x128xf32, #tpu.memory_space<vmem_shared>>
        %dma_wait3A_112 = arith.constant 0 : i32
        %dma_wait3A_113 = tpu.memref_slice %arg14[%add3A_39, %dma_wait3A_112] : memref<10240x128xf32, #tpu.memory_space<vmem_shared>> -> memref<80x128xf32, #tpu.memory_space<vmem_shared>>
        tpu.wait_dma2 semaphore(%run_scoped3A_107 : memref<!tpu.dma_semaphore, #tpu.memory_space<semaphore_mem>>) src(%arg13 : memref<80x128xf32, #tpu.memory_space<vmem>>) dst(%dma_wait3A_113 : memref<80x128xf32, #tpu.memory_space<vmem_shared>>)
        tpu.yield
      }) : () -> ()
      %mul3A_40 = arith.constant 640 : i32
      %mul3A_41 = arith.muli %arg1, %mul3A_40 : i32
      %add3A_42 = arith.constant 560 : i32
      %add3A_43 = arith.addi %mul3A_41, %add3A_42 : i32
      "tpu.region"() ({
        %run_scoped3A_107 = tpu.sem_alloc : memref<!tpu.dma_semaphore, #tpu.memory_space<semaphore_mem>>
        %dma_start3A = arith.constant 0 : i32
        %dma_start3A_108 = tpu.memref_slice %arg14[%add3A_43, %dma_start3A] : memref<10240x128xf32, #tpu.memory_space<vmem_shared>> -> memref<80x128xf32, #tpu.memory_space<vmem_shared>>
        %dma_start3A_109 = arith.constant 0 : i32
        %dma_start3A_110 = tpu.memref_slice %arg14[%add3A_43, %dma_start3A_109] : memref<10240x128xf32, #tpu.memory_space<vmem_shared>> -> memref<80x128xf32, #tpu.memory_space<vmem_shared>>
        tpu.enqueue_dma source(%arg13 : memref<80x128xf32, #tpu.memory_space<vmem>>) target(%dma_start3A_110 : memref<80x128xf32, #tpu.memory_space<vmem_shared>>) target_semaphore(%run_scoped3A_107 : memref<!tpu.dma_semaphore, #tpu.memory_space<semaphore_mem>>)
        %dma_wait3A = arith.constant 0 : i32
        %dma_wait3A_111 = tpu.memref_slice %arg14[%add3A_43, %dma_wait3A] : memref<10240x128xf32, #tpu.memory_space<vmem_shared>> -> memref<80x128xf32, #tpu.memory_space<vmem_shared>>
        %dma_wait3A_112 = arith.constant 0 : i32
        %dma_wait3A_113 = tpu.memref_slice %arg14[%add3A_43, %dma_wait3A_112] : memref<10240x128xf32, #tpu.memory_space<vmem_shared>> -> memref<80x128xf32, #tpu.memory_space<vmem_shared>>
        tpu.wait_dma2 semaphore(%run_scoped3A_107 : memref<!tpu.dma_semaphore, #tpu.memory_space<semaphore_mem>>) src(%arg13 : memref<80x128xf32, #tpu.memory_space<vmem>>) dst(%dma_wait3A_113 : memref<80x128xf32, #tpu.memory_space<vmem_shared>>)
        tpu.yield
      }) : () -> ()
      %barrier3A = arith.constant 0 : index
      tpu.barrier barrier_id(%barrier3A)
      %scan3A_44 = arith.constant 0 : i32
      %scan3A_45 = arith.constant 0 : i32
      %scan3A_46 = arith.constant 125 : i32
      %scan3A_47 = arith.addi %scan3A_45, %scan3A_46 : i32
      %scan3A_48 = arith.constant 1 : i32
      scf.for %scan3A_107 = %scan3A_45 to %scan3A_47 step %scan3A_48  : i32 {
        "tpu.region"() ({
          %run_scoped3A_108 = tpu.sem_alloc : memref<!tpu.dma_semaphore, #tpu.memory_space<semaphore_mem>>
          %dma_start3A = arith.constant 0 : i32
          %dma_start3A_109 = tpu.memref_slice %arg11[%scan3A_107, %dma_start3A] : memref<125x80xi32, #tpu.memory_space<vmem>> -> memref<1x80xi32, #tpu.memory_space<vmem>>
          %dma_start3A_110 = tpu.memref_squeeze %dma_start3A_109 : memref<1x80xi32, #tpu.memory_space<vmem>> -> memref<80xi32, #tpu.memory_space<vmem>>
          %dma_start3A_111 = arith.constant 0 : i32
          %dma_start3A_112 = arith.constant 0 : i32
          %dma_start3A_113 = tpu.memref_slice %arg2[%dma_start3A_111, %dma_start3A_112] : memref<10240x128xf32, #tpu.memory_space<hbm>> -> memref<10240x128xf32, #tpu.memory_space<hbm>>
          tpu.enqueue_indirect_dma source(%dma_start3A_113 : memref<10240x128xf32, #tpu.memory_space<hbm>>) target(%arg13 : memref<80x128xf32, #tpu.memory_space<vmem>>) offsets(%dma_start3A_110 : memref<80xi32, #tpu.memory_space<vmem>>) semaphore(%run_scoped3A_108 : memref<!tpu.dma_semaphore, #tpu.memory_space<semaphore_mem>>)
          %dma_wait3A = arith.constant 0 : i32
          %dma_wait3A_114 = tpu.memref_slice %arg11[%scan3A_107, %dma_wait3A] : memref<125x80xi32, #tpu.memory_space<vmem>> -> memref<1x80xi32, #tpu.memory_space<vmem>>
          %dma_wait3A_115 = tpu.memref_squeeze %dma_wait3A_114 : memref<1x80xi32, #tpu.memory_space<vmem>> -> memref<80xi32, #tpu.memory_space<vmem>>
          %dma_wait3A_116 = arith.constant 0 : i32
          %dma_wait3A_117 = arith.constant 0 : i32
          %dma_wait3A_118 = tpu.memref_slice %arg2[%dma_wait3A_116, %dma_wait3A_117] : memref<10240x128xf32, #tpu.memory_space<hbm>> -> memref<10240x128xf32, #tpu.memory_space<hbm>>
          tpu.wait_indirect_dma semaphore(%run_scoped3A_108 : memref<!tpu.dma_semaphore, #tpu.memory_space<semaphore_mem>>) src(%dma_wait3A_118 : memref<10240x128xf32, #tpu.memory_space<hbm>>) dst(%arg13 : memref<80x128xf32, #tpu.memory_space<vmem>>)
          tpu.yield
        }) : () -> ()
        "tpu.region"() ({
          %run_scoped3A_108 = tpu.sem_alloc : memref<!tpu.dma_semaphore, #tpu.memory_space<semaphore_mem>>
          %dma_start3A = arith.constant 0 : i32
          %dma_start3A_109 = tpu.memref_slice %arg12[%scan3A_107, %dma_start3A] : memref<125x80xi32, #tpu.memory_space<vmem>> -> memref<1x80xi32, #tpu.memory_space<vmem>>
          %dma_start3A_110 = tpu.memref_squeeze %dma_start3A_109 : memref<1x80xi32, #tpu.memory_space<vmem>> -> memref<80xi32, #tpu.memory_space<vmem>>
          %dma_start3A_111 = arith.constant 0 : i32
          %dma_start3A_112 = arith.constant 0 : i32
          %dma_start3A_113 = tpu.memref_slice %arg14[%dma_start3A_111, %dma_start3A_112] : memref<10240x128xf32, #tpu.memory_space<vmem_shared>> -> memref<10240x128xf32, #tpu.memory_space<vmem_shared>>
          tpu.enqueue_indirect_dma source(%arg13 : memref<80x128xf32, #tpu.memory_space<vmem>>) target(%dma_start3A_113 : memref<10240x128xf32, #tpu.memory_space<vmem_shared>>) offsets(%dma_start3A_110 : memref<80xi32, #tpu.memory_space<vmem>>) semaphore(%run_scoped3A_108 : memref<!tpu.dma_semaphore, #tpu.memory_space<semaphore_mem>>) {add = true}
          %dma_wait3A = arith.constant 0 : i32
          %dma_wait3A_114 = tpu.memref_slice %arg12[%scan3A_107, %dma_wait3A] : memref<125x80xi32, #tpu.memory_space<vmem>> -> memref<1x80xi32, #tpu.memory_space<vmem>>
          %dma_wait3A_115 = tpu.memref_squeeze %dma_wait3A_114 : memref<1x80xi32, #tpu.memory_space<vmem>> -> memref<80xi32, #tpu.memory_space<vmem>>
          %dma_wait3A_116 = arith.constant 0 : i32
          %dma_wait3A_117 = arith.constant 0 : i32
          %dma_wait3A_118 = tpu.memref_slice %arg14[%dma_wait3A_116, %dma_wait3A_117] : memref<10240x128xf32, #tpu.memory_space<vmem_shared>> -> memref<10240x128xf32, #tpu.memory_space<vmem_shared>>
          tpu.wait_indirect_dma semaphore(%run_scoped3A_108 : memref<!tpu.dma_semaphore, #tpu.memory_space<semaphore_mem>>) src(%arg13 : memref<80x128xf32, #tpu.memory_space<vmem>>) dst(%dma_wait3A_118 : memref<10240x128xf32, #tpu.memory_space<vmem_shared>>)
          tpu.yield
        }) : () -> ()
      }
      %scan3A_49 = arith.constant 125 : i32
      %barrier3A_50 = arith.constant 0 : index
      tpu.barrier barrier_id(%barrier3A_50)
      %mul3A_51 = arith.constant 640 : i32
      %mul3A_52 = arith.muli %arg1, %mul3A_51 : i32
      %mul3A_53 = arith.constant 640 : i32
      %mul3A_54 = arith.muli %arg1, %mul3A_53 : i32
      "tpu.region"() ({
        %run_scoped3A_107 = tpu.sem_alloc : memref<!tpu.dma_semaphore, #tpu.memory_space<semaphore_mem>>
        %dma_start3A = arith.constant 0 : i32
        %dma_start3A_108 = tpu.memref_slice %arg7[%mul3A_54, %dma_start3A] : memref<10240x128xf32, #tpu.memory_space<hbm>> -> memref<640x128xf32, #tpu.memory_space<hbm>>
        %dma_start3A_109 = arith.constant 0 : i32
        %dma_start3A_110 = tpu.memref_slice %arg14[%mul3A_52, %dma_start3A_109] : memref<10240x128xf32, #tpu.memory_space<vmem_shared>> -> memref<640x128xf32, #tpu.memory_space<vmem_shared>>
        tpu.enqueue_dma source(%dma_start3A_110 : memref<640x128xf32, #tpu.memory_space<vmem_shared>>) target(%dma_start3A_108 : memref<640x128xf32, #tpu.memory_space<hbm>>) target_semaphore(%run_scoped3A_107 : memref<!tpu.dma_semaphore, #tpu.memory_space<semaphore_mem>>)
        %dma_wait3A = arith.constant 0 : i32
        %dma_wait3A_111 = tpu.memref_slice %arg7[%mul3A_54, %dma_wait3A] : memref<10240x128xf32, #tpu.memory_space<hbm>> -> memref<640x128xf32, #tpu.memory_space<hbm>>
        %dma_wait3A_112 = arith.constant 0 : i32
        %dma_wait3A_113 = tpu.memref_slice %arg14[%mul3A_52, %dma_wait3A_112] : memref<10240x128xf32, #tpu.memory_space<vmem_shared>> -> memref<640x128xf32, #tpu.memory_space<vmem_shared>>
        tpu.wait_dma2 semaphore(%run_scoped3A_107 : memref<!tpu.dma_semaphore, #tpu.memory_space<semaphore_mem>>) src(%dma_wait3A_113 : memref<640x128xf32, #tpu.memory_space<vmem_shared>>) dst(%dma_wait3A_111 : memref<640x128xf32, #tpu.memory_space<hbm>>)
        tpu.yield
      }) : () -> ()
      %barrier3A_55 = arith.constant 0 : index
      tpu.barrier barrier_id(%barrier3A_55)
      %scan3A_56 = arith.constant 0 : i32
      %scan3A_57 = arith.constant 0 : i32
      %scan3A_58 = arith.constant 640 : i32
      %scan3A_59 = arith.addi %scan3A_57, %scan3A_58 : i32
      %scan3A_60 = arith.constant 1 : i32
      scf.for %scan3A_107 = %scan3A_57 to %scan3A_59 step %scan3A_60  : i32 {
        %jit3A = arith.constant 8 : i32
        %div3A = arith.divsi %scan3A_107, %jit3A : i32
        %sign3A = arith.constant 0 : i32
        %sign3A_108 = arith.cmpi sgt, %scan3A_107, %sign3A : i32
        %sign3A_109 = arith.extui %sign3A_108 : i1 to i32
        %sign3A_110 = arith.constant 0 : i32
        %sign3A_111 = arith.cmpi slt, %scan3A_107, %sign3A_110 : i32
        %sign3A_112 = arith.extui %sign3A_111 : i1 to i32
        %sign3A_113 = arith.subi %sign3A_109, %sign3A_112 : i32
        %sign3A_114 = arith.constant 0 : i32
        %sign3A_115 = arith.cmpi sgt, %jit3A, %sign3A_114 : i32
        %sign3A_116 = arith.extui %sign3A_115 : i1 to i32
        %sign3A_117 = arith.constant 0 : i32
        %sign3A_118 = arith.cmpi slt, %jit3A, %sign3A_117 : i32
        %sign3A_119 = arith.extui %sign3A_118 : i1 to i32
        %sign3A_120 = arith.subi %sign3A_116, %sign3A_119 : i32
        %ne3A = arith.cmpi ne, %sign3A_113, %sign3A_120 : i32
        %rem3A = arith.remsi %scan3A_107, %jit3A : i32
        %ne3A_121 = arith.constant 0 : i32
        %ne3A_122 = arith.cmpi ne, %rem3A, %ne3A_121 : i32
        %and3A = arith.andi %ne3A, %ne3A_122 : i1
        %sub3A = arith.constant 1 : i32
        %sub3A_123 = arith.subi %div3A, %sub3A : i32
        %select_n3A = arith.select %and3A, %sub3A_123, %div3A : i32
        %jit3A_124 = arith.constant 8 : i32
        %eq3A_125 = arith.constant 0 : i32
        %eq3A_126 = arith.cmpi eq, %jit3A_124, %eq3A_125 : i32
        %jit3A_127 = arith.constant 1 : i32
        %select_n3A_128 = arith.select %eq3A_126, %jit3A_127, %jit3A_124 : i32
        %rem3A_129 = arith.remsi %scan3A_107, %select_n3A_128 : i32
        %ne3A_130 = arith.constant 0 : i32
        %ne3A_131 = arith.cmpi ne, %rem3A_129, %ne3A_130 : i32
        %lt3A = arith.constant 0 : i32
        %lt3A_132 = arith.cmpi slt, %rem3A_129, %lt3A : i32
        %lt3A_133 = arith.constant 0 : i32
        %lt3A_134 = arith.cmpi slt, %select_n3A_128, %lt3A_133 : i32
        %ne3A_135 = arith.xori %lt3A_132, %lt3A_134 : i1
        %and3A_136 = arith.andi %ne3A_135, %ne3A_131 : i1
        %add3A_137 = arith.addi %rem3A_129, %select_n3A_128 : i32
        %select_n3A_138 = arith.select %and3A_136, %add3A_137, %rem3A_129 : i32
        %mul3A_139 = arith.constant 16 : i32
        %mul3A_140 = arith.muli %select_n3A_138, %mul3A_139 : i32
        %swap3A = arith.index_cast %select_n3A : i32 to index
        %swap3A_141 = arith.index_cast %mul3A_140 : i32 to index
        %swap3A_142 = tpu.vector_load %arg13[%swap3A, %swap3A_141] {strides = array<i32>} : memref<80x128xf32, #tpu.memory_space<vmem>>, vector<1x16xf32>,
        %swap3A_143 = vector.shape_cast %swap3A_142 : vector<1x16xf32> to vector<16xf32>
        %swap3A_144 = vector.shape_cast %broadcast_in_dim3A_0 : vector<16xf32> to vector<1x16xf32>
        tpu.vector_store %arg13[%swap3A, %swap3A_141], %swap3A_144 {strides = array<i32>} : memref<80x128xf32, #tpu.memory_space<vmem>>, vector<1x16xf32>,
      }
      %scan3A_61 = arith.constant 640 : i32
      %mul3A_62 = arith.constant 640 : i32
      %mul3A_63 = arith.muli %arg1, %mul3A_62 : i32
      %add3A_64 = arith.constant 0 : i32
      %add3A_65 = arith.addi %mul3A_63, %add3A_64 : i32
      "tpu.region"() ({
        %run_scoped3A_107 = tpu.sem_alloc : memref<!tpu.dma_semaphore, #tpu.memory_space<semaphore_mem>>
        %dma_start3A = arith.constant 0 : i32
        %dma_start3A_108 = tpu.memref_slice %arg14[%add3A_65, %dma_start3A] : memref<10240x128xf32, #tpu.memory_space<vmem_shared>> -> memref<80x128xf32, #tpu.memory_space<vmem_shared>>
        %dma_start3A_109 = arith.constant 0 : i32
        %dma_start3A_110 = tpu.memref_slice %arg14[%add3A_65, %dma_start3A_109] : memref<10240x128xf32, #tpu.memory_space<vmem_shared>> -> memref<80x128xf32, #tpu.memory_space<vmem_shared>>
        tpu.enqueue_dma source(%arg13 : memref<80x128xf32, #tpu.memory_space<vmem>>) target(%dma_start3A_110 : memref<80x128xf32, #tpu.memory_space<vmem_shared>>) target_semaphore(%run_scoped3A_107 : memref<!tpu.dma_semaphore, #tpu.memory_space<semaphore_mem>>)
        %dma_wait3A = arith.constant 0 : i32
        %dma_wait3A_111 = tpu.memref_slice %arg14[%add3A_65, %dma_wait3A] : memref<10240x128xf32, #tpu.memory_space<vmem_shared>> -> memref<80x128xf32, #tpu.memory_space<vmem_shared>>
        %dma_wait3A_112 = arith.constant 0 : i32
        %dma_wait3A_113 = tpu.memref_slice %arg14[%add3A_65, %dma_wait3A_112] : memref<10240x128xf32, #tpu.memory_space<vmem_shared>> -> memref<80x128xf32, #tpu.memory_space<vmem_shared>>
        tpu.wait_dma2 semaphore(%run_scoped3A_107 : memref<!tpu.dma_semaphore, #tpu.memory_space<semaphore_mem>>) src(%arg13 : memref<80x128xf32, #tpu.memory_space<vmem>>) dst(%dma_wait3A_113 : memref<80x128xf32, #tpu.memory_space<vmem_shared>>)
        tpu.yield
      }) : () -> ()
      %mul3A_66 = arith.constant 640 : i32
      %mul3A_67 = arith.muli %arg1, %mul3A_66 : i32
      %add3A_68 = arith.constant 80 : i32
      %add3A_69 = arith.addi %mul3A_67, %add3A_68 : i32
      "tpu.region"() ({
        %run_scoped3A_107 = tpu.sem_alloc : memref<!tpu.dma_semaphore, #tpu.memory_space<semaphore_mem>>
        %dma_start3A = arith.constant 0 : i32
        %dma_start3A_108 = tpu.memref_slice %arg14[%add3A_69, %dma_start3A] : memref<10240x128xf32, #tpu.memory_space<vmem_shared>> -> memref<80x128xf32, #tpu.memory_space<vmem_shared>>
        %dma_start3A_109 = arith.constant 0 : i32
        %dma_start3A_110 = tpu.memref_slice %arg14[%add3A_69, %dma_start3A_109] : memref<10240x128xf32, #tpu.memory_space<vmem_shared>> -> memref<80x128xf32, #tpu.memory_space<vmem_shared>>
        tpu.enqueue_dma source(%arg13 : memref<80x128xf32, #tpu.memory_space<vmem>>) target(%dma_start3A_110 : memref<80x128xf32, #tpu.memory_space<vmem_shared>>) target_semaphore(%run_scoped3A_107 : memref<!tpu.dma_semaphore, #tpu.memory_space<semaphore_mem>>)
        %dma_wait3A = arith.constant 0 : i32
        %dma_wait3A_111 = tpu.memref_slice %arg14[%add3A_69, %dma_wait3A] : memref<10240x128xf32, #tpu.memory_space<vmem_shared>> -> memref<80x128xf32, #tpu.memory_space<vmem_shared>>
        %dma_wait3A_112 = arith.constant 0 : i32
        %dma_wait3A_113 = tpu.memref_slice %arg14[%add3A_69, %dma_wait3A_112] : memref<10240x128xf32, #tpu.memory_space<vmem_shared>> -> memref<80x128xf32, #tpu.memory_space<vmem_shared>>
        tpu.wait_dma2 semaphore(%run_scoped3A_107 : memref<!tpu.dma_semaphore, #tpu.memory_space<semaphore_mem>>) src(%arg13 : memref<80x128xf32, #tpu.memory_space<vmem>>) dst(%dma_wait3A_113 : memref<80x128xf32, #tpu.memory_space<vmem_shared>>)
        tpu.yield
      }) : () -> ()
      %mul3A_70 = arith.constant 640 : i32
      %mul3A_71 = arith.muli %arg1, %mul3A_70 : i32
      %add3A_72 = arith.constant 160 : i32
      %add3A_73 = arith.addi %mul3A_71, %add3A_72 : i32
      "tpu.region"() ({
        %run_scoped3A_107 = tpu.sem_alloc : memref<!tpu.dma_semaphore, #tpu.memory_space<semaphore_mem>>
        %dma_start3A = arith.constant 0 : i32
        %dma_start3A_108 = tpu.memref_slice %arg14[%add3A_73, %dma_start3A] : memref<10240x128xf32, #tpu.memory_space<vmem_shared>> -> memref<80x128xf32, #tpu.memory_space<vmem_shared>>
        %dma_start3A_109 = arith.constant 0 : i32
        %dma_start3A_110 = tpu.memref_slice %arg14[%add3A_73, %dma_start3A_109] : memref<10240x128xf32, #tpu.memory_space<vmem_shared>> -> memref<80x128xf32, #tpu.memory_space<vmem_shared>>
        tpu.enqueue_dma source(%arg13 : memref<80x128xf32, #tpu.memory_space<vmem>>) target(%dma_start3A_110 : memref<80x128xf32, #tpu.memory_space<vmem_shared>>) target_semaphore(%run_scoped3A_107 : memref<!tpu.dma_semaphore, #tpu.memory_space<semaphore_mem>>)
        %dma_wait3A = arith.constant 0 : i32
        %dma_wait3A_111 = tpu.memref_slice %arg14[%add3A_73, %dma_wait3A] : memref<10240x128xf32, #tpu.memory_space<vmem_shared>> -> memref<80x128xf32, #tpu.memory_space<vmem_shared>>
        %dma_wait3A_112 = arith.constant 0 : i32
        %dma_wait3A_113 = tpu.memref_slice %arg14[%add3A_73, %dma_wait3A_112] : memref<10240x128xf32, #tpu.memory_space<vmem_shared>> -> memref<80x128xf32, #tpu.memory_space<vmem_shared>>
        tpu.wait_dma2 semaphore(%run_scoped3A_107 : memref<!tpu.dma_semaphore, #tpu.memory_space<semaphore_mem>>) src(%arg13 : memref<80x128xf32, #tpu.memory_space<vmem>>) dst(%dma_wait3A_113 : memref<80x128xf32, #tpu.memory_space<vmem_shared>>)
        tpu.yield
      }) : () -> ()
      %mul3A_74 = arith.constant 640 : i32
      %mul3A_75 = arith.muli %arg1, %mul3A_74 : i32
      %add3A_76 = arith.constant 240 : i32
      %add3A_77 = arith.addi %mul3A_75, %add3A_76 : i32
      "tpu.region"() ({
        %run_scoped3A_107 = tpu.sem_alloc : memref<!tpu.dma_semaphore, #tpu.memory_space<semaphore_mem>>
        %dma_start3A = arith.constant 0 : i32
        %dma_start3A_108 = tpu.memref_slice %arg14[%add3A_77, %dma_start3A] : memref<10240x128xf32, #tpu.memory_space<vmem_shared>> -> memref<80x128xf32, #tpu.memory_space<vmem_shared>>
        %dma_start3A_109 = arith.constant 0 : i32
        %dma_start3A_110 = tpu.memref_slice %arg14[%add3A_77, %dma_start3A_109] : memref<10240x128xf32, #tpu.memory_space<vmem_shared>> -> memref<80x128xf32, #tpu.memory_space<vmem_shared>>
        tpu.enqueue_dma source(%arg13 : memref<80x128xf32, #tpu.memory_space<vmem>>) target(%dma_start3A_110 : memref<80x128xf32, #tpu.memory_space<vmem_shared>>) target_semaphore(%run_scoped3A_107 : memref<!tpu.dma_semaphore, #tpu.memory_space<semaphore_mem>>)
        %dma_wait3A = arith.constant 0 : i32
        %dma_wait3A_111 = tpu.memref_slice %arg14[%add3A_77, %dma_wait3A] : memref<10240x128xf32, #tpu.memory_space<vmem_shared>> -> memref<80x128xf32, #tpu.memory_space<vmem_shared>>
        %dma_wait3A_112 = arith.constant 0 : i32
        %dma_wait3A_113 = tpu.memref_slice %arg14[%add3A_77, %dma_wait3A_112] : memref<10240x128xf32, #tpu.memory_space<vmem_shared>> -> memref<80x128xf32, #tpu.memory_space<vmem_shared>>
        tpu.wait_dma2 semaphore(%run_scoped3A_107 : memref<!tpu.dma_semaphore, #tpu.memory_space<semaphore_mem>>) src(%arg13 : memref<80x128xf32, #tpu.memory_space<vmem>>) dst(%dma_wait3A_113 : memref<80x128xf32, #tpu.memory_space<vmem_shared>>)
        tpu.yield
      }) : () -> ()
      %mul3A_78 = arith.constant 640 : i32
      %mul3A_79 = arith.muli %arg1, %mul3A_78 : i32
      %add3A_80 = arith.constant 320 : i32
      %add3A_81 = arith.addi %mul3A_79, %add3A_80 : i32
      "tpu.region"() ({
        %run_scoped3A_107 = tpu.sem_alloc : memref<!tpu.dma_semaphore, #tpu.memory_space<semaphore_mem>>
        %dma_start3A = arith.constant 0 : i32
        %dma_start3A_108 = tpu.memref_slice %arg14[%add3A_81, %dma_start3A] : memref<10240x128xf32, #tpu.memory_space<vmem_shared>> -> memref<80x128xf32, #tpu.memory_space<vmem_shared>>
        %dma_start3A_109 = arith.constant 0 : i32
        %dma_start3A_110 = tpu.memref_slice %arg14[%add3A_81, %dma_start3A_109] : memref<10240x128xf32, #tpu.memory_space<vmem_shared>> -> memref<80x128xf32, #tpu.memory_space<vmem_shared>>
        tpu.enqueue_dma source(%arg13 : memref<80x128xf32, #tpu.memory_space<vmem>>) target(%dma_start3A_110 : memref<80x128xf32, #tpu.memory_space<vmem_shared>>) target_semaphore(%run_scoped3A_107 : memref<!tpu.dma_semaphore, #tpu.memory_space<semaphore_mem>>)
        %dma_wait3A = arith.constant 0 : i32
        %dma_wait3A_111 = tpu.memref_slice %arg14[%add3A_81, %dma_wait3A] : memref<10240x128xf32, #tpu.memory_space<vmem_shared>> -> memref<80x128xf32, #tpu.memory_space<vmem_shared>>
        %dma_wait3A_112 = arith.constant 0 : i32
        %dma_wait3A_113 = tpu.memref_slice %arg14[%add3A_81, %dma_wait3A_112] : memref<10240x128xf32, #tpu.memory_space<vmem_shared>> -> memref<80x128xf32, #tpu.memory_space<vmem_shared>>
        tpu.wait_dma2 semaphore(%run_scoped3A_107 : memref<!tpu.dma_semaphore, #tpu.memory_space<semaphore_mem>>) src(%arg13 : memref<80x128xf32, #tpu.memory_space<vmem>>) dst(%dma_wait3A_113 : memref<80x128xf32, #tpu.memory_space<vmem_shared>>)
        tpu.yield
      }) : () -> ()
      %mul3A_82 = arith.constant 640 : i32
      %mul3A_83 = arith.muli %arg1, %mul3A_82 : i32
      %add3A_84 = arith.constant 400 : i32
      %add3A_85 = arith.addi %mul3A_83, %add3A_84 : i32
      "tpu.region"() ({
        %run_scoped3A_107 = tpu.sem_alloc : memref<!tpu.dma_semaphore, #tpu.memory_space<semaphore_mem>>
        %dma_start3A = arith.constant 0 : i32
        %dma_start3A_108 = tpu.memref_slice %arg14[%add3A_85, %dma_start3A] : memref<10240x128xf32, #tpu.memory_space<vmem_shared>> -> memref<80x128xf32, #tpu.memory_space<vmem_shared>>
        %dma_start3A_109 = arith.constant 0 : i32
        %dma_start3A_110 = tpu.memref_slice %arg14[%add3A_85, %dma_start3A_109] : memref<10240x128xf32, #tpu.memory_space<vmem_shared>> -> memref<80x128xf32, #tpu.memory_space<vmem_shared>>
        tpu.enqueue_dma source(%arg13 : memref<80x128xf32, #tpu.memory_space<vmem>>) target(%dma_start3A_110 : memref<80x128xf32, #tpu.memory_space<vmem_shared>>) target_semaphore(%run_scoped3A_107 : memref<!tpu.dma_semaphore, #tpu.memory_space<semaphore_mem>>)
        %dma_wait3A = arith.constant 0 : i32
        %dma_wait3A_111 = tpu.memref_slice %arg14[%add3A_85, %dma_wait3A] : memref<10240x128xf32, #tpu.memory_space<vmem_shared>> -> memref<80x128xf32, #tpu.memory_space<vmem_shared>>
        %dma_wait3A_112 = arith.constant 0 : i32
        %dma_wait3A_113 = tpu.memref_slice %arg14[%add3A_85, %dma_wait3A_112] : memref<10240x128xf32, #tpu.memory_space<vmem_shared>> -> memref<80x128xf32, #tpu.memory_space<vmem_shared>>
        tpu.wait_dma2 semaphore(%run_scoped3A_107 : memref<!tpu.dma_semaphore, #tpu.memory_space<semaphore_mem>>) src(%arg13 : memref<80x128xf32, #tpu.memory_space<vmem>>) dst(%dma_wait3A_113 : memref<80x128xf32, #tpu.memory_space<vmem_shared>>)
        tpu.yield
      }) : () -> ()
      %mul3A_86 = arith.constant 640 : i32
      %mul3A_87 = arith.muli %arg1, %mul3A_86 : i32
      %add3A_88 = arith.constant 480 : i32
      %add3A_89 = arith.addi %mul3A_87, %add3A_88 : i32
      "tpu.region"() ({
        %run_scoped3A_107 = tpu.sem_alloc : memref<!tpu.dma_semaphore, #tpu.memory_space<semaphore_mem>>
        %dma_start3A = arith.constant 0 : i32
        %dma_start3A_108 = tpu.memref_slice %arg14[%add3A_89, %dma_start3A] : memref<10240x128xf32, #tpu.memory_space<vmem_shared>> -> memref<80x128xf32, #tpu.memory_space<vmem_shared>>
        %dma_start3A_109 = arith.constant 0 : i32
        %dma_start3A_110 = tpu.memref_slice %arg14[%add3A_89, %dma_start3A_109] : memref<10240x128xf32, #tpu.memory_space<vmem_shared>> -> memref<80x128xf32, #tpu.memory_space<vmem_shared>>
        tpu.enqueue_dma source(%arg13 : memref<80x128xf32, #tpu.memory_space<vmem>>) target(%dma_start3A_110 : memref<80x128xf32, #tpu.memory_space<vmem_shared>>) target_semaphore(%run_scoped3A_107 : memref<!tpu.dma_semaphore, #tpu.memory_space<semaphore_mem>>)
        %dma_wait3A = arith.constant 0 : i32
        %dma_wait3A_111 = tpu.memref_slice %arg14[%add3A_89, %dma_wait3A] : memref<10240x128xf32, #tpu.memory_space<vmem_shared>> -> memref<80x128xf32, #tpu.memory_space<vmem_shared>>
        %dma_wait3A_112 = arith.constant 0 : i32
        %dma_wait3A_113 = tpu.memref_slice %arg14[%add3A_89, %dma_wait3A_112] : memref<10240x128xf32, #tpu.memory_space<vmem_shared>> -> memref<80x128xf32, #tpu.memory_space<vmem_shared>>
        tpu.wait_dma2 semaphore(%run_scoped3A_107 : memref<!tpu.dma_semaphore, #tpu.memory_space<semaphore_mem>>) src(%arg13 : memref<80x128xf32, #tpu.memory_space<vmem>>) dst(%dma_wait3A_113 : memref<80x128xf32, #tpu.memory_space<vmem_shared>>)
        tpu.yield
      }) : () -> ()
      %mul3A_90 = arith.constant 640 : i32
      %mul3A_91 = arith.muli %arg1, %mul3A_90 : i32
      %add3A_92 = arith.constant 560 : i32
      %add3A_93 = arith.addi %mul3A_91, %add3A_92 : i32
      "tpu.region"() ({
        %run_scoped3A_107 = tpu.sem_alloc : memref<!tpu.dma_semaphore, #tpu.memory_space<semaphore_mem>>
        %dma_start3A = arith.constant 0 : i32
        %dma_start3A_108 = tpu.memref_slice %arg14[%add3A_93, %dma_start3A] : memref<10240x128xf32, #tpu.memory_space<vmem_shared>> -> memref<80x128xf32, #tpu.memory_space<vmem_shared>>
        %dma_start3A_109 = arith.constant 0 : i32
        %dma_start3A_110 = tpu.memref_slice %arg14[%add3A_93, %dma_start3A_109] : memref<10240x128xf32, #tpu.memory_space<vmem_shared>> -> memref<80x128xf32, #tpu.memory_space<vmem_shared>>
        tpu.enqueue_dma source(%arg13 : memref<80x128xf32, #tpu.memory_space<vmem>>) target(%dma_start3A_110 : memref<80x128xf32, #tpu.memory_space<vmem_shared>>) target_semaphore(%run_scoped3A_107 : memref<!tpu.dma_semaphore, #tpu.memory_space<semaphore_mem>>)
        %dma_wait3A = arith.constant 0 : i32
        %dma_wait3A_111 = tpu.memref_slice %arg14[%add3A_93, %dma_wait3A] : memref<10240x128xf32, #tpu.memory_space<vmem_shared>> -> memref<80x128xf32, #tpu.memory_space<vmem_shared>>
        %dma_wait3A_112 = arith.constant 0 : i32
        %dma_wait3A_113 = tpu.memref_slice %arg14[%add3A_93, %dma_wait3A_112] : memref<10240x128xf32, #tpu.memory_space<vmem_shared>> -> memref<80x128xf32, #tpu.memory_space<vmem_shared>>
        tpu.wait_dma2 semaphore(%run_scoped3A_107 : memref<!tpu.dma_semaphore, #tpu.memory_space<semaphore_mem>>) src(%arg13 : memref<80x128xf32, #tpu.memory_space<vmem>>) dst(%dma_wait3A_113 : memref<80x128xf32, #tpu.memory_space<vmem_shared>>)
        tpu.yield
      }) : () -> ()
      %barrier3A_94 = arith.constant 0 : index
      tpu.barrier barrier_id(%barrier3A_94)
      %scan3A_95 = arith.constant 0 : i32
      %scan3A_96 = arith.constant 0 : i32
      %scan3A_97 = arith.constant 125 : i32
      %scan3A_98 = arith.addi %scan3A_96, %scan3A_97 : i32
      %scan3A_99 = arith.constant 1 : i32
      scf.for %scan3A_107 = %scan3A_96 to %scan3A_98 step %scan3A_99  : i32 {
        "tpu.region"() ({
          %run_scoped3A_108 = tpu.sem_alloc : memref<!tpu.dma_semaphore, #tpu.memory_space<semaphore_mem>>
          %dma_start3A = arith.constant 0 : i32
          %dma_start3A_109 = tpu.memref_slice %arg11[%scan3A_107, %dma_start3A] : memref<125x80xi32, #tpu.memory_space<vmem>> -> memref<1x80xi32, #tpu.memory_space<vmem>>
          %dma_start3A_110 = tpu.memref_squeeze %dma_start3A_109 : memref<1x80xi32, #tpu.memory_space<vmem>> -> memref<80xi32, #tpu.memory_space<vmem>>
          %dma_start3A_111 = arith.constant 0 : i32
          %dma_start3A_112 = arith.constant 0 : i32
          %dma_start3A_113 = tpu.memref_slice %arg4[%dma_start3A_111, %dma_start3A_112] : memref<10240x128xf32, #tpu.memory_space<hbm>> -> memref<10240x128xf32, #tpu.memory_space<hbm>>
          tpu.enqueue_indirect_dma source(%dma_start3A_113 : memref<10240x128xf32, #tpu.memory_space<hbm>>) target(%arg13 : memref<80x128xf32, #tpu.memory_space<vmem>>) offsets(%dma_start3A_110 : memref<80xi32, #tpu.memory_space<vmem>>) semaphore(%run_scoped3A_108 : memref<!tpu.dma_semaphore, #tpu.memory_space<semaphore_mem>>)
          %dma_wait3A = arith.constant 0 : i32
          %dma_wait3A_114 = tpu.memref_slice %arg11[%scan3A_107, %dma_wait3A] : memref<125x80xi32, #tpu.memory_space<vmem>> -> memref<1x80xi32, #tpu.memory_space<vmem>>
          %dma_wait3A_115 = tpu.memref_squeeze %dma_wait3A_114 : memref<1x80xi32, #tpu.memory_space<vmem>> -> memref<80xi32, #tpu.memory_space<vmem>>
          %dma_wait3A_116 = arith.constant 0 : i32
          %dma_wait3A_117 = arith.constant 0 : i32
          %dma_wait3A_118 = tpu.memref_slice %arg4[%dma_wait3A_116, %dma_wait3A_117] : memref<10240x128xf32, #tpu.memory_space<hbm>> -> memref<10240x128xf32, #tpu.memory_space<hbm>>
          tpu.wait_indirect_dma semaphore(%run_scoped3A_108 : memref<!tpu.dma_semaphore, #tpu.memory_space<semaphore_mem>>) src(%dma_wait3A_118 : memref<10240x128xf32, #tpu.memory_space<hbm>>) dst(%arg13 : memref<80x128xf32, #tpu.memory_space<vmem>>)
          tpu.yield
        }) : () -> ()
        "tpu.region"() ({
          %run_scoped3A_108 = tpu.sem_alloc : memref<!tpu.dma_semaphore, #tpu.memory_space<semaphore_mem>>
          %dma_start3A = arith.constant 0 : i32
          %dma_start3A_109 = tpu.memref_slice %arg12[%scan3A_107, %dma_start3A] : memref<125x80xi32, #tpu.memory_space<vmem>> -> memref<1x80xi32, #tpu.memory_space<vmem>>
          %dma_start3A_110 = tpu.memref_squeeze %dma_start3A_109 : memref<1x80xi32, #tpu.memory_space<vmem>> -> memref<80xi32, #tpu.memory_space<vmem>>
          %dma_start3A_111 = arith.constant 0 : i32
          %dma_start3A_112 = arith.constant 0 : i32
          %dma_start3A_113 = tpu.memref_slice %arg14[%dma_start3A_111, %dma_start3A_112] : memref<10240x128xf32, #tpu.memory_space<vmem_shared>> -> memref<10240x128xf32, #tpu.memory_space<vmem_shared>>
          tpu.enqueue_indirect_dma source(%arg13 : memref<80x128xf32, #tpu.memory_space<vmem>>) target(%dma_start3A_113 : memref<10240x128xf32, #tpu.memory_space<vmem_shared>>) offsets(%dma_start3A_110 : memref<80xi32, #tpu.memory_space<vmem>>) semaphore(%run_scoped3A_108 : memref<!tpu.dma_semaphore, #tpu.memory_space<semaphore_mem>>) {add = true}
          %dma_wait3A = arith.constant 0 : i32
          %dma_wait3A_114 = tpu.memref_slice %arg12[%scan3A_107, %dma_wait3A] : memref<125x80xi32, #tpu.memory_space<vmem>> -> memref<1x80xi32, #tpu.memory_space<vmem>>
          %dma_wait3A_115 = tpu.memref_squeeze %dma_wait3A_114 : memref<1x80xi32, #tpu.memory_space<vmem>> -> memref<80xi32, #tpu.memory_space<vmem>>
          %dma_wait3A_116 = arith.constant 0 : i32
          %dma_wait3A_117 = arith.constant 0 : i32
          %dma_wait3A_118 = tpu.memref_slice %arg14[%dma_wait3A_116, %dma_wait3A_117] : memref<10240x128xf32, #tpu.memory_space<vmem_shared>> -> memref<10240x128xf32, #tpu.memory_space<vmem_shared>>
          tpu.wait_indirect_dma semaphore(%run_scoped3A_108 : memref<!tpu.dma_semaphore, #tpu.memory_space<semaphore_mem>>) src(%arg13 : memref<80x128xf32, #tpu.memory_space<vmem>>) dst(%dma_wait3A_118 : memref<10240x128xf32, #tpu.memory_space<vmem_shared>>)
          tpu.yield
        }) : () -> ()
      }
      %scan3A_100 = arith.constant 125 : i32
      %barrier3A_101 = arith.constant 0 : index
      tpu.barrier barrier_id(%barrier3A_101)
      %mul3A_102 = arith.constant 640 : i32
      %mul3A_103 = arith.muli %arg1, %mul3A_102 : i32
      %mul3A_104 = arith.constant 640 : i32
      %mul3A_105 = arith.muli %arg1, %mul3A_104 : i32
      "tpu.region"() ({
        %run_scoped3A_107 = tpu.sem_alloc : memref<!tpu.dma_semaphore, #tpu.memory_space<semaphore_mem>>
        %dma_start3A = arith.constant 0 : i32
        %dma_start3A_108 = tpu.memref_slice %arg9[%mul3A_105, %dma_start3A] : memref<10240x128xf32, #tpu.memory_space<hbm>> -> memref<640x128xf32, #tpu.memory_space<hbm>>
        %dma_start3A_109 = arith.constant 0 : i32
        %dma_start3A_110 = tpu.memref_slice %arg14[%mul3A_103, %dma_start3A_109] : memref<10240x128xf32, #tpu.memory_space<vmem_shared>> -> memref<640x128xf32, #tpu.memory_space<vmem_shared>>
        tpu.enqueue_dma source(%dma_start3A_110 : memref<640x128xf32, #tpu.memory_space<vmem_shared>>) target(%dma_start3A_108 : memref<640x128xf32, #tpu.memory_space<hbm>>) target_semaphore(%run_scoped3A_107 : memref<!tpu.dma_semaphore, #tpu.memory_space<semaphore_mem>>)
        %dma_wait3A = arith.constant 0 : i32
        %dma_wait3A_111 = tpu.memref_slice %arg9[%mul3A_105, %dma_wait3A] : memref<10240x128xf32, #tpu.memory_space<hbm>> -> memref<640x128xf32, #tpu.memory_space<hbm>>
        %dma_wait3A_112 = arith.constant 0 : i32
        %dma_wait3A_113 = tpu.memref_slice %arg14[%mul3A_103, %dma_wait3A_112] : memref<10240x128xf32, #tpu.memory_space<vmem_shared>> -> memref<640x128xf32, #tpu.memory_space<vmem_shared>>
        tpu.wait_dma2 semaphore(%run_scoped3A_107 : memref<!tpu.dma_semaphore, #tpu.memory_space<semaphore_mem>>) src(%dma_wait3A_113 : memref<640x128xf32, #tpu.memory_space<vmem_shared>>) dst(%dma_wait3A_111 : memref<640x128xf32, #tpu.memory_space<hbm>>)
        tpu.yield
      }) : () -> ()
      %barrier3A_106 = arith.constant 0 : index
      tpu.barrier barrier_id(%barrier3A_106)
    } else {
    }
    %eq3A_3 = arith.constant 1 : i32
    %eq3A_4 = arith.cmpi eq, %arg0, %eq3A_3 : i32
    %convert_element_type3A_5 = arith.extui %eq3A_4 : i1 to i32
    %cond3A_6 = arith.constant 0 : i32
    %cond3A_7 = arith.cmpi ne, %convert_element_type3A_5, %cond3A_6 : i32
    scf.if %cond3A_7 {
      %run_scoped3A = arith.constant 0 : i32
      "tpu.region"() ({
        %run_scoped3A_107 = tpu.sem_alloc : memref<!tpu.dma_semaphore, #tpu.memory_space<semaphore_mem>>
        %dma_start3A = arith.constant 0 : i32
        %dma_start3A_108 = arith.constant 0 : i32
        %dma_start3A_109 = tpu.memref_slice %arg6[%run_scoped3A, %arg1, %dma_start3A, %dma_start3A_108] : memref<2x16x125x80xi32, #tpu.memory_space<hbm>> -> memref<1x1x125x80xi32, #tpu.memory_space<hbm>>
        %dma_start3A_110 = tpu.memref_squeeze %dma_start3A_109 : memref<1x1x125x80xi32, #tpu.memory_space<hbm>> -> memref<125x80xi32, #tpu.memory_space<hbm>>
        %dma_start3A_111 = arith.constant 0 : i32
        %dma_start3A_112 = arith.constant 0 : i32
        %dma_start3A_113 = tpu.memref_slice %arg6[%run_scoped3A, %arg1, %dma_start3A_111, %dma_start3A_112] : memref<2x16x125x80xi32, #tpu.memory_space<hbm>> -> memref<1x1x125x80xi32, #tpu.memory_space<hbm>>
        %dma_start3A_114 = tpu.memref_squeeze %dma_start3A_113 : memref<1x1x125x80xi32, #tpu.memory_space<hbm>> -> memref<125x80xi32, #tpu.memory_space<hbm>>
        tpu.enqueue_dma source(%dma_start3A_114 : memref<125x80xi32, #tpu.memory_space<hbm>>) target(%arg11 : memref<125x80xi32, #tpu.memory_space<vmem>>) target_semaphore(%run_scoped3A_107 : memref<!tpu.dma_semaphore, #tpu.memory_space<semaphore_mem>>)
        %dma_wait3A = arith.constant 0 : i32
        %dma_wait3A_115 = arith.constant 0 : i32
        %dma_wait3A_116 = tpu.memref_slice %arg6[%run_scoped3A, %arg1, %dma_wait3A, %dma_wait3A_115] : memref<2x16x125x80xi32, #tpu.memory_space<hbm>> -> memref<1x1x125x80xi32, #tpu.memory_space<hbm>>
        %dma_wait3A_117 = tpu.memref_squeeze %dma_wait3A_116 : memref<1x1x125x80xi32, #tpu.memory_space<hbm>> -> memref<125x80xi32, #tpu.memory_space<hbm>>
        %dma_wait3A_118 = arith.constant 0 : i32
        %dma_wait3A_119 = arith.constant 0 : i32
        %dma_wait3A_120 = tpu.memref_slice %arg6[%run_scoped3A, %arg1, %dma_wait3A_118, %dma_wait3A_119] : memref<2x16x125x80xi32, #tpu.memory_space<hbm>> -> memref<1x1x125x80xi32, #tpu.memory_space<hbm>>
        %dma_wait3A_121 = tpu.memref_squeeze %dma_wait3A_120 : memref<1x1x125x80xi32, #tpu.memory_space<hbm>> -> memref<125x80xi32, #tpu.memory_space<hbm>>
        tpu.wait_dma2 semaphore(%run_scoped3A_107 : memref<!tpu.dma_semaphore, #tpu.memory_space<semaphore_mem>>) src(%dma_wait3A_121 : memref<125x80xi32, #tpu.memory_space<hbm>>) dst(%arg11 : memref<125x80xi32, #tpu.memory_space<vmem>>)
        tpu.yield
      }) : () -> ()
      %run_scoped3A_8 = arith.constant 1 : i32
      "tpu.region"() ({
        %run_scoped3A_107 = tpu.sem_alloc : memref<!tpu.dma_semaphore, #tpu.memory_space<semaphore_mem>>
        %dma_start3A = arith.constant 0 : i32
        %dma_start3A_108 = arith.constant 0 : i32
        %dma_start3A_109 = tpu.memref_slice %arg6[%run_scoped3A_8, %arg1, %dma_start3A, %dma_start3A_108] : memref<2x16x125x80xi32, #tpu.memory_space<hbm>> -> memref<1x1x125x80xi32, #tpu.memory_space<hbm>>
        %dma_start3A_110 = tpu.memref_squeeze %dma_start3A_109 : memref<1x1x125x80xi32, #tpu.memory_space<hbm>> -> memref<125x80xi32, #tpu.memory_space<hbm>>
        %dma_start3A_111 = arith.constant 0 : i32
        %dma_start3A_112 = arith.constant 0 : i32
        %dma_start3A_113 = tpu.memref_slice %arg6[%run_scoped3A_8, %arg1, %dma_start3A_111, %dma_start3A_112] : memref<2x16x125x80xi32, #tpu.memory_space<hbm>> -> memref<1x1x125x80xi32, #tpu.memory_space<hbm>>
        %dma_start3A_114 = tpu.memref_squeeze %dma_start3A_113 : memref<1x1x125x80xi32, #tpu.memory_space<hbm>> -> memref<125x80xi32, #tpu.memory_space<hbm>>
        tpu.enqueue_dma source(%dma_start3A_114 : memref<125x80xi32, #tpu.memory_space<hbm>>) target(%arg12 : memref<125x80xi32, #tpu.memory_space<vmem>>) target_semaphore(%run_scoped3A_107 : memref<!tpu.dma_semaphore, #tpu.memory_space<semaphore_mem>>)
        %dma_wait3A = arith.constant 0 : i32
        %dma_wait3A_115 = arith.constant 0 : i32
        %dma_wait3A_116 = tpu.memref_slice %arg6[%run_scoped3A_8, %arg1, %dma_wait3A, %dma_wait3A_115] : memref<2x16x125x80xi32, #tpu.memory_space<hbm>> -> memref<1x1x125x80xi32, #tpu.memory_space<hbm>>
        %dma_wait3A_117 = tpu.memref_squeeze %dma_wait3A_116 : memref<1x1x125x80xi32, #tpu.memory_space<hbm>> -> memref<125x80xi32, #tpu.memory_space<hbm>>
        %dma_wait3A_118 = arith.constant 0 : i32
        %dma_wait3A_119 = arith.constant 0 : i32
        %dma_wait3A_120 = tpu.memref_slice %arg6[%run_scoped3A_8, %arg1, %dma_wait3A_118, %dma_wait3A_119] : memref<2x16x125x80xi32, #tpu.memory_space<hbm>> -> memref<1x1x125x80xi32, #tpu.memory_space<hbm>>
        %dma_wait3A_121 = tpu.memref_squeeze %dma_wait3A_120 : memref<1x1x125x80xi32, #tpu.memory_space<hbm>> -> memref<125x80xi32, #tpu.memory_space<hbm>>
        tpu.wait_dma2 semaphore(%run_scoped3A_107 : memref<!tpu.dma_semaphore, #tpu.memory_space<semaphore_mem>>) src(%dma_wait3A_121 : memref<125x80xi32, #tpu.memory_space<hbm>>) dst(%arg12 : memref<125x80xi32, #tpu.memory_space<vmem>>)
        tpu.yield
      }) : () -> ()
      %scan3A = arith.constant 0 : i32
      %scan3A_9 = arith.constant 0 : i32
      %scan3A_10 = arith.constant 640 : i32
      %scan3A_11 = arith.addi %scan3A_9, %scan3A_10 : i32
      %scan3A_12 = arith.constant 1 : i32
      scf.for %scan3A_107 = %scan3A_9 to %scan3A_11 step %scan3A_12  : i32 {
        %jit3A = arith.constant 8 : i32
        %div3A = arith.divsi %scan3A_107, %jit3A : i32
        %sign3A = arith.constant 0 : i32
        %sign3A_108 = arith.cmpi sgt, %scan3A_107, %sign3A : i32
        %sign3A_109 = arith.extui %sign3A_108 : i1 to i32
        %sign3A_110 = arith.constant 0 : i32
        %sign3A_111 = arith.cmpi slt, %scan3A_107, %sign3A_110 : i32
        %sign3A_112 = arith.extui %sign3A_111 : i1 to i32
        %sign3A_113 = arith.subi %sign3A_109, %sign3A_112 : i32
        %sign3A_114 = arith.constant 0 : i32
        %sign3A_115 = arith.cmpi sgt, %jit3A, %sign3A_114 : i32
        %sign3A_116 = arith.extui %sign3A_115 : i1 to i32
        %sign3A_117 = arith.constant 0 : i32
        %sign3A_118 = arith.cmpi slt, %jit3A, %sign3A_117 : i32
        %sign3A_119 = arith.extui %sign3A_118 : i1 to i32
        %sign3A_120 = arith.subi %sign3A_116, %sign3A_119 : i32
        %ne3A = arith.cmpi ne, %sign3A_113, %sign3A_120 : i32
        %rem3A = arith.remsi %scan3A_107, %jit3A : i32
        %ne3A_121 = arith.constant 0 : i32
        %ne3A_122 = arith.cmpi ne, %rem3A, %ne3A_121 : i32
        %and3A = arith.andi %ne3A, %ne3A_122 : i1
        %sub3A = arith.constant 1 : i32
        %sub3A_123 = arith.subi %div3A, %sub3A : i32
        %select_n3A = arith.select %and3A, %sub3A_123, %div3A : i32
        %jit3A_124 = arith.constant 8 : i32
        %eq3A_125 = arith.constant 0 : i32
        %eq3A_126 = arith.cmpi eq, %jit3A_124, %eq3A_125 : i32
        %jit3A_127 = arith.constant 1 : i32
        %select_n3A_128 = arith.select %eq3A_126, %jit3A_127, %jit3A_124 : i32
        %rem3A_129 = arith.remsi %scan3A_107, %select_n3A_128 : i32
        %ne3A_130 = arith.constant 0 : i32
        %ne3A_131 = arith.cmpi ne, %rem3A_129, %ne3A_130 : i32
        %lt3A = arith.constant 0 : i32
        %lt3A_132 = arith.cmpi slt, %rem3A_129, %lt3A : i32
        %lt3A_133 = arith.constant 0 : i32
        %lt3A_134 = arith.cmpi slt, %select_n3A_128, %lt3A_133 : i32
        %ne3A_135 = arith.xori %lt3A_132, %lt3A_134 : i1
        %and3A_136 = arith.andi %ne3A_135, %ne3A_131 : i1
        %add3A_137 = arith.addi %rem3A_129, %select_n3A_128 : i32
        %select_n3A_138 = arith.select %and3A_136, %add3A_137, %rem3A_129 : i32
        %mul3A_139 = arith.constant 16 : i32
        %mul3A_140 = arith.muli %select_n3A_138, %mul3A_139 : i32
        %swap3A = arith.index_cast %select_n3A : i32 to index
        %swap3A_141 = arith.index_cast %mul3A_140 : i32 to index
        %swap3A_142 = tpu.vector_load %arg13[%swap3A, %swap3A_141] {strides = array<i32>} : memref<80x128xf32, #tpu.memory_space<vmem>>, vector<1x16xf32>,
        %swap3A_143 = vector.shape_cast %swap3A_142 : vector<1x16xf32> to vector<16xf32>
        %swap3A_144 = vector.shape_cast %broadcast_in_dim3A_0 : vector<16xf32> to vector<1x16xf32>
        tpu.vector_store %arg13[%swap3A, %swap3A_141], %swap3A_144 {strides = array<i32>} : memref<80x128xf32, #tpu.memory_space<vmem>>, vector<1x16xf32>,
      }
      %scan3A_13 = arith.constant 640 : i32
      %mul3A = arith.constant 640 : i32
      %mul3A_14 = arith.muli %arg1, %mul3A : i32
      %add3A = arith.constant 0 : i32
      %add3A_15 = arith.addi %mul3A_14, %add3A : i32
      "tpu.region"() ({
        %run_scoped3A_107 = tpu.sem_alloc : memref<!tpu.dma_semaphore, #tpu.memory_space<semaphore_mem>>
        %dma_start3A = arith.constant 0 : i32
        %dma_start3A_108 = tpu.memref_slice %arg14[%add3A_15, %dma_start3A] : memref<10240x128xf32, #tpu.memory_space<vmem_shared>> -> memref<80x128xf32, #tpu.memory_space<vmem_shared>>
        %dma_start3A_109 = arith.constant 0 : i32
        %dma_start3A_110 = tpu.memref_slice %arg14[%add3A_15, %dma_start3A_109] : memref<10240x128xf32, #tpu.memory_space<vmem_shared>> -> memref<80x128xf32, #tpu.memory_space<vmem_shared>>
        tpu.enqueue_dma source(%arg13 : memref<80x128xf32, #tpu.memory_space<vmem>>) target(%dma_start3A_110 : memref<80x128xf32, #tpu.memory_space<vmem_shared>>) target_semaphore(%run_scoped3A_107 : memref<!tpu.dma_semaphore, #tpu.memory_space<semaphore_mem>>)
        %dma_wait3A = arith.constant 0 : i32
        %dma_wait3A_111 = tpu.memref_slice %arg14[%add3A_15, %dma_wait3A] : memref<10240x128xf32, #tpu.memory_space<vmem_shared>> -> memref<80x128xf32, #tpu.memory_space<vmem_shared>>
        %dma_wait3A_112 = arith.constant 0 : i32
        %dma_wait3A_113 = tpu.memref_slice %arg14[%add3A_15, %dma_wait3A_112] : memref<10240x128xf32, #tpu.memory_space<vmem_shared>> -> memref<80x128xf32, #tpu.memory_space<vmem_shared>>
        tpu.wait_dma2 semaphore(%run_scoped3A_107 : memref<!tpu.dma_semaphore, #tpu.memory_space<semaphore_mem>>) src(%arg13 : memref<80x128xf32, #tpu.memory_space<vmem>>) dst(%dma_wait3A_113 : memref<80x128xf32, #tpu.memory_space<vmem_shared>>)
        tpu.yield
      }) : () -> ()
      %mul3A_16 = arith.constant 640 : i32
      %mul3A_17 = arith.muli %arg1, %mul3A_16 : i32
      %add3A_18 = arith.constant 80 : i32
      %add3A_19 = arith.addi %mul3A_17, %add3A_18 : i32
      "tpu.region"() ({
        %run_scoped3A_107 = tpu.sem_alloc : memref<!tpu.dma_semaphore, #tpu.memory_space<semaphore_mem>>
        %dma_start3A = arith.constant 0 : i32
        %dma_start3A_108 = tpu.memref_slice %arg14[%add3A_19, %dma_start3A] : memref<10240x128xf32, #tpu.memory_space<vmem_shared>> -> memref<80x128xf32, #tpu.memory_space<vmem_shared>>
        %dma_start3A_109 = arith.constant 0 : i32
        %dma_start3A_110 = tpu.memref_slice %arg14[%add3A_19, %dma_start3A_109] : memref<10240x128xf32, #tpu.memory_space<vmem_shared>> -> memref<80x128xf32, #tpu.memory_space<vmem_shared>>
        tpu.enqueue_dma source(%arg13 : memref<80x128xf32, #tpu.memory_space<vmem>>) target(%dma_start3A_110 : memref<80x128xf32, #tpu.memory_space<vmem_shared>>) target_semaphore(%run_scoped3A_107 : memref<!tpu.dma_semaphore, #tpu.memory_space<semaphore_mem>>)
        %dma_wait3A = arith.constant 0 : i32
        %dma_wait3A_111 = tpu.memref_slice %arg14[%add3A_19, %dma_wait3A] : memref<10240x128xf32, #tpu.memory_space<vmem_shared>> -> memref<80x128xf32, #tpu.memory_space<vmem_shared>>
        %dma_wait3A_112 = arith.constant 0 : i32
        %dma_wait3A_113 = tpu.memref_slice %arg14[%add3A_19, %dma_wait3A_112] : memref<10240x128xf32, #tpu.memory_space<vmem_shared>> -> memref<80x128xf32, #tpu.memory_space<vmem_shared>>
        tpu.wait_dma2 semaphore(%run_scoped3A_107 : memref<!tpu.dma_semaphore, #tpu.memory_space<semaphore_mem>>) src(%arg13 : memref<80x128xf32, #tpu.memory_space<vmem>>) dst(%dma_wait3A_113 : memref<80x128xf32, #tpu.memory_space<vmem_shared>>)
        tpu.yield
      }) : () -> ()
      %mul3A_20 = arith.constant 640 : i32
      %mul3A_21 = arith.muli %arg1, %mul3A_20 : i32
      %add3A_22 = arith.constant 160 : i32
      %add3A_23 = arith.addi %mul3A_21, %add3A_22 : i32
      "tpu.region"() ({
        %run_scoped3A_107 = tpu.sem_alloc : memref<!tpu.dma_semaphore, #tpu.memory_space<semaphore_mem>>
        %dma_start3A = arith.constant 0 : i32
        %dma_start3A_108 = tpu.memref_slice %arg14[%add3A_23, %dma_start3A] : memref<10240x128xf32, #tpu.memory_space<vmem_shared>> -> memref<80x128xf32, #tpu.memory_space<vmem_shared>>
        %dma_start3A_109 = arith.constant 0 : i32
        %dma_start3A_110 = tpu.memref_slice %arg14[%add3A_23, %dma_start3A_109] : memref<10240x128xf32, #tpu.memory_space<vmem_shared>> -> memref<80x128xf32, #tpu.memory_space<vmem_shared>>
        tpu.enqueue_dma source(%arg13 : memref<80x128xf32, #tpu.memory_space<vmem>>) target(%dma_start3A_110 : memref<80x128xf32, #tpu.memory_space<vmem_shared>>) target_semaphore(%run_scoped3A_107 : memref<!tpu.dma_semaphore, #tpu.memory_space<semaphore_mem>>)
        %dma_wait3A = arith.constant 0 : i32
        %dma_wait3A_111 = tpu.memref_slice %arg14[%add3A_23, %dma_wait3A] : memref<10240x128xf32, #tpu.memory_space<vmem_shared>> -> memref<80x128xf32, #tpu.memory_space<vmem_shared>>
        %dma_wait3A_112 = arith.constant 0 : i32
        %dma_wait3A_113 = tpu.memref_slice %arg14[%add3A_23, %dma_wait3A_112] : memref<10240x128xf32, #tpu.memory_space<vmem_shared>> -> memref<80x128xf32, #tpu.memory_space<vmem_shared>>
        tpu.wait_dma2 semaphore(%run_scoped3A_107 : memref<!tpu.dma_semaphore, #tpu.memory_space<semaphore_mem>>) src(%arg13 : memref<80x128xf32, #tpu.memory_space<vmem>>) dst(%dma_wait3A_113 : memref<80x128xf32, #tpu.memory_space<vmem_shared>>)
        tpu.yield
      }) : () -> ()
      %mul3A_24 = arith.constant 640 : i32
      %mul3A_25 = arith.muli %arg1, %mul3A_24 : i32
      %add3A_26 = arith.constant 240 : i32
      %add3A_27 = arith.addi %mul3A_25, %add3A_26 : i32
      "tpu.region"() ({
        %run_scoped3A_107 = tpu.sem_alloc : memref<!tpu.dma_semaphore, #tpu.memory_space<semaphore_mem>>
        %dma_start3A = arith.constant 0 : i32
        %dma_start3A_108 = tpu.memref_slice %arg14[%add3A_27, %dma_start3A] : memref<10240x128xf32, #tpu.memory_space<vmem_shared>> -> memref<80x128xf32, #tpu.memory_space<vmem_shared>>
        %dma_start3A_109 = arith.constant 0 : i32
        %dma_start3A_110 = tpu.memref_slice %arg14[%add3A_27, %dma_start3A_109] : memref<10240x128xf32, #tpu.memory_space<vmem_shared>> -> memref<80x128xf32, #tpu.memory_space<vmem_shared>>
        tpu.enqueue_dma source(%arg13 : memref<80x128xf32, #tpu.memory_space<vmem>>) target(%dma_start3A_110 : memref<80x128xf32, #tpu.memory_space<vmem_shared>>) target_semaphore(%run_scoped3A_107 : memref<!tpu.dma_semaphore, #tpu.memory_space<semaphore_mem>>)
        %dma_wait3A = arith.constant 0 : i32
        %dma_wait3A_111 = tpu.memref_slice %arg14[%add3A_27, %dma_wait3A] : memref<10240x128xf32, #tpu.memory_space<vmem_shared>> -> memref<80x128xf32, #tpu.memory_space<vmem_shared>>
        %dma_wait3A_112 = arith.constant 0 : i32
        %dma_wait3A_113 = tpu.memref_slice %arg14[%add3A_27, %dma_wait3A_112] : memref<10240x128xf32, #tpu.memory_space<vmem_shared>> -> memref<80x128xf32, #tpu.memory_space<vmem_shared>>
        tpu.wait_dma2 semaphore(%run_scoped3A_107 : memref<!tpu.dma_semaphore, #tpu.memory_space<semaphore_mem>>) src(%arg13 : memref<80x128xf32, #tpu.memory_space<vmem>>) dst(%dma_wait3A_113 : memref<80x128xf32, #tpu.memory_space<vmem_shared>>)
        tpu.yield
      }) : () -> ()
      %mul3A_28 = arith.constant 640 : i32
      %mul3A_29 = arith.muli %arg1, %mul3A_28 : i32
      %add3A_30 = arith.constant 320 : i32
      %add3A_31 = arith.addi %mul3A_29, %add3A_30 : i32
      "tpu.region"() ({
        %run_scoped3A_107 = tpu.sem_alloc : memref<!tpu.dma_semaphore, #tpu.memory_space<semaphore_mem>>
        %dma_start3A = arith.constant 0 : i32
        %dma_start3A_108 = tpu.memref_slice %arg14[%add3A_31, %dma_start3A] : memref<10240x128xf32, #tpu.memory_space<vmem_shared>> -> memref<80x128xf32, #tpu.memory_space<vmem_shared>>
        %dma_start3A_109 = arith.constant 0 : i32
        %dma_start3A_110 = tpu.memref_slice %arg14[%add3A_31, %dma_start3A_109] : memref<10240x128xf32, #tpu.memory_space<vmem_shared>> -> memref<80x128xf32, #tpu.memory_space<vmem_shared>>
        tpu.enqueue_dma source(%arg13 : memref<80x128xf32, #tpu.memory_space<vmem>>) target(%dma_start3A_110 : memref<80x128xf32, #tpu.memory_space<vmem_shared>>) target_semaphore(%run_scoped3A_107 : memref<!tpu.dma_semaphore, #tpu.memory_space<semaphore_mem>>)
        %dma_wait3A = arith.constant 0 : i32
        %dma_wait3A_111 = tpu.memref_slice %arg14[%add3A_31, %dma_wait3A] : memref<10240x128xf32, #tpu.memory_space<vmem_shared>> -> memref<80x128xf32, #tpu.memory_space<vmem_shared>>
        %dma_wait3A_112 = arith.constant 0 : i32
        %dma_wait3A_113 = tpu.memref_slice %arg14[%add3A_31, %dma_wait3A_112] : memref<10240x128xf32, #tpu.memory_space<vmem_shared>> -> memref<80x128xf32, #tpu.memory_space<vmem_shared>>
        tpu.wait_dma2 semaphore(%run_scoped3A_107 : memref<!tpu.dma_semaphore, #tpu.memory_space<semaphore_mem>>) src(%arg13 : memref<80x128xf32, #tpu.memory_space<vmem>>) dst(%dma_wait3A_113 : memref<80x128xf32, #tpu.memory_space<vmem_shared>>)
        tpu.yield
      }) : () -> ()
      %mul3A_32 = arith.constant 640 : i32
      %mul3A_33 = arith.muli %arg1, %mul3A_32 : i32
      %add3A_34 = arith.constant 400 : i32
      %add3A_35 = arith.addi %mul3A_33, %add3A_34 : i32
      "tpu.region"() ({
        %run_scoped3A_107 = tpu.sem_alloc : memref<!tpu.dma_semaphore, #tpu.memory_space<semaphore_mem>>
        %dma_start3A = arith.constant 0 : i32
        %dma_start3A_108 = tpu.memref_slice %arg14[%add3A_35, %dma_start3A] : memref<10240x128xf32, #tpu.memory_space<vmem_shared>> -> memref<80x128xf32, #tpu.memory_space<vmem_shared>>
        %dma_start3A_109 = arith.constant 0 : i32
        %dma_start3A_110 = tpu.memref_slice %arg14[%add3A_35, %dma_start3A_109] : memref<10240x128xf32, #tpu.memory_space<vmem_shared>> -> memref<80x128xf32, #tpu.memory_space<vmem_shared>>
        tpu.enqueue_dma source(%arg13 : memref<80x128xf32, #tpu.memory_space<vmem>>) target(%dma_start3A_110 : memref<80x128xf32, #tpu.memory_space<vmem_shared>>) target_semaphore(%run_scoped3A_107 : memref<!tpu.dma_semaphore, #tpu.memory_space<semaphore_mem>>)
        %dma_wait3A = arith.constant 0 : i32
        %dma_wait3A_111 = tpu.memref_slice %arg14[%add3A_35, %dma_wait3A] : memref<10240x128xf32, #tpu.memory_space<vmem_shared>> -> memref<80x128xf32, #tpu.memory_space<vmem_shared>>
        %dma_wait3A_112 = arith.constant 0 : i32
        %dma_wait3A_113 = tpu.memref_slice %arg14[%add3A_35, %dma_wait3A_112] : memref<10240x128xf32, #tpu.memory_space<vmem_shared>> -> memref<80x128xf32, #tpu.memory_space<vmem_shared>>
        tpu.wait_dma2 semaphore(%run_scoped3A_107 : memref<!tpu.dma_semaphore, #tpu.memory_space<semaphore_mem>>) src(%arg13 : memref<80x128xf32, #tpu.memory_space<vmem>>) dst(%dma_wait3A_113 : memref<80x128xf32, #tpu.memory_space<vmem_shared>>)
        tpu.yield
      }) : () -> ()
      %mul3A_36 = arith.constant 640 : i32
      %mul3A_37 = arith.muli %arg1, %mul3A_36 : i32
      %add3A_38 = arith.constant 480 : i32
      %add3A_39 = arith.addi %mul3A_37, %add3A_38 : i32
      "tpu.region"() ({
        %run_scoped3A_107 = tpu.sem_alloc : memref<!tpu.dma_semaphore, #tpu.memory_space<semaphore_mem>>
        %dma_start3A = arith.constant 0 : i32
        %dma_start3A_108 = tpu.memref_slice %arg14[%add3A_39, %dma_start3A] : memref<10240x128xf32, #tpu.memory_space<vmem_shared>> -> memref<80x128xf32, #tpu.memory_space<vmem_shared>>
        %dma_start3A_109 = arith.constant 0 : i32
        %dma_start3A_110 = tpu.memref_slice %arg14[%add3A_39, %dma_start3A_109] : memref<10240x128xf32, #tpu.memory_space<vmem_shared>> -> memref<80x128xf32, #tpu.memory_space<vmem_shared>>
        tpu.enqueue_dma source(%arg13 : memref<80x128xf32, #tpu.memory_space<vmem>>) target(%dma_start3A_110 : memref<80x128xf32, #tpu.memory_space<vmem_shared>>) target_semaphore(%run_scoped3A_107 : memref<!tpu.dma_semaphore, #tpu.memory_space<semaphore_mem>>)
        %dma_wait3A = arith.constant 0 : i32
        %dma_wait3A_111 = tpu.memref_slice %arg14[%add3A_39, %dma_wait3A] : memref<10240x128xf32, #tpu.memory_space<vmem_shared>> -> memref<80x128xf32, #tpu.memory_space<vmem_shared>>
        %dma_wait3A_112 = arith.constant 0 : i32
        %dma_wait3A_113 = tpu.memref_slice %arg14[%add3A_39, %dma_wait3A_112] : memref<10240x128xf32, #tpu.memory_space<vmem_shared>> -> memref<80x128xf32, #tpu.memory_space<vmem_shared>>
        tpu.wait_dma2 semaphore(%run_scoped3A_107 : memref<!tpu.dma_semaphore, #tpu.memory_space<semaphore_mem>>) src(%arg13 : memref<80x128xf32, #tpu.memory_space<vmem>>) dst(%dma_wait3A_113 : memref<80x128xf32, #tpu.memory_space<vmem_shared>>)
        tpu.yield
      }) : () -> ()
      %mul3A_40 = arith.constant 640 : i32
      %mul3A_41 = arith.muli %arg1, %mul3A_40 : i32
      %add3A_42 = arith.constant 560 : i32
      %add3A_43 = arith.addi %mul3A_41, %add3A_42 : i32
      "tpu.region"() ({
        %run_scoped3A_107 = tpu.sem_alloc : memref<!tpu.dma_semaphore, #tpu.memory_space<semaphore_mem>>
        %dma_start3A = arith.constant 0 : i32
        %dma_start3A_108 = tpu.memref_slice %arg14[%add3A_43, %dma_start3A] : memref<10240x128xf32, #tpu.memory_space<vmem_shared>> -> memref<80x128xf32, #tpu.memory_space<vmem_shared>>
        %dma_start3A_109 = arith.constant 0 : i32
        %dma_start3A_110 = tpu.memref_slice %arg14[%add3A_43, %dma_start3A_109] : memref<10240x128xf32, #tpu.memory_space<vmem_shared>> -> memref<80x128xf32, #tpu.memory_space<vmem_shared>>
        tpu.enqueue_dma source(%arg13 : memref<80x128xf32, #tpu.memory_space<vmem>>) target(%dma_start3A_110 : memref<80x128xf32, #tpu.memory_space<vmem_shared>>) target_semaphore(%run_scoped3A_107 : memref<!tpu.dma_semaphore, #tpu.memory_space<semaphore_mem>>)
        %dma_wait3A = arith.constant 0 : i32
        %dma_wait3A_111 = tpu.memref_slice %arg14[%add3A_43, %dma_wait3A] : memref<10240x128xf32, #tpu.memory_space<vmem_shared>> -> memref<80x128xf32, #tpu.memory_space<vmem_shared>>
        %dma_wait3A_112 = arith.constant 0 : i32
        %dma_wait3A_113 = tpu.memref_slice %arg14[%add3A_43, %dma_wait3A_112] : memref<10240x128xf32, #tpu.memory_space<vmem_shared>> -> memref<80x128xf32, #tpu.memory_space<vmem_shared>>
        tpu.wait_dma2 semaphore(%run_scoped3A_107 : memref<!tpu.dma_semaphore, #tpu.memory_space<semaphore_mem>>) src(%arg13 : memref<80x128xf32, #tpu.memory_space<vmem>>) dst(%dma_wait3A_113 : memref<80x128xf32, #tpu.memory_space<vmem_shared>>)
        tpu.yield
      }) : () -> ()
      %barrier3A = arith.constant 0 : index
      tpu.barrier barrier_id(%barrier3A)
      %scan3A_44 = arith.constant 0 : i32
      %scan3A_45 = arith.constant 0 : i32
      %scan3A_46 = arith.constant 125 : i32
      %scan3A_47 = arith.addi %scan3A_45, %scan3A_46 : i32
      %scan3A_48 = arith.constant 1 : i32
      scf.for %scan3A_107 = %scan3A_45 to %scan3A_47 step %scan3A_48  : i32 {
        "tpu.region"() ({
          %run_scoped3A_108 = tpu.sem_alloc : memref<!tpu.dma_semaphore, #tpu.memory_space<semaphore_mem>>
          %dma_start3A = arith.constant 0 : i32
          %dma_start3A_109 = tpu.memref_slice %arg11[%scan3A_107, %dma_start3A] : memref<125x80xi32, #tpu.memory_space<vmem>> -> memref<1x80xi32, #tpu.memory_space<vmem>>
          %dma_start3A_110 = tpu.memref_squeeze %dma_start3A_109 : memref<1x80xi32, #tpu.memory_space<vmem>> -> memref<80xi32, #tpu.memory_space<vmem>>
          %dma_start3A_111 = arith.constant 0 : i32
          %dma_start3A_112 = arith.constant 0 : i32
          %dma_start3A_113 = tpu.memref_slice %arg3[%dma_start3A_111, %dma_start3A_112] : memref<10240x128xf32, #tpu.memory_space<hbm>> -> memref<10240x128xf32, #tpu.memory_space<hbm>>
          tpu.enqueue_indirect_dma source(%dma_start3A_113 : memref<10240x128xf32, #tpu.memory_space<hbm>>) target(%arg13 : memref<80x128xf32, #tpu.memory_space<vmem>>) offsets(%dma_start3A_110 : memref<80xi32, #tpu.memory_space<vmem>>) semaphore(%run_scoped3A_108 : memref<!tpu.dma_semaphore, #tpu.memory_space<semaphore_mem>>)
          %dma_wait3A = arith.constant 0 : i32
          %dma_wait3A_114 = tpu.memref_slice %arg11[%scan3A_107, %dma_wait3A] : memref<125x80xi32, #tpu.memory_space<vmem>> -> memref<1x80xi32, #tpu.memory_space<vmem>>
          %dma_wait3A_115 = tpu.memref_squeeze %dma_wait3A_114 : memref<1x80xi32, #tpu.memory_space<vmem>> -> memref<80xi32, #tpu.memory_space<vmem>>
          %dma_wait3A_116 = arith.constant 0 : i32
          %dma_wait3A_117 = arith.constant 0 : i32
          %dma_wait3A_118 = tpu.memref_slice %arg3[%dma_wait3A_116, %dma_wait3A_117] : memref<10240x128xf32, #tpu.memory_space<hbm>> -> memref<10240x128xf32, #tpu.memory_space<hbm>>
          tpu.wait_indirect_dma semaphore(%run_scoped3A_108 : memref<!tpu.dma_semaphore, #tpu.memory_space<semaphore_mem>>) src(%dma_wait3A_118 : memref<10240x128xf32, #tpu.memory_space<hbm>>) dst(%arg13 : memref<80x128xf32, #tpu.memory_space<vmem>>)
          tpu.yield
        }) : () -> ()
        "tpu.region"() ({
          %run_scoped3A_108 = tpu.sem_alloc : memref<!tpu.dma_semaphore, #tpu.memory_space<semaphore_mem>>
          %dma_start3A = arith.constant 0 : i32
          %dma_start3A_109 = tpu.memref_slice %arg12[%scan3A_107, %dma_start3A] : memref<125x80xi32, #tpu.memory_space<vmem>> -> memref<1x80xi32, #tpu.memory_space<vmem>>
          %dma_start3A_110 = tpu.memref_squeeze %dma_start3A_109 : memref<1x80xi32, #tpu.memory_space<vmem>> -> memref<80xi32, #tpu.memory_space<vmem>>
          %dma_start3A_111 = arith.constant 0 : i32
          %dma_start3A_112 = arith.constant 0 : i32
          %dma_start3A_113 = tpu.memref_slice %arg14[%dma_start3A_111, %dma_start3A_112] : memref<10240x128xf32, #tpu.memory_space<vmem_shared>> -> memref<10240x128xf32, #tpu.memory_space<vmem_shared>>
          tpu.enqueue_indirect_dma source(%arg13 : memref<80x128xf32, #tpu.memory_space<vmem>>) target(%dma_start3A_113 : memref<10240x128xf32, #tpu.memory_space<vmem_shared>>) offsets(%dma_start3A_110 : memref<80xi32, #tpu.memory_space<vmem>>) semaphore(%run_scoped3A_108 : memref<!tpu.dma_semaphore, #tpu.memory_space<semaphore_mem>>) {add = true}
          %dma_wait3A = arith.constant 0 : i32
          %dma_wait3A_114 = tpu.memref_slice %arg12[%scan3A_107, %dma_wait3A] : memref<125x80xi32, #tpu.memory_space<vmem>> -> memref<1x80xi32, #tpu.memory_space<vmem>>
          %dma_wait3A_115 = tpu.memref_squeeze %dma_wait3A_114 : memref<1x80xi32, #tpu.memory_space<vmem>> -> memref<80xi32, #tpu.memory_space<vmem>>
          %dma_wait3A_116 = arith.constant 0 : i32
          %dma_wait3A_117 = arith.constant 0 : i32
          %dma_wait3A_118 = tpu.memref_slice %arg14[%dma_wait3A_116, %dma_wait3A_117] : memref<10240x128xf32, #tpu.memory_space<vmem_shared>> -> memref<10240x128xf32, #tpu.memory_space<vmem_shared>>
          tpu.wait_indirect_dma semaphore(%run_scoped3A_108 : memref<!tpu.dma_semaphore, #tpu.memory_space<semaphore_mem>>) src(%arg13 : memref<80x128xf32, #tpu.memory_space<vmem>>) dst(%dma_wait3A_118 : memref<10240x128xf32, #tpu.memory_space<vmem_shared>>)
          tpu.yield
        }) : () -> ()
      }
      %scan3A_49 = arith.constant 125 : i32
      %barrier3A_50 = arith.constant 0 : index
      tpu.barrier barrier_id(%barrier3A_50)
      %mul3A_51 = arith.constant 640 : i32
      %mul3A_52 = arith.muli %arg1, %mul3A_51 : i32
      %mul3A_53 = arith.constant 640 : i32
      %mul3A_54 = arith.muli %arg1, %mul3A_53 : i32
      "tpu.region"() ({
        %run_scoped3A_107 = tpu.sem_alloc : memref<!tpu.dma_semaphore, #tpu.memory_space<semaphore_mem>>
        %dma_start3A = arith.constant 0 : i32
        %dma_start3A_108 = tpu.memref_slice %arg8[%mul3A_54, %dma_start3A] : memref<10240x128xf32, #tpu.memory_space<hbm>> -> memref<640x128xf32, #tpu.memory_space<hbm>>
        %dma_start3A_109 = arith.constant 0 : i32
        %dma_start3A_110 = tpu.memref_slice %arg14[%mul3A_52, %dma_start3A_109] : memref<10240x128xf32, #tpu.memory_space<vmem_shared>> -> memref<640x128xf32, #tpu.memory_space<vmem_shared>>
        tpu.enqueue_dma source(%dma_start3A_110 : memref<640x128xf32, #tpu.memory_space<vmem_shared>>) target(%dma_start3A_108 : memref<640x128xf32, #tpu.memory_space<hbm>>) target_semaphore(%run_scoped3A_107 : memref<!tpu.dma_semaphore, #tpu.memory_space<semaphore_mem>>)
        %dma_wait3A = arith.constant 0 : i32
        %dma_wait3A_111 = tpu.memref_slice %arg8[%mul3A_54, %dma_wait3A] : memref<10240x128xf32, #tpu.memory_space<hbm>> -> memref<640x128xf32, #tpu.memory_space<hbm>>
        %dma_wait3A_112 = arith.constant 0 : i32
        %dma_wait3A_113 = tpu.memref_slice %arg14[%mul3A_52, %dma_wait3A_112] : memref<10240x128xf32, #tpu.memory_space<vmem_shared>> -> memref<640x128xf32, #tpu.memory_space<vmem_shared>>
        tpu.wait_dma2 semaphore(%run_scoped3A_107 : memref<!tpu.dma_semaphore, #tpu.memory_space<semaphore_mem>>) src(%dma_wait3A_113 : memref<640x128xf32, #tpu.memory_space<vmem_shared>>) dst(%dma_wait3A_111 : memref<640x128xf32, #tpu.memory_space<hbm>>)
        tpu.yield
      }) : () -> ()
      %barrier3A_55 = arith.constant 0 : index
      tpu.barrier barrier_id(%barrier3A_55)
      %scan3A_56 = arith.constant 0 : i32
      %scan3A_57 = arith.constant 0 : i32
      %scan3A_58 = arith.constant 640 : i32
      %scan3A_59 = arith.addi %scan3A_57, %scan3A_58 : i32
      %scan3A_60 = arith.constant 1 : i32
      scf.for %scan3A_107 = %scan3A_57 to %scan3A_59 step %scan3A_60  : i32 {
        %jit3A = arith.constant 8 : i32
        %div3A = arith.divsi %scan3A_107, %jit3A : i32
        %sign3A = arith.constant 0 : i32
        %sign3A_108 = arith.cmpi sgt, %scan3A_107, %sign3A : i32
        %sign3A_109 = arith.extui %sign3A_108 : i1 to i32
        %sign3A_110 = arith.constant 0 : i32
        %sign3A_111 = arith.cmpi slt, %scan3A_107, %sign3A_110 : i32
        %sign3A_112 = arith.extui %sign3A_111 : i1 to i32
        %sign3A_113 = arith.subi %sign3A_109, %sign3A_112 : i32
        %sign3A_114 = arith.constant 0 : i32
        %sign3A_115 = arith.cmpi sgt, %jit3A, %sign3A_114 : i32
        %sign3A_116 = arith.extui %sign3A_115 : i1 to i32
        %sign3A_117 = arith.constant 0 : i32
        %sign3A_118 = arith.cmpi slt, %jit3A, %sign3A_117 : i32
        %sign3A_119 = arith.extui %sign3A_118 : i1 to i32
        %sign3A_120 = arith.subi %sign3A_116, %sign3A_119 : i32
        %ne3A = arith.cmpi ne, %sign3A_113, %sign3A_120 : i32
        %rem3A = arith.remsi %scan3A_107, %jit3A : i32
        %ne3A_121 = arith.constant 0 : i32
        %ne3A_122 = arith.cmpi ne, %rem3A, %ne3A_121 : i32
        %and3A = arith.andi %ne3A, %ne3A_122 : i1
        %sub3A = arith.constant 1 : i32
        %sub3A_123 = arith.subi %div3A, %sub3A : i32
        %select_n3A = arith.select %and3A, %sub3A_123, %div3A : i32
        %jit3A_124 = arith.constant 8 : i32
        %eq3A_125 = arith.constant 0 : i32
        %eq3A_126 = arith.cmpi eq, %jit3A_124, %eq3A_125 : i32
        %jit3A_127 = arith.constant 1 : i32
        %select_n3A_128 = arith.select %eq3A_126, %jit3A_127, %jit3A_124 : i32
        %rem3A_129 = arith.remsi %scan3A_107, %select_n3A_128 : i32
        %ne3A_130 = arith.constant 0 : i32
        %ne3A_131 = arith.cmpi ne, %rem3A_129, %ne3A_130 : i32
        %lt3A = arith.constant 0 : i32
        %lt3A_132 = arith.cmpi slt, %rem3A_129, %lt3A : i32
        %lt3A_133 = arith.constant 0 : i32
        %lt3A_134 = arith.cmpi slt, %select_n3A_128, %lt3A_133 : i32
        %ne3A_135 = arith.xori %lt3A_132, %lt3A_134 : i1
        %and3A_136 = arith.andi %ne3A_135, %ne3A_131 : i1
        %add3A_137 = arith.addi %rem3A_129, %select_n3A_128 : i32
        %select_n3A_138 = arith.select %and3A_136, %add3A_137, %rem3A_129 : i32
        %mul3A_139 = arith.constant 16 : i32
        %mul3A_140 = arith.muli %select_n3A_138, %mul3A_139 : i32
        %swap3A = arith.index_cast %select_n3A : i32 to index
        %swap3A_141 = arith.index_cast %mul3A_140 : i32 to index
        %swap3A_142 = tpu.vector_load %arg13[%swap3A, %swap3A_141] {strides = array<i32>} : memref<80x128xf32, #tpu.memory_space<vmem>>, vector<1x16xf32>,
        %swap3A_143 = vector.shape_cast %swap3A_142 : vector<1x16xf32> to vector<16xf32>
        %swap3A_144 = vector.shape_cast %broadcast_in_dim3A_0 : vector<16xf32> to vector<1x16xf32>
        tpu.vector_store %arg13[%swap3A, %swap3A_141], %swap3A_144 {strides = array<i32>} : memref<80x128xf32, #tpu.memory_space<vmem>>, vector<1x16xf32>,
      }
      %scan3A_61 = arith.constant 640 : i32
      %mul3A_62 = arith.constant 640 : i32
      %mul3A_63 = arith.muli %arg1, %mul3A_62 : i32
      %add3A_64 = arith.constant 0 : i32
      %add3A_65 = arith.addi %mul3A_63, %add3A_64 : i32
      "tpu.region"() ({
        %run_scoped3A_107 = tpu.sem_alloc : memref<!tpu.dma_semaphore, #tpu.memory_space<semaphore_mem>>
        %dma_start3A = arith.constant 0 : i32
        %dma_start3A_108 = tpu.memref_slice %arg14[%add3A_65, %dma_start3A] : memref<10240x128xf32, #tpu.memory_space<vmem_shared>> -> memref<80x128xf32, #tpu.memory_space<vmem_shared>>
        %dma_start3A_109 = arith.constant 0 : i32
        %dma_start3A_110 = tpu.memref_slice %arg14[%add3A_65, %dma_start3A_109] : memref<10240x128xf32, #tpu.memory_space<vmem_shared>> -> memref<80x128xf32, #tpu.memory_space<vmem_shared>>
        tpu.enqueue_dma source(%arg13 : memref<80x128xf32, #tpu.memory_space<vmem>>) target(%dma_start3A_110 : memref<80x128xf32, #tpu.memory_space<vmem_shared>>) target_semaphore(%run_scoped3A_107 : memref<!tpu.dma_semaphore, #tpu.memory_space<semaphore_mem>>)
        %dma_wait3A = arith.constant 0 : i32
        %dma_wait3A_111 = tpu.memref_slice %arg14[%add3A_65, %dma_wait3A] : memref<10240x128xf32, #tpu.memory_space<vmem_shared>> -> memref<80x128xf32, #tpu.memory_space<vmem_shared>>
        %dma_wait3A_112 = arith.constant 0 : i32
        %dma_wait3A_113 = tpu.memref_slice %arg14[%add3A_65, %dma_wait3A_112] : memref<10240x128xf32, #tpu.memory_space<vmem_shared>> -> memref<80x128xf32, #tpu.memory_space<vmem_shared>>
        tpu.wait_dma2 semaphore(%run_scoped3A_107 : memref<!tpu.dma_semaphore, #tpu.memory_space<semaphore_mem>>) src(%arg13 : memref<80x128xf32, #tpu.memory_space<vmem>>) dst(%dma_wait3A_113 : memref<80x128xf32, #tpu.memory_space<vmem_shared>>)
        tpu.yield
      }) : () -> ()
      %mul3A_66 = arith.constant 640 : i32
      %mul3A_67 = arith.muli %arg1, %mul3A_66 : i32
      %add3A_68 = arith.constant 80 : i32
      %add3A_69 = arith.addi %mul3A_67, %add3A_68 : i32
      "tpu.region"() ({
        %run_scoped3A_107 = tpu.sem_alloc : memref<!tpu.dma_semaphore, #tpu.memory_space<semaphore_mem>>
        %dma_start3A = arith.constant 0 : i32
        %dma_start3A_108 = tpu.memref_slice %arg14[%add3A_69, %dma_start3A] : memref<10240x128xf32, #tpu.memory_space<vmem_shared>> -> memref<80x128xf32, #tpu.memory_space<vmem_shared>>
        %dma_start3A_109 = arith.constant 0 : i32
        %dma_start3A_110 = tpu.memref_slice %arg14[%add3A_69, %dma_start3A_109] : memref<10240x128xf32, #tpu.memory_space<vmem_shared>> -> memref<80x128xf32, #tpu.memory_space<vmem_shared>>
        tpu.enqueue_dma source(%arg13 : memref<80x128xf32, #tpu.memory_space<vmem>>) target(%dma_start3A_110 : memref<80x128xf32, #tpu.memory_space<vmem_shared>>) target_semaphore(%run_scoped3A_107 : memref<!tpu.dma_semaphore, #tpu.memory_space<semaphore_mem>>)
        %dma_wait3A = arith.constant 0 : i32
        %dma_wait3A_111 = tpu.memref_slice %arg14[%add3A_69, %dma_wait3A] : memref<10240x128xf32, #tpu.memory_space<vmem_shared>> -> memref<80x128xf32, #tpu.memory_space<vmem_shared>>
        %dma_wait3A_112 = arith.constant 0 : i32
        %dma_wait3A_113 = tpu.memref_slice %arg14[%add3A_69, %dma_wait3A_112] : memref<10240x128xf32, #tpu.memory_space<vmem_shared>> -> memref<80x128xf32, #tpu.memory_space<vmem_shared>>
        tpu.wait_dma2 semaphore(%run_scoped3A_107 : memref<!tpu.dma_semaphore, #tpu.memory_space<semaphore_mem>>) src(%arg13 : memref<80x128xf32, #tpu.memory_space<vmem>>) dst(%dma_wait3A_113 : memref<80x128xf32, #tpu.memory_space<vmem_shared>>)
        tpu.yield
      }) : () -> ()
      %mul3A_70 = arith.constant 640 : i32
      %mul3A_71 = arith.muli %arg1, %mul3A_70 : i32
      %add3A_72 = arith.constant 160 : i32
      %add3A_73 = arith.addi %mul3A_71, %add3A_72 : i32
      "tpu.region"() ({
        %run_scoped3A_107 = tpu.sem_alloc : memref<!tpu.dma_semaphore, #tpu.memory_space<semaphore_mem>>
        %dma_start3A = arith.constant 0 : i32
        %dma_start3A_108 = tpu.memref_slice %arg14[%add3A_73, %dma_start3A] : memref<10240x128xf32, #tpu.memory_space<vmem_shared>> -> memref<80x128xf32, #tpu.memory_space<vmem_shared>>
        %dma_start3A_109 = arith.constant 0 : i32
        %dma_start3A_110 = tpu.memref_slice %arg14[%add3A_73, %dma_start3A_109] : memref<10240x128xf32, #tpu.memory_space<vmem_shared>> -> memref<80x128xf32, #tpu.memory_space<vmem_shared>>
        tpu.enqueue_dma source(%arg13 : memref<80x128xf32, #tpu.memory_space<vmem>>) target(%dma_start3A_110 : memref<80x128xf32, #tpu.memory_space<vmem_shared>>) target_semaphore(%run_scoped3A_107 : memref<!tpu.dma_semaphore, #tpu.memory_space<semaphore_mem>>)
        %dma_wait3A = arith.constant 0 : i32
        %dma_wait3A_111 = tpu.memref_slice %arg14[%add3A_73, %dma_wait3A] : memref<10240x128xf32, #tpu.memory_space<vmem_shared>> -> memref<80x128xf32, #tpu.memory_space<vmem_shared>>
        %dma_wait3A_112 = arith.constant 0 : i32
        %dma_wait3A_113 = tpu.memref_slice %arg14[%add3A_73, %dma_wait3A_112] : memref<10240x128xf32, #tpu.memory_space<vmem_shared>> -> memref<80x128xf32, #tpu.memory_space<vmem_shared>>
        tpu.wait_dma2 semaphore(%run_scoped3A_107 : memref<!tpu.dma_semaphore, #tpu.memory_space<semaphore_mem>>) src(%arg13 : memref<80x128xf32, #tpu.memory_space<vmem>>) dst(%dma_wait3A_113 : memref<80x128xf32, #tpu.memory_space<vmem_shared>>)
        tpu.yield
      }) : () -> ()
      %mul3A_74 = arith.constant 640 : i32
      %mul3A_75 = arith.muli %arg1, %mul3A_74 : i32
      %add3A_76 = arith.constant 240 : i32
      %add3A_77 = arith.addi %mul3A_75, %add3A_76 : i32
      "tpu.region"() ({
        %run_scoped3A_107 = tpu.sem_alloc : memref<!tpu.dma_semaphore, #tpu.memory_space<semaphore_mem>>
        %dma_start3A = arith.constant 0 : i32
        %dma_start3A_108 = tpu.memref_slice %arg14[%add3A_77, %dma_start3A] : memref<10240x128xf32, #tpu.memory_space<vmem_shared>> -> memref<80x128xf32, #tpu.memory_space<vmem_shared>>
        %dma_start3A_109 = arith.constant 0 : i32
        %dma_start3A_110 = tpu.memref_slice %arg14[%add3A_77, %dma_start3A_109] : memref<10240x128xf32, #tpu.memory_space<vmem_shared>> -> memref<80x128xf32, #tpu.memory_space<vmem_shared>>
        tpu.enqueue_dma source(%arg13 : memref<80x128xf32, #tpu.memory_space<vmem>>) target(%dma_start3A_110 : memref<80x128xf32, #tpu.memory_space<vmem_shared>>) target_semaphore(%run_scoped3A_107 : memref<!tpu.dma_semaphore, #tpu.memory_space<semaphore_mem>>)
        %dma_wait3A = arith.constant 0 : i32
        %dma_wait3A_111 = tpu.memref_slice %arg14[%add3A_77, %dma_wait3A] : memref<10240x128xf32, #tpu.memory_space<vmem_shared>> -> memref<80x128xf32, #tpu.memory_space<vmem_shared>>
        %dma_wait3A_112 = arith.constant 0 : i32
        %dma_wait3A_113 = tpu.memref_slice %arg14[%add3A_77, %dma_wait3A_112] : memref<10240x128xf32, #tpu.memory_space<vmem_shared>> -> memref<80x128xf32, #tpu.memory_space<vmem_shared>>
        tpu.wait_dma2 semaphore(%run_scoped3A_107 : memref<!tpu.dma_semaphore, #tpu.memory_space<semaphore_mem>>) src(%arg13 : memref<80x128xf32, #tpu.memory_space<vmem>>) dst(%dma_wait3A_113 : memref<80x128xf32, #tpu.memory_space<vmem_shared>>)
        tpu.yield
      }) : () -> ()
      %mul3A_78 = arith.constant 640 : i32
      %mul3A_79 = arith.muli %arg1, %mul3A_78 : i32
      %add3A_80 = arith.constant 320 : i32
      %add3A_81 = arith.addi %mul3A_79, %add3A_80 : i32
      "tpu.region"() ({
        %run_scoped3A_107 = tpu.sem_alloc : memref<!tpu.dma_semaphore, #tpu.memory_space<semaphore_mem>>
        %dma_start3A = arith.constant 0 : i32
        %dma_start3A_108 = tpu.memref_slice %arg14[%add3A_81, %dma_start3A] : memref<10240x128xf32, #tpu.memory_space<vmem_shared>> -> memref<80x128xf32, #tpu.memory_space<vmem_shared>>
        %dma_start3A_109 = arith.constant 0 : i32
        %dma_start3A_110 = tpu.memref_slice %arg14[%add3A_81, %dma_start3A_109] : memref<10240x128xf32, #tpu.memory_space<vmem_shared>> -> memref<80x128xf32, #tpu.memory_space<vmem_shared>>
        tpu.enqueue_dma source(%arg13 : memref<80x128xf32, #tpu.memory_space<vmem>>) target(%dma_start3A_110 : memref<80x128xf32, #tpu.memory_space<vmem_shared>>) target_semaphore(%run_scoped3A_107 : memref<!tpu.dma_semaphore, #tpu.memory_space<semaphore_mem>>)
        %dma_wait3A = arith.constant 0 : i32
        %dma_wait3A_111 = tpu.memref_slice %arg14[%add3A_81, %dma_wait3A] : memref<10240x128xf32, #tpu.memory_space<vmem_shared>> -> memref<80x128xf32, #tpu.memory_space<vmem_shared>>
        %dma_wait3A_112 = arith.constant 0 : i32
        %dma_wait3A_113 = tpu.memref_slice %arg14[%add3A_81, %dma_wait3A_112] : memref<10240x128xf32, #tpu.memory_space<vmem_shared>> -> memref<80x128xf32, #tpu.memory_space<vmem_shared>>
        tpu.wait_dma2 semaphore(%run_scoped3A_107 : memref<!tpu.dma_semaphore, #tpu.memory_space<semaphore_mem>>) src(%arg13 : memref<80x128xf32, #tpu.memory_space<vmem>>) dst(%dma_wait3A_113 : memref<80x128xf32, #tpu.memory_space<vmem_shared>>)
        tpu.yield
      }) : () -> ()
      %mul3A_82 = arith.constant 640 : i32
      %mul3A_83 = arith.muli %arg1, %mul3A_82 : i32
      %add3A_84 = arith.constant 400 : i32
      %add3A_85 = arith.addi %mul3A_83, %add3A_84 : i32
      "tpu.region"() ({
        %run_scoped3A_107 = tpu.sem_alloc : memref<!tpu.dma_semaphore, #tpu.memory_space<semaphore_mem>>
        %dma_start3A = arith.constant 0 : i32
        %dma_start3A_108 = tpu.memref_slice %arg14[%add3A_85, %dma_start3A] : memref<10240x128xf32, #tpu.memory_space<vmem_shared>> -> memref<80x128xf32, #tpu.memory_space<vmem_shared>>
        %dma_start3A_109 = arith.constant 0 : i32
        %dma_start3A_110 = tpu.memref_slice %arg14[%add3A_85, %dma_start3A_109] : memref<10240x128xf32, #tpu.memory_space<vmem_shared>> -> memref<80x128xf32, #tpu.memory_space<vmem_shared>>
        tpu.enqueue_dma source(%arg13 : memref<80x128xf32, #tpu.memory_space<vmem>>) target(%dma_start3A_110 : memref<80x128xf32, #tpu.memory_space<vmem_shared>>) target_semaphore(%run_scoped3A_107 : memref<!tpu.dma_semaphore, #tpu.memory_space<semaphore_mem>>)
        %dma_wait3A = arith.constant 0 : i32
        %dma_wait3A_111 = tpu.memref_slice %arg14[%add3A_85, %dma_wait3A] : memref<10240x128xf32, #tpu.memory_space<vmem_shared>> -> memref<80x128xf32, #tpu.memory_space<vmem_shared>>
        %dma_wait3A_112 = arith.constant 0 : i32
        %dma_wait3A_113 = tpu.memref_slice %arg14[%add3A_85, %dma_wait3A_112] : memref<10240x128xf32, #tpu.memory_space<vmem_shared>> -> memref<80x128xf32, #tpu.memory_space<vmem_shared>>
        tpu.wait_dma2 semaphore(%run_scoped3A_107 : memref<!tpu.dma_semaphore, #tpu.memory_space<semaphore_mem>>) src(%arg13 : memref<80x128xf32, #tpu.memory_space<vmem>>) dst(%dma_wait3A_113 : memref<80x128xf32, #tpu.memory_space<vmem_shared>>)
        tpu.yield
      }) : () -> ()
      %mul3A_86 = arith.constant 640 : i32
      %mul3A_87 = arith.muli %arg1, %mul3A_86 : i32
      %add3A_88 = arith.constant 480 : i32
      %add3A_89 = arith.addi %mul3A_87, %add3A_88 : i32
      "tpu.region"() ({
        %run_scoped3A_107 = tpu.sem_alloc : memref<!tpu.dma_semaphore, #tpu.memory_space<semaphore_mem>>
        %dma_start3A = arith.constant 0 : i32
        %dma_start3A_108 = tpu.memref_slice %arg14[%add3A_89, %dma_start3A] : memref<10240x128xf32, #tpu.memory_space<vmem_shared>> -> memref<80x128xf32, #tpu.memory_space<vmem_shared>>
        %dma_start3A_109 = arith.constant 0 : i32
        %dma_start3A_110 = tpu.memref_slice %arg14[%add3A_89, %dma_start3A_109] : memref<10240x128xf32, #tpu.memory_space<vmem_shared>> -> memref<80x128xf32, #tpu.memory_space<vmem_shared>>
        tpu.enqueue_dma source(%arg13 : memref<80x128xf32, #tpu.memory_space<vmem>>) target(%dma_start3A_110 : memref<80x128xf32, #tpu.memory_space<vmem_shared>>) target_semaphore(%run_scoped3A_107 : memref<!tpu.dma_semaphore, #tpu.memory_space<semaphore_mem>>)
        %dma_wait3A = arith.constant 0 : i32
        %dma_wait3A_111 = tpu.memref_slice %arg14[%add3A_89, %dma_wait3A] : memref<10240x128xf32, #tpu.memory_space<vmem_shared>> -> memref<80x128xf32, #tpu.memory_space<vmem_shared>>
        %dma_wait3A_112 = arith.constant 0 : i32
        %dma_wait3A_113 = tpu.memref_slice %arg14[%add3A_89, %dma_wait3A_112] : memref<10240x128xf32, #tpu.memory_space<vmem_shared>> -> memref<80x128xf32, #tpu.memory_space<vmem_shared>>
        tpu.wait_dma2 semaphore(%run_scoped3A_107 : memref<!tpu.dma_semaphore, #tpu.memory_space<semaphore_mem>>) src(%arg13 : memref<80x128xf32, #tpu.memory_space<vmem>>) dst(%dma_wait3A_113 : memref<80x128xf32, #tpu.memory_space<vmem_shared>>)
        tpu.yield
      }) : () -> ()
      %mul3A_90 = arith.constant 640 : i32
      %mul3A_91 = arith.muli %arg1, %mul3A_90 : i32
      %add3A_92 = arith.constant 560 : i32
      %add3A_93 = arith.addi %mul3A_91, %add3A_92 : i32
      "tpu.region"() ({
        %run_scoped3A_107 = tpu.sem_alloc : memref<!tpu.dma_semaphore, #tpu.memory_space<semaphore_mem>>
        %dma_start3A = arith.constant 0 : i32
        %dma_start3A_108 = tpu.memref_slice %arg14[%add3A_93, %dma_start3A] : memref<10240x128xf32, #tpu.memory_space<vmem_shared>> -> memref<80x128xf32, #tpu.memory_space<vmem_shared>>
        %dma_start3A_109 = arith.constant 0 : i32
        %dma_start3A_110 = tpu.memref_slice %arg14[%add3A_93, %dma_start3A_109] : memref<10240x128xf32, #tpu.memory_space<vmem_shared>> -> memref<80x128xf32, #tpu.memory_space<vmem_shared>>
        tpu.enqueue_dma source(%arg13 : memref<80x128xf32, #tpu.memory_space<vmem>>) target(%dma_start3A_110 : memref<80x128xf32, #tpu.memory_space<vmem_shared>>) target_semaphore(%run_scoped3A_107 : memref<!tpu.dma_semaphore, #tpu.memory_space<semaphore_mem>>)
        %dma_wait3A = arith.constant 0 : i32
        %dma_wait3A_111 = tpu.memref_slice %arg14[%add3A_93, %dma_wait3A] : memref<10240x128xf32, #tpu.memory_space<vmem_shared>> -> memref<80x128xf32, #tpu.memory_space<vmem_shared>>
        %dma_wait3A_112 = arith.constant 0 : i32
        %dma_wait3A_113 = tpu.memref_slice %arg14[%add3A_93, %dma_wait3A_112] : memref<10240x128xf32, #tpu.memory_space<vmem_shared>> -> memref<80x128xf32, #tpu.memory_space<vmem_shared>>
        tpu.wait_dma2 semaphore(%run_scoped3A_107 : memref<!tpu.dma_semaphore, #tpu.memory_space<semaphore_mem>>) src(%arg13 : memref<80x128xf32, #tpu.memory_space<vmem>>) dst(%dma_wait3A_113 : memref<80x128xf32, #tpu.memory_space<vmem_shared>>)
        tpu.yield
      }) : () -> ()
      %barrier3A_94 = arith.constant 0 : index
      tpu.barrier barrier_id(%barrier3A_94)
      %scan3A_95 = arith.constant 0 : i32
      %scan3A_96 = arith.constant 0 : i32
      %scan3A_97 = arith.constant 125 : i32
      %scan3A_98 = arith.addi %scan3A_96, %scan3A_97 : i32
      %scan3A_99 = arith.constant 1 : i32
      scf.for %scan3A_107 = %scan3A_96 to %scan3A_98 step %scan3A_99  : i32 {
        "tpu.region"() ({
          %run_scoped3A_108 = tpu.sem_alloc : memref<!tpu.dma_semaphore, #tpu.memory_space<semaphore_mem>>
          %dma_start3A = arith.constant 0 : i32
          %dma_start3A_109 = tpu.memref_slice %arg11[%scan3A_107, %dma_start3A] : memref<125x80xi32, #tpu.memory_space<vmem>> -> memref<1x80xi32, #tpu.memory_space<vmem>>
          %dma_start3A_110 = tpu.memref_squeeze %dma_start3A_109 : memref<1x80xi32, #tpu.memory_space<vmem>> -> memref<80xi32, #tpu.memory_space<vmem>>
          %dma_start3A_111 = arith.constant 0 : i32
          %dma_start3A_112 = arith.constant 0 : i32
          %dma_start3A_113 = tpu.memref_slice %arg5[%dma_start3A_111, %dma_start3A_112] : memref<10240x128xf32, #tpu.memory_space<hbm>> -> memref<10240x128xf32, #tpu.memory_space<hbm>>
          tpu.enqueue_indirect_dma source(%dma_start3A_113 : memref<10240x128xf32, #tpu.memory_space<hbm>>) target(%arg13 : memref<80x128xf32, #tpu.memory_space<vmem>>) offsets(%dma_start3A_110 : memref<80xi32, #tpu.memory_space<vmem>>) semaphore(%run_scoped3A_108 : memref<!tpu.dma_semaphore, #tpu.memory_space<semaphore_mem>>)
          %dma_wait3A = arith.constant 0 : i32
          %dma_wait3A_114 = tpu.memref_slice %arg11[%scan3A_107, %dma_wait3A] : memref<125x80xi32, #tpu.memory_space<vmem>> -> memref<1x80xi32, #tpu.memory_space<vmem>>
          %dma_wait3A_115 = tpu.memref_squeeze %dma_wait3A_114 : memref<1x80xi32, #tpu.memory_space<vmem>> -> memref<80xi32, #tpu.memory_space<vmem>>
          %dma_wait3A_116 = arith.constant 0 : i32
          %dma_wait3A_117 = arith.constant 0 : i32
          %dma_wait3A_118 = tpu.memref_slice %arg5[%dma_wait3A_116, %dma_wait3A_117] : memref<10240x128xf32, #tpu.memory_space<hbm>> -> memref<10240x128xf32, #tpu.memory_space<hbm>>
          tpu.wait_indirect_dma semaphore(%run_scoped3A_108 : memref<!tpu.dma_semaphore, #tpu.memory_space<semaphore_mem>>) src(%dma_wait3A_118 : memref<10240x128xf32, #tpu.memory_space<hbm>>) dst(%arg13 : memref<80x128xf32, #tpu.memory_space<vmem>>)
          tpu.yield
        }) : () -> ()
        "tpu.region"() ({
          %run_scoped3A_108 = tpu.sem_alloc : memref<!tpu.dma_semaphore, #tpu.memory_space<semaphore_mem>>
          %dma_start3A = arith.constant 0 : i32
          %dma_start3A_109 = tpu.memref_slice %arg12[%scan3A_107, %dma_start3A] : memref<125x80xi32, #tpu.memory_space<vmem>> -> memref<1x80xi32, #tpu.memory_space<vmem>>
          %dma_start3A_110 = tpu.memref_squeeze %dma_start3A_109 : memref<1x80xi32, #tpu.memory_space<vmem>> -> memref<80xi32, #tpu.memory_space<vmem>>
          %dma_start3A_111 = arith.constant 0 : i32
          %dma_start3A_112 = arith.constant 0 : i32
          %dma_start3A_113 = tpu.memref_slice %arg14[%dma_start3A_111, %dma_start3A_112] : memref<10240x128xf32, #tpu.memory_space<vmem_shared>> -> memref<10240x128xf32, #tpu.memory_space<vmem_shared>>
          tpu.enqueue_indirect_dma source(%arg13 : memref<80x128xf32, #tpu.memory_space<vmem>>) target(%dma_start3A_113 : memref<10240x128xf32, #tpu.memory_space<vmem_shared>>) offsets(%dma_start3A_110 : memref<80xi32, #tpu.memory_space<vmem>>) semaphore(%run_scoped3A_108 : memref<!tpu.dma_semaphore, #tpu.memory_space<semaphore_mem>>) {add = true}
          %dma_wait3A = arith.constant 0 : i32
          %dma_wait3A_114 = tpu.memref_slice %arg12[%scan3A_107, %dma_wait3A] : memref<125x80xi32, #tpu.memory_space<vmem>> -> memref<1x80xi32, #tpu.memory_space<vmem>>
          %dma_wait3A_115 = tpu.memref_squeeze %dma_wait3A_114 : memref<1x80xi32, #tpu.memory_space<vmem>> -> memref<80xi32, #tpu.memory_space<vmem>>
          %dma_wait3A_116 = arith.constant 0 : i32
          %dma_wait3A_117 = arith.constant 0 : i32
          %dma_wait3A_118 = tpu.memref_slice %arg14[%dma_wait3A_116, %dma_wait3A_117] : memref<10240x128xf32, #tpu.memory_space<vmem_shared>> -> memref<10240x128xf32, #tpu.memory_space<vmem_shared>>
          tpu.wait_indirect_dma semaphore(%run_scoped3A_108 : memref<!tpu.dma_semaphore, #tpu.memory_space<semaphore_mem>>) src(%arg13 : memref<80x128xf32, #tpu.memory_space<vmem>>) dst(%dma_wait3A_118 : memref<10240x128xf32, #tpu.memory_space<vmem_shared>>)
          tpu.yield
        }) : () -> ()
      }
      %scan3A_100 = arith.constant 125 : i32
      %barrier3A_101 = arith.constant 0 : index
      tpu.barrier barrier_id(%barrier3A_101)
      %mul3A_102 = arith.constant 640 : i32
      %mul3A_103 = arith.muli %arg1, %mul3A_102 : i32
      %mul3A_104 = arith.constant 640 : i32
      %mul3A_105 = arith.muli %arg1, %mul3A_104 : i32
      "tpu.region"() ({
        %run_scoped3A_107 = tpu.sem_alloc : memref<!tpu.dma_semaphore, #tpu.memory_space<semaphore_mem>>
        %dma_start3A = arith.constant 0 : i32
        %dma_start3A_108 = tpu.memref_slice %arg10[%mul3A_105, %dma_start3A] : memref<10240x128xf32, #tpu.memory_space<hbm>> -> memref<640x128xf32, #tpu.memory_space<hbm>>
        %dma_start3A_109 = arith.constant 0 : i32
        %dma_start3A_110 = tpu.memref_slice %arg14[%mul3A_103, %dma_start3A_109] : memref<10240x128xf32, #tpu.memory_space<vmem_shared>> -> memref<640x128xf32, #tpu.memory_space<vmem_shared>>
        tpu.enqueue_dma source(%dma_start3A_110 : memref<640x128xf32, #tpu.memory_space<vmem_shared>>) target(%dma_start3A_108 : memref<640x128xf32, #tpu.memory_space<hbm>>) target_semaphore(%run_scoped3A_107 : memref<!tpu.dma_semaphore, #tpu.memory_space<semaphore_mem>>)
        %dma_wait3A = arith.constant 0 : i32
        %dma_wait3A_111 = tpu.memref_slice %arg10[%mul3A_105, %dma_wait3A] : memref<10240x128xf32, #tpu.memory_space<hbm>> -> memref<640x128xf32, #tpu.memory_space<hbm>>
        %dma_wait3A_112 = arith.constant 0 : i32
        %dma_wait3A_113 = tpu.memref_slice %arg14[%mul3A_103, %dma_wait3A_112] : memref<10240x128xf32, #tpu.memory_space<vmem_shared>> -> memref<640x128xf32, #tpu.memory_space<vmem_shared>>
        tpu.wait_dma2 semaphore(%run_scoped3A_107 : memref<!tpu.dma_semaphore, #tpu.memory_space<semaphore_mem>>) src(%dma_wait3A_113 : memref<640x128xf32, #tpu.memory_space<vmem_shared>>) dst(%dma_wait3A_111 : memref<640x128xf32, #tpu.memory_space<hbm>>)
        tpu.yield
      }) : () -> ()
      %barrier3A_106 = arith.constant 0 : index
      tpu.barrier barrier_id(%barrier3A_106)
    } else {
    }
    return
  }
}

module attributes {stable_mosaic.version = 14 : i64} {
  func.func @_mm1_body(%arg0: i32, %arg1: memref<320x256xf32, #tpu.memory_space<vmem>>, %arg2: memref<256x512xf32, #tpu.memory_space<vmem>>, %arg3: memref<320x1xf32, #tpu.memory_space<vmem>>, %arg4: memref<320x128xf32, #tpu.memory_space<vmem>>, %arg5: memref<320x128xf32, #tpu.memory_space<vmem>>, %arg6: memref<320x128xf32, #tpu.memory_space<vmem>>, %arg7: memref<320x128xf32, #tpu.memory_space<vmem>>) attributes {dimension_semantics = [#tpu.dimension_semantics<arbitrary>], iteration_bounds = array<i64: 32>, scalar_prefetch = 0 : i64, scratch_operands = 0 : i64, tpu.core_type = #tpu.core_type<tc>, window_params = [{transform_indices = @transform_0, window_bounds = array<i64: 320, 256>}, {pipeline_mode = #tpu.pipeline_mode<synchronous>, transform_indices = @transform_1, window_bounds = array<i64: 256, 512>}, {transform_indices = @transform_2, window_bounds = array<i64: 320, 1>}, {transform_indices = @transform_3, window_bounds = array<i64: 320, 128>}, {transform_indices = @transform_4, window_bounds = array<i64: 320, 128>}, {transform_indices = @transform_5, window_bounds = array<i64: 320, 128>}, {transform_indices = @transform_6, window_bounds = array<i64: 320, 128>}]} {
    %get3A = arith.constant 0 : index
    %get3A_0 = arith.constant 0 : index
    %get3A_1 = vector.load %arg3[%get3A, %get3A_0] : memref<320x1xf32, #tpu.memory_space<vmem>>, vector<320x1xf32>
    %add3A = arith.constant 1.000000e+00 : f32
    %add3A_2 = vector.broadcast %add3A : f32 to vector<320x1xf32>
    %add3A_3 = arith.addf %get3A_1, %add3A_2 : vector<320x1xf32>
    %rsqrt3A = math.rsqrt %add3A_3 : vector<320x1xf32>
    %get3A_4 = arith.constant 0 : index
    %get3A_5 = arith.constant 0 : index
    %get3A_6 = vector.load %arg1[%get3A_4, %get3A_5] : memref<320x256xf32, #tpu.memory_space<vmem>>, vector<320x256xf32>
    %get3A_7 = arith.constant 0 : index
    %get3A_8 = arith.constant 0 : index
    %get3A_9 = vector.load %arg2[%get3A_7, %get3A_8] : memref<256x512xf32, #tpu.memory_space<vmem>>, vector<256x512xf32>
    %dot_general3A = arith.constant dense<0.000000e+00> : vector<320x512xf32>
    %dot_general3A_10 = tpu.matmul %get3A_6, %get3A_9, %dot_general3A {dimension_numbers = #tpu.dot_dimension_numbers<[1], [0], [0], [1], [0, 0, 1, 1], [], []>, transpose_lhs_hint = false} : vector<320x256xf32>, vector<256x512xf32>, vector<320x512xf32> -> vector<320x512xf32>
    %mul3A = vector.broadcast %rsqrt3A : vector<320x1xf32> to vector<320x512xf32>
    %mul3A_11 = arith.mulf %dot_general3A_10, %mul3A : vector<320x512xf32>
    %slice3A = vector.extract_strided_slice %mul3A_11 {offsets = [0, 0], sizes = [320, 128], strides = [1, 1]} : vector<320x512xf32> to vector<320x128xf32>
    %swap3A = arith.constant 0 : index
    %swap3A_12 = arith.constant 0 : index
    %swap3A_13 = vector.load %arg4[%swap3A, %swap3A_12] : memref<320x128xf32, #tpu.memory_space<vmem>>, vector<320x128xf32>
    tpu.vector_store %arg4[%swap3A, %swap3A_12], %slice3A {strides = array<i32>} : memref<320x128xf32, #tpu.memory_space<vmem>>, vector<320x128xf32>,
    %slice3A_14 = vector.extract_strided_slice %mul3A_11 {offsets = [0, 128], sizes = [320, 128], strides = [1, 1]} : vector<320x512xf32> to vector<320x128xf32>
    %swap3A_15 = arith.constant 0 : index
    %swap3A_16 = arith.constant 0 : index
    %swap3A_17 = vector.load %arg5[%swap3A_15, %swap3A_16] : memref<320x128xf32, #tpu.memory_space<vmem>>, vector<320x128xf32>
    tpu.vector_store %arg5[%swap3A_15, %swap3A_16], %slice3A_14 {strides = array<i32>} : memref<320x128xf32, #tpu.memory_space<vmem>>, vector<320x128xf32>,
    %slice3A_18 = vector.extract_strided_slice %mul3A_11 {offsets = [0, 256], sizes = [320, 128], strides = [1, 1]} : vector<320x512xf32> to vector<320x128xf32>
    %swap3A_19 = arith.constant 0 : index
    %swap3A_20 = arith.constant 0 : index
    %swap3A_21 = vector.load %arg6[%swap3A_19, %swap3A_20] : memref<320x128xf32, #tpu.memory_space<vmem>>, vector<320x128xf32>
    tpu.vector_store %arg6[%swap3A_19, %swap3A_20], %slice3A_18 {strides = array<i32>} : memref<320x128xf32, #tpu.memory_space<vmem>>, vector<320x128xf32>,
    %slice3A_22 = vector.extract_strided_slice %mul3A_11 {offsets = [0, 384], sizes = [320, 128], strides = [1, 1]} : vector<320x512xf32> to vector<320x128xf32>
    %swap3A_23 = arith.constant 0 : index
    %swap3A_24 = arith.constant 0 : index
    %swap3A_25 = vector.load %arg7[%swap3A_23, %swap3A_24] : memref<320x128xf32, #tpu.memory_space<vmem>>, vector<320x128xf32>
    tpu.vector_store %arg7[%swap3A_23, %swap3A_24], %slice3A_22 {strides = array<i32>} : memref<320x128xf32, #tpu.memory_space<vmem>>, vector<320x128xf32>,
    return
  }
  func.func @transform_0(%arg0: i32) -> (i32, i32) {
    %c0_i32 = arith.constant 0 : i32
    %c0_i32_0 = arith.constant 0 : i32
    return %arg0, %c0_i32 : i32, i32
  }
  func.func @transform_1(%arg0: i32) -> (i32, i32) {
    %c0_i32 = arith.constant 0 : i32
    %c0_i32_0 = arith.constant 0 : i32
    %c0_i32_1 = arith.constant 0 : i32
    return %c0_i32, %c0_i32_0 : i32, i32
  }
  func.func @transform_2(%arg0: i32) -> (i32, i32) {
    %c0_i32 = arith.constant 0 : i32
    %c0_i32_0 = arith.constant 0 : i32
    return %arg0, %c0_i32 : i32, i32
  }
  func.func @transform_3(%arg0: i32) -> (i32, i32) {
    %c0_i32 = arith.constant 0 : i32
    %c0_i32_0 = arith.constant 0 : i32
    return %arg0, %c0_i32 : i32, i32
  }
  func.func @transform_4(%arg0: i32) -> (i32, i32) {
    %c0_i32 = arith.constant 0 : i32
    %c0_i32_0 = arith.constant 0 : i32
    return %arg0, %c0_i32 : i32, i32
  }
  func.func @transform_5(%arg0: i32) -> (i32, i32) {
    %c0_i32 = arith.constant 0 : i32
    %c0_i32_0 = arith.constant 0 : i32
    return %arg0, %c0_i32 : i32, i32
  }
  func.func @transform_6(%arg0: i32) -> (i32, i32) {
    %c0_i32 = arith.constant 0 : i32
    %c0_i32_0 = arith.constant 0 : i32
    return %arg0, %c0_i32 : i32, i32
  }
}

module attributes {stable_mosaic.version = 14 : i64} {
  func.func @_mm2_body(%arg0: i32, %arg1: memref<320x1xf32, #tpu.memory_space<vmem>>, %arg2: memref<320x128xf32, #tpu.memory_space<vmem>>, %arg3: memref<320x128xf32, #tpu.memory_space<vmem>>, %arg4: memref<320x128xf32, #tpu.memory_space<vmem>>, %arg5: memref<320x128xf32, #tpu.memory_space<vmem>>, %arg6: memref<320x128xf32, #tpu.memory_space<vmem>>, %arg7: memref<320x128xf32, #tpu.memory_space<vmem>>, %arg8: memref<320x128xf32, #tpu.memory_space<vmem>>, %arg9: memref<320x128xf32, #tpu.memory_space<vmem>>, %arg10: memref<1x512xf32, #tpu.memory_space<vmem>>, %arg11: memref<512x512xf32, #tpu.memory_space<vmem>>, %arg12: memref<320x128xf32, #tpu.memory_space<vmem>>, %arg13: memref<320x128xf32, #tpu.memory_space<vmem>>, %arg14: memref<320x128xf32, #tpu.memory_space<vmem>>, %arg15: memref<320x128xf32, #tpu.memory_space<vmem>>) attributes {dimension_semantics = [#tpu.dimension_semantics<arbitrary>], iteration_bounds = array<i64: 32>, scalar_prefetch = 0 : i64, scratch_operands = 0 : i64, tpu.core_type = #tpu.core_type<tc>, window_params = [{transform_indices = @transform_0, window_bounds = array<i64: 320, 1>}, {transform_indices = @transform_1, window_bounds = array<i64: 320, 128>}, {transform_indices = @transform_2, window_bounds = array<i64: 320, 128>}, {transform_indices = @transform_3, window_bounds = array<i64: 320, 128>}, {transform_indices = @transform_4, window_bounds = array<i64: 320, 128>}, {transform_indices = @transform_5, window_bounds = array<i64: 320, 128>}, {transform_indices = @transform_6, window_bounds = array<i64: 320, 128>}, {transform_indices = @transform_7, window_bounds = array<i64: 320, 128>}, {transform_indices = @transform_8, window_bounds = array<i64: 320, 128>}, {pipeline_mode = #tpu.pipeline_mode<synchronous>, transform_indices = @transform_9, window_bounds = array<i64: 1, 512>}, {pipeline_mode = #tpu.pipeline_mode<synchronous>, transform_indices = @transform_10, window_bounds = array<i64: 512, 512>}, {transform_indices = @transform_11, window_bounds = array<i64: 320, 128>}, {transform_indices = @transform_12, window_bounds = array<i64: 320, 128>}, {transform_indices = @transform_13, window_bounds = array<i64: 320, 128>}, {transform_indices = @transform_14, window_bounds = array<i64: 320, 128>}]} {
    %get3A = arith.constant 0 : index
    %get3A_0 = arith.constant 0 : index
    %get3A_1 = vector.load %arg1[%get3A, %get3A_0] : memref<320x1xf32, #tpu.memory_space<vmem>>, vector<320x1xf32>
    %add3A = arith.constant 1.000000e+00 : f32
    %add3A_2 = vector.broadcast %add3A : f32 to vector<320x1xf32>
    %add3A_3 = arith.addf %get3A_1, %add3A_2 : vector<320x1xf32>
    %rsqrt3A = math.rsqrt %add3A_3 : vector<320x1xf32>
    %get3A_4 = arith.constant 0 : index
    %get3A_5 = arith.constant 0 : index
    %get3A_6 = vector.load %arg2[%get3A_4, %get3A_5] : memref<320x128xf32, #tpu.memory_space<vmem>>, vector<320x128xf32>
    %get3A_7 = arith.constant 0 : index
    %get3A_8 = arith.constant 0 : index
    %get3A_9 = vector.load %arg3[%get3A_7, %get3A_8] : memref<320x128xf32, #tpu.memory_space<vmem>>, vector<320x128xf32>
    %get3A_10 = arith.constant 0 : index
    %get3A_11 = arith.constant 0 : index
    %get3A_12 = vector.load %arg4[%get3A_10, %get3A_11] : memref<320x128xf32, #tpu.memory_space<vmem>>, vector<320x128xf32>
    %get3A_13 = arith.constant 0 : index
    %get3A_14 = arith.constant 0 : index
    %get3A_15 = vector.load %arg5[%get3A_13, %get3A_14] : memref<320x128xf32, #tpu.memory_space<vmem>>, vector<320x128xf32>
    %concatenate3A = tpu.concatenate %get3A_6, %get3A_9, %get3A_12, %get3A_15 in 1 : vector<320x128xf32>, vector<320x128xf32>, vector<320x128xf32>, vector<320x128xf32> -> vector<320x512xf32>
    %get3A_16 = arith.constant 0 : index
    %get3A_17 = arith.constant 0 : index
    %get3A_18 = vector.load %arg6[%get3A_16, %get3A_17] : memref<320x128xf32, #tpu.memory_space<vmem>>, vector<320x128xf32>
    %get3A_19 = arith.constant 0 : index
    %get3A_20 = arith.constant 0 : index
    %get3A_21 = vector.load %arg7[%get3A_19, %get3A_20] : memref<320x128xf32, #tpu.memory_space<vmem>>, vector<320x128xf32>
    %get3A_22 = arith.constant 0 : index
    %get3A_23 = arith.constant 0 : index
    %get3A_24 = vector.load %arg8[%get3A_22, %get3A_23] : memref<320x128xf32, #tpu.memory_space<vmem>>, vector<320x128xf32>
    %get3A_25 = arith.constant 0 : index
    %get3A_26 = arith.constant 0 : index
    %get3A_27 = vector.load %arg9[%get3A_25, %get3A_26] : memref<320x128xf32, #tpu.memory_space<vmem>>, vector<320x128xf32>
    %concatenate3A_28 = tpu.concatenate %get3A_18, %get3A_21, %get3A_24, %get3A_27 in 1 : vector<320x128xf32>, vector<320x128xf32>, vector<320x128xf32>, vector<320x128xf32> -> vector<320x512xf32>
    %add3A_29 = arith.addf %concatenate3A, %concatenate3A_28 : vector<320x512xf32>
    %mul3A = vector.broadcast %rsqrt3A : vector<320x1xf32> to vector<320x512xf32>
    %mul3A_30 = arith.mulf %add3A_29, %mul3A : vector<320x512xf32>
    %get3A_31 = arith.constant 0 : index
    %get3A_32 = arith.constant 0 : index
    %get3A_33 = vector.load %arg10[%get3A_31, %get3A_32] : memref<1x512xf32, #tpu.memory_space<vmem>>, vector<1x512xf32>
    %add3A_34 = vector.broadcast %get3A_33 : vector<1x512xf32> to vector<320x512xf32>
    %add3A_35 = arith.addf %mul3A_30, %add3A_34 : vector<320x512xf32>
    %max3A = arith.constant 0.000000e+00 : f32
    %max3A_36 = vector.broadcast %max3A : f32 to vector<320x512xf32>
    %max3A_37 = arith.maximumf %add3A_35, %max3A_36 : vector<320x512xf32>
    %get3A_38 = arith.constant 0 : index
    %get3A_39 = arith.constant 0 : index
    %get3A_40 = vector.load %arg11[%get3A_38, %get3A_39] : memref<512x512xf32, #tpu.memory_space<vmem>>, vector<512x512xf32>
    %dot_general3A = arith.constant dense<0.000000e+00> : vector<320x512xf32>
    %dot_general3A_41 = tpu.matmul %max3A_37, %get3A_40, %dot_general3A {dimension_numbers = #tpu.dot_dimension_numbers<[1], [0], [0], [1], [0, 0, 1, 1], [], []>, transpose_lhs_hint = false} : vector<320x512xf32>, vector<512x512xf32>, vector<320x512xf32> -> vector<320x512xf32>
    %mul3A_42 = vector.broadcast %rsqrt3A : vector<320x1xf32> to vector<320x512xf32>
    %mul3A_43 = arith.mulf %dot_general3A_41, %mul3A_42 : vector<320x512xf32>
    %slice3A = vector.extract_strided_slice %mul3A_43 {offsets = [0, 0], sizes = [320, 128], strides = [1, 1]} : vector<320x512xf32> to vector<320x128xf32>
    %swap3A = arith.constant 0 : index
    %swap3A_44 = arith.constant 0 : index
    %swap3A_45 = vector.load %arg12[%swap3A, %swap3A_44] : memref<320x128xf32, #tpu.memory_space<vmem>>, vector<320x128xf32>
    tpu.vector_store %arg12[%swap3A, %swap3A_44], %slice3A {strides = array<i32>} : memref<320x128xf32, #tpu.memory_space<vmem>>, vector<320x128xf32>,
    %slice3A_46 = vector.extract_strided_slice %mul3A_43 {offsets = [0, 128], sizes = [320, 128], strides = [1, 1]} : vector<320x512xf32> to vector<320x128xf32>
    %swap3A_47 = arith.constant 0 : index
    %swap3A_48 = arith.constant 0 : index
    %swap3A_49 = vector.load %arg13[%swap3A_47, %swap3A_48] : memref<320x128xf32, #tpu.memory_space<vmem>>, vector<320x128xf32>
    tpu.vector_store %arg13[%swap3A_47, %swap3A_48], %slice3A_46 {strides = array<i32>} : memref<320x128xf32, #tpu.memory_space<vmem>>, vector<320x128xf32>,
    %slice3A_50 = vector.extract_strided_slice %mul3A_43 {offsets = [0, 256], sizes = [320, 128], strides = [1, 1]} : vector<320x512xf32> to vector<320x128xf32>
    %swap3A_51 = arith.constant 0 : index
    %swap3A_52 = arith.constant 0 : index
    %swap3A_53 = vector.load %arg14[%swap3A_51, %swap3A_52] : memref<320x128xf32, #tpu.memory_space<vmem>>, vector<320x128xf32>
    tpu.vector_store %arg14[%swap3A_51, %swap3A_52], %slice3A_50 {strides = array<i32>} : memref<320x128xf32, #tpu.memory_space<vmem>>, vector<320x128xf32>,
    %slice3A_54 = vector.extract_strided_slice %mul3A_43 {offsets = [0, 384], sizes = [320, 128], strides = [1, 1]} : vector<320x512xf32> to vector<320x128xf32>
    %swap3A_55 = arith.constant 0 : index
    %swap3A_56 = arith.constant 0 : index
    %swap3A_57 = vector.load %arg15[%swap3A_55, %swap3A_56] : memref<320x128xf32, #tpu.memory_space<vmem>>, vector<320x128xf32>
    tpu.vector_store %arg15[%swap3A_55, %swap3A_56], %slice3A_54 {strides = array<i32>} : memref<320x128xf32, #tpu.memory_space<vmem>>, vector<320x128xf32>,
    return
  }
  func.func @transform_0(%arg0: i32) -> (i32, i32) {
    %c0_i32 = arith.constant 0 : i32
    %c0_i32_0 = arith.constant 0 : i32
    return %arg0, %c0_i32 : i32, i32
  }
  func.func @transform_1(%arg0: i32) -> (i32, i32) {
    %c0_i32 = arith.constant 0 : i32
    %c0_i32_0 = arith.constant 0 : i32
    return %arg0, %c0_i32 : i32, i32
  }
  func.func @transform_2(%arg0: i32) -> (i32, i32) {
    %c0_i32 = arith.constant 0 : i32
    %c0_i32_0 = arith.constant 0 : i32
    return %arg0, %c0_i32 : i32, i32
  }
  func.func @transform_3(%arg0: i32) -> (i32, i32) {
    %c0_i32 = arith.constant 0 : i32
    %c0_i32_0 = arith.constant 0 : i32
    return %arg0, %c0_i32 : i32, i32
  }
  func.func @transform_4(%arg0: i32) -> (i32, i32) {
    %c0_i32 = arith.constant 0 : i32
    %c0_i32_0 = arith.constant 0 : i32
    return %arg0, %c0_i32 : i32, i32
  }
  func.func @transform_5(%arg0: i32) -> (i32, i32) {
    %c0_i32 = arith.constant 0 : i32
    %c0_i32_0 = arith.constant 0 : i32
    return %arg0, %c0_i32 : i32, i32
  }
  func.func @transform_6(%arg0: i32) -> (i32, i32) {
    %c0_i32 = arith.constant 0 : i32
    %c0_i32_0 = arith.constant 0 : i32
    return %arg0, %c0_i32 : i32, i32
  }
  func.func @transform_7(%arg0: i32) -> (i32, i32) {
    %c0_i32 = arith.constant 0 : i32
    %c0_i32_0 = arith.constant 0 : i32
    return %arg0, %c0_i32 : i32, i32
  }
  func.func @transform_8(%arg0: i32) -> (i32, i32) {
    %c0_i32 = arith.constant 0 : i32
    %c0_i32_0 = arith.constant 0 : i32
    return %arg0, %c0_i32 : i32, i32
  }
  func.func @transform_9(%arg0: i32) -> (i32, i32) {
    %c0_i32 = arith.constant 0 : i32
    %c0_i32_0 = arith.constant 0 : i32
    %c0_i32_1 = arith.constant 0 : i32
    return %c0_i32, %c0_i32_0 : i32, i32
  }
  func.func @transform_10(%arg0: i32) -> (i32, i32) {
    %c0_i32 = arith.constant 0 : i32
    %c0_i32_0 = arith.constant 0 : i32
    %c0_i32_1 = arith.constant 0 : i32
    return %c0_i32, %c0_i32_0 : i32, i32
  }
  func.func @transform_11(%arg0: i32) -> (i32, i32) {
    %c0_i32 = arith.constant 0 : i32
    %c0_i32_0 = arith.constant 0 : i32
    return %arg0, %c0_i32 : i32, i32
  }
  func.func @transform_12(%arg0: i32) -> (i32, i32) {
    %c0_i32 = arith.constant 0 : i32
    %c0_i32_0 = arith.constant 0 : i32
    return %arg0, %c0_i32 : i32, i32
  }
  func.func @transform_13(%arg0: i32) -> (i32, i32) {
    %c0_i32 = arith.constant 0 : i32
    %c0_i32_0 = arith.constant 0 : i32
    return %arg0, %c0_i32 : i32, i32
  }
  func.func @transform_14(%arg0: i32) -> (i32, i32) {
    %c0_i32 = arith.constant 0 : i32
    %c0_i32_0 = arith.constant 0 : i32
    return %arg0, %c0_i32 : i32, i32
  }
}

module attributes {stable_mosaic.version = 14 : i64} {
  func.func @_mm3_body(%arg0: i32, %arg1: memref<320x1xf32, #tpu.memory_space<vmem>>, %arg2: memref<320x128xf32, #tpu.memory_space<vmem>>, %arg3: memref<320x128xf32, #tpu.memory_space<vmem>>, %arg4: memref<320x128xf32, #tpu.memory_space<vmem>>, %arg5: memref<320x128xf32, #tpu.memory_space<vmem>>, %arg6: memref<320x128xf32, #tpu.memory_space<vmem>>, %arg7: memref<320x128xf32, #tpu.memory_space<vmem>>, %arg8: memref<320x128xf32, #tpu.memory_space<vmem>>, %arg9: memref<320x128xf32, #tpu.memory_space<vmem>>, %arg10: memref<1x512xf32, #tpu.memory_space<vmem>>, %arg11: memref<512x256xf32, #tpu.memory_space<vmem>>, %arg12: memref<512x256xf32, #tpu.memory_space<vmem>>, %arg13: memref<512x256xf32, #tpu.memory_space<vmem>>, %arg14: memref<512x256xf32, #tpu.memory_space<vmem>>, %arg15: memref<1x256xf32, #tpu.memory_space<vmem>>, %arg16: memref<1x256xf32, #tpu.memory_space<vmem>>, %arg17: memref<320x128xi32, #tpu.memory_space<vmem>>, %arg18: memref<320x128xi32, #tpu.memory_space<vmem>>, %arg19: memref<320x128xi32, #tpu.memory_space<vmem>>, %arg20: memref<320x128xi32, #tpu.memory_space<vmem>>) attributes {dimension_semantics = [#tpu.dimension_semantics<arbitrary>], iteration_bounds = array<i64: 32>, scalar_prefetch = 0 : i64, scratch_operands = 0 : i64, tpu.core_type = #tpu.core_type<tc>, window_params = [{transform_indices = @transform_0, window_bounds = array<i64: 320, 1>}, {transform_indices = @transform_1, window_bounds = array<i64: 320, 128>}, {transform_indices = @transform_2, window_bounds = array<i64: 320, 128>}, {transform_indices = @transform_3, window_bounds = array<i64: 320, 128>}, {transform_indices = @transform_4, window_bounds = array<i64: 320, 128>}, {transform_indices = @transform_5, window_bounds = array<i64: 320, 128>}, {transform_indices = @transform_6, window_bounds = array<i64: 320, 128>}, {transform_indices = @transform_7, window_bounds = array<i64: 320, 128>}, {transform_indices = @transform_8, window_bounds = array<i64: 320, 128>}, {pipeline_mode = #tpu.pipeline_mode<synchronous>, transform_indices = @transform_9, window_bounds = array<i64: 1, 512>}, {pipeline_mode = #tpu.pipeline_mode<synchronous>, transform_indices = @transform_10, window_bounds = array<i64: 512, 256>}, {pipeline_mode = #tpu.pipeline_mode<synchronous>, transform_indices = @transform_11, window_bounds = array<i64: 512, 256>}, {pipeline_mode = #tpu.pipeline_mode<synchronous>, transform_indices = @transform_12, window_bounds = array<i64: 512, 256>}, {pipeline_mode = #tpu.pipeline_mode<synchronous>, transform_indices = @transform_13, window_bounds = array<i64: 512, 256>}, {pipeline_mode = #tpu.pipeline_mode<synchronous>, transform_indices = @transform_14, window_bounds = array<i64: 1, 256>}, {pipeline_mode = #tpu.pipeline_mode<synchronous>, transform_indices = @transform_15, window_bounds = array<i64: 1, 256>}, {transform_indices = @transform_16, window_bounds = array<i64: 320, 128>}, {transform_indices = @transform_17, window_bounds = array<i64: 320, 128>}, {transform_indices = @transform_18, window_bounds = array<i64: 320, 128>}, {transform_indices = @transform_19, window_bounds = array<i64: 320, 128>}]} {
    %get3A = arith.constant 0 : index
    %get3A_0 = arith.constant 0 : index
    %get3A_1 = vector.load %arg1[%get3A, %get3A_0] : memref<320x1xf32, #tpu.memory_space<vmem>>, vector<320x1xf32>
    %add3A = arith.constant 1.000000e+00 : f32
    %add3A_2 = vector.broadcast %add3A : f32 to vector<320x1xf32>
    %add3A_3 = arith.addf %get3A_1, %add3A_2 : vector<320x1xf32>
    %rsqrt3A = math.rsqrt %add3A_3 : vector<320x1xf32>
    %get3A_4 = arith.constant 0 : index
    %get3A_5 = arith.constant 0 : index
    %get3A_6 = vector.load %arg2[%get3A_4, %get3A_5] : memref<320x128xf32, #tpu.memory_space<vmem>>, vector<320x128xf32>
    %get3A_7 = arith.constant 0 : index
    %get3A_8 = arith.constant 0 : index
    %get3A_9 = vector.load %arg3[%get3A_7, %get3A_8] : memref<320x128xf32, #tpu.memory_space<vmem>>, vector<320x128xf32>
    %get3A_10 = arith.constant 0 : index
    %get3A_11 = arith.constant 0 : index
    %get3A_12 = vector.load %arg4[%get3A_10, %get3A_11] : memref<320x128xf32, #tpu.memory_space<vmem>>, vector<320x128xf32>
    %get3A_13 = arith.constant 0 : index
    %get3A_14 = arith.constant 0 : index
    %get3A_15 = vector.load %arg5[%get3A_13, %get3A_14] : memref<320x128xf32, #tpu.memory_space<vmem>>, vector<320x128xf32>
    %concatenate3A = tpu.concatenate %get3A_6, %get3A_9, %get3A_12, %get3A_15 in 1 : vector<320x128xf32>, vector<320x128xf32>, vector<320x128xf32>, vector<320x128xf32> -> vector<320x512xf32>
    %get3A_16 = arith.constant 0 : index
    %get3A_17 = arith.constant 0 : index
    %get3A_18 = vector.load %arg6[%get3A_16, %get3A_17] : memref<320x128xf32, #tpu.memory_space<vmem>>, vector<320x128xf32>
    %get3A_19 = arith.constant 0 : index
    %get3A_20 = arith.constant 0 : index
    %get3A_21 = vector.load %arg7[%get3A_19, %get3A_20] : memref<320x128xf32, #tpu.memory_space<vmem>>, vector<320x128xf32>
    %get3A_22 = arith.constant 0 : index
    %get3A_23 = arith.constant 0 : index
    %get3A_24 = vector.load %arg8[%get3A_22, %get3A_23] : memref<320x128xf32, #tpu.memory_space<vmem>>, vector<320x128xf32>
    %get3A_25 = arith.constant 0 : index
    %get3A_26 = arith.constant 0 : index
    %get3A_27 = vector.load %arg9[%get3A_25, %get3A_26] : memref<320x128xf32, #tpu.memory_space<vmem>>, vector<320x128xf32>
    %concatenate3A_28 = tpu.concatenate %get3A_18, %get3A_21, %get3A_24, %get3A_27 in 1 : vector<320x128xf32>, vector<320x128xf32>, vector<320x128xf32>, vector<320x128xf32> -> vector<320x512xf32>
    %add3A_29 = arith.addf %concatenate3A, %concatenate3A_28 : vector<320x512xf32>
    %mul3A = vector.broadcast %rsqrt3A : vector<320x1xf32> to vector<320x512xf32>
    %mul3A_30 = arith.mulf %add3A_29, %mul3A : vector<320x512xf32>
    %get3A_31 = arith.constant 0 : index
    %get3A_32 = arith.constant 0 : index
    %get3A_33 = vector.load %arg10[%get3A_31, %get3A_32] : memref<1x512xf32, #tpu.memory_space<vmem>>, vector<1x512xf32>
    %add3A_34 = vector.broadcast %get3A_33 : vector<1x512xf32> to vector<320x512xf32>
    %add3A_35 = arith.addf %mul3A_30, %add3A_34 : vector<320x512xf32>
    %max3A = arith.constant 0.000000e+00 : f32
    %max3A_36 = vector.broadcast %max3A : f32 to vector<320x512xf32>
    %max3A_37 = arith.maximumf %add3A_35, %max3A_36 : vector<320x512xf32>
    %get3A_38 = arith.constant 0 : index
    %get3A_39 = arith.constant 0 : index
    %get3A_40 = vector.load %arg11[%get3A_38, %get3A_39] : memref<512x256xf32, #tpu.memory_space<vmem>>, vector<512x256xf32>
    %dot_general3A = arith.constant dense<0.000000e+00> : vector<320x256xf32>
    %dot_general3A_41 = tpu.matmul %max3A_37, %get3A_40, %dot_general3A {dimension_numbers = #tpu.dot_dimension_numbers<[1], [0], [0], [1], [0, 0, 1, 1], [], []>, transpose_lhs_hint = false} : vector<320x512xf32>, vector<512x256xf32>, vector<320x256xf32> -> vector<320x256xf32>
    %get3A_42 = arith.constant 0 : index
    %get3A_43 = arith.constant 0 : index
    %get3A_44 = vector.load %arg12[%get3A_42, %get3A_43] : memref<512x256xf32, #tpu.memory_space<vmem>>, vector<512x256xf32>
    %dot_general3A_45 = arith.constant dense<0.000000e+00> : vector<320x256xf32>
    %dot_general3A_46 = tpu.matmul %max3A_37, %get3A_44, %dot_general3A_45 {dimension_numbers = #tpu.dot_dimension_numbers<[1], [0], [0], [1], [0, 0, 1, 1], [], []>, transpose_lhs_hint = false} : vector<320x512xf32>, vector<512x256xf32>, vector<320x256xf32> -> vector<320x256xf32>
    %get3A_47 = arith.constant 0 : index
    %get3A_48 = arith.constant 0 : index
    %get3A_49 = vector.load %arg13[%get3A_47, %get3A_48] : memref<512x256xf32, #tpu.memory_space<vmem>>, vector<512x256xf32>
    %dot_general3A_50 = arith.constant dense<0.000000e+00> : vector<320x256xf32>
    %dot_general3A_51 = tpu.matmul %max3A_37, %get3A_49, %dot_general3A_50 {dimension_numbers = #tpu.dot_dimension_numbers<[1], [0], [0], [1], [0, 0, 1, 1], [], []>, transpose_lhs_hint = false} : vector<320x512xf32>, vector<512x256xf32>, vector<320x256xf32> -> vector<320x256xf32>
    %get3A_52 = arith.constant 0 : index
    %get3A_53 = arith.constant 0 : index
    %get3A_54 = vector.load %arg15[%get3A_52, %get3A_53] : memref<1x256xf32, #tpu.memory_space<vmem>>, vector<1x256xf32>
    %add3A_55 = vector.broadcast %get3A_54 : vector<1x256xf32> to vector<320x256xf32>
    %add3A_56 = arith.addf %dot_general3A_51, %add3A_55 : vector<320x256xf32>
    %get3A_57 = arith.constant 0 : index
    %get3A_58 = arith.constant 0 : index
    %get3A_59 = vector.load %arg14[%get3A_57, %get3A_58] : memref<512x256xf32, #tpu.memory_space<vmem>>, vector<512x256xf32>
    %dot_general3A_60 = arith.constant dense<0.000000e+00> : vector<320x256xf32>
    %dot_general3A_61 = tpu.matmul %max3A_37, %get3A_59, %dot_general3A_60 {dimension_numbers = #tpu.dot_dimension_numbers<[1], [0], [0], [1], [0, 0, 1, 1], [], []>, transpose_lhs_hint = false} : vector<320x512xf32>, vector<512x256xf32>, vector<320x256xf32> -> vector<320x256xf32>
    %get3A_62 = arith.constant 0 : index
    %get3A_63 = arith.constant 0 : index
    %get3A_64 = vector.load %arg16[%get3A_62, %get3A_63] : memref<1x256xf32, #tpu.memory_space<vmem>>, vector<1x256xf32>
    %add3A_65 = vector.broadcast %get3A_64 : vector<1x256xf32> to vector<320x256xf32>
    %add3A_66 = arith.addf %dot_general3A_61, %add3A_65 : vector<320x256xf32>
    %convert_element_type3A = arith.truncf %dot_general3A_41 : vector<320x256xf32> to vector<320x256xbf16>
    %convert_element_type3A_67 = arith.extf %convert_element_type3A : vector<320x256xbf16> to vector<320x256xf32>
    %bitcast_convert_type3A = tpu.bitcast %convert_element_type3A_67 : vector<320x256xf32> -> vector<320x256xi32>
    %convert_element_type3A_68 = arith.truncf %dot_general3A_46 : vector<320x256xf32> to vector<320x256xbf16>
    %convert_element_type3A_69 = arith.extf %convert_element_type3A_68 : vector<320x256xbf16> to vector<320x256xf32>
    %bitcast_convert_type3A_70 = tpu.bitcast %convert_element_type3A_69 : vector<320x256xf32> -> vector<320x256xi32>
    %shift_right_logical3A = arith.constant 16 : i32
    %shift_right_logical3A_71 = vector.broadcast %shift_right_logical3A : i32 to vector<320x256xi32>
    %shift_right_logical3A_72 = arith.shrui %bitcast_convert_type3A, %shift_right_logical3A_71 : vector<320x256xi32>
    %or3A = arith.ori %shift_right_logical3A_72, %bitcast_convert_type3A_70 : vector<320x256xi32>
    %bitcast_convert_type3A_73 = tpu.bitcast %or3A : vector<320x256xi32> -> vector<320x256xi32>
    %convert_element_type3A_74 = arith.truncf %add3A_56 : vector<320x256xf32> to vector<320x256xbf16>
    %convert_element_type3A_75 = arith.extf %convert_element_type3A_74 : vector<320x256xbf16> to vector<320x256xf32>
    %bitcast_convert_type3A_76 = tpu.bitcast %convert_element_type3A_75 : vector<320x256xf32> -> vector<320x256xi32>
    %convert_element_type3A_77 = arith.truncf %add3A_66 : vector<320x256xf32> to vector<320x256xbf16>
    %convert_element_type3A_78 = arith.extf %convert_element_type3A_77 : vector<320x256xbf16> to vector<320x256xf32>
    %bitcast_convert_type3A_79 = tpu.bitcast %convert_element_type3A_78 : vector<320x256xf32> -> vector<320x256xi32>
    %shift_right_logical3A_80 = arith.constant 16 : i32
    %shift_right_logical3A_81 = vector.broadcast %shift_right_logical3A_80 : i32 to vector<320x256xi32>
    %shift_right_logical3A_82 = arith.shrui %bitcast_convert_type3A_76, %shift_right_logical3A_81 : vector<320x256xi32>
    %or3A_83 = arith.ori %shift_right_logical3A_82, %bitcast_convert_type3A_79 : vector<320x256xi32>
    %bitcast_convert_type3A_84 = tpu.bitcast %or3A_83 : vector<320x256xi32> -> vector<320x256xi32>
    %slice3A = vector.extract_strided_slice %bitcast_convert_type3A_73 {offsets = [0, 0], sizes = [320, 128], strides = [1, 1]} : vector<320x256xi32> to vector<320x128xi32>
    %swap3A = arith.constant 0 : index
    %swap3A_85 = arith.constant 0 : index
    %swap3A_86 = vector.load %arg17[%swap3A, %swap3A_85] : memref<320x128xi32, #tpu.memory_space<vmem>>, vector<320x128xi32>
    tpu.vector_store %arg17[%swap3A, %swap3A_85], %slice3A {strides = array<i32>} : memref<320x128xi32, #tpu.memory_space<vmem>>, vector<320x128xi32>,
    %slice3A_87 = vector.extract_strided_slice %bitcast_convert_type3A_73 {offsets = [0, 128], sizes = [320, 128], strides = [1, 1]} : vector<320x256xi32> to vector<320x128xi32>
    %swap3A_88 = arith.constant 0 : index
    %swap3A_89 = arith.constant 0 : index
    %swap3A_90 = vector.load %arg18[%swap3A_88, %swap3A_89] : memref<320x128xi32, #tpu.memory_space<vmem>>, vector<320x128xi32>
    tpu.vector_store %arg18[%swap3A_88, %swap3A_89], %slice3A_87 {strides = array<i32>} : memref<320x128xi32, #tpu.memory_space<vmem>>, vector<320x128xi32>,
    %slice3A_91 = vector.extract_strided_slice %bitcast_convert_type3A_84 {offsets = [0, 0], sizes = [320, 128], strides = [1, 1]} : vector<320x256xi32> to vector<320x128xi32>
    %swap3A_92 = arith.constant 0 : index
    %swap3A_93 = arith.constant 0 : index
    %swap3A_94 = vector.load %arg19[%swap3A_92, %swap3A_93] : memref<320x128xi32, #tpu.memory_space<vmem>>, vector<320x128xi32>
    tpu.vector_store %arg19[%swap3A_92, %swap3A_93], %slice3A_91 {strides = array<i32>} : memref<320x128xi32, #tpu.memory_space<vmem>>, vector<320x128xi32>,
    %slice3A_95 = vector.extract_strided_slice %bitcast_convert_type3A_84 {offsets = [0, 128], sizes = [320, 128], strides = [1, 1]} : vector<320x256xi32> to vector<320x128xi32>
    %swap3A_96 = arith.constant 0 : index
    %swap3A_97 = arith.constant 0 : index
    %swap3A_98 = vector.load %arg20[%swap3A_96, %swap3A_97] : memref<320x128xi32, #tpu.memory_space<vmem>>, vector<320x128xi32>
    tpu.vector_store %arg20[%swap3A_96, %swap3A_97], %slice3A_95 {strides = array<i32>} : memref<320x128xi32, #tpu.memory_space<vmem>>, vector<320x128xi32>,
    return
  }
  func.func @transform_0(%arg0: i32) -> (i32, i32) {
    %c0_i32 = arith.constant 0 : i32
    %c0_i32_0 = arith.constant 0 : i32
    return %arg0, %c0_i32 : i32, i32
  }
  func.func @transform_1(%arg0: i32) -> (i32, i32) {
    %c0_i32 = arith.constant 0 : i32
    %c0_i32_0 = arith.constant 0 : i32
    return %arg0, %c0_i32 : i32, i32
  }
  func.func @transform_2(%arg0: i32) -> (i32, i32) {
    %c0_i32 = arith.constant 0 : i32
    %c0_i32_0 = arith.constant 0 : i32
    return %arg0, %c0_i32 : i32, i32
  }
  func.func @transform_3(%arg0: i32) -> (i32, i32) {
    %c0_i32 = arith.constant 0 : i32
    %c0_i32_0 = arith.constant 0 : i32
    return %arg0, %c0_i32 : i32, i32
  }
  func.func @transform_4(%arg0: i32) -> (i32, i32) {
    %c0_i32 = arith.constant 0 : i32
    %c0_i32_0 = arith.constant 0 : i32
    return %arg0, %c0_i32 : i32, i32
  }
  func.func @transform_5(%arg0: i32) -> (i32, i32) {
    %c0_i32 = arith.constant 0 : i32
    %c0_i32_0 = arith.constant 0 : i32
    return %arg0, %c0_i32 : i32, i32
  }
  func.func @transform_6(%arg0: i32) -> (i32, i32) {
    %c0_i32 = arith.constant 0 : i32
    %c0_i32_0 = arith.constant 0 : i32
    return %arg0, %c0_i32 : i32, i32
  }
  func.func @transform_7(%arg0: i32) -> (i32, i32) {
    %c0_i32 = arith.constant 0 : i32
    %c0_i32_0 = arith.constant 0 : i32
    return %arg0, %c0_i32 : i32, i32
  }
  func.func @transform_8(%arg0: i32) -> (i32, i32) {
    %c0_i32 = arith.constant 0 : i32
    %c0_i32_0 = arith.constant 0 : i32
    return %arg0, %c0_i32 : i32, i32
  }
  func.func @transform_9(%arg0: i32) -> (i32, i32) {
    %c0_i32 = arith.constant 0 : i32
    %c0_i32_0 = arith.constant 0 : i32
    %c0_i32_1 = arith.constant 0 : i32
    return %c0_i32, %c0_i32_0 : i32, i32
  }
  func.func @transform_10(%arg0: i32) -> (i32, i32) {
    %c0_i32 = arith.constant 0 : i32
    %c0_i32_0 = arith.constant 0 : i32
    %c0_i32_1 = arith.constant 0 : i32
    return %c0_i32, %c0_i32_0 : i32, i32
  }
  func.func @transform_11(%arg0: i32) -> (i32, i32) {
    %c0_i32 = arith.constant 0 : i32
    %c0_i32_0 = arith.constant 0 : i32
    %c0_i32_1 = arith.constant 0 : i32
    return %c0_i32, %c0_i32_0 : i32, i32
  }
  func.func @transform_12(%arg0: i32) -> (i32, i32) {
    %c0_i32 = arith.constant 0 : i32
    %c0_i32_0 = arith.constant 0 : i32
    %c0_i32_1 = arith.constant 0 : i32
    return %c0_i32, %c0_i32_0 : i32, i32
  }
  func.func @transform_13(%arg0: i32) -> (i32, i32) {
    %c0_i32 = arith.constant 0 : i32
    %c0_i32_0 = arith.constant 0 : i32
    %c0_i32_1 = arith.constant 0 : i32
    return %c0_i32, %c0_i32_0 : i32, i32
  }
  func.func @transform_14(%arg0: i32) -> (i32, i32) {
    %c0_i32 = arith.constant 0 : i32
    %c0_i32_0 = arith.constant 0 : i32
    %c0_i32_1 = arith.constant 0 : i32
    return %c0_i32, %c0_i32_0 : i32, i32
  }
  func.func @transform_15(%arg0: i32) -> (i32, i32) {
    %c0_i32 = arith.constant 0 : i32
    %c0_i32_0 = arith.constant 0 : i32
    %c0_i32_1 = arith.constant 0 : i32
    return %c0_i32, %c0_i32_0 : i32, i32
  }
  func.func @transform_16(%arg0: i32) -> (i32, i32) {
    %c0_i32 = arith.constant 0 : i32
    %c0_i32_0 = arith.constant 0 : i32
    return %arg0, %c0_i32 : i32, i32
  }
  func.func @transform_17(%arg0: i32) -> (i32, i32) {
    %c0_i32 = arith.constant 0 : i32
    %c0_i32_0 = arith.constant 0 : i32
    return %arg0, %c0_i32 : i32, i32
  }
  func.func @transform_18(%arg0: i32) -> (i32, i32) {
    %c0_i32 = arith.constant 0 : i32
    %c0_i32_0 = arith.constant 0 : i32
    return %arg0, %c0_i32 : i32, i32
  }
  func.func @transform_19(%arg0: i32) -> (i32, i32) {
    %c0_i32 = arith.constant 0 : i32
    %c0_i32_0 = arith.constant 0 : i32
    return %arg0, %c0_i32 : i32, i32
  }
}

module attributes {stable_mosaic.version = 14 : i64} {
  func.func @_mm4_body(%arg0: i32, %arg1: memref<640x128xi32, #tpu.memory_space<vmem>>, %arg2: memref<640x128xi32, #tpu.memory_space<vmem>>, %arg3: memref<640x128xi32, #tpu.memory_space<vmem>>, %arg4: memref<640x128xi32, #tpu.memory_space<vmem>>, %arg5: memref<256x256xbf16, #tpu.memory_space<vmem>>, %arg6: memref<256x256xbf16, #tpu.memory_space<vmem>>, %arg7: memref<1x256xf32, #tpu.memory_space<vmem>>, %arg8: memref<640x256xf32, #tpu.memory_space<vmem>>) attributes {dimension_semantics = [#tpu.dimension_semantics<arbitrary>], iteration_bounds = array<i64: 250>, scalar_prefetch = 0 : i64, scratch_operands = 0 : i64, tpu.core_type = #tpu.core_type<tc>, window_params = [{transform_indices = @transform_0, window_bounds = array<i64: 640, 128>}, {transform_indices = @transform_1, window_bounds = array<i64: 640, 128>}, {transform_indices = @transform_2, window_bounds = array<i64: 640, 128>}, {transform_indices = @transform_3, window_bounds = array<i64: 640, 128>}, {pipeline_mode = #tpu.pipeline_mode<synchronous>, transform_indices = @transform_4, window_bounds = array<i64: 256, 256>}, {pipeline_mode = #tpu.pipeline_mode<synchronous>, transform_indices = @transform_5, window_bounds = array<i64: 256, 256>}, {pipeline_mode = #tpu.pipeline_mode<synchronous>, transform_indices = @transform_6, window_bounds = array<i64: 1, 256>}, {transform_indices = @transform_7, window_bounds = array<i64: 640, 256>}]} {
    %get3A = arith.constant 0 : index
    %get3A_0 = arith.constant 0 : index
    %get3A_1 = vector.load %arg1[%get3A, %get3A_0] : memref<640x128xi32, #tpu.memory_space<vmem>>, vector<640x128xi32>
    %get3A_2 = arith.constant 0 : index
    %get3A_3 = arith.constant 0 : index
    %get3A_4 = vector.load %arg2[%get3A_2, %get3A_3] : memref<640x128xi32, #tpu.memory_space<vmem>>, vector<640x128xi32>
    %concatenate3A = tpu.concatenate %get3A_1, %get3A_4 in 1 : vector<640x128xi32>, vector<640x128xi32> -> vector<640x256xi32>
    %get3A_5 = arith.constant 0 : index
    %get3A_6 = arith.constant 0 : index
    %get3A_7 = vector.load %arg3[%get3A_5, %get3A_6] : memref<640x128xi32, #tpu.memory_space<vmem>>, vector<640x128xi32>
    %get3A_8 = arith.constant 0 : index
    %get3A_9 = arith.constant 0 : index
    %get3A_10 = vector.load %arg4[%get3A_8, %get3A_9] : memref<640x128xi32, #tpu.memory_space<vmem>>, vector<640x128xi32>
    %concatenate3A_11 = tpu.concatenate %get3A_7, %get3A_10 in 1 : vector<640x128xi32>, vector<640x128xi32> -> vector<640x256xi32>
    %bitcast_convert_type3A = tpu.bitcast %concatenate3A : vector<640x256xi32> -> vector<640x256xi32>
    %shift_left3A = arith.constant 16 : i32
    %shift_left3A_12 = vector.broadcast %shift_left3A : i32 to vector<640x256xi32>
    %shift_left3A_13 = arith.shli %bitcast_convert_type3A, %shift_left3A_12 : vector<640x256xi32>
    %bitcast_convert_type3A_14 = tpu.bitcast %shift_left3A_13 : vector<640x256xi32> -> vector<640x256xf32>
    %and3A = arith.constant -65536 : i32
    %and3A_15 = vector.broadcast %and3A : i32 to vector<640x256xi32>
    %and3A_16 = arith.andi %bitcast_convert_type3A, %and3A_15 : vector<640x256xi32>
    %bitcast_convert_type3A_17 = tpu.bitcast %and3A_16 : vector<640x256xi32> -> vector<640x256xf32>
    %bitcast_convert_type3A_18 = tpu.bitcast %concatenate3A_11 : vector<640x256xi32> -> vector<640x256xi32>
    %shift_left3A_19 = arith.constant 16 : i32
    %shift_left3A_20 = vector.broadcast %shift_left3A_19 : i32 to vector<640x256xi32>
    %shift_left3A_21 = arith.shli %bitcast_convert_type3A_18, %shift_left3A_20 : vector<640x256xi32>
    %bitcast_convert_type3A_22 = tpu.bitcast %shift_left3A_21 : vector<640x256xi32> -> vector<640x256xf32>
    %and3A_23 = arith.constant -65536 : i32
    %and3A_24 = vector.broadcast %and3A_23 : i32 to vector<640x256xi32>
    %and3A_25 = arith.andi %bitcast_convert_type3A_18, %and3A_24 : vector<640x256xi32>
    %bitcast_convert_type3A_26 = tpu.bitcast %and3A_25 : vector<640x256xi32> -> vector<640x256xf32>
    %add3A = arith.addf %bitcast_convert_type3A_14, %bitcast_convert_type3A_22 : vector<640x256xf32>
    %max3A = arith.constant 0.000000e+00 : f32
    %max3A_27 = vector.broadcast %max3A : f32 to vector<640x256xf32>
    %max3A_28 = arith.maximumf %add3A, %max3A_27 : vector<640x256xf32>
    %convert_element_type3A = arith.truncf %max3A_28 : vector<640x256xf32> to vector<640x256xbf16>
    %add3A_29 = arith.addf %bitcast_convert_type3A_17, %bitcast_convert_type3A_26 : vector<640x256xf32>
    %max3A_30 = arith.constant 0.000000e+00 : f32
    %max3A_31 = vector.broadcast %max3A_30 : f32 to vector<640x256xf32>
    %max3A_32 = arith.maximumf %add3A_29, %max3A_31 : vector<640x256xf32>
    %convert_element_type3A_33 = arith.truncf %max3A_32 : vector<640x256xf32> to vector<640x256xbf16>
    %get3A_34 = arith.constant 0 : index
    %get3A_35 = arith.constant 0 : index
    %get3A_36 = vector.load %arg5[%get3A_34, %get3A_35] : memref<256x256xbf16, #tpu.memory_space<vmem>>, vector<256x256xbf16>
    %dot_general3A = arith.constant dense<0.000000e+00> : vector<640x256xf32>
    %dot_general3A_37 = tpu.matmul %convert_element_type3A, %get3A_36, %dot_general3A {dimension_numbers = #tpu.dot_dimension_numbers<[1], [0], [0], [1], [0, 0, 1, 1], [], []>, transpose_lhs_hint = false} : vector<640x256xbf16>, vector<256x256xbf16>, vector<640x256xf32> -> vector<640x256xf32>
    %get3A_38 = arith.constant 0 : index
    %get3A_39 = arith.constant 0 : index
    %get3A_40 = vector.load %arg6[%get3A_38, %get3A_39] : memref<256x256xbf16, #tpu.memory_space<vmem>>, vector<256x256xbf16>
    %dot_general3A_41 = arith.constant dense<0.000000e+00> : vector<640x256xf32>
    %dot_general3A_42 = tpu.matmul %convert_element_type3A_33, %get3A_40, %dot_general3A_41 {dimension_numbers = #tpu.dot_dimension_numbers<[1], [0], [0], [1], [0, 0, 1, 1], [], []>, transpose_lhs_hint = false} : vector<640x256xbf16>, vector<256x256xbf16>, vector<640x256xf32> -> vector<640x256xf32>
    %add3A_43 = arith.addf %dot_general3A_37, %dot_general3A_42 : vector<640x256xf32>
    %get3A_44 = arith.constant 0 : index
    %get3A_45 = arith.constant 0 : index
    %get3A_46 = vector.load %arg7[%get3A_44, %get3A_45] : memref<1x256xf32, #tpu.memory_space<vmem>>, vector<1x256xf32>
    %add3A_47 = vector.broadcast %get3A_46 : vector<1x256xf32> to vector<640x256xf32>
    %add3A_48 = arith.addf %add3A_43, %add3A_47 : vector<640x256xf32>
    %swap3A = arith.constant 0 : index
    %swap3A_49 = arith.constant 0 : index
    %swap3A_50 = vector.load %arg8[%swap3A, %swap3A_49] : memref<640x256xf32, #tpu.memory_space<vmem>>, vector<640x256xf32>
    tpu.vector_store %arg8[%swap3A, %swap3A_49], %add3A_48 {strides = array<i32>} : memref<640x256xf32, #tpu.memory_space<vmem>>, vector<640x256xf32>,
    return
  }
  func.func @transform_0(%arg0: i32) -> (i32, i32) {
    %c0_i32 = arith.constant 0 : i32
    %c0_i32_0 = arith.constant 0 : i32
    return %arg0, %c0_i32 : i32, i32
  }
  func.func @transform_1(%arg0: i32) -> (i32, i32) {
    %c0_i32 = arith.constant 0 : i32
    %c0_i32_0 = arith.constant 0 : i32
    return %arg0, %c0_i32 : i32, i32
  }
  func.func @transform_2(%arg0: i32) -> (i32, i32) {
    %c0_i32 = arith.constant 0 : i32
    %c0_i32_0 = arith.constant 0 : i32
    return %arg0, %c0_i32 : i32, i32
  }
  func.func @transform_3(%arg0: i32) -> (i32, i32) {
    %c0_i32 = arith.constant 0 : i32
    %c0_i32_0 = arith.constant 0 : i32
    return %arg0, %c0_i32 : i32, i32
  }
  func.func @transform_4(%arg0: i32) -> (i32, i32) {
    %c0_i32 = arith.constant 0 : i32
    %c0_i32_0 = arith.constant 0 : i32
    %c0_i32_1 = arith.constant 0 : i32
    return %c0_i32, %c0_i32_0 : i32, i32
  }
  func.func @transform_5(%arg0: i32) -> (i32, i32) {
    %c0_i32 = arith.constant 0 : i32
    %c0_i32_0 = arith.constant 0 : i32
    %c0_i32_1 = arith.constant 0 : i32
    return %c0_i32, %c0_i32_0 : i32, i32
  }
  func.func @transform_6(%arg0: i32) -> (i32, i32) {
    %c0_i32 = arith.constant 0 : i32
    %c0_i32_0 = arith.constant 0 : i32
    %c0_i32_1 = arith.constant 0 : i32
    return %c0_i32, %c0_i32_0 : i32, i32
  }
  func.func @transform_7(%arg0: i32) -> (i32, i32) {
    %c0_i32 = arith.constant 0 : i32
    %c0_i32_0 = arith.constant 0 : i32
    return %arg0, %c0_i32 : i32, i32
  }
}

</mosaic_0001>

<sc_bundles>
// kernel: kernel.11.cloned.1.call-start
scs
__scs_entry_jumppad:
0x0: {  	(pc) =	sbr.rel $0x88, $3  }
0x1: {  	(tag) =	ssettag $0x0;
	lr =	simm.s32 $0x1  }
0x2: {  	[smem:$0x3F97] =	sst lr;
	_ =	strace $0xD0000000  }
0x3: {  	_ = 	snop  }
0x4: {  	_ = 	snop  }
0x5: {  	_ = 	snop  }
0x6: {  	_ = 	snop  }
0x7: {  	_ = 	snop  }
__scs_overlays_trampoline_lowered:
0x8: {  	[smem:$0x3FA6] =	sst s0  }
0x9: {  	[smem:$0x3FA7] =	sst s1  }
0xa: {  	[smem:$0x3FA8] =	sst s2  }
0xb: {  	[smem:$0x3FA9] =	sst s3  }
0xc: {  	[smem:$0x3FAA] =	sst s4  }
0xd: {  	[smem:$0x3FAB] =	sst s5  }
0xe: {  	[smem:$0x3FAC] =	sst s6  }
0xf: {  	[smem:$0x3FAD] =	sst s7  }
0x10: {  	[smem:$0x3FAE] =	sst s8  }
0x11: {  	[smem:$0x3FAF] =	sst s9;
	s0 =	simm.s32 @!p0 $0x0  }
0x12: {  	s1 =	sld [smem:$0x3F95];
	s0 =	simm.s32 @p0 $0x1  }
0x13: {  	[smem:$0x3FB0] =	sst s0;
	s0 =	simm.s32 @!p1 $0x0  }
0x14: {  	s2 =	sld [smem:$0x3F94];
	s0 =	simm.s32 @p1 $0x1  }
0x15: {  	[smem:$0x3FB1] =	sst s0;
	s0 =	simm.s32 @!p2 $0x0  }
0x16: {  	s3 =	sld [smem:$0x3FDB];
	s0 =	simm.s32 @p2 $0x1  }
0x17: {  	s4 =	simm.s32 $0x1BF5;
	[smem:$0x3FB3] =	sst s0  }
0x18: {  	s0 =	sld [smem:$0x3F96];
	_ =	swait.ge [sflag:s4], $0x0  }
0x19: {  	s7 =	sld [smem:$0x3F97]  }
0x1a: {  	s8 =	sadd.s32 $0xFFFFE003, lr  }
0x1b: {  	s9 =	sadd.s32 $0xFFFFFEF7, lr;
	s5 =	simm.s32 $0xFFFFFFFF;
	p2 =	slt.u32 s8, $0xFFFFF086  }
0x1c: {  	p1 =	slt.u32 s9, $0xF7A;
	s5 =	simm.s32 @!p2 $0x0  }
0x1d: {  	s5 =	simm.s32 @p1 $0x1;
	p0 =	seq.s32 s7, s2  }
0x1e: {  	s7 =	smul.u32 @!p0 $0xF7A, s2;
	p2 =	seq.s32 @!p0 s5, $0x0  }
0x1f: {  	s9 =	smul.u32 $0xF7A, s1;
	s8 =	simm.s32 @!p0 $0x1BF5;
	p2 =	por !p2, p0  }
0x20: {  	[sflag:s8] =	ssyncset.s32 @!p0 $0xFFFFF086;
	s6 =	sadd.s32 @!p0 s3, s7;
	s7 =	simm.s32 @!p0 $0x108  }
0x21: {  	s3 =	sadd.s32 s3, s9;
	s6 =	sadd.s32 @!p0 $0x88, s6;
	s7 =	simm.s32 @p2 $0x1082  }
0x22: {  	[simem:s7], [sflag:s8] =	dma.local @!p0 [hbm:s6], $0xF7A  }
0x23: {  	s9 =	sor.u32 $0xD0000000, s2;
	s6 =	simm.s32 $0x108;
	_ =	swait.ge @!p0 [sflag:s8], $0x0  }
0x24: {  	s3 =	sadd.s32 $0x88, s3;
	s6 =	simm.s32 @!p1 $0x1082;
	[sflag:s4] =	ssyncset.s32 $0xFFFFF086  }
0x25: {  	[simem:s6], [sflag:s4] =	dma.local [hbm:s3], $0xF7A  }
0x26: {  	[smem:$0x3F97] =	sst s1;
	(tag) =	ssettag s2;
	_ =	strace s9  }
0x27: {  	s1 =	sld [smem:$0x3FA7]  }
0x28: {  	s2 =	sld [smem:$0x3FA8]  }
0x29: {  	s4 =	sld [smem:$0x3FAA]  }
0x2a: {  	p0 =	seq.s32 s5, $0x0;
	s5 =	sld [smem:$0x3FAB]  }
0x2b: {  	s6 =	sld [smem:$0x3FAC]  }
0x2c: {  	s7 =	sld [smem:$0x3FAD]  }
0x2d: {  	s3 =	simm.s32 $0x108;
	s8 =	sld [smem:$0x3FAE]  }
0x2e: {  	s3 =	simm.s32 @!p0 $0x1082;
	s9 =	sld [smem:$0x3FAF]  }
0x2f: {  	lr =	sadd.s32 s0, s3;
	s0 =	sld [smem:$0x3FA6]  }
0x30: {  	s3 =	sld [smem:$0x3FA9]  }
0x31: {  	[smem:$0x3FB2] =	sst s10  }
0x32: {  	s10 =	sld [smem:$0x3FB0];
	_ =	sdelay $0x3  }
0x33: {  	p0 =	seq.s32 s10, $0x1;
	s10 =	sld [smem:$0x3FB2];
	_ =	sdelay $0x3  }
0x34: {  	[smem:$0x3FB2] =	sst s10  }
0x35: {  	s10 =	sld [smem:$0x3FB1];
	_ =	sdelay $0x3  }
0x36: {  	p1 =	seq.s32 s10, $0x1;
	s10 =	sld [smem:$0x3FB2];
	_ =	sdelay $0x3  }
0x37: {  	[smem:$0x3FB2] =	sst s10  }
0x38: {  	s10 =	sld [smem:$0x3FB3]  }
0x39: {  	_ = 	snop;
	(pc) =	sbr.ind lr, $3  }
0x3a: {  	_ = 	snop  }
0x3b: {  	_ = 	snop  }
0x3c: {  	p2 =	seq.s32 s10, $0x1;
	s10 =	sld [smem:$0x3FB2]  }
0x3d: {  	_ =	shalt  }
0x3e: {  	_ =	shalt  }
0x3f: {  	_ =	shalt  }
0x40: {  	_ =	shalt  }
0x41: {  	_ =	shalt  }
0x42: {  	_ =	shalt  }
0x43: {  	_ =	shalt  }
0x44: {  	_ =	shalt  }
0x45: {  	_ =	shalt  }
0x46: {  	_ =	shalt  }
0x47: {  	_ =	shalt  }
0x48: {  	_ =	shalt  }
0x49: {  	_ =	shalt  }
0x4a: {  	_ =	shalt  }
0x4b: {  	_ =	shalt  }
0x4c: {  	_ =	shalt  }
0x4d: {  	_ =	shalt  }
0x4e: {  	_ =	shalt  }
0x4f: {  	_ =	shalt  }
0x50: {  	_ =	shalt  }
0x51: {  	_ =	shalt  }
0x52: {  	_ =	shalt  }
0x53: {  	_ =	shalt  }
0x54: {  	_ =	shalt  }
0x55: {  	_ =	shalt  }
0x56: {  	_ =	shalt  }
0x57: {  	_ =	shalt  }
0x58: {  	_ =	shalt  }
0x59: {  	_ =	shalt  }
0x5a: {  	_ =	shalt  }
0x5b: {  	_ =	shalt  }
0x5c: {  	_ =	shalt  }
0x5d: {  	_ =	shalt  }
0x5e: {  	_ =	shalt  }
0x5f: {  	_ =	shalt  }
0x60: {  	_ =	shalt  }
0x61: {  	_ =	shalt  }
0x62: {  	_ =	shalt  }
0x63: {  	_ =	shalt  }
0x64: {  	_ =	shalt  }
0x65: {  	_ =	shalt  }
0x66: {  	_ =	shalt  }
0x67: {  	_ =	shalt  }
0x68: {  	_ =	shalt  }
0x69: {  	_ =	shalt  }
0x6a: {  	_ =	shalt  }
0x6b: {  	_ =	shalt  }
0x6c: {  	_ =	shalt  }
0x6d: {  	_ =	shalt  }
0x6e: {  	_ =	shalt  }
0x6f: {  	_ =	shalt  }
0x70: {  	_ =	shalt  }
0x71: {  	_ =	shalt  }
0x72: {  	_ =	shalt  }
0x73: {  	_ =	shalt  }
0x74: {  	_ =	shalt  }
0x75: {  	_ =	shalt  }
0x76: {  	_ =	shalt  }
0x77: {  	_ =	shalt  }
0x78: {  	_ =	shalt  }
0x79: {  	_ =	shalt  }
0x7a: {  	_ =	shalt  }
0x7b: {  	_ =	shalt  }
0x7c: {  	_ =	shalt  }
0x7d: {  	_ =	shalt  }
0x7e: {  	_ =	shalt  }
0x7f: {  	_ =	shalt  }
0x80: {  	_ =	shalt  }
0x81: {  	_ =	shalt  }
0x82: {  	_ =	shalt  }
0x83: {  	_ =	shalt  }
0x84: {  	_ =	shalt  }
0x85: {  	_ =	shalt  }
0x86: {  	_ =	shalt  }
0x87: {  	_ =	shalt  }
.Lfunc_end0:
.L_simem_size_0:
called_computation.2_lowered:
.L_overlay_start_0:
0x88: {  	s2 =	sld [smem:$0x3FD9]  }
0x89: {  	s3 =	sld [smem:$0x3FFE];
	_ =	sdelay $0x1  }
0x8a: {  	s1 =	srdreg.scid  }
0x8b: {  	s0 =	sand.u32 $0x1, s1  }
0x8c: {  	s17 =	sshll.u32 s0, $0xA;
	s2 =	sadd.s32 s3, s2  }
0x8d: {  	s2 =	sadd.s32 s2, s17  }
0x8e: {  	[smem:$0x3FBE] =	sst s2  }
0x8f: {  	_ = 	snop  }
0x90: {  	s2 =	sld [smem:$0x3FD0];
	(tm) =	ssettm $0x1  }
0x91: {  	s18 =	sld [smem:$0x3FFB];
	_ =	sdelay $0x3  }
0x92: {  	_ =	strace s18  }
0x93: {  	s3 =	sld [smem:$0x3FFC];
	_ =	sdelay $0x3  }
0x94: {  	_ =	strace s3  }
0x95: {  	s3 =	sld [smem:$0x3FFD];
	_ =	sdelay $0x3  }
0x96: {  	_ =	strace s3  }
0x97: {  	_ =	strace $0x8FFFFFFF  }
0x98: {  	s19 =	sld [smem:$0x3FDB];
	_ =	sdelay $0x1  }
0x99: {  	s4 =	simm.s32 $_scs_section_size  }
0x9a: {  	s5 =	simm.s32 $_size__tile_overlayer_lowered;
	s6 =	simm.s32 $_tile_overlayer_lowered  }
0x9b: {  	s22 =	simm.s32 $0x1BFF;
	s21 =	sshll.u32 s6, $0x1;
	s3 =	sadd.s32 s4, s19  }
0x9c: {  	s7 =	simm.s32 $0x0;
	s20 =	sshll.u32 s5, $0x1;
	s5 =	sadd.s32 s21, s3  }
0x9d: {  	[timem:s7], [sflag:s22] =	dma.local [hbm:s5], s20  }
0x9e: {  	_ =	swait.ge [sflag:s22], s20  }
0x9f: {  	s4 =	ssub.s32 $0x0, s20;
	[sflag:s22] =	ssyncset.done $0x0  }
0xa0: {  	[sflag:s22] =	ssyncadd.s32 s4;
	_ =	sdelay $0x1  }
0xa1: {  	s23 =	simm.s32 $0x1B8B  }
0xa2: {  	_ =	swait.ge [sflag:s23], $0x1  }
0xa3: {  	[sflag:s23] =	ssyncset.done $0x0  }
0xa4: {  	s25 =	simm.s32 $0x1B8E;
	s24 =	sld [smem:$0x3FFE];
	[sflag:s23] =	ssyncadd.s32 $0xFFFFFFFF  }
0xa5: {  	s26 =	simm.s32 $execute0_lowered;
	[smem:$0x3FD2] =	sst s25  }
0xa6: {  	s5 =	sshll.u32 s26, $0x1;
	_ =	strace $0x8000004C;
	[dreg:$0x1] =	wrdreg $0xFFFFFFFF  }
0xa7: {  	s28 =	simm.s32 $_size_execute0_lowered;
	s3 =	sadd.s32 s3, s5;
	[dreg:$0x0] =	wrdreg $0x0  }
0xa8: {  	s5 =	sshll.u32 s28, $0x1;
	[dreg:$0x2] =	wrdreg s3  }
0xa9: {  	[dreg:$0x3] =	wrdreg s5  }
0xaa: {  	[dreg:$0x4] =	wrdreg $0xC0  }
0xab: {  	_ =	task [dreg:s7], $0x5FFFF  }
0xac: {  	[dreg:$0x1] =	wrdreg $0xFFFFFFFF  }
0xad: {  	[dreg:$0x0] =	wrdreg $0x60  }
0xae: {  	[dreg:$0x2] =	wrdreg s2  }
0xaf: {  	[dreg:$0x3] =	wrdreg s24  }
0xb0: {  	[dreg:$0x4] =	wrdreg $0xA8000  }
0xb1: {  	[dreg:$0x5] =	wrdreg $0x9  }
0xb2: {  	_ =	task.clear_ibuf [dreg:s7], $0x6FFFF;
	_ =	strace $0x9000004C  }
0xb3: {  	s29 =	simm.s32 $0x9;
	_ =	strace $0x8000004E  }
0xb4: {  	_ =	swait.ge [sflag:s29], $0x1  }
0xb5: {  	[sflag:s29] =	ssyncadd.s32 $0xFFFFFFFF  }
0xb6: {  	_ =	strace $0x9000004E  }
0xb7: {  	_ =	sfence  }
0xb8: {  	s30 =	sld [smem:$0x0];
	_ =	sdelay $0x2  }
0xb9: {  	s31 =	sshll.u32 s1, $0xD;
	s1 =	sshrl.u32 s1, $0x2  }
0xba: {  	s3 =	sand.u32 $0x4000, s31;
	s1 =	sadd.s32 s1, s30  }
0xbb: {  	s0 =	sor.u32 s3, s0;
	s1 =	sshll.u32 s1, $0x11  }
0xbc: {  	s0 =	sor.u32 s1, s0  }
0xbd: {  	s0 =	sadd.s32 $0x8F2B, s0  }
0xbe: {  	[sflag:s0] =	ssyncadd.remote.s32 $0x1  }
0xbf: {  	_ =	sfence.sel $0xFFFF  }
0xc0: {  	[dreg:$0x0] =	wrdreg $0xFFFFFFFF;
	(pc) =	sbr.abs _section_cstart, $3  }
0xc1: {  	[dreg:$0x1] =	wrdreg $0xFFFFFFFF  }
0xc2: {  	_ =	task.clear_ibuf [dreg:s7], $0x2FFFF;
	_ =	strace $0x9FFFFFFF  }
0xc3: {  	(tm) =	ssettm $0x7FFFFFFF  }
tec
execute0_lowered:
.L_overlay_start_1:
0x0: {  	(tag) =	ssettag $0x1  }
0x1: {  	s1 =	rddreg [dreg:$0x0]  }
0x2: {  	s0 =	rddreg [dreg:$0x1]  }
0x3: {  	s2 =	rddreg [dreg:$0x2];
	s3 =	simm.s32 $0x0  }
0x4: {  	s4 =	stileid.u32;
	s10 =	srdreg.scid;
	s24 =	simm.s32 $0x1  }
0x5: {  	s28 =	simm.s32 $0x50;
	s29 =	simm.s32 $0x0;
	[smem:$0x7FF] =	sst s3  }
0x6: {  	s5 =	sadd.s32 $0x45400, s0;
	s6 =	sadd.s32 $0x6D400, s0;
	s7 =	smul.u32 $0x2800, s4  }
0x7: {  	s9 =	sshll.u32 s4, $0xB;
	s8 =	sadd.s32 $0x95400, s0;
	s14 =	smul.u32 $0x50000, s4  }
0x8: {  	s11 =	sand.u32 $0x1, s10;
	s26 =	sadd.s32 $0x10D400, s0;
	s10 =	sadd.s32 $0x135400, s0  }
0x9: {  	_ =	strace $0x8000004D;
	s12 =	sadd.s32 s9, s0;
	s13 =	ssub.s32 $0x2, s11  }
0xa: {  	[dreg:$0x4] =	wrdreg s26;
	p0 =	seq.s32 s11, $0x1;
	s26 =	simm.s32 $0x8000  }
0xb: {  	s22 =	sadd.s32 s7, s0;
	s30 =	sshrl.u32 s13, $0x1;
	s31 =	sshrl.u32 s14, $0x2  }
.Ltmp0:
0xc: {  	s11 =	sadd.s32 $0x2E00, s12;
	s12 =	sadd.s32 $0xAE00, s12;
	(pc) =	sbr.rel .LBB2_1-.Ltmp0, $4  }
0xd: {  	s0 =	ssub.s32 s13, s30;
	s13 =	sadd.s32 s31, s2;
	s21 =	sadd.s32 $0xBD400, s22  }
0xe: {  	s22 =	sadd.s32 $0xE5400, s22;
	s14 =	sadd.s32 $0x2800, s13;
	s15 =	sadd.s32 $0x5000, s13  }
0xf: {  	s16 =	sadd.s32 $0x7800, s13;
	s17 =	sadd.s32 $0xA000, s13;
	s18 =	sadd.s32 $0xC800, s13  }
0x10: {  	v0 =	vimm.f32 $0.0e+00;
	s19 =	sadd.s32 $0xF000, s13;
	s20 =	sadd.s32 $0x11800, s13;
	s23 =	smax.u32 s0, $0x1  }
.LBB2_19:
0x11: {  	s0 =	sshra.s32 s31, $0x2;
	[sflag:s24] =	ssyncadd.s32 $0xFFFFD800  }
0x12: {  	[tilespmem:s26], [sflag:$0x1] =	stream.indirect.gather [hbm4b:s8+s28], $0x80, s0, s28, $0xb8;
	[tilespmem:$0x1E800] =	vst v63  }
0x13: {  	_ =	swait.ge [sflag:s24], $0x2800  }
0x14: {  	[sflag:s24] =	ssyncset.done $0x0  }
0x15: {  	s0 =	sadd.s32 $0x4000, s0;
	[sflag:s24] =	ssyncadd.s32 $0xFFFFD800  }
0x16: {  	[spmem:s2] =	stream.indirect.scatter.add.f32 [tilespmem:s26], [sflag:$0x1], $0x80, s0, s28, $0xb8;
	[tilespmem:$0x1E800] =	vst v63  }
0x17: {  	_ =	swait.ge [sflag:s24], $0x2800  }
0x18: {  	[sflag:s24] =	ssyncset.done $0x0  }
0x19: {  	s0 =	smov.u32 s10;
	[sflag:s24] =	ssyncadd.s32 $0xFFFFD800  }
.LBB2_20:
0x1a: {  	s0 =	sadd.s32 s0, s7  }
0x1b: {  	[bflag:$0x0] =	sbarrier.arrive $0xFFFF;
	s9 =	sshrl.u32 s13, $0x3;
	s29 =	sadd.s32 $0x1, s29  }
0x1c: {  	[hbm:s0], [sflag:s30] =	dma.local [spmem:s9], $0x2800  }
0x1d: {  	p1 =	sne.s32 s29, s23  }
.Ltmp1:
0x1e: {  	_ =	swait.ge [sflag:s24], $0x2800;
	(pc) =	sbr.rel @!p1 .LBB2_21-.Ltmp1, $3  }
0x1f: {  	[sflag:s24] =	ssyncset.done $0x0  }
0x20: {  	[sflag:s24] =	ssyncadd.s32 $0xFFFFD800  }
0x21: {  	[bflag:$0x0] =	sbarrier.arrive $0xFFFF;
	_ =	sdelay $0x1  }
.LBB2_1:
0x22: {  	[tilespmem:s3], [sflag:$0x1] =	stream.linear.gather [hbm4b:s11+s3], $0x3E80, $0x38;
	[tilespmem:$0x1E800] =	vst v63  }
0x23: {  	_ =	swait.ge [sflag:s24], $0x3E80  }
0x24: {  	[sflag:s24] =	ssyncset.done $0x0  }
.Ltmp2:
0x25: {  	s0 =	simm.s32 $0x4000;
	[sflag:s24] =	ssyncadd.s32 $0xFFFFC180;
	(pc) =	sbr.rel @!p0 .LBB2_2-.Ltmp2, $4  }
0x26: {  	[tilespmem:s0], [sflag:$0x1] =	stream.linear.gather [hbm4b:s12+s3], $0x3E80, $0x38;
	[tilespmem:$0x1E800] =	vst v63  }
0x27: {  	_ =	swait.ge [sflag:s24], $0x3E80  }
0x28: {  	[sflag:s24] =	ssyncset.done $0x0  }
0x29: {  	s0 =	sand.u32 $0xFE00, s3;
	[sflag:s24] =	ssyncadd.s32 $0xFFFFC180  }
0x2a: {  	s9 =	sand.u32 $0x70, s3;
	s0 =	sshrl.u32 s0, $0x2  }
0x2b: {  	s30 =	simm.s32 $0x40;
	s31 =	sor.u32 s9, s0;
	s0 =	simm.s32 $0x0  }
.LBB2_12:
0x2c: {  	p1 =	sne.s32 s30, $0x9FC0  }
0x2d: {  	[tilespmem:s31+$0x8000] =	vst v0;
	s0 =	sadd.s32 $0x10, s0;
	s9 =	smov.u32 s30;
	s30 =	sadd.s32 $0x40, s30  }
.Ltmp3:
0x2e: {  	(pc) =	sbr.rel @p1 .LBB2_12-.Ltmp3, $4  }
0x2f: {  	_ = 	snop  }
0x30: {  	s9 =	sand.u32 $0xFE00, s9  }
0x31: {  	s25 =	sand.u32 $0x70, s0;
	s9 =	sshrl.u32 s9, $0x2  }
0x32: {  	s31 =	sor.u32 s25, s9  }
0x33: {  	[tilespmem:s31+$0x8000] =	vst v0  }
0x34: {  	[spmem:s13] =	stream.linear.scatter [tilespmem:s26], [sflag:$0x1], $0x2800, $0x38;
	[tilespmem:$0x1E800] =	vst v63  }
0x35: {  	_ =	swait.ge [sflag:s24], $0x2800  }
0x36: {  	[sflag:s24] =	ssyncset.done $0x0  }
0x37: {  	[sflag:s24] =	ssyncadd.s32 $0xFFFFD800  }
0x38: {  	[spmem:s14] =	stream.linear.scatter [tilespmem:s26], [sflag:$0x1], $0x2800, $0x38;
	[tilespmem:$0x1E800] =	vst v63  }
0x39: {  	_ =	swait.ge [sflag:s24], $0x2800  }
0x3a: {  	[sflag:s24] =	ssyncset.done $0x0  }
0x3b: {  	[sflag:s24] =	ssyncadd.s32 $0xFFFFD800  }
0x3c: {  	[spmem:s15] =	stream.linear.scatter [tilespmem:s26], [sflag:$0x1], $0x2800, $0x38;
	[tilespmem:$0x1E800] =	vst v63  }
0x3d: {  	_ =	swait.ge [sflag:s24], $0x2800  }
0x3e: {  	[sflag:s24] =	ssyncset.done $0x0  }
0x3f: {  	[sflag:s24] =	ssyncadd.s32 $0xFFFFD800  }
0x40: {  	[spmem:s16] =	stream.linear.scatter [tilespmem:s26], [sflag:$0x1], $0x2800, $0x38;
	[tilespmem:$0x1E800] =	vst v63  }
0x41: {  	_ =	swait.ge [sflag:s24], $0x2800  }
0x42: {  	[sflag:s24] =	ssyncset.done $0x0  }
0x43: {  	[sflag:s24] =	ssyncadd.s32 $0xFFFFD800  }
0x44: {  	[spmem:s17] =	stream.linear.scatter [tilespmem:s26], [sflag:$0x1], $0x2800, $0x38;
	[tilespmem:$0x1E800] =	vst v63  }
0x45: {  	_ =	swait.ge [sflag:s24], $0x2800  }
0x46: {  	[sflag:s24] =	ssyncset.done $0x0  }
0x47: {  	[sflag:s24] =	ssyncadd.s32 $0xFFFFD800  }
0x48: {  	[spmem:s18] =	stream.linear.scatter [tilespmem:s26], [sflag:$0x1], $0x2800, $0x38;
	[tilespmem:$0x1E800] =	vst v63  }
0x49: {  	_ =	swait.ge [sflag:s24], $0x2800  }
0x4a: {  	[sflag:s24] =	ssyncset.done $0x0  }
0x4b: {  	[sflag:s24] =	ssyncadd.s32 $0xFFFFD800  }
0x4c: {  	[spmem:s19] =	stream.linear.scatter [tilespmem:s26], [sflag:$0x1], $0x2800, $0x38;
	[tilespmem:$0x1E800] =	vst v63  }
0x4d: {  	_ =	swait.ge [sflag:s24], $0x2800  }
0x4e: {  	[sflag:s24] =	ssyncset.done $0x0  }
0x4f: {  	[sflag:s24] =	ssyncadd.s32 $0xFFFFD800  }
0x50: {  	[spmem:s20] =	stream.linear.scatter [tilespmem:s26], [sflag:$0x1], $0x2800, $0x38;
	[tilespmem:$0x1E800] =	vst v63  }
0x51: {  	_ =	swait.ge [sflag:s24], $0x2800  }
0x52: {  	[sflag:s24] =	ssyncset.done $0x0  }
0x53: {  	[sflag:s24] =	ssyncadd.s32 $0xFFFFD800  }
0x54: {  	s0 =	simm.s32 $0x0;
	[bflag:$0x0] =	sbarrier.arrive $0xFFFF  }
0x55: {  	[tilespmem:s26], [sflag:$0x1] =	stream.indirect.gather [hbm4b:s5+s28], $0x80, s0, s28, $0xb8;
	[tilespmem:$0x1E800] =	vst v63  }
0x56: {  	_ =	swait.ge [sflag:s24], $0x2800  }
0x57: {  	[sflag:s24] =	ssyncset.done $0x0  }
0x58: {  	s31 =	simm.s32 $0x4000;
	[sflag:s24] =	ssyncadd.s32 $0xFFFFD800  }
0x59: {  	[spmem:s2] =	stream.indirect.scatter.add.f32 [tilespmem:s26], [sflag:$0x1], $0x80, s31, s28, $0xb8;
	[tilespmem:$0x1E800] =	vst v63  }
0x5a: {  	_ =	swait.ge [sflag:s24], $0x2800  }
0x5b: {  	s30 =	simm.s32 $0x200;
	s0 =	simm.s32 $0x400;
	[sflag:s24] =	ssyncset.done $0x0  }
.LBB2_14:
0x5c: {  	s9 =	sshra.s32 s30, $0x2  }
0x5d: {  	[sflag:s24] =	ssyncadd.s32 $0xFFFFD800;
	s30 =	smov.u32 s0;
	s25 =	sadd.s32 $0x200, s0  }
0x5e: {  	[tilespmem:s26], [sflag:$0x1] =	stream.indirect.gather [hbm4b:s5+s28], $0x80, s9, s28, $0xb8;
	[tilespmem:$0x1E800] =	vst v63  }
0x5f: {  	p1 =	sne.s32 s0, $0xF800;
	_ =	swait.ge [sflag:s24], $0x2800  }
.Ltmp4:
0x60: {  	[sflag:s24] =	ssyncset.done $0x0;
	(pc) =	sbr.rel @p1 .LBB2_14-.Ltmp4, $4  }
0x61: {  	s0 =	sadd.s32 $0x4000, s9;
	[sflag:s24] =	ssyncadd.s32 $0xFFFFD800  }
0x62: {  	[spmem:s2] =	stream.indirect.scatter.add.f32 [tilespmem:s26], [sflag:$0x1], $0x80, s0, s28, $0xb8;
	[tilespmem:$0x1E800] =	vst v63  }
0x63: {  	_ =	swait.ge [sflag:s24], $0x2800  }
0x64: {  	s0 =	smov.u32 s25;
	[sflag:s24] =	ssyncset.done $0x0  }
0x65: {  	s0 =	sshra.s32 s30, $0x2;
	[sflag:s24] =	ssyncadd.s32 $0xFFFFD800  }
0x66: {  	[tilespmem:s26], [sflag:$0x1] =	stream.indirect.gather [hbm4b:s5+s28], $0x80, s0, s28, $0xb8;
	[tilespmem:$0x1E800] =	vst v63  }
0x67: {  	_ =	swait.ge [sflag:s24], $0x2800  }
0x68: {  	[sflag:s24] =	ssyncset.done $0x0  }
0x69: {  	s0 =	sadd.s32 $0x4000, s0;
	[sflag:s24] =	ssyncadd.s32 $0xFFFFD800  }
0x6a: {  	[spmem:s2] =	stream.indirect.scatter.add.f32 [tilespmem:s26], [sflag:$0x1], $0x80, s0, s28, $0xb8;
	[tilespmem:$0x1E800] =	vst v63  }
0x6b: {  	_ =	swait.ge [sflag:s24], $0x2800  }
0x6c: {  	[sflag:s24] =	ssyncset.done $0x0  }
0x6d: {  	s25 =	sshll.u32 s4, $0x6;
	[sflag:s24] =	ssyncadd.s32 $0xFFFFD800  }
0x6e: {  	s9 =	sshrl.u32 s13, $0x3;
	s30 =	sor.u32 $0x1C01, s25;
	[bflag:$0x0] =	sbarrier.arrive $0xFFFF  }
0x6f: {  	[hbm:s22], [sflag:s30] =	dma.local [spmem:s9], $0x2800  }
0x70: {  	s31 =	simm.s32 $0x0;
	_ =	swait.ge [sflag:s24], $0x2800  }
0x71: {  	s25 =	sand.u32 $0xFE00, s31;
	[sflag:s24] =	ssyncset.done $0x0  }
0x72: {  	s25 =	sshrl.u32 s25, $0x2;
	s9 =	sand.u32 $0x70, s31;
	[sflag:s24] =	ssyncadd.s32 $0xFFFFD800  }
0x73: {  	s0 =	simm.s32 $0x40;
	s25 =	sor.u32 s9, s25;
	[bflag:$0x0] =	sbarrier.arrive $0xFFFF  }
.LBB2_16:
0x74: {  	p1 =	sne.s32 s0, $0x9FC0  }
0x75: {  	[tilespmem:s25+$0x8000] =	vst v0;
	s31 =	sadd.s32 $0x10, s31;
	s9 =	smov.u32 s0;
	s0 =	sadd.s32 $0x40, s0  }
.Ltmp5:
0x76: {  	(pc) =	sbr.rel @p1 .LBB2_16-.Ltmp5, $4  }
0x77: {  	_ = 	snop  }
0x78: {  	s9 =	sand.u32 $0xFE00, s9  }
0x79: {  	s25 =	sand.u32 $0x70, s31;
	s9 =	sshrl.u32 s9, $0x2  }
0x7a: {  	s25 =	sor.u32 s25, s9  }
0x7b: {  	[tilespmem:s25+$0x8000] =	vst v0  }
0x7c: {  	[spmem:s13] =	stream.linear.scatter [tilespmem:s26], [sflag:$0x1], $0x2800, $0x38;
	[tilespmem:$0x1E800] =	vst v63  }
0x7d: {  	_ =	swait.ge [sflag:s24], $0x2800  }
0x7e: {  	[sflag:s24] =	ssyncset.done $0x0  }
0x7f: {  	[sflag:s24] =	ssyncadd.s32 $0xFFFFD800  }
0x80: {  	[spmem:s14] =	stream.linear.scatter [tilespmem:s26], [sflag:$0x1], $0x2800, $0x38;
	[tilespmem:$0x1E800] =	vst v63  }
0x81: {  	_ =	swait.ge [sflag:s24], $0x2800  }
0x82: {  	[sflag:s24] =	ssyncset.done $0x0  }
0x83: {  	[sflag:s24] =	ssyncadd.s32 $0xFFFFD800  }
0x84: {  	[spmem:s15] =	stream.linear.scatter [tilespmem:s26], [sflag:$0x1], $0x2800, $0x38;
	[tilespmem:$0x1E800] =	vst v63  }
0x85: {  	_ =	swait.ge [sflag:s24], $0x2800  }
0x86: {  	[sflag:s24] =	ssyncset.done $0x0  }
0x87: {  	[sflag:s24] =	ssyncadd.s32 $0xFFFFD800  }
0x88: {  	[spmem:s16] =	stream.linear.scatter [tilespmem:s26], [sflag:$0x1], $0x2800, $0x38;
	[tilespmem:$0x1E800] =	vst v63  }
0x89: {  	_ =	swait.ge [sflag:s24], $0x2800  }
0x8a: {  	[sflag:s24] =	ssyncset.done $0x0  }
0x8b: {  	[sflag:s24] =	ssyncadd.s32 $0xFFFFD800  }
0x8c: {  	[spmem:s17] =	stream.linear.scatter [tilespmem:s26], [sflag:$0x1], $0x2800, $0x38;
	[tilespmem:$0x1E800] =	vst v63  }
0x8d: {  	_ =	swait.ge [sflag:s24], $0x2800  }
0x8e: {  	[sflag:s24] =	ssyncset.done $0x0  }
0x8f: {  	[sflag:s24] =	ssyncadd.s32 $0xFFFFD800  }
0x90: {  	[spmem:s18] =	stream.linear.scatter [tilespmem:s26], [sflag:$0x1], $0x2800, $0x38;
	[tilespmem:$0x1E800] =	vst v63  }
0x91: {  	_ =	swait.ge [sflag:s24], $0x2800  }
0x92: {  	[sflag:s24] =	ssyncset.done $0x0  }
0x93: {  	[sflag:s24] =	ssyncadd.s32 $0xFFFFD800  }
0x94: {  	[spmem:s19] =	stream.linear.scatter [tilespmem:s26], [sflag:$0x1], $0x2800, $0x38;
	[tilespmem:$0x1E800] =	vst v63  }
0x95: {  	_ =	swait.ge [sflag:s24], $0x2800  }
0x96: {  	[sflag:s24] =	ssyncset.done $0x0  }
0x97: {  	[sflag:s24] =	ssyncadd.s32 $0xFFFFD800  }
0x98: {  	[spmem:s20] =	stream.linear.scatter [tilespmem:s26], [sflag:$0x1], $0x2800, $0x38;
	[tilespmem:$0x1E800] =	vst v63  }
0x99: {  	_ =	swait.ge [sflag:s24], $0x2800  }
0x9a: {  	[sflag:s24] =	ssyncset.done $0x0  }
0x9b: {  	[sflag:s24] =	ssyncadd.s32 $0xFFFFD800  }
0x9c: {  	s0 =	simm.s32 $0x0;
	[bflag:$0x0] =	sbarrier.arrive $0xFFFF  }
0x9d: {  	[tilespmem:s26], [sflag:$0x1] =	stream.indirect.gather [hbm4b:s8+s28], $0x80, s0, s28, $0xb8;
	[tilespmem:$0x1E800] =	vst v63  }
0x9e: {  	_ =	swait.ge [sflag:s24], $0x2800  }
0x9f: {  	[sflag:s24] =	ssyncset.done $0x0  }
0xa0: {  	s25 =	simm.s32 $0x4000;
	[sflag:s24] =	ssyncadd.s32 $0xFFFFD800  }
0xa1: {  	[spmem:s2] =	stream.indirect.scatter.add.f32 [tilespmem:s26], [sflag:$0x1], $0x80, s25, s28, $0xb8;
	[tilespmem:$0x1E800] =	vst v63  }
0xa2: {  	_ =	swait.ge [sflag:s24], $0x2800  }
0xa3: {  	s31 =	simm.s32 $0x200;
	s0 =	simm.s32 $0x400;
	[sflag:s24] =	ssyncset.done $0x0  }
.LBB2_18:
0xa4: {  	s9 =	sshra.s32 s31, $0x2  }
0xa5: {  	[sflag:s24] =	ssyncadd.s32 $0xFFFFD800;
	s31 =	smov.u32 s0;
	s25 =	sadd.s32 $0x200, s0  }
0xa6: {  	[tilespmem:s26], [sflag:$0x1] =	stream.indirect.gather [hbm4b:s8+s28], $0x80, s9, s28, $0xb8;
	[tilespmem:$0x1E800] =	vst v63  }
0xa7: {  	p1 =	sne.s32 s0, $0xF800;
	_ =	swait.ge [sflag:s24], $0x2800  }
.Ltmp6:
0xa8: {  	[sflag:s24] =	ssyncset.done $0x0;
	(pc) =	sbr.rel @p1 .LBB2_18-.Ltmp6, $4  }
0xa9: {  	s0 =	sadd.s32 $0x4000, s9;
	[sflag:s24] =	ssyncadd.s32 $0xFFFFD800  }
0xaa: {  	[spmem:s2] =	stream.indirect.scatter.add.f32 [tilespmem:s26], [sflag:$0x1], $0x80, s0, s28, $0xb8;
	[tilespmem:$0x1E800] =	vst v63  }
0xab: {  	_ =	swait.ge [sflag:s24], $0x2800  }
0xac: {  	s0 =	smov.u32 s25;
	[sflag:s24] =	ssyncset.done $0x0  }
.Ltmp7:
0xad: {  	_ = 	snop;
	(pc) =	sbr.rel .LBB2_19-.Ltmp7, $1  }
0xae: {  	_ =	sdelay $0x3  }
.LBB2_2:
0xaf: {  	s25 =	sand.u32 $0x70, s3;
	s0 =	sshrl.u32 s0, $0x2  }
0xb0: {  	s30 =	simm.s32 $0x40;
	s31 =	sor.u32 s25, s0;
	s0 =	simm.s32 $0x0  }
.LBB2_3:
0xb1: {  	p1 =	sne.s32 s30, $0x9FC0  }
0xb2: {  	[tilespmem:s31+$0x8000] =	vst v0;
	s0 =	sadd.s32 $0x10, s0;
	s25 =	smov.u32 s30;
	s30 =	sadd.s32 $0x40, s30  }
.Ltmp8:
0xb3: {  	(pc) =	sbr.rel @p1 .LBB2_3-.Ltmp8, $4  }
0xb4: {  	_ = 	snop  }
0xb5: {  	s25 =	sand.u32 $0xFE00, s25  }
0xb6: {  	s31 =	sand.u32 $0x70, s0;
	s25 =	sshrl.u32 s25, $0x2  }
0xb7: {  	s31 =	sor.u32 s31, s25  }
0xb8: {  	[tilespmem:s31+$0x8000] =	vst v0  }
0xb9: {  	[spmem:s13] =	stream.linear.scatter [tilespmem:s26], [sflag:$0x1], $0x2800, $0x38;
	[tilespmem:$0x1E800] =	vst v63  }
0xba: {  	_ =	swait.ge [sflag:s24], $0x2800  }
0xbb: {  	[sflag:s24] =	ssyncset.done $0x0  }
0xbc: {  	[sflag:s24] =	ssyncadd.s32 $0xFFFFD800  }
0xbd: {  	[spmem:s14] =	stream.linear.scatter [tilespmem:s26], [sflag:$0x1], $0x2800, $0x38;
	[tilespmem:$0x1E800] =	vst v63  }
0xbe: {  	_ =	swait.ge [sflag:s24], $0x2800  }
0xbf: {  	[sflag:s24] =	ssyncset.done $0x0  }
0xc0: {  	[sflag:s24] =	ssyncadd.s32 $0xFFFFD800  }
0xc1: {  	[spmem:s15] =	stream.linear.scatter [tilespmem:s26], [sflag:$0x1], $0x2800, $0x38;
	[tilespmem:$0x1E800] =	vst v63  }
0xc2: {  	_ =	swait.ge [sflag:s24], $0x2800  }
0xc3: {  	[sflag:s24] =	ssyncset.done $0x0  }
0xc4: {  	[sflag:s24] =	ssyncadd.s32 $0xFFFFD800  }
0xc5: {  	[spmem:s16] =	stream.linear.scatter [tilespmem:s26], [sflag:$0x1], $0x2800, $0x38;
	[tilespmem:$0x1E800] =	vst v63  }
0xc6: {  	_ =	swait.ge [sflag:s24], $0x2800  }
0xc7: {  	[sflag:s24] =	ssyncset.done $0x0  }
0xc8: {  	[sflag:s24] =	ssyncadd.s32 $0xFFFFD800  }
0xc9: {  	[spmem:s17] =	stream.linear.scatter [tilespmem:s26], [sflag:$0x1], $0x2800, $0x38;
	[tilespmem:$0x1E800] =	vst v63  }
0xca: {  	_ =	swait.ge [sflag:s24], $0x2800  }
0xcb: {  	[sflag:s24] =	ssyncset.done $0x0  }
0xcc: {  	[sflag:s24] =	ssyncadd.s32 $0xFFFFD800  }
0xcd: {  	[spmem:s18] =	stream.linear.scatter [tilespmem:s26], [sflag:$0x1], $0x2800, $0x38;
	[tilespmem:$0x1E800] =	vst v63  }
0xce: {  	_ =	swait.ge [sflag:s24], $0x2800  }
0xcf: {  	[sflag:s24] =	ssyncset.done $0x0  }
0xd0: {  	[sflag:s24] =	ssyncadd.s32 $0xFFFFD800  }
0xd1: {  	[spmem:s19] =	stream.linear.scatter [tilespmem:s26], [sflag:$0x1], $0x2800, $0x38;
	[tilespmem:$0x1E800] =	vst v63  }
0xd2: {  	_ =	swait.ge [sflag:s24], $0x2800  }
0xd3: {  	[sflag:s24] =	ssyncset.done $0x0  }
0xd4: {  	[sflag:s24] =	ssyncadd.s32 $0xFFFFD800  }
0xd5: {  	[spmem:s20] =	stream.linear.scatter [tilespmem:s26], [sflag:$0x1], $0x2800, $0x38;
	[tilespmem:$0x1E800] =	vst v63  }
0xd6: {  	_ =	swait.ge [sflag:s24], $0x2800  }
0xd7: {  	[sflag:s24] =	ssyncset.done $0x0  }
0xd8: {  	[sflag:s24] =	ssyncadd.s32 $0xFFFFD800  }
0xd9: {  	s0 =	simm.s32 $0x0;
	[bflag:$0x0] =	sbarrier.arrive $0xFFFF  }
0xda: {  	[tilespmem:s26], [sflag:$0x1] =	stream.indirect.gather [hbm4b:s1+s28], $0x80, s0, s28, $0xb8;
	[tilespmem:$0x1E800] =	vst v63  }
0xdb: {  	_ =	swait.ge [sflag:s24], $0x2800  }
0xdc: {  	[sflag:s24] =	ssyncset.done $0x0  }
0xdd: {  	s31 =	simm.s32 $0x4000;
	[sflag:s24] =	ssyncadd.s32 $0xFFFFD800  }
0xde: {  	[spmem:s2] =	stream.indirect.scatter.add.f32 [tilespmem:s26], [sflag:$0x1], $0x80, s31, s28, $0xb8;
	[tilespmem:$0x1E800] =	vst v63  }
0xdf: {  	_ =	swait.ge [sflag:s24], $0x2800  }
0xe0: {  	s30 =	simm.s32 $0x200;
	s0 =	simm.s32 $0x400;
	[sflag:s24] =	ssyncset.done $0x0  }
.LBB2_5:
0xe1: {  	s25 =	sshra.s32 s30, $0x2  }
0xe2: {  	[sflag:s24] =	ssyncadd.s32 $0xFFFFD800;
	s30 =	smov.u32 s0;
	s31 =	sadd.s32 $0x200, s0  }
0xe3: {  	[tilespmem:s26], [sflag:$0x1] =	stream.indirect.gather [hbm4b:s1+s28], $0x80, s25, s28, $0xb8;
	[tilespmem:$0x1E800] =	vst v63  }
0xe4: {  	p1 =	sne.s32 s0, $0xF800;
	_ =	swait.ge [sflag:s24], $0x2800  }
.Ltmp9:
0xe5: {  	[sflag:s24] =	ssyncset.done $0x0;
	(pc) =	sbr.rel @p1 .LBB2_5-.Ltmp9, $4  }
0xe6: {  	s0 =	sadd.s32 $0x4000, s25;
	[sflag:s24] =	ssyncadd.s32 $0xFFFFD800  }
0xe7: {  	[spmem:s2] =	stream.indirect.scatter.add.f32 [tilespmem:s26], [sflag:$0x1], $0x80, s0, s28, $0xb8;
	[tilespmem:$0x1E800] =	vst v63  }
0xe8: {  	_ =	swait.ge [sflag:s24], $0x2800  }
0xe9: {  	s0 =	smov.u32 s31;
	[sflag:s24] =	ssyncset.done $0x0  }
0xea: {  	s0 =	sshra.s32 s30, $0x2;
	[sflag:s24] =	ssyncadd.s32 $0xFFFFD800  }
0xeb: {  	[tilespmem:s26], [sflag:$0x1] =	stream.indirect.gather [hbm4b:s1+s28], $0x80, s0, s28, $0xb8;
	[tilespmem:$0x1E800] =	vst v63  }
0xec: {  	_ =	swait.ge [sflag:s24], $0x2800  }
0xed: {  	[sflag:s24] =	ssyncset.done $0x0  }
0xee: {  	s0 =	sadd.s32 $0x4000, s0;
	[sflag:s24] =	ssyncadd.s32 $0xFFFFD800  }
0xef: {  	[spmem:s2] =	stream.indirect.scatter.add.f32 [tilespmem:s26], [sflag:$0x1], $0x80, s0, s28, $0xb8;
	[tilespmem:$0x1E800] =	vst v63  }
0xf0: {  	_ =	swait.ge [sflag:s24], $0x2800  }
0xf1: {  	[sflag:s24] =	ssyncset.done $0x0  }
0xf2: {  	s9 =	sshll.u32 s4, $0x6;
	[sflag:s24] =	ssyncadd.s32 $0xFFFFD800  }
0xf3: {  	s25 =	sshrl.u32 s13, $0x3;
	s30 =	sor.u32 $0x1C01, s9;
	[bflag:$0x0] =	sbarrier.arrive $0xFFFF  }
0xf4: {  	[hbm:s21], [sflag:s30] =	dma.local [spmem:s25], $0x2800  }
0xf5: {  	s31 =	simm.s32 $0x0;
	_ =	swait.ge [sflag:s24], $0x2800  }
0xf6: {  	s9 =	sand.u32 $0xFE00, s31;
	[sflag:s24] =	ssyncset.done $0x0  }
0xf7: {  	s9 =	sshrl.u32 s9, $0x2;
	s25 =	sand.u32 $0x70, s31;
	[sflag:s24] =	ssyncadd.s32 $0xFFFFD800  }
0xf8: {  	s0 =	simm.s32 $0x40;
	s25 =	sor.u32 s25, s9;
	[bflag:$0x0] =	sbarrier.arrive $0xFFFF  }
.LBB2_7:
0xf9: {  	p1 =	sne.s32 s0, $0x9FC0  }
0xfa: {  	[tilespmem:s25+$0x8000] =	vst v0;
	s31 =	sadd.s32 $0x10, s31;
	s9 =	smov.u32 s0;
	s0 =	sadd.s32 $0x40, s0  }
.Ltmp10:
0xfb: {  	(pc) =	sbr.rel @p1 .LBB2_7-.Ltmp10, $4  }
0xfc: {  	_ = 	snop  }
0xfd: {  	s9 =	sand.u32 $0xFE00, s9  }
0xfe: {  	s25 =	sand.u32 $0x70, s31;
	s9 =	sshrl.u32 s9, $0x2  }
0xff: {  	s25 =	sor.u32 s25, s9  }
0x100: {  	[tilespmem:s25+$0x8000] =	vst v0  }
0x101: {  	[spmem:s13] =	stream.linear.scatter [tilespmem:s26], [sflag:$0x1], $0x2800, $0x38;
	[tilespmem:$0x1E800] =	vst v63  }
0x102: {  	_ =	swait.ge [sflag:s24], $0x2800  }
0x103: {  	[sflag:s24] =	ssyncset.done $0x0  }
0x104: {  	[sflag:s24] =	ssyncadd.s32 $0xFFFFD800  }
0x105: {  	[spmem:s14] =	stream.linear.scatter [tilespmem:s26], [sflag:$0x1], $0x2800, $0x38;
	[tilespmem:$0x1E800] =	vst v63  }
0x106: {  	_ =	swait.ge [sflag:s24], $0x2800  }
0x107: {  	[sflag:s24] =	ssyncset.done $0x0  }
0x108: {  	[sflag:s24] =	ssyncadd.s32 $0xFFFFD800  }
0x109: {  	[spmem:s15] =	stream.linear.scatter [tilespmem:s26], [sflag:$0x1], $0x2800, $0x38;
	[tilespmem:$0x1E800] =	vst v63  }
0x10a: {  	_ =	swait.ge [sflag:s24], $0x2800  }
0x10b: {  	[sflag:s24] =	ssyncset.done $0x0  }
0x10c: {  	[sflag:s24] =	ssyncadd.s32 $0xFFFFD800  }
0x10d: {  	[spmem:s16] =	stream.linear.scatter [tilespmem:s26], [sflag:$0x1], $0x2800, $0x38;
	[tilespmem:$0x1E800] =	vst v63  }
0x10e: {  	_ =	swait.ge [sflag:s24], $0x2800  }
0x10f: {  	[sflag:s24] =	ssyncset.done $0x0  }
0x110: {  	[sflag:s24] =	ssyncadd.s32 $0xFFFFD800  }
0x111: {  	[spmem:s17] =	stream.linear.scatter [tilespmem:s26], [sflag:$0x1], $0x2800, $0x38;
	[tilespmem:$0x1E800] =	vst v63  }
0x112: {  	_ =	swait.ge [sflag:s24], $0x2800  }
0x113: {  	[sflag:s24] =	ssyncset.done $0x0  }
0x114: {  	[sflag:s24] =	ssyncadd.s32 $0xFFFFD800  }
0x115: {  	[spmem:s18] =	stream.linear.scatter [tilespmem:s26], [sflag:$0x1], $0x2800, $0x38;
	[tilespmem:$0x1E800] =	vst v63  }
0x116: {  	_ =	swait.ge [sflag:s24], $0x2800  }
0x117: {  	[sflag:s24] =	ssyncset.done $0x0  }
0x118: {  	[sflag:s24] =	ssyncadd.s32 $0xFFFFD800  }
0x119: {  	[spmem:s19] =	stream.linear.scatter [tilespmem:s26], [sflag:$0x1], $0x2800, $0x38;
	[tilespmem:$0x1E800] =	vst v63  }
0x11a: {  	_ =	swait.ge [sflag:s24], $0x2800  }
0x11b: {  	[sflag:s24] =	ssyncset.done $0x0  }
0x11c: {  	[sflag:s24] =	ssyncadd.s32 $0xFFFFD800  }
0x11d: {  	[spmem:s20] =	stream.linear.scatter [tilespmem:s26], [sflag:$0x1], $0x2800, $0x38;
	[tilespmem:$0x1E800] =	vst v63  }
0x11e: {  	_ =	swait.ge [sflag:s24], $0x2800  }
0x11f: {  	[sflag:s24] =	ssyncset.done $0x0  }
0x120: {  	[sflag:s24] =	ssyncadd.s32 $0xFFFFD800  }
0x121: {  	s0 =	simm.s32 $0x0;
	[bflag:$0x0] =	sbarrier.arrive $0xFFFF  }
0x122: {  	[tilespmem:s26], [sflag:$0x1] =	stream.indirect.gather [hbm4b:s6+s28], $0x80, s0, s28, $0xb8;
	[tilespmem:$0x1E800] =	vst v63  }
0x123: {  	_ =	swait.ge [sflag:s24], $0x2800  }
0x124: {  	[sflag:s24] =	ssyncset.done $0x0  }
0x125: {  	s25 =	simm.s32 $0x4000;
	[sflag:s24] =	ssyncadd.s32 $0xFFFFD800  }
0x126: {  	[spmem:s2] =	stream.indirect.scatter.add.f32 [tilespmem:s26], [sflag:$0x1], $0x80, s25, s28, $0xb8;
	[tilespmem:$0x1E800] =	vst v63  }
0x127: {  	_ =	swait.ge [sflag:s24], $0x2800  }
0x128: {  	s31 =	simm.s32 $0x200;
	s0 =	simm.s32 $0x400;
	[sflag:s24] =	ssyncset.done $0x0  }
.LBB2_9:
0x129: {  	s9 =	sshra.s32 s31, $0x2  }
0x12a: {  	[sflag:s24] =	ssyncadd.s32 $0xFFFFD800;
	s31 =	smov.u32 s0;
	s25 =	sadd.s32 $0x200, s0  }
0x12b: {  	[tilespmem:s26], [sflag:$0x1] =	stream.indirect.gather [hbm4b:s6+s28], $0x80, s9, s28, $0xb8;
	[tilespmem:$0x1E800] =	vst v63  }
0x12c: {  	p1 =	seq.s32 s0, $0xF800;
	_ =	swait.ge [sflag:s24], $0x2800  }
.Ltmp11:
0x12d: {  	[sflag:s24] =	ssyncset.done $0x0;
	(pc) =	sbr.rel @!p1 .LBB2_9-.Ltmp11, $4  }
0x12e: {  	s0 =	sadd.s32 $0x4000, s9;
	[sflag:s24] =	ssyncadd.s32 $0xFFFFD800  }
0x12f: {  	[spmem:s2] =	stream.indirect.scatter.add.f32 [tilespmem:s26], [sflag:$0x1], $0x80, s0, s28, $0xb8;
	[tilespmem:$0x1E800] =	vst v63  }
0x130: {  	_ =	swait.ge [sflag:s24], $0x2800  }
0x131: {  	s0 =	smov.u32 s25;
	[sflag:s24] =	ssyncset.done $0x0  }
0x132: {  	s0 =	sshra.s32 s31, $0x2;
	[sflag:s24] =	ssyncadd.s32 $0xFFFFD800  }
0x133: {  	[tilespmem:s26], [sflag:$0x1] =	stream.indirect.gather [hbm4b:s6+s28], $0x80, s0, s28, $0xb8;
	[tilespmem:$0x1E800] =	vst v63  }
0x134: {  	_ =	swait.ge [sflag:s24], $0x2800  }
0x135: {  	[sflag:s24] =	ssyncset.done $0x0  }
.Ltmp12:
0x136: {  	s0 =	sadd.s32 $0x4000, s0;
	[sflag:s24] =	ssyncadd.s32 $0xFFFFD800;
	(pc) =	sbr.rel .LBB2_20-.Ltmp12, $4  }
0x137: {  	[spmem:s2] =	stream.indirect.scatter.add.f32 [tilespmem:s26], [sflag:$0x1], $0x80, s0, s28, $0xb8;
	[tilespmem:$0x1E800] =	vst v63  }
0x138: {  	_ =	swait.ge [sflag:s24], $0x2800  }
0x139: {  	[sflag:s24] =	ssyncset.done $0x0  }
0x13a: {  	s0 =	rddreg [dreg:$0x4];
	[sflag:s24] =	ssyncadd.s32 $0xFFFFD800  }
.LBB2_21:
0x13b: {  	_ =	sfence.sel $0x180000  }
0x13c: {  	[bflag:$0x0] =	sbarrier.arrive $0xFFFF  }
0x13d: {  	_ =	strace $0x9000004D  }
0x13e: {  	[bflag:$0x2] =	sbarrier.arrive $0xFFFF  }
0x13f: {  	p0 =	sne.s32 s4, $0x0;
	s0 =	rddreg [dreg:$0x3]  }
0x140: {  	s0 =	sadd.s32 @!p0 $0x100000, s0  }
0x141: {  	[sflag:s0] =	ssyncadd.tile.s32 @!p0 $0x1;
	_ =	shalt  }
.Lfunc_end2:
_tile_overlayer_lowered:
.L_overlay_start_2:
0x142: {  	(tag) =	ssettag $0x2  }
0x143: {  	s0 =	rddreg [dreg:$0x0];
	s2 =	stileid.u32  }
0x144: {  	s1 =	rddreg [dreg:$0x1];
	p0 =	sne.s32 s2, $0x0  }
0x145: {  	s3 =	rddreg [dreg:$0x2];
	[bflag:$0x3] =	sbarrier.arrive $0xFFFF;
	s2 =	simm.s32 @!p0 $0x1C01  }
0x146: {  	[timem:s3], [sflag:s2] =	dma.local @!p0 [hbm:s0], s1  }
0x147: {  	s0 =	simm.s32 @!p0 $0x1  }
0x148: {  	_ =	swait.ge @!p0 [sflag:s0], s1  }
0x149: {  	s1 =	ssub.s32 @!p0 $0x0, s1;
	[sflag:s0] =	ssyncset.done @!p0 $0x0  }
0x14a: {  	[sflag:s0] =	ssyncadd.s32 @!p0 s1  }
0x14b: {  	[bflag:$0x3] =	sbarrier.arrive $0xFFFF  }
0x14c: {  	_ =	shalt  }

// kernel: kernel.8.cloned.1.call-start
scs
__scs_entry_jumppad:
0x0: {  	(pc) =	sbr.rel $0x88, $3  }
0x1: {  	(tag) =	ssettag $0x0;
	lr =	simm.s32 $0x1  }
0x2: {  	[smem:$0x3F97] =	sst lr;
	_ =	strace $0xD0000000  }
0x3: {  	_ = 	snop  }
0x4: {  	_ = 	snop  }
0x5: {  	_ = 	snop  }
0x6: {  	_ = 	snop  }
0x7: {  	_ = 	snop  }
__scs_overlays_trampoline_lowered:
0x8: {  	[smem:$0x3FA6] =	sst s0  }
0x9: {  	[smem:$0x3FA7] =	sst s1  }
0xa: {  	[smem:$0x3FA8] =	sst s2  }
0xb: {  	[smem:$0x3FA9] =	sst s3  }
0xc: {  	[smem:$0x3FAA] =	sst s4  }
0xd: {  	[smem:$0x3FAB] =	sst s5  }
0xe: {  	[smem:$0x3FAC] =	sst s6  }
0xf: {  	[smem:$0x3FAD] =	sst s7  }
0x10: {  	[smem:$0x3FAE] =	sst s8  }
0x11: {  	[smem:$0x3FAF] =	sst s9;
	s0 =	simm.s32 @!p0 $0x0  }
0x12: {  	s1 =	sld [smem:$0x3F95];
	s0 =	simm.s32 @p0 $0x1  }
0x13: {  	[smem:$0x3FB0] =	sst s0;
	s0 =	simm.s32 @!p1 $0x0  }
0x14: {  	s2 =	sld [smem:$0x3F94];
	s0 =	simm.s32 @p1 $0x1  }
0x15: {  	[smem:$0x3FB1] =	sst s0;
	s0 =	simm.s32 @!p2 $0x0  }
0x16: {  	s3 =	sld [smem:$0x3FDB];
	s0 =	simm.s32 @p2 $0x1  }
0x17: {  	s4 =	simm.s32 $0x1BF5;
	[smem:$0x3FB3] =	sst s0  }
0x18: {  	s0 =	sld [smem:$0x3F96];
	_ =	swait.ge [sflag:s4], $0x0  }
0x19: {  	s7 =	sld [smem:$0x3F97]  }
0x1a: {  	s8 =	sadd.s32 $0xFFFFE003, lr  }
0x1b: {  	s9 =	sadd.s32 $0xFFFFFEF7, lr;
	s5 =	simm.s32 $0xFFFFFFFF;
	p2 =	slt.u32 s8, $0xFFFFF086  }
0x1c: {  	p1 =	slt.u32 s9, $0xF7A;
	s5 =	simm.s32 @!p2 $0x0  }
0x1d: {  	s5 =	simm.s32 @p1 $0x1;
	p0 =	seq.s32 s7, s2  }
0x1e: {  	s7 =	smul.u32 @!p0 $0xF7A, s2;
	p2 =	seq.s32 @!p0 s5, $0x0  }
0x1f: {  	s9 =	smul.u32 $0xF7A, s1;
	s8 =	simm.s32 @!p0 $0x1BF5;
	p2 =	por !p2, p0  }
0x20: {  	[sflag:s8] =	ssyncset.s32 @!p0 $0xFFFFF086;
	s6 =	sadd.s32 @!p0 s3, s7;
	s7 =	simm.s32 @!p0 $0x108  }
0x21: {  	s3 =	sadd.s32 s3, s9;
	s6 =	sadd.s32 @!p0 $0x88, s6;
	s7 =	simm.s32 @p2 $0x1082  }
0x22: {  	[simem:s7], [sflag:s8] =	dma.local @!p0 [hbm:s6], $0xF7A  }
0x23: {  	s9 =	sor.u32 $0xD0000000, s2;
	s6 =	simm.s32 $0x108;
	_ =	swait.ge @!p0 [sflag:s8], $0x0  }
0x24: {  	s3 =	sadd.s32 $0x88, s3;
	s6 =	simm.s32 @!p1 $0x1082;
	[sflag:s4] =	ssyncset.s32 $0xFFFFF086  }
0x25: {  	[simem:s6], [sflag:s4] =	dma.local [hbm:s3], $0xF7A  }
0x26: {  	[smem:$0x3F97] =	sst s1;
	(tag) =	ssettag s2;
	_ =	strace s9  }
0x27: {  	s1 =	sld [smem:$0x3FA7]  }
0x28: {  	s2 =	sld [smem:$0x3FA8]  }
0x29: {  	s4 =	sld [smem:$0x3FAA]  }
0x2a: {  	p0 =	seq.s32 s5, $0x0;
	s5 =	sld [smem:$0x3FAB]  }
0x2b: {  	s6 =	sld [smem:$0x3FAC]  }
0x2c: {  	s7 =	sld [smem:$0x3FAD]  }
0x2d: {  	s3 =	simm.s32 $0x108;
	s8 =	sld [smem:$0x3FAE]  }
0x2e: {  	s3 =	simm.s32 @!p0 $0x1082;
	s9 =	sld [smem:$0x3FAF]  }
0x2f: {  	lr =	sadd.s32 s0, s3;
	s0 =	sld [smem:$0x3FA6]  }
0x30: {  	s3 =	sld [smem:$0x3FA9]  }
0x31: {  	[smem:$0x3FB2] =	sst s10  }
0x32: {  	s10 =	sld [smem:$0x3FB0];
	_ =	sdelay $0x3  }
0x33: {  	p0 =	seq.s32 s10, $0x1;
	s10 =	sld [smem:$0x3FB2];
	_ =	sdelay $0x3  }
0x34: {  	[smem:$0x3FB2] =	sst s10  }
0x35: {  	s10 =	sld [smem:$0x3FB1];
	_ =	sdelay $0x3  }
0x36: {  	p1 =	seq.s32 s10, $0x1;
	s10 =	sld [smem:$0x3FB2];
	_ =	sdelay $0x3  }
0x37: {  	[smem:$0x3FB2] =	sst s10  }
0x38: {  	s10 =	sld [smem:$0x3FB3]  }
0x39: {  	_ = 	snop;
	(pc) =	sbr.ind lr, $3  }
0x3a: {  	_ = 	snop  }
0x3b: {  	_ = 	snop  }
0x3c: {  	p2 =	seq.s32 s10, $0x1;
	s10 =	sld [smem:$0x3FB2]  }
0x3d: {  	_ =	shalt  }
0x3e: {  	_ =	shalt  }
0x3f: {  	_ =	shalt  }
0x40: {  	_ =	shalt  }
0x41: {  	_ =	shalt  }
0x42: {  	_ =	shalt  }
0x43: {  	_ =	shalt  }
0x44: {  	_ =	shalt  }
0x45: {  	_ =	shalt  }
0x46: {  	_ =	shalt  }
0x47: {  	_ =	shalt  }
0x48: {  	_ =	shalt  }
0x49: {  	_ =	shalt  }
0x4a: {  	_ =	shalt  }
0x4b: {  	_ =	shalt  }
0x4c: {  	_ =	shalt  }
0x4d: {  	_ =	shalt  }
0x4e: {  	_ =	shalt  }
0x4f: {  	_ =	shalt  }
0x50: {  	_ =	shalt  }
0x51: {  	_ =	shalt  }
0x52: {  	_ =	shalt  }
0x53: {  	_ =	shalt  }
0x54: {  	_ =	shalt  }
0x55: {  	_ =	shalt  }
0x56: {  	_ =	shalt  }
0x57: {  	_ =	shalt  }
0x58: {  	_ =	shalt  }
0x59: {  	_ =	shalt  }
0x5a: {  	_ =	shalt  }
0x5b: {  	_ =	shalt  }
0x5c: {  	_ =	shalt  }
0x5d: {  	_ =	shalt  }
0x5e: {  	_ =	shalt  }
0x5f: {  	_ =	shalt  }
0x60: {  	_ =	shalt  }
0x61: {  	_ =	shalt  }
0x62: {  	_ =	shalt  }
0x63: {  	_ =	shalt  }
0x64: {  	_ =	shalt  }
0x65: {  	_ =	shalt  }
0x66: {  	_ =	shalt  }
0x67: {  	_ =	shalt  }
0x68: {  	_ =	shalt  }
0x69: {  	_ =	shalt  }
0x6a: {  	_ =	shalt  }
0x6b: {  	_ =	shalt  }
0x6c: {  	_ =	shalt  }
0x6d: {  	_ =	shalt  }
0x6e: {  	_ =	shalt  }
0x6f: {  	_ =	shalt  }
0x70: {  	_ =	shalt  }
0x71: {  	_ =	shalt  }
0x72: {  	_ =	shalt  }
0x73: {  	_ =	shalt  }
0x74: {  	_ =	shalt  }
0x75: {  	_ =	shalt  }
0x76: {  	_ =	shalt  }
0x77: {  	_ =	shalt  }
0x78: {  	_ =	shalt  }
0x79: {  	_ =	shalt  }
0x7a: {  	_ =	shalt  }
0x7b: {  	_ =	shalt  }
0x7c: {  	_ =	shalt  }
0x7d: {  	_ =	shalt  }
0x7e: {  	_ =	shalt  }
0x7f: {  	_ =	shalt  }
0x80: {  	_ =	shalt  }
0x81: {  	_ =	shalt  }
0x82: {  	_ =	shalt  }
0x83: {  	_ =	shalt  }
0x84: {  	_ =	shalt  }
0x85: {  	_ =	shalt  }
0x86: {  	_ =	shalt  }
0x87: {  	_ =	shalt  }
.Lfunc_end0:
.L_simem_size_0:
called_computation.1_lowered:
.L_overlay_start_0:
0x88: {  	s2 =	sld [smem:$0x3FD9]  }
0x89: {  	s3 =	sld [smem:$0x3FFE];
	_ =	sdelay $0x1  }
0x8a: {  	s1 =	srdreg.scid  }
0x8b: {  	s0 =	sand.u32 $0x1, s1  }
0x8c: {  	s17 =	sshll.u32 s0, $0xA;
	s2 =	sadd.s32 s3, s2  }
0x8d: {  	s2 =	sadd.s32 s2, s17  }
0x8e: {  	[smem:$0x3FBE] =	sst s2  }
0x8f: {  	_ = 	snop  }
0x90: {  	s2 =	sld [smem:$0x3FD0];
	(tm) =	ssettm $0x1  }
0x91: {  	s18 =	sld [smem:$0x3FFB];
	_ =	sdelay $0x3  }
0x92: {  	_ =	strace s18  }
0x93: {  	s3 =	sld [smem:$0x3FFC];
	_ =	sdelay $0x3  }
0x94: {  	_ =	strace s3  }
0x95: {  	s3 =	sld [smem:$0x3FFD];
	_ =	sdelay $0x3  }
0x96: {  	_ =	strace s3  }
0x97: {  	_ =	strace $0x8FFFFFFF  }
0x98: {  	s19 =	sld [smem:$0x3FDB];
	_ =	sdelay $0x1  }
0x99: {  	s4 =	simm.s32 $_scs_section_size  }
0x9a: {  	s5 =	simm.s32 $_size__tile_overlayer_lowered;
	s6 =	simm.s32 $_tile_overlayer_lowered  }
0x9b: {  	s22 =	simm.s32 $0x1BFF;
	s21 =	sshll.u32 s6, $0x1;
	s3 =	sadd.s32 s4, s19  }
0x9c: {  	s7 =	simm.s32 $0x0;
	s20 =	sshll.u32 s5, $0x1;
	s5 =	sadd.s32 s21, s3  }
0x9d: {  	[timem:s7], [sflag:s22] =	dma.local [hbm:s5], s20  }
0x9e: {  	_ =	swait.ge [sflag:s22], s20  }
0x9f: {  	s4 =	ssub.s32 $0x0, s20;
	[sflag:s22] =	ssyncset.done $0x0  }
0xa0: {  	[sflag:s22] =	ssyncadd.s32 s4;
	_ =	sdelay $0x1  }
0xa1: {  	s23 =	simm.s32 $0x1B8B  }
0xa2: {  	_ =	swait.ge [sflag:s23], $0x1  }
0xa3: {  	[sflag:s23] =	ssyncset.done $0x0  }
0xa4: {  	s25 =	simm.s32 $0x1B8E;
	s24 =	sld [smem:$0x3FFE];
	[sflag:s23] =	ssyncadd.s32 $0xFFFFFFFF  }
0xa5: {  	s26 =	simm.s32 $execute0_lowered;
	[smem:$0x3FD2] =	sst s25  }
0xa6: {  	s5 =	sshll.u32 s26, $0x1;
	_ =	strace $0x80000049;
	[dreg:$0x1] =	wrdreg $0xFFFFFFFF  }
0xa7: {  	s28 =	simm.s32 $_size_execute0_lowered;
	s3 =	sadd.s32 s3, s5;
	[dreg:$0x0] =	wrdreg $0x0  }
0xa8: {  	s5 =	sshll.u32 s28, $0x1;
	[dreg:$0x2] =	wrdreg s3  }
0xa9: {  	[dreg:$0x3] =	wrdreg s5  }
0xaa: {  	[dreg:$0x4] =	wrdreg $0xC0  }
0xab: {  	_ =	task [dreg:s7], $0x5FFFF  }
0xac: {  	[dreg:$0x1] =	wrdreg $0xFFFFFFFF  }
0xad: {  	[dreg:$0x0] =	wrdreg $0x60  }
0xae: {  	[dreg:$0x2] =	wrdreg s2  }
0xaf: {  	[dreg:$0x3] =	wrdreg s24  }
0xb0: {  	[dreg:$0x4] =	wrdreg $0xA8000  }
0xb1: {  	[dreg:$0x5] =	wrdreg $0x9  }
0xb2: {  	_ =	task.clear_ibuf [dreg:s7], $0x6FFFF;
	_ =	strace $0x90000049  }
0xb3: {  	s29 =	simm.s32 $0x9;
	_ =	strace $0x8000004B  }
0xb4: {  	_ =	swait.ge [sflag:s29], $0x1  }
0xb5: {  	[sflag:s29] =	ssyncadd.s32 $0xFFFFFFFF  }
0xb6: {  	_ =	strace $0x9000004B  }
0xb7: {  	_ =	sfence  }
0xb8: {  	s30 =	sld [smem:$0x0];
	_ =	sdelay $0x2  }
0xb9: {  	s31 =	sshll.u32 s1, $0xD;
	s1 =	sshrl.u32 s1, $0x2  }
0xba: {  	s3 =	sand.u32 $0x4000, s31;
	s1 =	sadd.s32 s1, s30  }
0xbb: {  	s0 =	sor.u32 s3, s0;
	s1 =	sshll.u32 s1, $0x11  }
0xbc: {  	s0 =	sor.u32 s1, s0  }
0xbd: {  	s0 =	sadd.s32 $0x8F2B, s0  }
0xbe: {  	[sflag:s0] =	ssyncadd.remote.s32 $0x1  }
0xbf: {  	_ =	sfence.sel $0xFFFF  }
0xc0: {  	[dreg:$0x0] =	wrdreg $0xFFFFFFFF;
	(pc) =	sbr.abs _section_cstart, $3  }
0xc1: {  	[dreg:$0x1] =	wrdreg $0xFFFFFFFF  }
0xc2: {  	_ =	task.clear_ibuf [dreg:s7], $0x2FFFF;
	_ =	strace $0x9FFFFFFF  }
0xc3: {  	(tm) =	ssettm $0x7FFFFFFF  }
tec
execute0_lowered:
.L_overlay_start_1:
0x0: {  	(tag) =	ssettag $0x1  }
0x1: {  	s1 =	rddreg [dreg:$0x0]  }
0x2: {  	s0 =	rddreg [dreg:$0x1]  }
0x3: {  	s2 =	rddreg [dreg:$0x2];
	s3 =	simm.s32 $0x0  }
0x4: {  	s4 =	stileid.u32;
	s10 =	srdreg.scid;
	s24 =	simm.s32 $0x1  }
0x5: {  	s28 =	simm.s32 $0x50;
	s29 =	simm.s32 $0x0;
	[smem:$0x7FF] =	sst s3  }
0x6: {  	s5 =	sadd.s32 $0x45400, s0;
	s6 =	sadd.s32 $0x6D400, s0;
	s7 =	smul.u32 $0x2800, s4  }
0x7: {  	s9 =	sshll.u32 s4, $0xB;
	s8 =	sadd.s32 $0x95400, s0;
	s14 =	smul.u32 $0x50000, s4  }
0x8: {  	s11 =	sand.u32 $0x1, s10;
	s26 =	sadd.s32 $0x10D400, s0;
	s10 =	sadd.s32 $0x135400, s0  }
0x9: {  	_ =	strace $0x8000004A;
	s12 =	sadd.s32 s9, s0;
	s13 =	ssub.s32 $0x2, s11  }
0xa: {  	[dreg:$0x4] =	wrdreg s26;
	p0 =	seq.s32 s11, $0x1;
	s26 =	simm.s32 $0x8000  }
0xb: {  	s22 =	sadd.s32 s7, s0;
	s30 =	sshrl.u32 s13, $0x1;
	s31 =	sshrl.u32 s14, $0x2  }
.Ltmp0:
0xc: {  	s11 =	sadd.s32 $0x2E00, s12;
	s12 =	sadd.s32 $0xAE00, s12;
	(pc) =	sbr.rel .LBB2_1-.Ltmp0, $4  }
0xd: {  	s0 =	ssub.s32 s13, s30;
	s13 =	sadd.s32 s31, s2;
	s21 =	sadd.s32 $0xBD400, s22  }
0xe: {  	s22 =	sadd.s32 $0xE5400, s22;
	s14 =	sadd.s32 $0x2800, s13;
	s15 =	sadd.s32 $0x5000, s13  }
0xf: {  	s16 =	sadd.s32 $0x7800, s13;
	s17 =	sadd.s32 $0xA000, s13;
	s18 =	sadd.s32 $0xC800, s13  }
0x10: {  	v0 =	vimm.f32 $0.0e+00;
	s19 =	sadd.s32 $0xF000, s13;
	s20 =	sadd.s32 $0x11800, s13;
	s23 =	smax.u32 s0, $0x1  }
.LBB2_19:
0x11: {  	s0 =	sshra.s32 s31, $0x2;
	[sflag:s24] =	ssyncadd.s32 $0xFFFFD800  }
0x12: {  	[tilespmem:s26], [sflag:$0x1] =	stream.indirect.gather [hbm4b:s8+s28], $0x80, s0, s28, $0xb8;
	[tilespmem:$0x1E800] =	vst v63  }
0x13: {  	_ =	swait.ge [sflag:s24], $0x2800  }
0x14: {  	[sflag:s24] =	ssyncset.done $0x0  }
0x15: {  	s0 =	sadd.s32 $0x4000, s0;
	[sflag:s24] =	ssyncadd.s32 $0xFFFFD800  }
0x16: {  	[spmem:s2] =	stream.indirect.scatter.add.f32 [tilespmem:s26], [sflag:$0x1], $0x80, s0, s28, $0xb8;
	[tilespmem:$0x1E800] =	vst v63  }
0x17: {  	_ =	swait.ge [sflag:s24], $0x2800  }
0x18: {  	[sflag:s24] =	ssyncset.done $0x0  }
0x19: {  	s0 =	smov.u32 s10;
	[sflag:s24] =	ssyncadd.s32 $0xFFFFD800  }
.LBB2_20:
0x1a: {  	s0 =	sadd.s32 s0, s7  }
0x1b: {  	[bflag:$0x0] =	sbarrier.arrive $0xFFFF;
	s9 =	sshrl.u32 s13, $0x3;
	s29 =	sadd.s32 $0x1, s29  }
0x1c: {  	[hbm:s0], [sflag:s30] =	dma.local [spmem:s9], $0x2800  }
0x1d: {  	p1 =	sne.s32 s29, s23  }
.Ltmp1:
0x1e: {  	_ =	swait.ge [sflag:s24], $0x2800;
	(pc) =	sbr.rel @!p1 .LBB2_21-.Ltmp1, $3  }
0x1f: {  	[sflag:s24] =	ssyncset.done $0x0  }
0x20: {  	[sflag:s24] =	ssyncadd.s32 $0xFFFFD800  }
0x21: {  	[bflag:$0x0] =	sbarrier.arrive $0xFFFF;
	_ =	sdelay $0x1  }
.LBB2_1:
0x22: {  	[tilespmem:s3], [sflag:$0x1] =	stream.linear.gather [hbm4b:s11+s3], $0x3E80, $0x38;
	[tilespmem:$0x1E800] =	vst v63  }
0x23: {  	_ =	swait.ge [sflag:s24], $0x3E80  }
0x24: {  	[sflag:s24] =	ssyncset.done $0x0  }
.Ltmp2:
0x25: {  	s0 =	simm.s32 $0x4000;
	[sflag:s24] =	ssyncadd.s32 $0xFFFFC180;
	(pc) =	sbr.rel @!p0 .LBB2_2-.Ltmp2, $4  }
0x26: {  	[tilespmem:s0], [sflag:$0x1] =	stream.linear.gather [hbm4b:s12+s3], $0x3E80, $0x38;
	[tilespmem:$0x1E800] =	vst v63  }
0x27: {  	_ =	swait.ge [sflag:s24], $0x3E80  }
0x28: {  	[sflag:s24] =	ssyncset.done $0x0  }
0x29: {  	s0 =	sand.u32 $0xFE00, s3;
	[sflag:s24] =	ssyncadd.s32 $0xFFFFC180  }
0x2a: {  	s9 =	sand.u32 $0x70, s3;
	s0 =	sshrl.u32 s0, $0x2  }
0x2b: {  	s30 =	simm.s32 $0x40;
	s31 =	sor.u32 s9, s0;
	s0 =	simm.s32 $0x0  }
.LBB2_12:
0x2c: {  	p1 =	sne.s32 s30, $0x9FC0  }
0x2d: {  	[tilespmem:s31+$0x8000] =	vst v0;
	s0 =	sadd.s32 $0x10, s0;
	s9 =	smov.u32 s30;
	s30 =	sadd.s32 $0x40, s30  }
.Ltmp3:
0x2e: {  	(pc) =	sbr.rel @p1 .LBB2_12-.Ltmp3, $4  }
0x2f: {  	_ = 	snop  }
0x30: {  	s9 =	sand.u32 $0xFE00, s9  }
0x31: {  	s25 =	sand.u32 $0x70, s0;
	s9 =	sshrl.u32 s9, $0x2  }
0x32: {  	s31 =	sor.u32 s25, s9  }
0x33: {  	[tilespmem:s31+$0x8000] =	vst v0  }
0x34: {  	[spmem:s13] =	stream.linear.scatter [tilespmem:s26], [sflag:$0x1], $0x2800, $0x38;
	[tilespmem:$0x1E800] =	vst v63  }
0x35: {  	_ =	swait.ge [sflag:s24], $0x2800  }
0x36: {  	[sflag:s24] =	ssyncset.done $0x0  }
0x37: {  	[sflag:s24] =	ssyncadd.s32 $0xFFFFD800  }
0x38: {  	[spmem:s14] =	stream.linear.scatter [tilespmem:s26], [sflag:$0x1], $0x2800, $0x38;
	[tilespmem:$0x1E800] =	vst v63  }
0x39: {  	_ =	swait.ge [sflag:s24], $0x2800  }
0x3a: {  	[sflag:s24] =	ssyncset.done $0x0  }
0x3b: {  	[sflag:s24] =	ssyncadd.s32 $0xFFFFD800  }
0x3c: {  	[spmem:s15] =	stream.linear.scatter [tilespmem:s26], [sflag:$0x1], $0x2800, $0x38;
	[tilespmem:$0x1E800] =	vst v63  }
0x3d: {  	_ =	swait.ge [sflag:s24], $0x2800  }
0x3e: {  	[sflag:s24] =	ssyncset.done $0x0  }
0x3f: {  	[sflag:s24] =	ssyncadd.s32 $0xFFFFD800  }
0x40: {  	[spmem:s16] =	stream.linear.scatter [tilespmem:s26], [sflag:$0x1], $0x2800, $0x38;
	[tilespmem:$0x1E800] =	vst v63  }
0x41: {  	_ =	swait.ge [sflag:s24], $0x2800  }
0x42: {  	[sflag:s24] =	ssyncset.done $0x0  }
0x43: {  	[sflag:s24] =	ssyncadd.s32 $0xFFFFD800  }
0x44: {  	[spmem:s17] =	stream.linear.scatter [tilespmem:s26], [sflag:$0x1], $0x2800, $0x38;
	[tilespmem:$0x1E800] =	vst v63  }
0x45: {  	_ =	swait.ge [sflag:s24], $0x2800  }
0x46: {  	[sflag:s24] =	ssyncset.done $0x0  }
0x47: {  	[sflag:s24] =	ssyncadd.s32 $0xFFFFD800  }
0x48: {  	[spmem:s18] =	stream.linear.scatter [tilespmem:s26], [sflag:$0x1], $0x2800, $0x38;
	[tilespmem:$0x1E800] =	vst v63  }
0x49: {  	_ =	swait.ge [sflag:s24], $0x2800  }
0x4a: {  	[sflag:s24] =	ssyncset.done $0x0  }
0x4b: {  	[sflag:s24] =	ssyncadd.s32 $0xFFFFD800  }
0x4c: {  	[spmem:s19] =	stream.linear.scatter [tilespmem:s26], [sflag:$0x1], $0x2800, $0x38;
	[tilespmem:$0x1E800] =	vst v63  }
0x4d: {  	_ =	swait.ge [sflag:s24], $0x2800  }
0x4e: {  	[sflag:s24] =	ssyncset.done $0x0  }
0x4f: {  	[sflag:s24] =	ssyncadd.s32 $0xFFFFD800  }
0x50: {  	[spmem:s20] =	stream.linear.scatter [tilespmem:s26], [sflag:$0x1], $0x2800, $0x38;
	[tilespmem:$0x1E800] =	vst v63  }
0x51: {  	_ =	swait.ge [sflag:s24], $0x2800  }
0x52: {  	[sflag:s24] =	ssyncset.done $0x0  }
0x53: {  	[sflag:s24] =	ssyncadd.s32 $0xFFFFD800  }
0x54: {  	s0 =	simm.s32 $0x0;
	[bflag:$0x0] =	sbarrier.arrive $0xFFFF  }
0x55: {  	[tilespmem:s26], [sflag:$0x1] =	stream.indirect.gather [hbm4b:s5+s28], $0x80, s0, s28, $0xb8;
	[tilespmem:$0x1E800] =	vst v63  }
0x56: {  	_ =	swait.ge [sflag:s24], $0x2800  }
0x57: {  	[sflag:s24] =	ssyncset.done $0x0  }
0x58: {  	s31 =	simm.s32 $0x4000;
	[sflag:s24] =	ssyncadd.s32 $0xFFFFD800  }
0x59: {  	[spmem:s2] =	stream.indirect.scatter.add.f32 [tilespmem:s26], [sflag:$0x1], $0x80, s31, s28, $0xb8;
	[tilespmem:$0x1E800] =	vst v63  }
0x5a: {  	_ =	swait.ge [sflag:s24], $0x2800  }
0x5b: {  	s30 =	simm.s32 $0x200;
	s0 =	simm.s32 $0x400;
	[sflag:s24] =	ssyncset.done $0x0  }
.LBB2_14:
0x5c: {  	s9 =	sshra.s32 s30, $0x2  }
0x5d: {  	[sflag:s24] =	ssyncadd.s32 $0xFFFFD800;
	s30 =	smov.u32 s0;
	s25 =	sadd.s32 $0x200, s0  }
0x5e: {  	[tilespmem:s26], [sflag:$0x1] =	stream.indirect.gather [hbm4b:s5+s28], $0x80, s9, s28, $0xb8;
	[tilespmem:$0x1E800] =	vst v63  }
0x5f: {  	p1 =	sne.s32 s0, $0xF800;
	_ =	swait.ge [sflag:s24], $0x2800  }
.Ltmp4:
0x60: {  	[sflag:s24] =	ssyncset.done $0x0;
	(pc) =	sbr.rel @p1 .LBB2_14-.Ltmp4, $4  }
0x61: {  	s0 =	sadd.s32 $0x4000, s9;
	[sflag:s24] =	ssyncadd.s32 $0xFFFFD800  }
0x62: {  	[spmem:s2] =	stream.indirect.scatter.add.f32 [tilespmem:s26], [sflag:$0x1], $0x80, s0, s28, $0xb8;
	[tilespmem:$0x1E800] =	vst v63  }
0x63: {  	_ =	swait.ge [sflag:s24], $0x2800  }
0x64: {  	s0 =	smov.u32 s25;
	[sflag:s24] =	ssyncset.done $0x0  }
0x65: {  	s0 =	sshra.s32 s30, $0x2;
	[sflag:s24] =	ssyncadd.s32 $0xFFFFD800  }
0x66: {  	[tilespmem:s26], [sflag:$0x1] =	stream.indirect.gather [hbm4b:s5+s28], $0x80, s0, s28, $0xb8;
	[tilespmem:$0x1E800] =	vst v63  }
0x67: {  	_ =	swait.ge [sflag:s24], $0x2800  }
0x68: {  	[sflag:s24] =	ssyncset.done $0x0  }
0x69: {  	s0 =	sadd.s32 $0x4000, s0;
	[sflag:s24] =	ssyncadd.s32 $0xFFFFD800  }
0x6a: {  	[spmem:s2] =	stream.indirect.scatter.add.f32 [tilespmem:s26], [sflag:$0x1], $0x80, s0, s28, $0xb8;
	[tilespmem:$0x1E800] =	vst v63  }
0x6b: {  	_ =	swait.ge [sflag:s24], $0x2800  }
0x6c: {  	[sflag:s24] =	ssyncset.done $0x0  }
0x6d: {  	s25 =	sshll.u32 s4, $0x6;
	[sflag:s24] =	ssyncadd.s32 $0xFFFFD800  }
0x6e: {  	s9 =	sshrl.u32 s13, $0x3;
	s30 =	sor.u32 $0x1C01, s25;
	[bflag:$0x0] =	sbarrier.arrive $0xFFFF  }
0x6f: {  	[hbm:s22], [sflag:s30] =	dma.local [spmem:s9], $0x2800  }
0x70: {  	s31 =	simm.s32 $0x0;
	_ =	swait.ge [sflag:s24], $0x2800  }
0x71: {  	s25 =	sand.u32 $0xFE00, s31;
	[sflag:s24] =	ssyncset.done $0x0  }
0x72: {  	s25 =	sshrl.u32 s25, $0x2;
	s9 =	sand.u32 $0x70, s31;
	[sflag:s24] =	ssyncadd.s32 $0xFFFFD800  }
0x73: {  	s0 =	simm.s32 $0x40;
	s25 =	sor.u32 s9, s25;
	[bflag:$0x0] =	sbarrier.arrive $0xFFFF  }
.LBB2_16:
0x74: {  	p1 =	sne.s32 s0, $0x9FC0  }
0x75: {  	[tilespmem:s25+$0x8000] =	vst v0;
	s31 =	sadd.s32 $0x10, s31;
	s9 =	smov.u32 s0;
	s0 =	sadd.s32 $0x40, s0  }
.Ltmp5:
0x76: {  	(pc) =	sbr.rel @p1 .LBB2_16-.Ltmp5, $4  }
0x77: {  	_ = 	snop  }
0x78: {  	s9 =	sand.u32 $0xFE00, s9  }
0x79: {  	s25 =	sand.u32 $0x70, s31;
	s9 =	sshrl.u32 s9, $0x2  }
0x7a: {  	s25 =	sor.u32 s25, s9  }
0x7b: {  	[tilespmem:s25+$0x8000] =	vst v0  }
0x7c: {  	[spmem:s13] =	stream.linear.scatter [tilespmem:s26], [sflag:$0x1], $0x2800, $0x38;
	[tilespmem:$0x1E800] =	vst v63  }
0x7d: {  	_ =	swait.ge [sflag:s24], $0x2800  }
0x7e: {  	[sflag:s24] =	ssyncset.done $0x0  }
0x7f: {  	[sflag:s24] =	ssyncadd.s32 $0xFFFFD800  }
0x80: {  	[spmem:s14] =	stream.linear.scatter [tilespmem:s26], [sflag:$0x1], $0x2800, $0x38;
	[tilespmem:$0x1E800] =	vst v63  }
0x81: {  	_ =	swait.ge [sflag:s24], $0x2800  }
0x82: {  	[sflag:s24] =	ssyncset.done $0x0  }
0x83: {  	[sflag:s24] =	ssyncadd.s32 $0xFFFFD800  }
0x84: {  	[spmem:s15] =	stream.linear.scatter [tilespmem:s26], [sflag:$0x1], $0x2800, $0x38;
	[tilespmem:$0x1E800] =	vst v63  }
0x85: {  	_ =	swait.ge [sflag:s24], $0x2800  }
0x86: {  	[sflag:s24] =	ssyncset.done $0x0  }
0x87: {  	[sflag:s24] =	ssyncadd.s32 $0xFFFFD800  }
0x88: {  	[spmem:s16] =	stream.linear.scatter [tilespmem:s26], [sflag:$0x1], $0x2800, $0x38;
	[tilespmem:$0x1E800] =	vst v63  }
0x89: {  	_ =	swait.ge [sflag:s24], $0x2800  }
0x8a: {  	[sflag:s24] =	ssyncset.done $0x0  }
0x8b: {  	[sflag:s24] =	ssyncadd.s32 $0xFFFFD800  }
0x8c: {  	[spmem:s17] =	stream.linear.scatter [tilespmem:s26], [sflag:$0x1], $0x2800, $0x38;
	[tilespmem:$0x1E800] =	vst v63  }
0x8d: {  	_ =	swait.ge [sflag:s24], $0x2800  }
0x8e: {  	[sflag:s24] =	ssyncset.done $0x0  }
0x8f: {  	[sflag:s24] =	ssyncadd.s32 $0xFFFFD800  }
0x90: {  	[spmem:s18] =	stream.linear.scatter [tilespmem:s26], [sflag:$0x1], $0x2800, $0x38;
	[tilespmem:$0x1E800] =	vst v63  }
0x91: {  	_ =	swait.ge [sflag:s24], $0x2800  }
0x92: {  	[sflag:s24] =	ssyncset.done $0x0  }
0x93: {  	[sflag:s24] =	ssyncadd.s32 $0xFFFFD800  }
0x94: {  	[spmem:s19] =	stream.linear.scatter [tilespmem:s26], [sflag:$0x1], $0x2800, $0x38;
	[tilespmem:$0x1E800] =	vst v63  }
0x95: {  	_ =	swait.ge [sflag:s24], $0x2800  }
0x96: {  	[sflag:s24] =	ssyncset.done $0x0  }
0x97: {  	[sflag:s24] =	ssyncadd.s32 $0xFFFFD800  }
0x98: {  	[spmem:s20] =	stream.linear.scatter [tilespmem:s26], [sflag:$0x1], $0x2800, $0x38;
	[tilespmem:$0x1E800] =	vst v63  }
0x99: {  	_ =	swait.ge [sflag:s24], $0x2800  }
0x9a: {  	[sflag:s24] =	ssyncset.done $0x0  }
0x9b: {  	[sflag:s24] =	ssyncadd.s32 $0xFFFFD800  }
0x9c: {  	s0 =	simm.s32 $0x0;
	[bflag:$0x0] =	sbarrier.arrive $0xFFFF  }
0x9d: {  	[tilespmem:s26], [sflag:$0x1] =	stream.indirect.gather [hbm4b:s8+s28], $0x80, s0, s28, $0xb8;
	[tilespmem:$0x1E800] =	vst v63  }
0x9e: {  	_ =	swait.ge [sflag:s24], $0x2800  }
0x9f: {  	[sflag:s24] =	ssyncset.done $0x0  }
0xa0: {  	s25 =	simm.s32 $0x4000;
	[sflag:s24] =	ssyncadd.s32 $0xFFFFD800  }
0xa1: {  	[spmem:s2] =	stream.indirect.scatter.add.f32 [tilespmem:s26], [sflag:$0x1], $0x80, s25, s28, $0xb8;
	[tilespmem:$0x1E800] =	vst v63  }
0xa2: {  	_ =	swait.ge [sflag:s24], $0x2800  }
0xa3: {  	s31 =	simm.s32 $0x200;
	s0 =	simm.s32 $0x400;
	[sflag:s24] =	ssyncset.done $0x0  }
.LBB2_18:
0xa4: {  	s9 =	sshra.s32 s31, $0x2  }
0xa5: {  	[sflag:s24] =	ssyncadd.s32 $0xFFFFD800;
	s31 =	smov.u32 s0;
	s25 =	sadd.s32 $0x200, s0  }
0xa6: {  	[tilespmem:s26], [sflag:$0x1] =	stream.indirect.gather [hbm4b:s8+s28], $0x80, s9, s28, $0xb8;
	[tilespmem:$0x1E800] =	vst v63  }
0xa7: {  	p1 =	sne.s32 s0, $0xF800;
	_ =	swait.ge [sflag:s24], $0x2800  }
.Ltmp6:
0xa8: {  	[sflag:s24] =	ssyncset.done $0x0;
	(pc) =	sbr.rel @p1 .LBB2_18-.Ltmp6, $4  }
0xa9: {  	s0 =	sadd.s32 $0x4000, s9;
	[sflag:s24] =	ssyncadd.s32 $0xFFFFD800  }
0xaa: {  	[spmem:s2] =	stream.indirect.scatter.add.f32 [tilespmem:s26], [sflag:$0x1], $0x80, s0, s28, $0xb8;
	[tilespmem:$0x1E800] =	vst v63  }
0xab: {  	_ =	swait.ge [sflag:s24], $0x2800  }
0xac: {  	s0 =	smov.u32 s25;
	[sflag:s24] =	ssyncset.done $0x0  }
.Ltmp7:
0xad: {  	_ = 	snop;
	(pc) =	sbr.rel .LBB2_19-.Ltmp7, $1  }
0xae: {  	_ =	sdelay $0x3  }
.LBB2_2:
0xaf: {  	s25 =	sand.u32 $0x70, s3;
	s0 =	sshrl.u32 s0, $0x2  }
0xb0: {  	s30 =	simm.s32 $0x40;
	s31 =	sor.u32 s25, s0;
	s0 =	simm.s32 $0x0  }
.LBB2_3:
0xb1: {  	p1 =	sne.s32 s30, $0x9FC0  }
0xb2: {  	[tilespmem:s31+$0x8000] =	vst v0;
	s0 =	sadd.s32 $0x10, s0;
	s25 =	smov.u32 s30;
	s30 =	sadd.s32 $0x40, s30  }
.Ltmp8:
0xb3: {  	(pc) =	sbr.rel @p1 .LBB2_3-.Ltmp8, $4  }
0xb4: {  	_ = 	snop  }
0xb5: {  	s25 =	sand.u32 $0xFE00, s25  }
0xb6: {  	s31 =	sand.u32 $0x70, s0;
	s25 =	sshrl.u32 s25, $0x2  }
0xb7: {  	s31 =	sor.u32 s31, s25  }
0xb8: {  	[tilespmem:s31+$0x8000] =	vst v0  }
0xb9: {  	[spmem:s13] =	stream.linear.scatter [tilespmem:s26], [sflag:$0x1], $0x2800, $0x38;
	[tilespmem:$0x1E800] =	vst v63  }
0xba: {  	_ =	swait.ge [sflag:s24], $0x2800  }
0xbb: {  	[sflag:s24] =	ssyncset.done $0x0  }
0xbc: {  	[sflag:s24] =	ssyncadd.s32 $0xFFFFD800  }
0xbd: {  	[spmem:s14] =	stream.linear.scatter [tilespmem:s26], [sflag:$0x1], $0x2800, $0x38;
	[tilespmem:$0x1E800] =	vst v63  }
0xbe: {  	_ =	swait.ge [sflag:s24], $0x2800  }
0xbf: {  	[sflag:s24] =	ssyncset.done $0x0  }
0xc0: {  	[sflag:s24] =	ssyncadd.s32 $0xFFFFD800  }
0xc1: {  	[spmem:s15] =	stream.linear.scatter [tilespmem:s26], [sflag:$0x1], $0x2800, $0x38;
	[tilespmem:$0x1E800] =	vst v63  }
0xc2: {  	_ =	swait.ge [sflag:s24], $0x2800  }
0xc3: {  	[sflag:s24] =	ssyncset.done $0x0  }
0xc4: {  	[sflag:s24] =	ssyncadd.s32 $0xFFFFD800  }
0xc5: {  	[spmem:s16] =	stream.linear.scatter [tilespmem:s26], [sflag:$0x1], $0x2800, $0x38;
	[tilespmem:$0x1E800] =	vst v63  }
0xc6: {  	_ =	swait.ge [sflag:s24], $0x2800  }
0xc7: {  	[sflag:s24] =	ssyncset.done $0x0  }
0xc8: {  	[sflag:s24] =	ssyncadd.s32 $0xFFFFD800  }
0xc9: {  	[spmem:s17] =	stream.linear.scatter [tilespmem:s26], [sflag:$0x1], $0x2800, $0x38;
	[tilespmem:$0x1E800] =	vst v63  }
0xca: {  	_ =	swait.ge [sflag:s24], $0x2800  }
0xcb: {  	[sflag:s24] =	ssyncset.done $0x0  }
0xcc: {  	[sflag:s24] =	ssyncadd.s32 $0xFFFFD800  }
0xcd: {  	[spmem:s18] =	stream.linear.scatter [tilespmem:s26], [sflag:$0x1], $0x2800, $0x38;
	[tilespmem:$0x1E800] =	vst v63  }
0xce: {  	_ =	swait.ge [sflag:s24], $0x2800  }
0xcf: {  	[sflag:s24] =	ssyncset.done $0x0  }
0xd0: {  	[sflag:s24] =	ssyncadd.s32 $0xFFFFD800  }
0xd1: {  	[spmem:s19] =	stream.linear.scatter [tilespmem:s26], [sflag:$0x1], $0x2800, $0x38;
	[tilespmem:$0x1E800] =	vst v63  }
0xd2: {  	_ =	swait.ge [sflag:s24], $0x2800  }
0xd3: {  	[sflag:s24] =	ssyncset.done $0x0  }
0xd4: {  	[sflag:s24] =	ssyncadd.s32 $0xFFFFD800  }
0xd5: {  	[spmem:s20] =	stream.linear.scatter [tilespmem:s26], [sflag:$0x1], $0x2800, $0x38;
	[tilespmem:$0x1E800] =	vst v63  }
0xd6: {  	_ =	swait.ge [sflag:s24], $0x2800  }
0xd7: {  	[sflag:s24] =	ssyncset.done $0x0  }
0xd8: {  	[sflag:s24] =	ssyncadd.s32 $0xFFFFD800  }
0xd9: {  	s0 =	simm.s32 $0x0;
	[bflag:$0x0] =	sbarrier.arrive $0xFFFF  }
0xda: {  	[tilespmem:s26], [sflag:$0x1] =	stream.indirect.gather [hbm4b:s1+s28], $0x80, s0, s28, $0xb8;
	[tilespmem:$0x1E800] =	vst v63  }
0xdb: {  	_ =	swait.ge [sflag:s24], $0x2800  }
0xdc: {  	[sflag:s24] =	ssyncset.done $0x0  }
0xdd: {  	s31 =	simm.s32 $0x4000;
	[sflag:s24] =	ssyncadd.s32 $0xFFFFD800  }
0xde: {  	[spmem:s2] =	stream.indirect.scatter.add.f32 [tilespmem:s26], [sflag:$0x1], $0x80, s31, s28, $0xb8;
	[tilespmem:$0x1E800] =	vst v63  }
0xdf: {  	_ =	swait.ge [sflag:s24], $0x2800  }
0xe0: {  	s30 =	simm.s32 $0x200;
	s0 =	simm.s32 $0x400;
	[sflag:s24] =	ssyncset.done $0x0  }
.LBB2_5:
0xe1: {  	s25 =	sshra.s32 s30, $0x2  }
0xe2: {  	[sflag:s24] =	ssyncadd.s32 $0xFFFFD800;
	s30 =	smov.u32 s0;
	s31 =	sadd.s32 $0x200, s0  }
0xe3: {  	[tilespmem:s26], [sflag:$0x1] =	stream.indirect.gather [hbm4b:s1+s28], $0x80, s25, s28, $0xb8;
	[tilespmem:$0x1E800] =	vst v63  }
0xe4: {  	p1 =	sne.s32 s0, $0xF800;
	_ =	swait.ge [sflag:s24], $0x2800  }
.Ltmp9:
0xe5: {  	[sflag:s24] =	ssyncset.done $0x0;
	(pc) =	sbr.rel @p1 .LBB2_5-.Ltmp9, $4  }
0xe6: {  	s0 =	sadd.s32 $0x4000, s25;
	[sflag:s24] =	ssyncadd.s32 $0xFFFFD800  }
0xe7: {  	[spmem:s2] =	stream.indirect.scatter.add.f32 [tilespmem:s26], [sflag:$0x1], $0x80, s0, s28, $0xb8;
	[tilespmem:$0x1E800] =	vst v63  }
0xe8: {  	_ =	swait.ge [sflag:s24], $0x2800  }
0xe9: {  	s0 =	smov.u32 s31;
	[sflag:s24] =	ssyncset.done $0x0  }
0xea: {  	s0 =	sshra.s32 s30, $0x2;
	[sflag:s24] =	ssyncadd.s32 $0xFFFFD800  }
0xeb: {  	[tilespmem:s26], [sflag:$0x1] =	stream.indirect.gather [hbm4b:s1+s28], $0x80, s0, s28, $0xb8;
	[tilespmem:$0x1E800] =	vst v63  }
0xec: {  	_ =	swait.ge [sflag:s24], $0x2800  }
0xed: {  	[sflag:s24] =	ssyncset.done $0x0  }
0xee: {  	s0 =	sadd.s32 $0x4000, s0;
	[sflag:s24] =	ssyncadd.s32 $0xFFFFD800  }
0xef: {  	[spmem:s2] =	stream.indirect.scatter.add.f32 [tilespmem:s26], [sflag:$0x1], $0x80, s0, s28, $0xb8;
	[tilespmem:$0x1E800] =	vst v63  }
0xf0: {  	_ =	swait.ge [sflag:s24], $0x2800  }
0xf1: {  	[sflag:s24] =	ssyncset.done $0x0  }
0xf2: {  	s9 =	sshll.u32 s4, $0x6;
	[sflag:s24] =	ssyncadd.s32 $0xFFFFD800  }
0xf3: {  	s25 =	sshrl.u32 s13, $0x3;
	s30 =	sor.u32 $0x1C01, s9;
	[bflag:$0x0] =	sbarrier.arrive $0xFFFF  }
0xf4: {  	[hbm:s21], [sflag:s30] =	dma.local [spmem:s25], $0x2800  }
0xf5: {  	s31 =	simm.s32 $0x0;
	_ =	swait.ge [sflag:s24], $0x2800  }
0xf6: {  	s9 =	sand.u32 $0xFE00, s31;
	[sflag:s24] =	ssyncset.done $0x0  }
0xf7: {  	s9 =	sshrl.u32 s9, $0x2;
	s25 =	sand.u32 $0x70, s31;
	[sflag:s24] =	ssyncadd.s32 $0xFFFFD800  }
0xf8: {  	s0 =	simm.s32 $0x40;
	s25 =	sor.u32 s25, s9;
	[bflag:$0x0] =	sbarrier.arrive $0xFFFF  }
.LBB2_7:
0xf9: {  	p1 =	sne.s32 s0, $0x9FC0  }
0xfa: {  	[tilespmem:s25+$0x8000] =	vst v0;
	s31 =	sadd.s32 $0x10, s31;
	s9 =	smov.u32 s0;
	s0 =	sadd.s32 $0x40, s0  }
.Ltmp10:
0xfb: {  	(pc) =	sbr.rel @p1 .LBB2_7-.Ltmp10, $4  }
0xfc: {  	_ = 	snop  }
0xfd: {  	s9 =	sand.u32 $0xFE00, s9  }
0xfe: {  	s25 =	sand.u32 $0x70, s31;
	s9 =	sshrl.u32 s9, $0x2  }
0xff: {  	s25 =	sor.u32 s25, s9  }
0x100: {  	[tilespmem:s25+$0x8000] =	vst v0  }
0x101: {  	[spmem:s13] =	stream.linear.scatter [tilespmem:s26], [sflag:$0x1], $0x2800, $0x38;
	[tilespmem:$0x1E800] =	vst v63  }
0x102: {  	_ =	swait.ge [sflag:s24], $0x2800  }
0x103: {  	[sflag:s24] =	ssyncset.done $0x0  }
0x104: {  	[sflag:s24] =	ssyncadd.s32 $0xFFFFD800  }
0x105: {  	[spmem:s14] =	stream.linear.scatter [tilespmem:s26], [sflag:$0x1], $0x2800, $0x38;
	[tilespmem:$0x1E800] =	vst v63  }
0x106: {  	_ =	swait.ge [sflag:s24], $0x2800  }
0x107: {  	[sflag:s24] =	ssyncset.done $0x0  }
0x108: {  	[sflag:s24] =	ssyncadd.s32 $0xFFFFD800  }
0x109: {  	[spmem:s15] =	stream.linear.scatter [tilespmem:s26], [sflag:$0x1], $0x2800, $0x38;
	[tilespmem:$0x1E800] =	vst v63  }
0x10a: {  	_ =	swait.ge [sflag:s24], $0x2800  }
0x10b: {  	[sflag:s24] =	ssyncset.done $0x0  }
0x10c: {  	[sflag:s24] =	ssyncadd.s32 $0xFFFFD800  }
0x10d: {  	[spmem:s16] =	stream.linear.scatter [tilespmem:s26], [sflag:$0x1], $0x2800, $0x38;
	[tilespmem:$0x1E800] =	vst v63  }
0x10e: {  	_ =	swait.ge [sflag:s24], $0x2800  }
0x10f: {  	[sflag:s24] =	ssyncset.done $0x0  }
0x110: {  	[sflag:s24] =	ssyncadd.s32 $0xFFFFD800  }
0x111: {  	[spmem:s17] =	stream.linear.scatter [tilespmem:s26], [sflag:$0x1], $0x2800, $0x38;
	[tilespmem:$0x1E800] =	vst v63  }
0x112: {  	_ =	swait.ge [sflag:s24], $0x2800  }
0x113: {  	[sflag:s24] =	ssyncset.done $0x0  }
0x114: {  	[sflag:s24] =	ssyncadd.s32 $0xFFFFD800  }
0x115: {  	[spmem:s18] =	stream.linear.scatter [tilespmem:s26], [sflag:$0x1], $0x2800, $0x38;
	[tilespmem:$0x1E800] =	vst v63  }
0x116: {  	_ =	swait.ge [sflag:s24], $0x2800  }
0x117: {  	[sflag:s24] =	ssyncset.done $0x0  }
0x118: {  	[sflag:s24] =	ssyncadd.s32 $0xFFFFD800  }
0x119: {  	[spmem:s19] =	stream.linear.scatter [tilespmem:s26], [sflag:$0x1], $0x2800, $0x38;
	[tilespmem:$0x1E800] =	vst v63  }
0x11a: {  	_ =	swait.ge [sflag:s24], $0x2800  }
0x11b: {  	[sflag:s24] =	ssyncset.done $0x0  }
0x11c: {  	[sflag:s24] =	ssyncadd.s32 $0xFFFFD800  }
0x11d: {  	[spmem:s20] =	stream.linear.scatter [tilespmem:s26], [sflag:$0x1], $0x2800, $0x38;
	[tilespmem:$0x1E800] =	vst v63  }
0x11e: {  	_ =	swait.ge [sflag:s24], $0x2800  }
0x11f: {  	[sflag:s24] =	ssyncset.done $0x0  }
0x120: {  	[sflag:s24] =	ssyncadd.s32 $0xFFFFD800  }
0x121: {  	s0 =	simm.s32 $0x0;
	[bflag:$0x0] =	sbarrier.arrive $0xFFFF  }
0x122: {  	[tilespmem:s26], [sflag:$0x1] =	stream.indirect.gather [hbm4b:s6+s28], $0x80, s0, s28, $0xb8;
	[tilespmem:$0x1E800] =	vst v63  }
0x123: {  	_ =	swait.ge [sflag:s24], $0x2800  }
0x124: {  	[sflag:s24] =	ssyncset.done $0x0  }
0x125: {  	s25 =	simm.s32 $0x4000;
	[sflag:s24] =	ssyncadd.s32 $0xFFFFD800  }
0x126: {  	[spmem:s2] =	stream.indirect.scatter.add.f32 [tilespmem:s26], [sflag:$0x1], $0x80, s25, s28, $0xb8;
	[tilespmem:$0x1E800] =	vst v63  }
0x127: {  	_ =	swait.ge [sflag:s24], $0x2800  }
0x128: {  	s31 =	simm.s32 $0x200;
	s0 =	simm.s32 $0x400;
	[sflag:s24] =	ssyncset.done $0x0  }
.LBB2_9:
0x129: {  	s9 =	sshra.s32 s31, $0x2  }
0x12a: {  	[sflag:s24] =	ssyncadd.s32 $0xFFFFD800;
	s31 =	smov.u32 s0;
	s25 =	sadd.s32 $0x200, s0  }
0x12b: {  	[tilespmem:s26], [sflag:$0x1] =	stream.indirect.gather [hbm4b:s6+s28], $0x80, s9, s28, $0xb8;
	[tilespmem:$0x1E800] =	vst v63  }
0x12c: {  	p1 =	seq.s32 s0, $0xF800;
	_ =	swait.ge [sflag:s24], $0x2800  }
.Ltmp11:
0x12d: {  	[sflag:s24] =	ssyncset.done $0x0;
	(pc) =	sbr.rel @!p1 .LBB2_9-.Ltmp11, $4  }
0x12e: {  	s0 =	sadd.s32 $0x4000, s9;
	[sflag:s24] =	ssyncadd.s32 $0xFFFFD800  }
0x12f: {  	[spmem:s2] =	stream.indirect.scatter.add.f32 [tilespmem:s26], [sflag:$0x1], $0x80, s0, s28, $0xb8;
	[tilespmem:$0x1E800] =	vst v63  }
0x130: {  	_ =	swait.ge [sflag:s24], $0x2800  }
0x131: {  	s0 =	smov.u32 s25;
	[sflag:s24] =	ssyncset.done $0x0  }
0x132: {  	s0 =	sshra.s32 s31, $0x2;
	[sflag:s24] =	ssyncadd.s32 $0xFFFFD800  }
0x133: {  	[tilespmem:s26], [sflag:$0x1] =	stream.indirect.gather [hbm4b:s6+s28], $0x80, s0, s28, $0xb8;
	[tilespmem:$0x1E800] =	vst v63  }
0x134: {  	_ =	swait.ge [sflag:s24], $0x2800  }
0x135: {  	[sflag:s24] =	ssyncset.done $0x0  }
.Ltmp12:
0x136: {  	s0 =	sadd.s32 $0x4000, s0;
	[sflag:s24] =	ssyncadd.s32 $0xFFFFD800;
	(pc) =	sbr.rel .LBB2_20-.Ltmp12, $4  }
0x137: {  	[spmem:s2] =	stream.indirect.scatter.add.f32 [tilespmem:s26], [sflag:$0x1], $0x80, s0, s28, $0xb8;
	[tilespmem:$0x1E800] =	vst v63  }
0x138: {  	_ =	swait.ge [sflag:s24], $0x2800  }
0x139: {  	[sflag:s24] =	ssyncset.done $0x0  }
0x13a: {  	s0 =	rddreg [dreg:$0x4];
	[sflag:s24] =	ssyncadd.s32 $0xFFFFD800  }
.LBB2_21:
0x13b: {  	_ =	sfence.sel $0x180000  }
0x13c: {  	[bflag:$0x0] =	sbarrier.arrive $0xFFFF  }
0x13d: {  	_ =	strace $0x9000004A  }
0x13e: {  	[bflag:$0x2] =	sbarrier.arrive $0xFFFF  }
0x13f: {  	p0 =	sne.s32 s4, $0x0;
	s0 =	rddreg [dreg:$0x3]  }
0x140: {  	s0 =	sadd.s32 @!p0 $0x100000, s0  }
0x141: {  	[sflag:s0] =	ssyncadd.tile.s32 @!p0 $0x1;
	_ =	shalt  }
.Lfunc_end2:
_tile_overlayer_lowered:
.L_overlay_start_2:
0x142: {  	(tag) =	ssettag $0x2  }
0x143: {  	s0 =	rddreg [dreg:$0x0];
	s2 =	stileid.u32  }
0x144: {  	s1 =	rddreg [dreg:$0x1];
	p0 =	sne.s32 s2, $0x0  }
0x145: {  	s3 =	rddreg [dreg:$0x2];
	[bflag:$0x3] =	sbarrier.arrive $0xFFFF;
	s2 =	simm.s32 @!p0 $0x1C01  }
0x146: {  	[timem:s3], [sflag:s2] =	dma.local @!p0 [hbm:s0], s1  }
0x147: {  	s0 =	simm.s32 @!p0 $0x1  }
0x148: {  	_ =	swait.ge @!p0 [sflag:s0], s1  }
0x149: {  	s1 =	ssub.s32 @!p0 $0x0, s1;
	[sflag:s0] =	ssyncset.done @!p0 $0x0  }
0x14a: {  	[sflag:s0] =	ssyncadd.s32 @!p0 s1  }
0x14b: {  	[bflag:$0x3] =	sbarrier.arrive $0xFFFF  }
0x14c: {  	_ =	shalt  }

// kernel: scatter_offload_async_start
scs
__scs_entry_jumppad:
0x0: {  	(pc) =	sbr.rel $0x88, $3  }
0x1: {  	(tag) =	ssettag $0x0;
	lr =	simm.s32 $0x1  }
0x2: {  	[smem:$0x3F97] =	sst lr;
	_ =	strace $0xD0000000  }
0x3: {  	_ = 	snop  }
0x4: {  	_ = 	snop  }
0x5: {  	_ = 	snop  }
0x6: {  	_ = 	snop  }
0x7: {  	_ = 	snop  }
__scs_overlays_trampoline_lowered:
0x8: {  	[smem:$0x3FA6] =	sst s0  }
0x9: {  	[smem:$0x3FA7] =	sst s1  }
0xa: {  	[smem:$0x3FA8] =	sst s2  }
0xb: {  	[smem:$0x3FA9] =	sst s3  }
0xc: {  	[smem:$0x3FAA] =	sst s4  }
0xd: {  	[smem:$0x3FAB] =	sst s5  }
0xe: {  	[smem:$0x3FAC] =	sst s6  }
0xf: {  	[smem:$0x3FAD] =	sst s7  }
0x10: {  	[smem:$0x3FAE] =	sst s8  }
0x11: {  	[smem:$0x3FAF] =	sst s9;
	s0 =	simm.s32 @!p0 $0x0  }
0x12: {  	s1 =	sld [smem:$0x3F95];
	s0 =	simm.s32 @p0 $0x1  }
0x13: {  	[smem:$0x3FB0] =	sst s0;
	s0 =	simm.s32 @!p1 $0x0  }
0x14: {  	s2 =	sld [smem:$0x3F94];
	s0 =	simm.s32 @p1 $0x1  }
0x15: {  	[smem:$0x3FB1] =	sst s0;
	s0 =	simm.s32 @!p2 $0x0  }
0x16: {  	s3 =	sld [smem:$0x3FDB];
	s0 =	simm.s32 @p2 $0x1  }
0x17: {  	s4 =	simm.s32 $0x1BF5;
	[smem:$0x3FB3] =	sst s0  }
0x18: {  	s0 =	sld [smem:$0x3F96];
	_ =	swait.ge [sflag:s4], $0x0  }
0x19: {  	s7 =	sld [smem:$0x3F97]  }
0x1a: {  	s8 =	sadd.s32 $0xFFFFE003, lr  }
0x1b: {  	s9 =	sadd.s32 $0xFFFFFEF7, lr;
	s5 =	simm.s32 $0xFFFFFFFF;
	p2 =	slt.u32 s8, $0xFFFFF086  }
0x1c: {  	p1 =	slt.u32 s9, $0xF7A;
	s5 =	simm.s32 @!p2 $0x0  }
0x1d: {  	s5 =	simm.s32 @p1 $0x1;
	p0 =	seq.s32 s7, s2  }
0x1e: {  	s7 =	smul.u32 @!p0 $0xF7A, s2;
	p2 =	seq.s32 @!p0 s5, $0x0  }
0x1f: {  	s9 =	smul.u32 $0xF7A, s1;
	s8 =	simm.s32 @!p0 $0x1BF5;
	p2 =	por !p2, p0  }
0x20: {  	[sflag:s8] =	ssyncset.s32 @!p0 $0xFFFFF086;
	s6 =	sadd.s32 @!p0 s3, s7;
	s7 =	simm.s32 @!p0 $0x108  }
0x21: {  	s3 =	sadd.s32 s3, s9;
	s6 =	sadd.s32 @!p0 $0x88, s6;
	s7 =	simm.s32 @p2 $0x1082  }
0x22: {  	[simem:s7], [sflag:s8] =	dma.local @!p0 [hbm:s6], $0xF7A  }
0x23: {  	s9 =	sor.u32 $0xD0000000, s2;
	s6 =	simm.s32 $0x108;
	_ =	swait.ge @!p0 [sflag:s8], $0x0  }
0x24: {  	s3 =	sadd.s32 $0x88, s3;
	s6 =	simm.s32 @!p1 $0x1082;
	[sflag:s4] =	ssyncset.s32 $0xFFFFF086  }
0x25: {  	[simem:s6], [sflag:s4] =	dma.local [hbm:s3], $0xF7A  }
0x26: {  	[smem:$0x3F97] =	sst s1;
	(tag) =	ssettag s2;
	_ =	strace s9  }
0x27: {  	s1 =	sld [smem:$0x3FA7]  }
0x28: {  	s2 =	sld [smem:$0x3FA8]  }
0x29: {  	s4 =	sld [smem:$0x3FAA]  }
0x2a: {  	p0 =	seq.s32 s5, $0x0;
	s5 =	sld [smem:$0x3FAB]  }
0x2b: {  	s6 =	sld [smem:$0x3FAC]  }
0x2c: {  	s7 =	sld [smem:$0x3FAD]  }
0x2d: {  	s3 =	simm.s32 $0x108;
	s8 =	sld [smem:$0x3FAE]  }
0x2e: {  	s3 =	simm.s32 @!p0 $0x1082;
	s9 =	sld [smem:$0x3FAF]  }
0x2f: {  	lr =	sadd.s32 s0, s3;
	s0 =	sld [smem:$0x3FA6]  }
0x30: {  	s3 =	sld [smem:$0x3FA9]  }
0x31: {  	[smem:$0x3FB2] =	sst s10  }
0x32: {  	s10 =	sld [smem:$0x3FB0];
	_ =	sdelay $0x3  }
0x33: {  	p0 =	seq.s32 s10, $0x1;
	s10 =	sld [smem:$0x3FB2];
	_ =	sdelay $0x3  }
0x34: {  	[smem:$0x3FB2] =	sst s10  }
0x35: {  	s10 =	sld [smem:$0x3FB1];
	_ =	sdelay $0x3  }
0x36: {  	p1 =	seq.s32 s10, $0x1;
	s10 =	sld [smem:$0x3FB2];
	_ =	sdelay $0x3  }
0x37: {  	[smem:$0x3FB2] =	sst s10  }
0x38: {  	s10 =	sld [smem:$0x3FB3]  }
0x39: {  	_ = 	snop;
	(pc) =	sbr.ind lr, $3  }
0x3a: {  	_ = 	snop  }
0x3b: {  	_ = 	snop  }
0x3c: {  	p2 =	seq.s32 s10, $0x1;
	s10 =	sld [smem:$0x3FB2]  }
0x3d: {  	_ =	shalt  }
0x3e: {  	_ =	shalt  }
0x3f: {  	_ =	shalt  }
0x40: {  	_ =	shalt  }
0x41: {  	_ =	shalt  }
0x42: {  	_ =	shalt  }
0x43: {  	_ =	shalt  }
0x44: {  	_ =	shalt  }
0x45: {  	_ =	shalt  }
0x46: {  	_ =	shalt  }
0x47: {  	_ =	shalt  }
0x48: {  	_ =	shalt  }
0x49: {  	_ =	shalt  }
0x4a: {  	_ =	shalt  }
0x4b: {  	_ =	shalt  }
0x4c: {  	_ =	shalt  }
0x4d: {  	_ =	shalt  }
0x4e: {  	_ =	shalt  }
0x4f: {  	_ =	shalt  }
0x50: {  	_ =	shalt  }
0x51: {  	_ =	shalt  }
0x52: {  	_ =	shalt  }
0x53: {  	_ =	shalt  }
0x54: {  	_ =	shalt  }
0x55: {  	_ =	shalt  }
0x56: {  	_ =	shalt  }
0x57: {  	_ =	shalt  }
0x58: {  	_ =	shalt  }
0x59: {  	_ =	shalt  }
0x5a: {  	_ =	shalt  }
0x5b: {  	_ =	shalt  }
0x5c: {  	_ =	shalt  }
0x5d: {  	_ =	shalt  }
0x5e: {  	_ =	shalt  }
0x5f: {  	_ =	shalt  }
0x60: {  	_ =	shalt  }
0x61: {  	_ =	shalt  }
0x62: {  	_ =	shalt  }
0x63: {  	_ =	shalt  }
0x64: {  	_ =	shalt  }
0x65: {  	_ =	shalt  }
0x66: {  	_ =	shalt  }
0x67: {  	_ =	shalt  }
0x68: {  	_ =	shalt  }
0x69: {  	_ =	shalt  }
0x6a: {  	_ =	shalt  }
0x6b: {  	_ =	shalt  }
0x6c: {  	_ =	shalt  }
0x6d: {  	_ =	shalt  }
0x6e: {  	_ =	shalt  }
0x6f: {  	_ =	shalt  }
0x70: {  	_ =	shalt  }
0x71: {  	_ =	shalt  }
0x72: {  	_ =	shalt  }
0x73: {  	_ =	shalt  }
0x74: {  	_ =	shalt  }
0x75: {  	_ =	shalt  }
0x76: {  	_ =	shalt  }
0x77: {  	_ =	shalt  }
0x78: {  	_ =	shalt  }
0x79: {  	_ =	shalt  }
0x7a: {  	_ =	shalt  }
0x7b: {  	_ =	shalt  }
0x7c: {  	_ =	shalt  }
0x7d: {  	_ =	shalt  }
0x7e: {  	_ =	shalt  }
0x7f: {  	_ =	shalt  }
0x80: {  	_ =	shalt  }
0x81: {  	_ =	shalt  }
0x82: {  	_ =	shalt  }
0x83: {  	_ =	shalt  }
0x84: {  	_ =	shalt  }
0x85: {  	_ =	shalt  }
0x86: {  	_ =	shalt  }
0x87: {  	_ =	shalt  }
.Lfunc_end0:
.L_simem_size_0:
called_computation_lowered:
.L_overlay_start_0:
0x88: {  	s0 =	sld [smem:$0x3FD9]  }
0x89: {  	s1 =	sld [smem:$0x3FFE];
	_ =	sdelay $0x3  }
0x8a: {  	s0 =	sadd.s32 s1, s0  }
0x8b: {  	[smem:$0x3FBE] =	sst s0  }
0x8c: {  	_ = 	snop  }
0x8d: {  	(tm) =	ssettm $0x1  }
0x8e: {  	s15 =	sld [smem:$0x3FFB];
	_ =	sdelay $0x3  }
0x8f: {  	_ =	strace s15  }
0x90: {  	s0 =	sld [smem:$0x3FFC];
	_ =	sdelay $0x3  }
0x91: {  	_ =	strace s0  }
0x92: {  	s0 =	sld [smem:$0x3FFD];
	_ =	sdelay $0x3  }
0x93: {  	_ =	strace s0  }
0x94: {  	_ =	strace $0x8FFFFFFF  }
0x95: {  	s16 =	sld [smem:$0x3FDB];
	_ =	sdelay $0x1  }
0x96: {  	s17 =	simm.s32 $_scs_section_size  }
0x97: {  	s2 =	simm.s32 $_size__tile_overlayer_lowered;
	s3 =	simm.s32 $_tile_overlayer_lowered  }
0x98: {  	s20 =	simm.s32 $0x1BFF;
	s19 =	sshll.u32 s3, $0x1;
	s0 =	sadd.s32 s17, s16  }
0x99: {  	s4 =	simm.s32 $0x0;
	s18 =	sshll.u32 s2, $0x1;
	s2 =	sadd.s32 s19, s0  }
0x9a: {  	[timem:s4], [sflag:s20] =	dma.local [hbm:s2], s18  }
0x9b: {  	_ =	swait.ge [sflag:s20], s18  }
0x9c: {  	s1 =	ssub.s32 $0x0, s18;
	[sflag:s20] =	ssyncset.done $0x0  }
0x9d: {  	[sflag:s20] =	ssyncadd.s32 s1;
	_ =	sdelay $0x1  }
0x9e: {  	s21 =	simm.s32 $0x1B8B  }
0x9f: {  	_ =	swait.ge [sflag:s21], $0x1  }
0xa0: {  	[sflag:s21] =	ssyncset.done $0x0  }
0xa1: {  	s23 =	simm.s32 $0x1B8E;
	s22 =	sld [smem:$0x3FFE];
	[sflag:s21] =	ssyncadd.s32 $0xFFFFFFFF  }
0xa2: {  	s24 =	simm.s32 $execute0_lowered;
	[smem:$0x3FD2] =	sst s23  }
0xa3: {  	s2 =	sshll.u32 s24, $0x1;
	_ =	strace $0x80000046;
	[dreg:$0x1] =	wrdreg $0xFFFFFFFF  }
0xa4: {  	s25 =	simm.s32 $_size_execute0_lowered;
	s0 =	sadd.s32 s0, s2;
	[dreg:$0x0] =	wrdreg $0x0  }
0xa5: {  	s2 =	sshll.u32 s25, $0x1;
	[dreg:$0x2] =	wrdreg s0  }
0xa6: {  	[dreg:$0x3] =	wrdreg s2  }
0xa7: {  	[dreg:$0x4] =	wrdreg $0xC0  }
0xa8: {  	_ =	task [dreg:s4], $0x5FFFF  }
0xa9: {  	[dreg:$0x1] =	wrdreg $0xFFFFFFFF  }
0xaa: {  	[dreg:$0x0] =	wrdreg $0x60  }
0xab: {  	[dreg:$0x2] =	wrdreg s22  }
0xac: {  	[dreg:$0x3] =	wrdreg $0x9  }
0xad: {  	_ =	task.clear_ibuf [dreg:s4], $0x4FFFF;
	_ =	strace $0x90000046  }
0xae: {  	s26 =	simm.s32 $0x9;
	_ =	strace $0x80000048  }
0xaf: {  	_ =	swait.ge [sflag:s26], $0x1  }
0xb0: {  	[sflag:s26] =	ssyncadd.s32 $0xFFFFFFFF  }
0xb1: {  	_ =	strace $0x90000048  }
0xb2: {  	_ =	sfence  }
0xb3: {  	s28 =	sld [smem:$0x0];
	_ =	sdelay $0x1  }
0xb4: {  	s29 =	srdreg.scid  }
0xb5: {  	s30 =	sshll.u32 s29, $0xD;
	s31 =	sshrl.u32 s29, $0x2  }
0xb6: {  	s1 =	sand.u32 $0x1, s29;
	s2 =	sand.u32 $0x4000, s30;
	s0 =	sadd.s32 s31, s28  }
0xb7: {  	s1 =	sor.u32 s2, s1;
	s0 =	sshll.u32 s0, $0x11  }
0xb8: {  	s0 =	sor.u32 s0, s1  }
0xb9: {  	s0 =	sadd.s32 $0x8F2B, s0  }
0xba: {  	[sflag:s0] =	ssyncadd.remote.s32 $0x1  }
0xbb: {  	_ =	sfence.sel $0xFFFF  }
0xbc: {  	[dreg:$0x0] =	wrdreg $0xFFFFFFFF;
	(pc) =	sbr.abs _section_cstart, $3  }
0xbd: {  	[dreg:$0x1] =	wrdreg $0xFFFFFFFF  }
0xbe: {  	_ =	task.clear_ibuf [dreg:s4], $0x2FFFF;
	_ =	strace $0x9FFFFFFF  }
0xbf: {  	(tm) =	ssettm $0x7FFFFFFF  }
tec
execute0_lowered:
.L_overlay_start_1:
0x0: {  	(tag) =	ssettag $0x1  }
0x1: {  	s0 =	rddreg [dreg:$0x0]  }
0x2: {  	s14 =	stileid.u32;
	_ =	strace $0x80000047;
	s2 =	simm.s32 $0x1  }
0x3: {  	v1 =	vimm.s32 $0xFFFFFFFF;
	s1 =	smin.u32 s14, $0x4;
	[sflag:s2] =	ssyncpa.u1 $0x0  }
0x4: {  	s1 =	sadd.s32 s14, s1;
	[tilespmem:$0x10] =	vst v1  }
0x5: {  	v0 =	vimm.f32 $0.0e+00;
	p0 =	slt.u32 s14, $0x4;
	[tilespmem:$0x20] =	vst v1;
	s3 =	smul.u32 $0x1F40, s1;
	s1 =	simm.s32 $0x3E80  }
0x6: {  	[tilespmem:$0x30] =	vst v0;
	s1 =	simm.s32 @!p0 $0x1F40  }
0x7: {  	[tilespmem:$0x40] =	vst v0;
	s1 =	sadd.s32 s1, s3  }
0x8: {  	[tilespmem:$0x50] =	vst v0;
	s4 =	smin.u32 s1, $0x27100  }
0x9: {  	[tilespmem:$0x60] =	vst v1;
	s9 =	ssub.s32 s4, s3  }
0xa: {  	s7 =	simm.s32 $0x2;
	s8 =	simm.s32 $0x8;
	[tilespmem:$0x70] =	vst v1;
	p0 =	sgt.s32 s9, $0x0  }
0xb: {  	s31 =	simm.s32 $0x9;
	s16 =	simm.s32 $0x0;
	[tilespmem:$0x80] =	vst v1;
	s9 =	simm.s32 @!p0 $0x0  }
0xc: {  	s17 =	simm.s32 $0xF0;
	s18 =	simm.s32 $0xFFFFFFFF;
	v1 =	vimm.s32 $0x0;
	[tilespmem:$0xB0] =	vst v0;
	s5 =	smulhi.u32 $0x10624DD3, s9  }
0xd: {  	s19 =	simm.s32 $0xFFFFC280;
	s20 =	simm.s32 $0xFFFFFFFE;
	s21 =	simm.s32 $0xF;
	[tilespmem:$0x90] =	vst v1  }
0xe: {  	[tilespmem:$0xA0] =	vst v1;
	[sflag:s7] =	ssyncpa.u1 $0x0;
	s7 =	simm.s32 $0x7;
	s10 =	sshrl.u32 s5, $0x9  }
0xf: {  	s25 =	simm.s32 $0x0;
	[sflag:s7] =	ssyncpa.u1 $0x0;
	s11 =	smul.u32 $0x1F40, s10  }
0x10: {  	s24 =	simm.s32 $0x0;
	s6 =	sadd.s32 $0x17E00, s0;
	[sflag:s8] =	ssyncpa.u1 $0x0  }
.Ltmp0:
0x11: {  	s23 =	smov.u32 s3;
	p0 =	sne.s32 s9, s11;
	(pc) =	sbr.rel .LBB2_1-.Ltmp0, $4  }
0x12: {  	s1 =	sadd.s32 $0x1CE00, s0;
	[sflag:s31] =	ssyncpa.u1 $0x0;
	s2 =	simm.s32 @!p0 $0x0  }
0x13: {  	s5 =	sadd.s32 $0x12E00, s0;
	p0 =	por $0x0, $0x0;
	s9 =	sadd.s32 s2, s10  }
0x14: {  	vm0 =	vmmov $0xffff;
	v2 =	vlaneseq.u32;
	s10 =	sshll.u32 s14, $0x1;
	s14 =	sshllo.u32 s14, $0x1;
	s11 =	sadd.s32 $0x1, s9  }
0x15: {  	vm1 =	vmxor vm1, vm1;
	vm2 =	vmmov $0x1;
	vm3 =	vcmask $0x3F3C;
	s12 =	sadd.s32 $0x2, s9;
	s13 =	sor.u32 $0x81, s10;
	s15 =	sor.u32 $0x80, s10  }
.LBB2_9:
0x16: {  	p1 =	slt.u32 s24, $0x3  }
0x17: {  	s0 =	simm.s32 @!p1 $0x2  }
0x18: {  	_ =	swait.ge @!p1 [sflag:s0], $0x1F40  }
0x19: {  	[sflag:s0] =	ssyncset.done @!p1 $0x0  }
0x1a: {  	[sflag:s0] =	ssyncadd.s32 @!p1 $0xFFFFE0C0;
	s0 =	simm.s32 @!p1 $0x9  }
0x1b: {  	_ =	swait.ge @!p1 [sflag:s0], $0x10  }
0x1c: {  	[sflag:s0] =	ssyncset.done @!p1 $0x0  }
0x1d: {  	[sflag:s0] =	ssyncadd.s32 @!p1 $0xFFFFFFF0;
	p1 =	sne.s32 s24, s12  }
.Ltmp1:
0x1e: {  	s2 =	sadd.s32 $0x1F40, s23;
	(pc) =	sbr.rel @!p1 .LBB2_10-.Ltmp1, $4  }
0x1f: {  	s22 =	smov.u32 s3;
	s31 =	sadd.s32 $0x1, s24;
	s17 =	sadd.s32 $0x1F40, s17  }
0x20: {  	s18 =	sadd.s32 $0x1, s18;
	s25 =	smov.u32 s23;
	p2 =	slt.s32 s2, s4  }
0x21: {  	p0 =	por !p0, !p0;
	s19 =	sadd.s32 $0x1F40, s19;
	s22 =	smov.u32 @p2 s2  }
0x22: {  	s20 =	sadd.s32 $0x1, s20;
	s23 =	smov.u32 s22;
	s24 =	smov.u32 s31  }
.LBB2_1:
0x23: {  	p1 =	sge.u32 s24, s9  }
0x24: {  	s0 =	smulhi.u32 @!p1 $0xAAAAAAAB, s24;
	_ =	sdelay $0x1  }
0x25: {  	s0 =	sshrl.u32 @!p1 s0, $0x1  }
0x26: {  	s0 =	smul.u32 @!p1 $0x3, s0;
	_ =	sdelay $0x1  }
0x27: {  	s0 =	ssub.s32 @!p1 s24, s0  }
0x28: {  	s0 =	smul.u32 @!p1 $0x7D00, s0;
	_ =	sdelay $0x1  }
0x29: {  	s2 =	sshrl.u32 @!p1 s23, $0x3;
	s0 =	sshrl.u32 @!p1 s0, $0x2  }
0x2a: {  	s22 =	sand.u32 @!p1 $0x7, s23;
	s2 =	sadd.s32 @!p1 s5, s2;
	s0 =	sadd.s32 @!p1 $0x100, s0  }
0x2b: {  	[tilespmem:s0], [sflag:$0x7] =	stream.linear.gather @!p1 [hbm4b:s2+s22], $0x1F40, $0x38;
	[tilespmem:$0x11A60] =	vst v63  }
0x2c: {  	s0 =	sadd.s32 $0xFFFFFFFF, s24  }
0x2d: {  	p1 =	sge.u32 s0, s9  }
.Ltmp2:
0x2e: {  	_ = 	snop;
	(pc) =	sbr.rel @p1 .LBB2_5-.Ltmp2, $1  }
0x2f: {  	_ =	sdelay $0x3  }
0x30: {  	s2 =	smulhi.u32 $0xAAAAAAAB, s0;
	_ =	sdelay $0x1  }
0x31: {  	s2 =	sshrl.u32 s2, $0x1  }
0x32: {  	s2 =	smul.u32 $0x3, s2;
	_ =	sdelay $0x1  }
0x33: {  	s2 =	ssub.s32 s0, s2  }
0x34: {  	s2 =	smul.u32 $0x7D00, s2  }
0x35: {  	_ =	swait.ge [sflag:s7], $0x1F40  }
0x36: {  	[sflag:s7] =	ssyncset.done $0x0;
	s2 =	sshrl.u32 s2, $0x2  }
0x37: {  	[sflag:s7] =	ssyncadd.s32 $0xFFFFE0C0;
	(ifvalue) =	ssetifvalue $0xFFFFFFFF;
	v3 =	vld.msk [tilespmem:s2+$0x100 ss:$0x1], $0xffff;
	_ =	sdelay $0x2  }
0x38: {  	s30 =	smulhi.u32 $0xAAAAAAAB, s18;
	p1 =	sne.s32 s24, $0x1  }
0x39: {  	v4 =	vimm.s32 @!p1 $0x0  }
0x3a: {  	s2 =	sshrl.u32 s30, $0x1;
	v4 =	vperm.xlane @!p1 v3, v4  }
0x3b: {  	s22 =	sshll.u32 s24, $0x4;
	s2 =	smul.u32 $0xFFFE8900, s2;
	vm4 =	vlt.u32 v3, $0x2800  }
0x3c: {  	s22 =	sand.u32 $0x10, s22;
	v3 =	vnsel vm4, $0xFFFFFFFE, v3;
	vm4 =	vlt.u32 @!p1 v4, $0x2800  }
0x3d: {  	s2 =	sshra.s32 s2, $0x2;
	[tilespmem:s22+$0x60] =	vst v3;
	v3 =	vnsel @!p1 vm4, $0xFFFFFFFE, v4  }
0x3e: {  	s28 =	sadd.s32 s2, s17;
	[tilespmem:$0x80] =	vst @!p1 v3  }
0x3f: {  	v3 =	vld.msk [tilespmem:s28+$0x0 ss:$0x1], $0xffff;
	_ =	sdelay $0x4  }
0x40: {  	(xrf1) =	vunique.msk.u32 $0xffff, v3;
	_ =	sdelay $0xd  }
0x41: {  	v4 =	vimm.s32 $0xFFFFFFFF;
	v5, _, _ =	vpop (xrf1)  }
0x42: {  	vm5 =	vne.s32 v3, v4;
	vm4 =	veq.s32 v5, v2  }
0x43: {  	vm6 =	vlt.u32 v3, $0x2800;
	vm4 =	vmand vm5, vm4  }
0x44: {  	vm4 =	vmand vm6, vm4  }
0x45: {  	v4 =	vnsel vm4, $0xFFFFFFFF, v3  }
0x46: {  	s31 =	sand.u32 $0x1, s0  }
0x47: {  	s0 =	simm.s32 $0x1F40;
	p1 =	seq.s32 s31, $0x1  }
0x48: {  	s0 =	simm.s32 @!p1 $0x0  }
0x49: {  	s26 =	sadd.s32 $0x7DF0, s0;
	(ifvalue) =	ssetifvalue $0xFFFFFFFF  }
0x4a: {  	v3 =	vperm.xlane v3, v1;
	[tilespmem:s26], [sflag:$0x8] =	stream.indirect_vreg.gather [hbm4b:s1+s16], $0x1, v4, vm0, $0x4038;
	v4 =	vnsel vm6, $0xFFFFFFFE, v4;
	[tilespmem:$0x11A60] =	vst v63  }
0x4b: {  	s2 =	simm.s32 $0x0;
	s22 =	sadd.s32 $0xFFFFFFF0, s28;
	[tilespmem:s28+$0x0] =	vst v4  }
.LBB2_3:
0x4c: {  	v4 =	vld.msk [tilespmem:s22+$0x0 ss:$0x1], $0xffff;
	s2 =	sadd.s32 $0x10, s2;
	v5 =	vmov v3;
	s28 =	smov.u32 s22  }
0x4d: {  	p1 =	slt.u32 s2, $0x1F30;
	_ =	sdelay $0x4  }
0x4e: {  	v3 =	vperm.xlane v4, v1;
	(xrf1) =	vunique.msk.u32 $0xffff, v4;
	_ =	sdelay $0xd  }
0x4f: {  	v6, _, _ =	vpop (xrf1)  }
0x50: {  	vm5 =	vne.s32 v4, v5;
	vm4 =	veq.s32 v6, v2  }
0x51: {  	vm6 =	vlt.u32 v4, $0x2800;
	vm4 =	vmand vm5, vm4  }
0x52: {  	vm4 =	vmand vm6, vm4  }
0x53: {  	v4 =	vnsel vm4, $0xFFFFFFFF, v4  }
.Ltmp3:
0x54: {  	v5 =	vnsel vm6, $0xFFFFFFFE, v4;
	(pc) =	sbr.rel @p1 .LBB2_3-.Ltmp3, $3  }
0x55: {  	_ =	sdelay $0x1  }
0x56: {  	s22 =	sadd.s32 $0xFFFFFFF0, s22;
	s26 =	sadd.s32 $0xFFFFFFF0, s26;
	(ifvalue) =	ssetifvalue $0xFFFFFFFF  }
0x57: {  	[tilespmem:s26], [sflag:$0x8] =	stream.indirect_vreg.gather [hbm4b:s1+s16], $0x1, v4, vm0, $0x4038;
	[tilespmem:s28+$0x0] =	vst v5  }
0x58: {  	s2 =	sshrl.u32 s25, $0x3  }
0x59: {  	s0 =	sadd.s32 $0x9D40, s0;
	s2 =	sadd.s32 s6, s2  }
0x5a: {  	[tilespmem:s0], [sflag:$0x8] =	stream.linear.gather [hbm:s2], $0x1F40, $0x38;
	[tilespmem:$0x11A60] =	vst v63  }
.LBB2_5:
0x5b: {  	p1 =	slt.u32 s24, $0x2  }
0x5c: {  	p2 =	sge.u32 @!p1 s24, s12  }
0x5d: {  	p1 =	por p1, p2  }
.Ltmp4:
0x5e: {  	_ = 	snop;
	(pc) =	sbr.rel @p1 .LBB2_9-.Ltmp4, $1  }
0x5f: {  	_ =	sdelay $0x3  }
0x60: {  	s0 =	sadd.s32 $0xFFFFFFFE, s24  }
0x61: {  	s2 =	smulhi.u32 $0xAAAAAAAB, s0;
	_ =	sdelay $0x1  }
0x62: {  	s2 =	sshrl.u32 s2, $0x1  }
0x63: {  	s2 =	smul.u32 $0x3, s2;
	_ =	sdelay $0x1  }
0x64: {  	s0 =	ssub.s32 s0, s2  }
0x65: {  	_ =	swait.ge [sflag:s8], $0x3E80;
	s0 =	smul.u32 $0x1F40, s0  }
0x66: {  	p1 =	sne.s32 s24, s11;
	[sflag:s8] =	ssyncset.done $0x0  }
0x67: {  	[sflag:s8] =	ssyncadd.s32 $0xFFFFC180;
	s2 =	sadd.s32 @!p1 $0x203F, s0  }
0x68: {  	[spmem:s13] =	stream.linear.scatter @!p1 [tilespmem:s2], [sflag:$0x1], $0x1, $0x38;
	[tilespmem:$0x11A60] =	vst v63  }
0x69: {  	s2 =	simm.s32 @!p1 $0x1  }
0x6a: {  	_ =	swait.ge @!p1 [sflag:s2], $0x1  }
0x6b: {  	s22 =	sshll.u32 s24, $0x4;
	[sflag:s2] =	ssyncset.done @!p1 $0x0  }
0x6c: {  	s25 =	sand.u32 $0x10, s22;
	[sflag:s2] =	ssyncadd.s32 @!p1 $0xFFFFFFFF  }
0x6d: {  	s2 =	sxor.u32 $0x10, s25;
	v4 =	vld [tilespmem:s25+$0x10]  }
0x6e: {  	v5 =	vld [tilespmem:s2+$0x60]  }
0x6f: {  	v3 =	vld [tilespmem:$0x80];
	_ =	sdelay $0x2  }
0x70: {  	(v2sf) =	vpush v4, $0x0  }
0x71: {  	(v2sf) =	vpush v5, $0x0  }
0x72: {  	(v2sf) =	vpush v3, $0x0;
	_ =	sdelay $0xc  }
0x73: {  	s22 =	spop (v2sf)  }
0x74: {  	s26 =	spop (v2sf)  }
0x75: {  	s28 =	spop (v2sf)  }
0x76: {  	p2 =	seq.s32 s22, s26;
	p3 =	seq.s32 s28, s22  }
0x77: {  	p3 =	por p2, p3  }
0x78: {  	s26 =	sand.u32 $0x1, s24;
	v4 =	vpsel p3, $0xFFFFFFFF, v4  }
0x79: {  	s29 =	smul.u32 $0x1F40, s26;
	[tilespmem:s25+$0x10] =	vst.msk $0x1, v4  }
0x7a: {  	v4 =	vld [tilespmem:$0x30]  }
0x7b: {  	v5 =	vld [tilespmem:s29+$0x9D40]  }
0x7c: {  	v6 =	vld [tilespmem:s25+$0x40];
	_ =	sdelay $0x3  }
0x7d: {  	vm4 =	vmmov vm1;
	v5 =	vadd.f32 v5, v4  }
0x7e: {  	vm5 =	vmmov vm2;
	vm4 =	vmmov @p2 vm2;
	s22 =	sshll.u32 s26, $0x4;
	v4 =	vadd.f32 v6, v4  }
0x7f: {  	s26 =	sor.u32 $0x11A40, s22;
	vm5 =	vmmov @p3 vm1;
	[tilespmem:s29+$0x9D40] =	vst.msk vm4, v5  }
0x80: {  	[tilespmem:s26+$0x0] =	vst.msk vm5, v4  }
0x81: {  	v4 =	vld [tilespmem:s29+$0x7DF0];
	_ =	sdelay $0x3  }
0x82: {  	v5 =	vimm.f32 $0.0e+00  }
0x83: {  	v4 =	vshift.insert v4, v5, s21  }
0x84: {  	s22 =	sor.u32 $0x40, s2  }
0x85: {  	[tilespmem:s22+$0x0] =	vst.msk $0x1, v4  }
0x86: {  	[tilespmem:s29+$0x7DFF] =	vst.msk $0x1, v5  }
0x87: {  	v4 =	vld [tilespmem:s0+$0x2030];
	_ =	sdelay $0x1  }
0x88: {  	s22 =	smulhi.u32 $0xAAAAAAAB, s20;
	s0 =	simm.s32 $0x1  }
0x89: {  	s0 =	simm.s32 @!p0 $0x0  }
0x8a: {  	s22 =	sshrl.u32 s22, $0x1;
	s0 =	smul.u32 $0x7D00, s0  }
0x8b: {  	s22 =	smul.u32 $0xFFFE8900, s22;
	v4 =	vshift.insert v4, v1, s21  }
0x8c: {  	s0 =	sshrl.u32 s0, $0x2  }
0x8d: {  	s22 =	sshra.s32 s22, $0x2;
	s30 =	sadd.s32 $0x9D40, s0;
	[tilespmem:s2+$0x10] =	vst.msk $0x1, v4  }
0x8e: {  	s22 =	sadd.s32 s22, s19;
	v6 =	vld [tilespmem:s30+$0x0]  }
0x8f: {  	v7 =	vld [tilespmem:s22+$0x0];
	_ =	sdelay $0x3  }
0x90: {  	v5 =	vadd.f32 v6, v5  }
0x91: {  	vm4 =	vne.s32 v7, $0xFFFFFFFF  }
0x92: {  	(xrf2) =	vadd.seg.scan.f32 vm4, v5;
	_ =	sdelay $0x3  }
0x93: {  	s31 =	sadd.s32 $0x5EC0, s0;
	v5 =	vperm.xlane v4, v1  }
0x94: {  	v6 =	vld [tilespmem:s31+$0x0]  }
0x95: {  	vm5 =	veq.s32 v7, v3;
	vm6 =	veq.s32 v7, v5  }
0x96: {  	vm7 =	vgt.u32 v7, $0xFFFFFFFD;
	vm6 =	vmor vm6, vm5  }
0x97: {  	vm6 =	vmor vm6, vm7  }
0x98: {  	v9 =	vld [tilespmem:$0xA0];
	v7 =	vsel vm6, $0xFFFFFFFF, v7  }
0x99: {  	v10 =	vld [tilespmem:$0x90];
	v6 =	vsel vm5, $0x0, v6;
	v8, _, _ =	vpop (xrf2)  }
0x9a: {  	v6 =	vadd.f32 v8, v6  }
0x9b: {  	s0 =	sadd.s32 $0xDBC0, s0  }
0x9c: {  	vm4 =	vmand vm4, vm3;
	[tilespmem:s0+$0x0] =	vst v6;
	(ifvalue) =	ssetifvalue $0xFFFFFFFF  }
0x9d: {  	vm6 =	veq.s32 v9, $0x1;
	[hbm4b:s1+s16] =	stream.indirect_vreg.scatter [tilespmem:s0], [sflag:$0x2], $0x1, v7, vm0, $0x4038;
	v7 =	vsel vm4, $0x0, v8;
	[tilespmem:$0x11A60] =	vst v63  }
0x9e: {  	s2 =	simm.s32 $0x0;
	s22 =	sadd.s32 $0x10, s22;
	vm4 =	vmor vm6, vm5;
	v6 =	vsel vm5, v8, v10;
	v7 =	vshift.insert v7, v0, s21  }
.LBB2_7:
0x9f: {  	v8 =	vld [tilespmem:s22+$0x0];
	s30 =	sadd.s32 $0x10, s30  }
0xa0: {  	s31 =	sadd.s32 $0x10, s31;
	v9 =	vld [tilespmem:s30+$0x0]  }
0xa1: {  	s2 =	sadd.s32 $0x10, s2;
	v10 =	vld [tilespmem:s31+$0x0]  }
0xa2: {  	p2 =	slt.u32 s2, $0x1F30;
	_ =	sdelay $0x2  }
0xa3: {  	v7 =	vadd.f32 v9, v7  }
0xa4: {  	vm5 =	vne.s32 v8, $0xFFFFFFFF  }
0xa5: {  	vm6 =	vmand vm5, vm3;
	(xrf2) =	vadd.seg.scan.f32 vm5, v7;
	_ =	sdelay $0x5  }
0xa6: {  	vm7 =	veq.s32 v8, v5;
	vm5 =	veq.s32 v8, v3  }
0xa7: {  	vm8 =	vgt.u32 v8, $0xFFFFFFFD;
	vm4 =	vmor vm4, vm5;
	vm7 =	vmor vm7, vm5  }
0xa8: {  	vm7 =	vmor vm7, vm8  }
0xa9: {  	v8 =	vsel vm7, $0xFFFFFFFF, v8  }
.Ltmp5:
0xaa: {  	v7 =	vsel vm5, $0x0, v10;
	v9, _, _ =	vpop (xrf2);
	(pc) =	sbr.rel @p2 .LBB2_7-.Ltmp5, $4  }
0xab: {  	v6 =	vsel vm5, v9, v6;
	v10 =	vadd.f32 v9, v7;
	v7 =	vsel vm6, $0x0, v9  }
0xac: {  	s0 =	sadd.s32 $0x10, s0;
	v7 =	vshift.insert v7, v0, s21  }
0xad: {  	s22 =	sadd.s32 $0x10, s22;
	[tilespmem:s0+$0x0] =	vst v10;
	(ifvalue) =	ssetifvalue $0xFFFFFFFF  }
0xae: {  	[hbm4b:s1+s16] =	stream.indirect_vreg.scatter [tilespmem:s0], [sflag:$0x2], $0x1, v8, vm0, $0x4038;
	[tilespmem:$0x11A60] =	vst v63  }
0xaf: {  	v3 =	vld [tilespmem:s29+$0xFAF0];
	_ =	sdelay $0x4  }
0xb0: {  	v3 =	vshift.insert v3, v0, s21  }
0xb1: {  	s0 =	simm.s32 $0x30  }
0xb2: {  	[tilespmem:s0+$0x0] =	vst.msk $0x1, v3  }
0xb3: {  	v3 =	vsel vm4, $0x1, v1;
	[tilespmem:$0x90] =	vst v6  }
0xb4: {  	s0 =	sadd.s32 @!p1 $0xFAFF, s29;
	[tilespmem:$0xA0] =	vst v3  }
0xb5: {  	[spmem:s14] =	stream.linear.scatter @!p1 [tilespmem:s0], [sflag:$0x1], $0x1, $0x38;
	[tilespmem:$0x11A60] =	vst v63  }
0xb6: {  	s0 =	simm.s32 @!p1 $0x1  }
0xb7: {  	v3 =	vmctz.xlane @!p1 vm4;
	_ =	swait.ge @!p1 [sflag:s0], $0x1  }
0xb8: {  	(v2sf) =	vpush @!p1 v4, $0x0  }
0xb9: {  	(v2sf) =	vpush @!p1 v3, $0x0;
	_ =	sdelay $0xd  }
0xba: {  	s2 =	spop @!p1 (v2sf)  }
0xbb: {  	s22 =	spop @!p1 (v2sf)  }
0xbc: {  	p2 =	sne.s32 @!p1 s28, s2;
	p3 =	slt.s32 @!p1 s22, $0xF  }
0xbd: {  	[sflag:s0] =	ssyncset.done @!p1 $0x0;
	p2 =	por p2, p1;
	p3 =	por !p3, p1  }
0xbe: {  	[sflag:s0] =	ssyncadd.s32 @!p1 $0xFFFFFFFF;
	v3 =	vimm.s32 @!p2 $0xFFFFFFFF;
	s22 =	simm.s32 @p3 $0xF  }
0xbf: {  	[tilespmem:$0x80] =	vst @!p2 v3;
	s2 =	sadd.s32 @!p1 $0x90, s22  }
0xc0: {  	[spmem:s10] =	stream.linear.scatter @!p1 [tilespmem:s2], [sflag:$0x1], $0x1, $0x38;
	[tilespmem:$0x11A60] =	vst v63  }
0xc1: {  	_ =	swait.ge @!p1 [sflag:s0], $0x1  }
0xc2: {  	[sflag:s0] =	ssyncset.done @!p1 $0x0  }
0xc3: {  	s2 =	simm.s32 @!p1 $0x80;
	[sflag:s0] =	ssyncadd.s32 @!p1 $0xFFFFFFFF  }
0xc4: {  	[spmem:s15] =	stream.linear.scatter @!p1 [tilespmem:s2], [sflag:$0x1], $0x1, $0x38;
	[tilespmem:$0x11A60] =	vst v63  }
0xc5: {  	_ =	swait.ge @!p1 [sflag:s0], $0x1  }
0xc6: {  	[sflag:s0] =	ssyncset.done @!p1 $0x0  }
0xc7: {  	[sflag:s0] =	ssyncadd.s32 @!p1 $0xFFFFFFFF;
	(ifvalue) =	ssetifvalue $0xFFFFFFFF;
	v3 =	vld [tilespmem:s25+$0x10];
	_ =	sdelay $0x3  }
.Ltmp6:
0xc8: {  	_ = 	snop;
	(pc) =	sbr.rel .LBB2_9-.Ltmp6, $3  }
0xc9: {  	_ =	sdelay $0x1  }
0xca: {  	(ifvalue) =	ssetifvalue $0xFFFFFFFF  }
0xcb: {  	[hbm4b:s1+s16] =	stream.indirect_vreg.scatter [tilespmem:s26], [sflag:$0x9], $0x1, v3, vm0, $0x4038;
	[tilespmem:$0x11A60] =	vst v63  }
.LBB2_10:
0xcc: {  	_ =	sfence.sel $0x180000  }
0xcd: {  	s0 =	simm.s32 $0x7;
	[bflag:$0x0] =	sbarrier.arrive $0xFFFF  }
0xce: {  	s26 =	simm.s32 $0x8;
	[sflag:s0] =	ssyncpa.u1 $0x1  }
0xcf: {  	s28 =	simm.s32 $0x9;
	[sflag:s26] =	ssyncpa.u1 $0x1  }
0xd0: {  	[sflag:s28] =	ssyncpa.u1 $0x1  }
0xd1: {  	_ =	sfence.stream.spmem  }
0xd2: {  	s29 =	simm.s32 $0x3;
	[bflag:$0x0] =	sbarrier.arrive $0xFFFF  }
0xd3: {  	s30 =	simm.s32 $0x4;
	[sflag:s29] =	ssyncpa.u1 $0x1  }
0xd4: {  	s31 =	simm.s32 $0x3C;
	s2 =	stileid.u32;
	[sflag:s30] =	ssyncpa.u1 $0x1  }
0xd5: {  	p0 =	sne.s32 s2, $0x0;
	[sflag:s31] =	ssyncpa.u1 $0x1  }
0xd6: {  	s0 =	simm.s32 @p0 $0x1;
	_ =	sfence @p0  }
0xd7: {  	[sflag:s0] =	ssyncpa.u1 @p0 $0x1;
	s0 =	simm.s32 @p0 $0x2  }
0xd8: {  	[sflag:s0] =	ssyncpa.u1 @p0 $0x1  }
0xd9: {  	_ =	strace @p0 $0x90000047  }
0xda: {  	[bflag:$0x2] =	sbarrier.arrive @p0 $0xFFFF  }
0xdb: {  	_ =	shalt @p0  }
.LBB2_11:
0xdc: {  	_ =	sfence.stream.spmem;
	s0 =	simm.s32 $0x5  }
0xdd: {  	s2 =	simm.s32 $0x80;
	s3 =	simm.s32 $0xC0;
	[sflag:s0] =	ssyncpa.u1 $0x0  }
0xde: {  	[tilespmem:s3], [sflag:$0x5] =	stream.linear.gather [spmem:s2], $0x20, $0x38;
	[tilespmem:$0x11A60] =	vst v63  }
0xdf: {  	s2 =	simm.s32 $0x0;
	s3 =	simm.s32 $0xE0  }
0xe0: {  	[tilespmem:s3], [sflag:$0x5] =	stream.linear.gather [spmem:s2], $0x20, $0x38;
	[tilespmem:$0x11A60] =	vst v63  }
.Ltmp7:
0xe1: {  	_ = 	snop;
	(pc) =	sbr.rel .LBB2_12-.Ltmp7, $4  }
0xe2: {  	_ =	swait.ge [sflag:s0], $0x40  }
0xe3: {  	[sflag:s0] =	ssyncset.done $0x0  }
0xe4: {  	s31 =	simm.s32 $0x6;
	[sflag:s0] =	ssyncadd.s32 $0xFFFFFFC0  }
0xe5: {  	s4 =	simm.s32 $0x0;
	[sflag:s31] =	ssyncpa.u1 $0x0  }
.LBB2_17:
0xe6: {  	p0 =	sgt.u32 s5, $0x27FF  }
0xe7: {  	s0 =	sshrl.u32 @!p0 s5, $0x3  }
0xe8: {  	s5 =	sand.u32 @!p0 $0x7, s5;
	s6 =	simm.s32 @!p0 $0xB0;
	s0 =	sadd.s32 @!p0 s1, s0  }
0xe9: {  	[tilespmem:s6], [sflag:$0x6] =	stream.linear.gather @!p0 [hbm4b:s0+s5], $0x1, $0x38;
	[tilespmem:$0x11A60] =	vst v63  }
0xea: {  	s0 =	simm.s32 @!p0 $0x6  }
0xeb: {  	_ =	swait.ge @!p0 [sflag:s0], $0x1  }
0xec: {  	[sflag:s0] =	ssyncset.done @!p0 $0x0  }
0xed: {  	[sflag:s0] =	ssyncadd.s32 @!p0 $0xFFFFFFFF  }
0xee: {  	v2 =	vmov @!p0 s4;
	v1 =	vld.msk @!p0 [tilespmem:$0xB0], $0x1;
	_ =	sdelay $0x3  }
0xef: {  	s0 =	simm.s32 @!p0 $0xE0  }
0xf0: {  	[tilespmem:v2+s0+$0x0], v1 =	vst.idx.ret.add.f32.msk @!p0 $0x1, v1  }
0xf1: {  	[tilespmem:s2+$0xC0] =	vst.msk $0x1, v0  }
0xf2: {  	v0 =	vld.msk [tilespmem:s4+$0xE0], $0x1;
	_ =	sdelay $0x4  }
0xf3: {  	[tilespmem:s2+$0xE0] =	vst.msk $0x1, v0;
	s2 =	sadd.s32 $0x1, s2  }
.LBB2_19:
0xf4: {  	s4 =	sadd.s32 $0x1, s4  }
0xf5: {  	p0 =	sne.s32 s4, $0x20  }
.Ltmp8:
0xf6: {  	_ = 	snop;
	(pc) =	sbr.rel @!p0 .LBB2_20-.Ltmp8, $1  }
0xf7: {  	_ =	sdelay $0x3  }
.LBB2_12:
0xf8: {  	v0 =	vld.msk [tilespmem:s4+$0xC0], $0x1;
	_ =	sdelay $0x4  }
0xf9: {  	(v2sf) =	vpush v0, $0x0;
	_ =	sdelay $0xe  }
0xfa: {  	s5 =	spop (v2sf)  }
0xfb: {  	p0 =	seq.s32 s5, $0xFFFFFFFF  }
.Ltmp9:
0xfc: {  	_ = 	snop;
	(pc) =	sbr.rel @p0 .LBB2_19-.Ltmp9, $1  }
0xfd: {  	_ =	sdelay $0x3  }
0xfe: {  	p0 =	slt.s32 s2, $0x1  }
.Ltmp10:
0xff: {  	_ = 	snop;
	(pc) =	sbr.rel @p0 .LBB2_17-.Ltmp10, $1  }
0x100: {  	_ =	sdelay $0x3  }
0x101: {  	s0 =	simm.s32 $0xC0;
	p0 =	por $0x0, $0x0  }
0x102: {  	v1 =	vld.msk @!p0 [tilespmem:s0+$0x0], $0x1;
	_ =	sdelay $0x4  }
0x103: {  	(v2sf) =	vpush @!p0 v1, $0x0;
	_ =	sdelay $0xd  }
0x104: {  	p2 =	sne.s32 s2, $0x1  }
.Ltmp11:
0x105: {  	s6 =	spop @!p0 (v2sf);
	(pc) =	sbr.rel @!p2 .LBB2_16-.Ltmp11, $4  }
0x106: {  	p1 =	seq.s32 @!p0 s5, s6  }
0x107: {  	s6 =	simm.s32 $0x0;
	p1 =	por !p1, p0  }
0x108: {  	s8 =	simm.s32 $0xFFFFFFFF;
	s6 =	simm.s32 @p1 $0xFFFFFFFF  }
0x109: {  	s7 =	simm.s32 $0x1;
	s6 =	smov.u32 @p0 s8  }
.LBB2_15:
0x10a: {  	s8 =	smov.u32 s6;
	p0 =	sne.s32 s6, $0xFFFFFFFF  }
0x10b: {  	s0 =	sadd.s32 $0x1, s0;
	s6 =	smov.u32 s7;
	s7 =	sadd.s32 $0x1, s7  }
0x10c: {  	p1 =	sne.s32 s2, s7;
	v1 =	vld.msk @!p0 [tilespmem:s0+$0x0], $0x1;
	_ =	sdelay $0x4  }
0x10d: {  	(v2sf) =	vpush @!p0 v1, $0x0;
	_ =	sdelay $0xe  }
.Ltmp12:
0x10e: {  	s9 =	spop @!p0 (v2sf);
	(pc) =	sbr.rel @p1 .LBB2_15-.Ltmp12, $4  }
0x10f: {  	p2 =	seq.s32 @!p0 s5, s9  }
0x110: {  	p2 =	por !p2, p0  }
0x111: {  	s6 =	simm.s32 @p2 $0xFFFFFFFF  }
0x112: {  	s6 =	smov.u32 @p0 s8  }
.LBB2_16:
0x113: {  	p0 =	sne.s32 s6, $0xFFFFFFFF  }
.Ltmp13:
0x114: {  	_ = 	snop;
	(pc) =	sbr.rel @!p0 .LBB2_17-.Ltmp13, $1  }
0x115: {  	_ =	sdelay $0x3  }
0x116: {  	v0 =	vld.msk [tilespmem:s4+$0xE0], $0x1;
	v1 =	vmov s6  }
.Ltmp14:
0x117: {  	_ = 	snop;
	(pc) =	sbr.rel .LBB2_19-.Ltmp14, $2  }
0x118: {  	_ =	sdelay $0x2  }
0x119: {  	[tilespmem:v1+s3+$0x0], v0 =	vst.idx.ret.add.f32.msk $0x1, v0  }
.LBB2_20:
0x11a: {  	p0 =	slt.s32 s2, $0x1  }
.Ltmp15:
0x11b: {  	_ = 	snop;
	(pc) =	sbr.rel @p0 .LBB2_24-.Ltmp15, $3  }
0x11c: {  	_ =	sdelay $0x1  }
0x11d: {  	s0 =	simm.s32 $0x6  }
0x11e: {  	s3 =	simm.s32 $0x0;
	[sflag:s0] =	ssyncpa.u1 $0x1  }
0x11f: {  	s0 =	simm.s32 $0xC0  }
0x120: {  	v0 =	vld.msk [tilespmem:s0+$0x0], $0x1;
	_ =	sdelay $0x4  }
0x121: {  	(v2sf) =	vpush v0, $0x0;
	_ =	sdelay $0xe  }
0x122: {  	s2 =	sadd.s32 $0xFFFFFFFF, s2;
	s4 =	spop (v2sf)  }
0x123: {  	p1 =	sne.s32 s2, $0x0;
	p0 =	sgt.u32 s4, $0x27FF  }
.Ltmp16:
0x124: {  	s5 =	sshrl.u32 @!p0 s4, $0x3;
	(pc) =	sbr.rel @!p1 .LBB2_23-.Ltmp16, $4  }
0x125: {  	s0 =	simm.s32 $0xE0;
	s4 =	sand.u32 @!p0 $0x7, s4;
	s5 =	sadd.s32 @!p0 s1, s5  }
0x126: {  	[hbm4b:s5+s4] =	stream.linear.scatter @!p0 [tilespmem:s0], [sflag:$0x5], $0x1, $0x38;
	[tilespmem:$0x11A60] =	vst v63  }
0x127: {  	s5 =	simm.s32 $0x0  }
0x128: {  	s4 =	simm.s32 $0xC1;
	s5 =	simm.s32 @!p0 $0x4  }
.LBB2_22:
0x129: {  	v0 =	vld.msk [tilespmem:s4+$0x0], $0x1;
	s2 =	sadd.s32 $0xFFFFFFFF, s2;
	s3 =	sadd.s32 s3, s5  }
0x12a: {  	p0 =	sne.s32 s2, $0x0;
	_ =	sdelay $0x3  }
0x12b: {  	(v2sf) =	vpush v0, $0x0;
	_ =	sdelay $0xe  }
.Ltmp17:
0x12c: {  	s6 =	spop (v2sf);
	(pc) =	sbr.rel @p0 .LBB2_22-.Ltmp17, $4  }
0x12d: {  	s5 =	simm.s32 $0x0;
	p1 =	sgt.u32 s6, $0x27FF  }
0x12e: {  	s0 =	sadd.s32 $0x1, s0;
	s5 =	simm.s32 @!p1 $0x4;
	s7 =	sshrl.u32 @!p1 s6, $0x3  }
0x12f: {  	s4 =	sadd.s32 $0x1, s4;
	s6 =	sand.u32 @!p1 $0x7, s6;
	s7 =	sadd.s32 @!p1 s1, s7  }
0x130: {  	[hbm4b:s7+s6] =	stream.linear.scatter @!p1 [tilespmem:s0], [sflag:$0x5], $0x1, $0x38;
	[tilespmem:$0x11A60] =	vst v63  }
.LBB2_23:
0x131: {  	s0 =	sadd.s32 s3, s5  }
0x132: {  	s3 =	sshrl.u32 s0, $0x2  }
.LBB2_24:
0x133: {  	s0 =	simm.s32 $0x5  }
0x134: {  	_ =	swait.ge [sflag:s0], s3  }
0x135: {  	s1 =	ssub.s32 $0x0, s3;
	[sflag:s0] =	ssyncset.done $0x0  }
0x136: {  	[sflag:s0] =	ssyncadd.s32 s1  }
0x137: {  	[sflag:s0] =	ssyncpa.u1 $0x1  }
0x138: {  	s29 =	simm.s32 $0x1;
	_ =	sfence  }
0x139: {  	s30 =	simm.s32 $0x2;
	[sflag:s29] =	ssyncpa.u1 $0x1  }
0x13a: {  	[sflag:s30] =	ssyncpa.u1 $0x1  }
0x13b: {  	_ =	strace $0x90000047  }
0x13c: {  	[bflag:$0x2] =	sbarrier.arrive $0xFFFF  }
0x13d: {  	s31 =	rddreg [dreg:$0x1]  }
0x13e: {  	s0 =	sadd.s32 $0x100000, s31  }
0x13f: {  	[sflag:s0] =	ssyncadd.tile.s32 $0x1;
	_ =	shalt  }
.Lfunc_end2:
_tile_overlayer_lowered:
.L_overlay_start_2:
0x140: {  	(tag) =	ssettag $0x2  }
0x141: {  	s0 =	rddreg [dreg:$0x0];
	s2 =	stileid.u32  }
0x142: {  	s1 =	rddreg [dreg:$0x1];
	p0 =	sne.s32 s2, $0x0  }
0x143: {  	s3 =	rddreg [dreg:$0x2];
	[bflag:$0x3] =	sbarrier.arrive $0xFFFF;
	s2 =	simm.s32 @!p0 $0x1C01  }
0x144: {  	[timem:s3], [sflag:s2] =	dma.local @!p0 [hbm:s0], s1  }
0x145: {  	s0 =	simm.s32 @!p0 $0x1  }
0x146: {  	_ =	swait.ge @!p0 [sflag:s0], s1  }
0x147: {  	s1 =	ssub.s32 @!p0 $0x0, s1;
	[sflag:s0] =	ssyncset.done @!p0 $0x0  }
0x148: {  	[sflag:s0] =	ssyncadd.s32 @!p0 s1  }
0x149: {  	[bflag:$0x3] =	sbarrier.arrive $0xFFFF  }
0x14a: {  	_ =	shalt  }

</sc_bundles>
